<compile_context>
chip_gen: v7x
topology: tpu7x:2x2x1
jax: 0.10.2.dev20260603
libtpu: 0.0.44.dev20260713+nightly
codegen_flags: <defaults>
</compile_context>

<pallas_src>
import functools

import jax
import jax.numpy as jnp
from jax import lax
from jax.experimental import pallas as pl
from jax.experimental.pallas import tpu as pltpu
from jax.experimental.pallas import tpu_sc as plsc

N = 10000
E = 320000
H = 128
NG = 64
NC = 2
NS = 16
NW = NC * NS
EPW = E // NW
CH = 128
NP = 10112
RPT = NP // NS
NCK = E // CH
CPW = NCK // NW
XW = NCK - CPW * NW
NBUF = 6
ROUNDS = CPW // NBUF
NBUF_S = 3
ROUNDS_S = CPW // NBUF_S


def _mesh():
    return plsc.VectorSubcoreMesh(
        core_axis_name="c", subcore_axis_name="s", num_cores=NC, num_subcores=NS
    )



def _sc_gather(pn, idx):

    @functools.partial(
        pl.kernel,
        out_type=jax.ShapeDtypeStruct((E, H), jnp.float32),
        mesh=_mesh(),
        scratch_types=[
            [pltpu.VMEM((CH,), jnp.int32) for _ in range(NBUF)],
            [pltpu.VMEM((CH, H), jnp.float32) for _ in range(NBUF)],
            [pltpu.SemaphoreType.DMA for _ in range(NBUF)],
            [pltpu.SemaphoreType.DMA for _ in range(NBUF)],
            [pltpu.SemaphoreType.DMA for _ in range(NBUF)],
        ],
    )
    def k(pn_hbm, idx_hbm, out_hbm, idxs, rows, isems, gsems, ssems):
        wid = lax.axis_index("s") * NC + lax.axis_index("c")
        base = wid * CPW

        def rnd(g, carry):
            ih = []
            for b in range(NBUF):
                o = pl.multiple_of((base + g * NBUF + b) * CH, 8)

                @pl.when(g > 0)
                def _drain(b=b):
                    pltpu.make_async_copy(
                        rows[b], out_hbm.at[pl.ds(0, CH)], ssems[b]
                    ).wait()

                ih.append(pltpu.async_copy(idx_hbm.at[pl.ds(o, CH)], idxs[b], isems[b]))
            gh = []
            for b in range(NBUF):
                ih[b].wait()
                gh.append(pltpu.async_copy(pn_hbm.at[idxs[b]], rows[b], gsems[b]))
            for b in range(NBUF):
                o = pl.multiple_of((base + g * NBUF + b) * CH, 8)
                gh[b].wait()
                pltpu.async_copy(rows[b], out_hbm.at[pl.ds(o, CH)], ssems[b])
            return carry

        lax.fori_loop(0, ROUNDS, rnd, 0)
        for b in range(NBUF):
            pltpu.make_async_copy(rows[b], out_hbm.at[pl.ds(0, CH)], ssems[b]).wait()

        @pl.when(wid < XW)
        def _extra():
            o = pl.multiple_of((NW * CPW + wid) * CH, 8)
            pltpu.sync_copy(idx_hbm.at[pl.ds(o, CH)], idxs[0])
            pltpu.async_copy(pn_hbm.at[idxs[0]], rows[0], gsems[0]).wait()
            pltpu.sync_copy(rows[0], out_hbm.at[pl.ds(o, CH)])

    return k(pn, idx)



def _sc_scatter(ue, ridx, zrows):

    @functools.partial(
        pl.kernel,
        out_type=jax.ShapeDtypeStruct((NC * NP, H), jnp.float32),
        mesh=_mesh(),
        scratch_types=[
            [pltpu.VMEM((CH,), jnp.int32) for _ in range(NBUF_S)],
            [pltpu.VMEM((CH, H), jnp.float32) for _ in range(NBUF_S)],
            pltpu.VMEM_SHARED((NP, H), jnp.float32),
            [pltpu.SemaphoreType.DMA for _ in range(NBUF_S)],
            [pltpu.SemaphoreType.DMA for _ in range(NBUF_S)],
            [pltpu.SemaphoreType.DMA for _ in range(NBUF_S)],
        ],
    )
    def k(ue_hbm, ridx_hbm, z_hbm, out_hbm, idxs, bufs, agg_sh, isems, dsems, asems):
        cid = lax.axis_index("c")
        sid = lax.axis_index("s")
        wid = sid * NC + cid
        base = wid * CPW
        r0 = sid * RPT
        pltpu.sync_copy(z_hbm.at[pl.ds(r0, RPT)], agg_sh.at[pl.ds(r0, RPT)])
        plsc.subcore_barrier()

        def rnd(g, carry):
            ih, dh = [], []
            for b in range(NBUF_S):
                o = pl.multiple_of((base + g * NBUF_S + b) * CH, 8)

                @pl.when(g > 0)
                def _drain(b=b):
                    pltpu.make_async_copy(bufs[b], agg_sh.at[idxs[b]], asems[b]).wait()

                ih.append(pltpu.async_copy(ridx_hbm.at[pl.ds(o, CH)], idxs[b], isems[b]))
                dh.append(pltpu.async_copy(ue_hbm.at[pl.ds(o, CH)], bufs[b], dsems[b]))
            for b in range(NBUF_S):
                ih[b].wait()
                dh[b].wait()
                pltpu.async_copy(bufs[b], agg_sh.at[idxs[b]], asems[b], add=True)
            return carry

        lax.fori_loop(0, ROUNDS_S, rnd, 0)
        for b in range(NBUF_S):
            pltpu.make_async_copy(bufs[b], agg_sh.at[idxs[b]], asems[b]).wait()

        @pl.when(wid < XW)
        def _extra():
            o = pl.multiple_of((NW * CPW + wid) * CH, 8)
            pltpu.sync_copy(ridx_hbm.at[pl.ds(o, CH)], idxs[0])
            pltpu.sync_copy(ue_hbm.at[pl.ds(o, CH)], bufs[0])
            pltpu.sync_copy(bufs[0], agg_sh.at[idxs[0]], add=True)

        plsc.subcore_barrier()
        pltpu.sync_copy(
            agg_sh.at[pl.ds(r0, RPT)], out_hbm.at[pl.ds(cid * NP + r0, RPT)]
        )

    return k(ue, ridx, zrows)



def _tc_matmul(x, wT):
    R = 2000
    K = x.shape[1]

    def body(x_ref, w_ref, o_ref):
        o_ref[...] = jnp.dot(x_ref[...], w_ref[...], preferred_element_type=jnp.float32)

    return pl.pallas_call(
        body,
        grid=(N // R,),
        in_specs=[
            pl.BlockSpec((R, K), lambda i: (i, 0)),
            pl.BlockSpec((K, H), lambda i: (0, 0)),
        ],
        out_specs=pl.BlockSpec((R, H), lambda i: (i, 0)),
        out_shape=jax.ShapeDtypeStruct((N, H), jnp.float32),
    )(x, wT)


def _tc_edge(x, wT, sg, a):
    R = 8000
    K = x.shape[1]

    def body(x_ref, w_ref, sg_ref, a_ref, o_ref):
        acc = jnp.dot(x_ref[...], w_ref[...], preferred_element_type=jnp.float32)
        acc = acc + sg_ref[...]
        o_ref[...] = jnp.where(acc >= 0, acc, acc * a_ref[...])

    return pl.pallas_call(
        body,
        grid=(E // R,),
        in_specs=[
            pl.BlockSpec((R, K), lambda i: (i, 0)),
            pl.BlockSpec((K, H), lambda i: (0, 0)),
            pl.BlockSpec((R, H), lambda i: (i, 0)),
            pl.BlockSpec((1, H), lambda i: (0, 0)),
        ],
        out_specs=pl.BlockSpec((R, H), lambda i: (i, 0)),
        out_shape=jax.ShapeDtypeStruct((E, H), jnp.float32),
    )(x, wT, sg, a)


def _tc_node(agg0, agg1, x, nwaT, nwnT, na, ewnT):
    R = 2000
    K = x.shape[1]

    def body(a0, a1, x_ref, wa, wn, na_ref, ewn, n_out, pn_out):
        h = jnp.dot(a0[...] + a1[...], wa[...], preferred_element_type=jnp.float32)
        h = h + jnp.dot(x_ref[...], wn[...], preferred_element_type=jnp.float32)
        nn = jnp.where(h >= 0, h, h * na_ref[...])
        n_out[...] = nn
        pn_out[...] = jnp.dot(nn, ewn[...], preferred_element_type=jnp.float32)

    return pl.pallas_call(
        body,
        grid=(N // R,),
        in_specs=[
            pl.BlockSpec((R, H), lambda i: (i, 0)),
            pl.BlockSpec((R, H), lambda i: (i, 0)),
            pl.BlockSpec((R, K), lambda i: (i, 0)),
            pl.BlockSpec((H, H), lambda i: (0, 0)),
            pl.BlockSpec((K, H), lambda i: (0, 0)),
            pl.BlockSpec((1, H), lambda i: (0, 0)),
            pl.BlockSpec((H, H), lambda i: (0, 0)),
        ],
        out_specs=[
            pl.BlockSpec((R, H), lambda i: (i, 0)),
            pl.BlockSpec((R, H), lambda i: (i, 0)),
        ],
        out_shape=[
            jax.ShapeDtypeStruct((N, H), jnp.float32),
            jax.ShapeDtypeStruct((N, H), jnp.float32),
        ],
    )(agg0, agg1, x, nwaT, nwnT, na, ewnT)


def _tc_final(agg0, agg1, x, nwaT, nwnT, na, batch3, fcw, fcb, fca, owT, ob):
    R = 2000
    G = N // R

    def body(a0, a1, x_ref, wa, wn, na_ref, b_ref,
             w1, b1, p1, w2, b2, p2, w3, b3, p3, ow, ob_ref, out_ref, acc):
        j = pl.program_id(0)

        @pl.when(j == 0)
        def _init():
            acc[...] = jnp.zeros_like(acc)

        h = jnp.dot(a0[...] + a1[...], wa[...], preferred_element_type=jnp.float32)
        h = h + jnp.dot(x_ref[...], wn[...], preferred_element_type=jnp.float32)
        nn = jnp.where(h >= 0, h, h * na_ref[...])
        seg = b_ref[0]
        ohT = (lax.broadcasted_iota(jnp.int32, (NG, R), 0) == seg).astype(jnp.float32)
        acc[...] += jnp.dot(ohT, nn, preferred_element_type=jnp.float32)

        @pl.when(j == G - 1)
        def _head():
            u = acc[...]
            for w, b, p in ((w1, b1, p1), (w2, b2, p2), (w3, b3, p3)):
                v = jnp.dot(u, w[...], preferred_element_type=jnp.float32) + b[...]
                u = jnp.where(v >= 0, v, v * p[...])
            out_ref[...] = jnp.dot(u, ow[...], preferred_element_type=jnp.float32) + ob_ref[...]

    wspec = pl.BlockSpec((H, H), lambda i: (0, 0))
    vspec = pl.BlockSpec((1, H), lambda i: (0, 0))
    return pl.pallas_call(
        body,
        grid=(G,),
        in_specs=[
            pl.BlockSpec((R, H), lambda i: (i, 0)),
            pl.BlockSpec((R, H), lambda i: (i, 0)),
            pl.BlockSpec((R, H), lambda i: (i, 0)),
            wspec,
            wspec,
            vspec,
            pl.BlockSpec((1, 1, R), lambda i: (i, 0, 0)),
            wspec, vspec, vspec,
            wspec, vspec, vspec,
            wspec, vspec, vspec,
            pl.BlockSpec((H, 1), lambda i: (0, 0)),
            pl.BlockSpec((1, 1), lambda i: (0, 0)),
        ],
        out_specs=pl.BlockSpec((NG, 1), lambda i: (0, 0)),
        out_shape=jax.ShapeDtypeStruct((NG, 1), jnp.float32),
        scratch_shapes=[pltpu.VMEM((NG, H), jnp.float32)],
    )(agg0, agg1, x, nwaT, nwnT, na, batch3,
      fcw[0], fcb[0], fca[0], fcw[1], fcb[1], fca[1], fcw[2], fcb[2], fca[2],
      owT, ob)



def kernel(n, e, e_i, batch, params):
    recv = e_i[0]
    send = e_i[1]
    gl = params["gl"]
    fc = params["fc"]

    nd0 = n.shape[1]
    n48 = jnp.pad(n, ((0, 0), (0, 48 - nd0)))
    e16 = jnp.pad(e, ((0, 0), (0, 16 - e.shape[1])))
    ewn0T = jnp.pad(gl[0]["ew"][:, :nd0].T, ((0, 48 - nd0), (0, 0)))
    ewe0T = jnp.pad(gl[0]["ew"][:, nd0:].T, ((0, 16 - e.shape[1]), (0, 0)))
    nwa0T = gl[0]["nw"][:, :H].T
    nwn0T = jnp.pad(gl[0]["nw"][:, H:].T, ((0, 48 - nd0), (0, 0)))
    ewn1T, ewe1T = gl[1]["ew"][:, :H].T, gl[1]["ew"][:, H:].T
    nwa1T, nwn1T = gl[1]["nw"][:, :H].T, gl[1]["nw"][:, H:].T
    ewn2T, ewe2T = gl[2]["ew"][:, :H].T, gl[2]["ew"][:, H:].T
    nwa2T, nwn2T = gl[2]["nw"][:, :H].T, gl[2]["nw"][:, H:].T
    ea = [lp["ea"].reshape(1, H) for lp in gl]
    na = [lp["na"].reshape(1, H) for lp in gl]
    fcw = [lp["w"].T for lp in fc]
    fcb = [lp["b"].reshape(1, H) for lp in fc]
    fca = [lp["a"].reshape(1, H) for lp in fc]
    owT = params["ow"].T
    ob = params["ob"].reshape(1, 1)
    batch3 = batch.reshape(N // 2000, 1, 2000)
    zrows = jnp.zeros((NP, H), jnp.float32)

    pn0 = _tc_matmul(n48, ewn0T)
    sg0 = _sc_gather(pn0, send)
    ue0 = _tc_edge(e16, ewe0T, sg0, ea[0])
    ag0 = _sc_scatter(ue0, recv, zrows)
    n1, pn1 = _tc_node(ag0[:N], ag0[NP:NP + N], n48, nwa0T, nwn0T, na[0], ewn1T)
    sg1 = _sc_gather(pn1, send)
    ue1 = _tc_edge(ue0, ewe1T, sg1, ea[1])
    ag1 = _sc_scatter(ue1, recv, zrows)
    n2, pn2 = _tc_node(ag1[:N], ag1[NP:NP + N], n1, nwa1T, nwn1T, na[1], ewn2T)
    sg2 = _sc_gather(pn2, send)
    ue2 = _tc_edge(ue1, ewe2T, sg2, ea[2])
    ag2 = _sc_scatter(ue2, recv, zrows)
    return _tc_final(ag2[:N], ag2[NP:NP + N], n2, nwa2T, nwn2T, na[2], batch3,
                     fcw, fcb, fca, owT, ob)

# --- scband reference (transcript-rebuilt; emitter-appended) ---
"""Pipeline reference for scband-graph-network-85650237817505 (READ-ONLY COPY).

The authoritative reference and input builder live on the scoring server;
editing this copy changes nothing except your own understanding.
"""

import jax, jax.numpy as jnp
import numpy as np

HIDDEN = 128
NODE_F = 39
EDGE_F = 10
DEPTH = 3
FC = 3
OUT = 1
NG = 64
N_NODES = 10000
N_EDGES = 320000


def _prelu(x, a):
    return jnp.where(x >= 0, x, a * x)


def setup_inputs(seed: int = 0) -> dict:
    key = jax.random.key(seed)
    ks = jax.random.split(key, 64)
    n = jax.random.normal(ks[0], (N_NODES, NODE_F), dtype=jnp.float32)
    e = jax.random.normal(ks[1], (N_EDGES, EDGE_F), dtype=jnp.float32)
    e_i = jax.random.randint(ks[2], (2, N_EDGES), 0, N_NODES, dtype=jnp.int32)
    batch = jnp.sort(jax.random.randint(ks[3], (N_NODES,), 0, NG, dtype=jnp.int32)).at[-1].set(NG - 1)
    node_dims = [NODE_F] + [HIDDEN] * (DEPTH - 1)
    edge_dims = [EDGE_F] + [HIDDEN] * (DEPTH - 1)
    gl = []
    for i in range(DEPTH):
        ein = edge_dims[i] + node_dims[i]
        nin = HIDDEN + node_dims[i]
        k1, k2 = jax.random.split(ks[4 + i])
        gl.append({
            "ew": (jax.random.normal(k1, (HIDDEN, ein)) * 0.05).astype(jnp.float32),
            "ea": jnp.full((HIDDEN,), 0.25, dtype=jnp.float32),
            "nw": (jax.random.normal(k2, (HIDDEN, nin)) * 0.05).astype(jnp.float32),
            "na": jnp.full((HIDDEN,), 0.25, dtype=jnp.float32),
        })
    fc = []
    for i in range(FC):
        fc.append({
            "w": (jax.random.normal(ks[10 + i], (HIDDEN, HIDDEN)) * 0.05).astype(jnp.float32),
            "b": jnp.zeros((HIDDEN,), dtype=jnp.float32),
            "a": jnp.full((HIDDEN,), 0.25, dtype=jnp.float32),
        })
    params = {
        "gl": gl,
        "fc": fc,
        "ow": (jax.random.normal(ks[20], (OUT, HIDDEN)) * 0.05).astype(jnp.float32),
        "ob": jnp.zeros((OUT,), dtype=jnp.float32),
    }
    return {"n": n, "e": e, "e_i": e_i, "batch": batch, "params": params}


def _forward(n, e, e_i, batch, params):
    receivers = e_i[0]
    senders = e_i[1]
    for lp in params["gl"]:
        # edge model: Linear(no bias) + PReLU  (Dropout2d: eval mode -> identity)
        ue = _prelu(jnp.concatenate([n[senders], e], axis=-1) @ lp["ew"].T, lp["ea"])
        # scatter-add aggregation to receiver nodes
        agg = jnp.zeros((n.shape[0], ue.shape[-1]), dtype=ue.dtype).at[receivers].add(ue)
        # node model: Linear(no bias) + PReLU
        n = _prelu(jnp.concatenate([agg, n], axis=-1) @ lp["nw"].T, lp["na"])
        e = ue
    # graph readout: index_add over batch ids (batch constructed so max = NG-1)
    u = jax.ops.segment_sum(n, batch, num_segments=NG)
    for lp in params["fc"]:
        u = _prelu(u @ lp["w"].T + lp["b"], lp["a"])  # Dropout: eval mode -> identity
    logits = u @ params["ow"].T + params["ob"]
    return logits


def reference(n, e, e_i, batch, params):
    return _forward(n, e, e_i, batch, params)

if __name__ == "__main__":
    import jax
    _d = setup_inputs()
    print(jax.jit(kernel)(*tuple(_d.values())))

</pallas_src>

<mosaic_0001>
#map = affine_map<(d0, d1) -> (0, 0)>
#map1 = affine_map<(d0, d1) -> (0)>
module attributes {stable_mosaic.version = 14 : i64} {
  func.func @k(%arg0: i32, %arg1: i32, %arg2: memref<320000x128xf32, #tpu.memory_space<hbm>>, %arg3: memref<320000xi32, #tpu.memory_space<hbm>>, %arg4: memref<10112x128xf32, #tpu.memory_space<hbm>>, %arg5: memref<20224x128xf32, #tpu.memory_space<hbm>>, %arg6: memref<128xi32, #tpu.memory_space<vmem>>, %arg7: memref<128xi32, #tpu.memory_space<vmem>>, %arg8: memref<128xi32, #tpu.memory_space<vmem>>, %arg9: memref<128x128xf32, #tpu.memory_space<vmem>>, %arg10: memref<128x128xf32, #tpu.memory_space<vmem>>, %arg11: memref<128x128xf32, #tpu.memory_space<vmem>>, %arg12: memref<10112x128xf32, #tpu.memory_space<vmem_shared>>, %arg13: memref<!tpu.dma_semaphore, #tpu.memory_space<semaphore_mem>>, %arg14: memref<!tpu.dma_semaphore, #tpu.memory_space<semaphore_mem>>, %arg15: memref<!tpu.dma_semaphore, #tpu.memory_space<semaphore_mem>>, %arg16: memref<!tpu.dma_semaphore, #tpu.memory_space<semaphore_mem>>, %arg17: memref<!tpu.dma_semaphore, #tpu.memory_space<semaphore_mem>>, %arg18: memref<!tpu.dma_semaphore, #tpu.memory_space<semaphore_mem>>, %arg19: memref<!tpu.dma_semaphore, #tpu.memory_space<semaphore_mem>>, %arg20: memref<!tpu.dma_semaphore, #tpu.memory_space<semaphore_mem>>, %arg21: memref<!tpu.dma_semaphore, #tpu.memory_space<semaphore_mem>>) attributes {dimension_semantics = [#tpu.dimension_semantics<core_parallel>, #tpu.dimension_semantics<subcore_parallel>], iteration_bounds = array<i64: 2, 16>, scalar_prefetch = 0 : i64, scratch_operands = 16 : i64, tpu.core_type = #tpu.core_type<sc_vector_subcore>, window_params = [{transform_indices = #map}, {transform_indices = #map1}, {transform_indices = #map}, {transform_indices = #map}]} {
    %mul3A = arith.constant 2 : i32
    %mul3A_0 = arith.muli %arg1, %mul3A : i32
    %add3A = arith.addi %mul3A_0, %arg0 : i32
    %mul3A_1 = arith.constant 78 : i32
    %mul3A_2 = arith.muli %add3A, %mul3A_1 : i32
    %mul3A_3 = arith.constant 632 : i32
    %mul3A_4 = arith.muli %arg1, %mul3A_3 : i32
    "tpu.region"() ({
      %run_scoped3A = tpu.sem_alloc : memref<!tpu.dma_semaphore, #tpu.memory_space<semaphore_mem>>
      %dma_start3A = arith.constant 0 : i32
      %dma_start3A_24 = tpu.memref_slice %arg12[%mul3A_4, %dma_start3A] : memref<10112x128xf32, #tpu.memory_space<vmem_shared>> -> memref<632x128xf32, #tpu.memory_space<vmem_shared>>
      %dma_start3A_25 = arith.constant 0 : i32
      %dma_start3A_26 = tpu.memref_slice %arg4[%mul3A_4, %dma_start3A_25] : memref<10112x128xf32, #tpu.memory_space<hbm>> -> memref<632x128xf32, #tpu.memory_space<hbm>>
      tpu.enqueue_dma source(%dma_start3A_26 : memref<632x128xf32, #tpu.memory_space<hbm>>) target(%dma_start3A_24 : memref<632x128xf32, #tpu.memory_space<vmem_shared>>) target_semaphore(%run_scoped3A : memref<!tpu.dma_semaphore, #tpu.memory_space<semaphore_mem>>)
      %dma_wait3A_27 = arith.constant 0 : i32
      %dma_wait3A_28 = tpu.memref_slice %arg12[%mul3A_4, %dma_wait3A_27] : memref<10112x128xf32, #tpu.memory_space<vmem_shared>> -> memref<632x128xf32, #tpu.memory_space<vmem_shared>>
      %dma_wait3A_29 = arith.constant 0 : i32
      %dma_wait3A_30 = tpu.memref_slice %arg4[%mul3A_4, %dma_wait3A_29] : memref<10112x128xf32, #tpu.memory_space<hbm>> -> memref<632x128xf32, #tpu.memory_space<hbm>>
      tpu.wait_dma2 semaphore(%run_scoped3A : memref<!tpu.dma_semaphore, #tpu.memory_space<semaphore_mem>>) src(%dma_wait3A_30 : memref<632x128xf32, #tpu.memory_space<hbm>>) dst(%dma_wait3A_28 : memref<632x128xf32, #tpu.memory_space<vmem_shared>>)
      tpu.yield
    }) : () -> ()
    %barrier3A = arith.constant 0 : index
    tpu.barrier barrier_id(%barrier3A)
    %scan3A = arith.constant 0 : i32
    %scan3A_5 = arith.constant 0 : i32
    %scan3A_6 = arith.constant 26 : i32
    %scan3A_7 = arith.addi %scan3A_5, %scan3A_6 : i32
    %scan3A_8 = arith.constant 1 : i32
    scf.for %scan3A_24 = %scan3A_5 to %scan3A_7 step %scan3A_8  : i32 {
      %mul3A_25 = arith.constant 3 : i32
      %mul3A_26 = arith.muli %scan3A_24, %mul3A_25 : i32
      %add3A_27 = arith.addi %mul3A_2, %mul3A_26 : i32
      %add3A_28 = arith.constant 0 : i32
      %add3A_29 = arith.addi %add3A_27, %add3A_28 : i32
      %mul3A_30 = arith.constant 128 : i32
      %mul3A_31 = arith.muli %add3A_29, %mul3A_30 : i32
      %multiple_of3A = tpu.assume_multiple %mul3A_31, 8 : i32
      %gt3A = arith.constant 0 : i32
      %gt3A_32 = arith.cmpi sgt, %scan3A_24, %gt3A : i32
      %convert_element_type3A_33 = arith.extui %gt3A_32 : i1 to i32
      %cond3A_34 = arith.constant 0 : i32
      %cond3A_35 = arith.cmpi ne, %convert_element_type3A_33, %cond3A_34 : i32
      scf.if %cond3A_35 {
        %dma_wait3A_106 = arith.constant 0 : i32
        %dma_wait3A_107 = arith.constant 0 : i32
        %dma_wait3A_108 = tpu.memref_slice %arg12[%dma_wait3A_106, %dma_wait3A_107] : memref<10112x128xf32, #tpu.memory_space<vmem_shared>> -> memref<10112x128xf32, #tpu.memory_space<vmem_shared>>
        tpu.wait_indirect_dma semaphore(%arg19 : memref<!tpu.dma_semaphore, #tpu.memory_space<semaphore_mem>>) src(%arg9 : memref<128x128xf32, #tpu.memory_space<vmem>>) dst(%dma_wait3A_108 : memref<10112x128xf32, #tpu.memory_space<vmem_shared>>)
      } else {
      }
      %dma_start3A = tpu.memref_slice %arg3[%multiple_of3A] : memref<320000xi32, #tpu.memory_space<hbm>> -> memref<128xi32, #tpu.memory_space<hbm>>
      %dma_start3A_36 = tpu.memref_slice %arg3[%multiple_of3A] : memref<320000xi32, #tpu.memory_space<hbm>> -> memref<128xi32, #tpu.memory_space<hbm>>
      tpu.enqueue_dma source(%dma_start3A_36 : memref<128xi32, #tpu.memory_space<hbm>>) target(%arg6 : memref<128xi32, #tpu.memory_space<vmem>>) target_semaphore(%arg13 : memref<!tpu.dma_semaphore, #tpu.memory_space<semaphore_mem>>)
      %dma_start3A_37 = arith.constant 0 : i32
      %dma_start3A_38 = tpu.memref_slice %arg2[%multiple_of3A, %dma_start3A_37] : memref<320000x128xf32, #tpu.memory_space<hbm>> -> memref<128x128xf32, #tpu.memory_space<hbm>>
      %dma_start3A_39 = arith.constant 0 : i32
      %dma_start3A_40 = tpu.memref_slice %arg2[%multiple_of3A, %dma_start3A_39] : memref<320000x128xf32, #tpu.memory_space<hbm>> -> memref<128x128xf32, #tpu.memory_space<hbm>>
      tpu.enqueue_dma source(%dma_start3A_40 : memref<128x128xf32, #tpu.memory_space<hbm>>) target(%arg9 : memref<128x128xf32, #tpu.memory_space<vmem>>) target_semaphore(%arg16 : memref<!tpu.dma_semaphore, #tpu.memory_space<semaphore_mem>>)
      %mul3A_41 = arith.constant 3 : i32
      %mul3A_42 = arith.muli %scan3A_24, %mul3A_41 : i32
      %add3A_43 = arith.addi %mul3A_2, %mul3A_42 : i32
      %add3A_44 = arith.constant 1 : i32
      %add3A_45 = arith.addi %add3A_43, %add3A_44 : i32
      %mul3A_46 = arith.constant 128 : i32
      %mul3A_47 = arith.muli %add3A_45, %mul3A_46 : i32
      %multiple_of3A_48 = tpu.assume_multiple %mul3A_47, 8 : i32
      %gt3A_49 = arith.constant 0 : i32
      %gt3A_50 = arith.cmpi sgt, %scan3A_24, %gt3A_49 : i32
      %convert_element_type3A_51 = arith.extui %gt3A_50 : i1 to i32
      %cond3A_52 = arith.constant 0 : i32
      %cond3A_53 = arith.cmpi ne, %convert_element_type3A_51, %cond3A_52 : i32
      scf.if %cond3A_53 {
        %dma_wait3A_106 = arith.constant 0 : i32
        %dma_wait3A_107 = arith.constant 0 : i32
        %dma_wait3A_108 = tpu.memref_slice %arg12[%dma_wait3A_106, %dma_wait3A_107] : memref<10112x128xf32, #tpu.memory_space<vmem_shared>> -> memref<10112x128xf32, #tpu.memory_space<vmem_shared>>
        tpu.wait_indirect_dma semaphore(%arg20 : memref<!tpu.dma_semaphore, #tpu.memory_space<semaphore_mem>>) src(%arg10 : memref<128x128xf32, #tpu.memory_space<vmem>>) dst(%dma_wait3A_108 : memref<10112x128xf32, #tpu.memory_space<vmem_shared>>)
      } else {
      }
      %dma_start3A_54 = tpu.memref_slice %arg3[%multiple_of3A_48] : memref<320000xi32, #tpu.memory_space<hbm>> -> memref<128xi32, #tpu.memory_space<hbm>>
      %dma_start3A_55 = tpu.memref_slice %arg3[%multiple_of3A_48] : memref<320000xi32, #tpu.memory_space<hbm>> -> memref<128xi32, #tpu.memory_space<hbm>>
      tpu.enqueue_dma source(%dma_start3A_55 : memref<128xi32, #tpu.memory_space<hbm>>) target(%arg7 : memref<128xi32, #tpu.memory_space<vmem>>) target_semaphore(%arg14 : memref<!tpu.dma_semaphore, #tpu.memory_space<semaphore_mem>>)
      %dma_start3A_56 = arith.constant 0 : i32
      %dma_start3A_57 = tpu.memref_slice %arg2[%multiple_of3A_48, %dma_start3A_56] : memref<320000x128xf32, #tpu.memory_space<hbm>> -> memref<128x128xf32, #tpu.memory_space<hbm>>
      %dma_start3A_58 = arith.constant 0 : i32
      %dma_start3A_59 = tpu.memref_slice %arg2[%multiple_of3A_48, %dma_start3A_58] : memref<320000x128xf32, #tpu.memory_space<hbm>> -> memref<128x128xf32, #tpu.memory_space<hbm>>
      tpu.enqueue_dma source(%dma_start3A_59 : memref<128x128xf32, #tpu.memory_space<hbm>>) target(%arg10 : memref<128x128xf32, #tpu.memory_space<vmem>>) target_semaphore(%arg17 : memref<!tpu.dma_semaphore, #tpu.memory_space<semaphore_mem>>)
      %mul3A_60 = arith.constant 3 : i32
      %mul3A_61 = arith.muli %scan3A_24, %mul3A_60 : i32
      %add3A_62 = arith.addi %mul3A_2, %mul3A_61 : i32
      %add3A_63 = arith.constant 2 : i32
      %add3A_64 = arith.addi %add3A_62, %add3A_63 : i32
      %mul3A_65 = arith.constant 128 : i32
      %mul3A_66 = arith.muli %add3A_64, %mul3A_65 : i32
      %multiple_of3A_67 = tpu.assume_multiple %mul3A_66, 8 : i32
      %gt3A_68 = arith.constant 0 : i32
      %gt3A_69 = arith.cmpi sgt, %scan3A_24, %gt3A_68 : i32
      %convert_element_type3A_70 = arith.extui %gt3A_69 : i1 to i32
      %cond3A_71 = arith.constant 0 : i32
      %cond3A_72 = arith.cmpi ne, %convert_element_type3A_70, %cond3A_71 : i32
      scf.if %cond3A_72 {
        %dma_wait3A_106 = arith.constant 0 : i32
        %dma_wait3A_107 = arith.constant 0 : i32
        %dma_wait3A_108 = tpu.memref_slice %arg12[%dma_wait3A_106, %dma_wait3A_107] : memref<10112x128xf32, #tpu.memory_space<vmem_shared>> -> memref<10112x128xf32, #tpu.memory_space<vmem_shared>>
        tpu.wait_indirect_dma semaphore(%arg21 : memref<!tpu.dma_semaphore, #tpu.memory_space<semaphore_mem>>) src(%arg11 : memref<128x128xf32, #tpu.memory_space<vmem>>) dst(%dma_wait3A_108 : memref<10112x128xf32, #tpu.memory_space<vmem_shared>>)
      } else {
      }
      %dma_start3A_73 = tpu.memref_slice %arg3[%multiple_of3A_67] : memref<320000xi32, #tpu.memory_space<hbm>> -> memref<128xi32, #tpu.memory_space<hbm>>
      %dma_start3A_74 = tpu.memref_slice %arg3[%multiple_of3A_67] : memref<320000xi32, #tpu.memory_space<hbm>> -> memref<128xi32, #tpu.memory_space<hbm>>
      tpu.enqueue_dma source(%dma_start3A_74 : memref<128xi32, #tpu.memory_space<hbm>>) target(%arg8 : memref<128xi32, #tpu.memory_space<vmem>>) target_semaphore(%arg15 : memref<!tpu.dma_semaphore, #tpu.memory_space<semaphore_mem>>)
      %dma_start3A_75 = arith.constant 0 : i32
      %dma_start3A_76 = tpu.memref_slice %arg2[%multiple_of3A_67, %dma_start3A_75] : memref<320000x128xf32, #tpu.memory_space<hbm>> -> memref<128x128xf32, #tpu.memory_space<hbm>>
      %dma_start3A_77 = arith.constant 0 : i32
      %dma_start3A_78 = tpu.memref_slice %arg2[%multiple_of3A_67, %dma_start3A_77] : memref<320000x128xf32, #tpu.memory_space<hbm>> -> memref<128x128xf32, #tpu.memory_space<hbm>>
      tpu.enqueue_dma source(%dma_start3A_78 : memref<128x128xf32, #tpu.memory_space<hbm>>) target(%arg11 : memref<128x128xf32, #tpu.memory_space<vmem>>) target_semaphore(%arg18 : memref<!tpu.dma_semaphore, #tpu.memory_space<semaphore_mem>>)
      %dma_wait3A_79 = tpu.memref_slice %arg3[%multiple_of3A] : memref<320000xi32, #tpu.memory_space<hbm>> -> memref<128xi32, #tpu.memory_space<hbm>>
      %dma_wait3A_80 = tpu.memref_slice %arg3[%multiple_of3A] : memref<320000xi32, #tpu.memory_space<hbm>> -> memref<128xi32, #tpu.memory_space<hbm>>
      tpu.wait_dma2 semaphore(%arg13 : memref<!tpu.dma_semaphore, #tpu.memory_space<semaphore_mem>>) src(%dma_wait3A_80 : memref<128xi32, #tpu.memory_space<hbm>>) dst(%arg6 : memref<128xi32, #tpu.memory_space<vmem>>)
      %dma_wait3A_81 = arith.constant 0 : i32
      %dma_wait3A_82 = tpu.memref_slice %arg2[%multiple_of3A, %dma_wait3A_81] : memref<320000x128xf32, #tpu.memory_space<hbm>> -> memref<128x128xf32, #tpu.memory_space<hbm>>
      %dma_wait3A_83 = arith.constant 0 : i32
      %dma_wait3A_84 = tpu.memref_slice %arg2[%multiple_of3A, %dma_wait3A_83] : memref<320000x128xf32, #tpu.memory_space<hbm>> -> memref<128x128xf32, #tpu.memory_space<hbm>>
      tpu.wait_dma2 semaphore(%arg16 : memref<!tpu.dma_semaphore, #tpu.memory_space<semaphore_mem>>) src(%dma_wait3A_84 : memref<128x128xf32, #tpu.memory_space<hbm>>) dst(%arg9 : memref<128x128xf32, #tpu.memory_space<vmem>>)
      %dma_start3A_85 = arith.constant 0 : i32
      %dma_start3A_86 = arith.constant 0 : i32
      %dma_start3A_87 = tpu.memref_slice %arg12[%dma_start3A_85, %dma_start3A_86] : memref<10112x128xf32, #tpu.memory_space<vmem_shared>> -> memref<10112x128xf32, #tpu.memory_space<vmem_shared>>
      tpu.enqueue_indirect_dma source(%arg9 : memref<128x128xf32, #tpu.memory_space<vmem>>) target(%dma_start3A_87 : memref<10112x128xf32, #tpu.memory_space<vmem_shared>>) offsets(%arg6 : memref<128xi32, #tpu.memory_space<vmem>>) semaphore(%arg19 : memref<!tpu.dma_semaphore, #tpu.memory_space<semaphore_mem>>) {add = true}
      %dma_wait3A_88 = tpu.memref_slice %arg3[%multiple_of3A_48] : memref<320000xi32, #tpu.memory_space<hbm>> -> memref<128xi32, #tpu.memory_space<hbm>>
      %dma_wait3A_89 = tpu.memref_slice %arg3[%multiple_of3A_48] : memref<320000xi32, #tpu.memory_space<hbm>> -> memref<128xi32, #tpu.memory_space<hbm>>
      tpu.wait_dma2 semaphore(%arg14 : memref<!tpu.dma_semaphore, #tpu.memory_space<semaphore_mem>>) src(%dma_wait3A_89 : memref<128xi32, #tpu.memory_space<hbm>>) dst(%arg7 : memref<128xi32, #tpu.memory_space<vmem>>)
      %dma_wait3A_90 = arith.constant 0 : i32
      %dma_wait3A_91 = tpu.memref_slice %arg2[%multiple_of3A_48, %dma_wait3A_90] : memref<320000x128xf32, #tpu.memory_space<hbm>> -> memref<128x128xf32, #tpu.memory_space<hbm>>
      %dma_wait3A_92 = arith.constant 0 : i32
      %dma_wait3A_93 = tpu.memref_slice %arg2[%multiple_of3A_48, %dma_wait3A_92] : memref<320000x128xf32, #tpu.memory_space<hbm>> -> memref<128x128xf32, #tpu.memory_space<hbm>>
      tpu.wait_dma2 semaphore(%arg17 : memref<!tpu.dma_semaphore, #tpu.memory_space<semaphore_mem>>) src(%dma_wait3A_93 : memref<128x128xf32, #tpu.memory_space<hbm>>) dst(%arg10 : memref<128x128xf32, #tpu.memory_space<vmem>>)
      %dma_start3A_94 = arith.constant 0 : i32
      %dma_start3A_95 = arith.constant 0 : i32
      %dma_start3A_96 = tpu.memref_slice %arg12[%dma_start3A_94, %dma_start3A_95] : memref<10112x128xf32, #tpu.memory_space<vmem_shared>> -> memref<10112x128xf32, #tpu.memory_space<vmem_shared>>
      tpu.enqueue_indirect_dma source(%arg10 : memref<128x128xf32, #tpu.memory_space<vmem>>) target(%dma_start3A_96 : memref<10112x128xf32, #tpu.memory_space<vmem_shared>>) offsets(%arg7 : memref<128xi32, #tpu.memory_space<vmem>>) semaphore(%arg20 : memref<!tpu.dma_semaphore, #tpu.memory_space<semaphore_mem>>) {add = true}
      %dma_wait3A_97 = tpu.memref_slice %arg3[%multiple_of3A_67] : memref<320000xi32, #tpu.memory_space<hbm>> -> memref<128xi32, #tpu.memory_space<hbm>>
      %dma_wait3A_98 = tpu.memref_slice %arg3[%multiple_of3A_67] : memref<320000xi32, #tpu.memory_space<hbm>> -> memref<128xi32, #tpu.memory_space<hbm>>
      tpu.wait_dma2 semaphore(%arg15 : memref<!tpu.dma_semaphore, #tpu.memory_space<semaphore_mem>>) src(%dma_wait3A_98 : memref<128xi32, #tpu.memory_space<hbm>>) dst(%arg8 : memref<128xi32, #tpu.memory_space<vmem>>)
      %dma_wait3A_99 = arith.constant 0 : i32
      %dma_wait3A_100 = tpu.memref_slice %arg2[%multiple_of3A_67, %dma_wait3A_99] : memref<320000x128xf32, #tpu.memory_space<hbm>> -> memref<128x128xf32, #tpu.memory_space<hbm>>
      %dma_wait3A_101 = arith.constant 0 : i32
      %dma_wait3A_102 = tpu.memref_slice %arg2[%multiple_of3A_67, %dma_wait3A_101] : memref<320000x128xf32, #tpu.memory_space<hbm>> -> memref<128x128xf32, #tpu.memory_space<hbm>>
      tpu.wait_dma2 semaphore(%arg18 : memref<!tpu.dma_semaphore, #tpu.memory_space<semaphore_mem>>) src(%dma_wait3A_102 : memref<128x128xf32, #tpu.memory_space<hbm>>) dst(%arg11 : memref<128x128xf32, #tpu.memory_space<vmem>>)
      %dma_start3A_103 = arith.constant 0 : i32
      %dma_start3A_104 = arith.constant 0 : i32
      %dma_start3A_105 = tpu.memref_slice %arg12[%dma_start3A_103, %dma_start3A_104] : memref<10112x128xf32, #tpu.memory_space<vmem_shared>> -> memref<10112x128xf32, #tpu.memory_space<vmem_shared>>
      tpu.enqueue_indirect_dma source(%arg11 : memref<128x128xf32, #tpu.memory_space<vmem>>) target(%dma_start3A_105 : memref<10112x128xf32, #tpu.memory_space<vmem_shared>>) offsets(%arg8 : memref<128xi32, #tpu.memory_space<vmem>>) semaphore(%arg21 : memref<!tpu.dma_semaphore, #tpu.memory_space<semaphore_mem>>) {add = true}
    }
    %scan3A_9 = arith.constant 26 : i32
    %dma_wait3A = arith.constant 0 : i32
    %dma_wait3A_10 = arith.constant 0 : i32
    %dma_wait3A_11 = tpu.memref_slice %arg12[%dma_wait3A, %dma_wait3A_10] : memref<10112x128xf32, #tpu.memory_space<vmem_shared>> -> memref<10112x128xf32, #tpu.memory_space<vmem_shared>>
    tpu.wait_indirect_dma semaphore(%arg19 : memref<!tpu.dma_semaphore, #tpu.memory_space<semaphore_mem>>) src(%arg9 : memref<128x128xf32, #tpu.memory_space<vmem>>) dst(%dma_wait3A_11 : memref<10112x128xf32, #tpu.memory_space<vmem_shared>>)
    %dma_wait3A_12 = arith.constant 0 : i32
    %dma_wait3A_13 = arith.constant 0 : i32
    %dma_wait3A_14 = tpu.memref_slice %arg12[%dma_wait3A_12, %dma_wait3A_13] : memref<10112x128xf32, #tpu.memory_space<vmem_shared>> -> memref<10112x128xf32, #tpu.memory_space<vmem_shared>>
    tpu.wait_indirect_dma semaphore(%arg20 : memref<!tpu.dma_semaphore, #tpu.memory_space<semaphore_mem>>) src(%arg10 : memref<128x128xf32, #tpu.memory_space<vmem>>) dst(%dma_wait3A_14 : memref<10112x128xf32, #tpu.memory_space<vmem_shared>>)
    %dma_wait3A_15 = arith.constant 0 : i32
    %dma_wait3A_16 = arith.constant 0 : i32
    %dma_wait3A_17 = tpu.memref_slice %arg12[%dma_wait3A_15, %dma_wait3A_16] : memref<10112x128xf32, #tpu.memory_space<vmem_shared>> -> memref<10112x128xf32, #tpu.memory_space<vmem_shared>>
    tpu.wait_indirect_dma semaphore(%arg21 : memref<!tpu.dma_semaphore, #tpu.memory_space<semaphore_mem>>) src(%arg11 : memref<128x128xf32, #tpu.memory_space<vmem>>) dst(%dma_wait3A_17 : memref<10112x128xf32, #tpu.memory_space<vmem_shared>>)
    %lt3A = arith.constant 4 : i32
    %lt3A_18 = arith.cmpi slt, %add3A, %lt3A : i32
    %convert_element_type3A = arith.extui %lt3A_18 : i1 to i32
    %cond3A = arith.constant 0 : i32
    %cond3A_19 = arith.cmpi ne, %convert_element_type3A, %cond3A : i32
    scf.if %cond3A_19 {
      %add3A_24 = arith.constant 2496 : i32
      %add3A_25 = arith.addi %add3A_24, %add3A : i32
      %mul3A_26 = arith.constant 128 : i32
      %mul3A_27 = arith.muli %add3A_25, %mul3A_26 : i32
      %multiple_of3A = tpu.assume_multiple %mul3A_27, 8 : i32
      "tpu.region"() ({
        %run_scoped3A = tpu.sem_alloc : memref<!tpu.dma_semaphore, #tpu.memory_space<semaphore_mem>>
        %dma_start3A = tpu.memref_slice %arg3[%multiple_of3A] : memref<320000xi32, #tpu.memory_space<hbm>> -> memref<128xi32, #tpu.memory_space<hbm>>
        %dma_start3A_28 = tpu.memref_slice %arg3[%multiple_of3A] : memref<320000xi32, #tpu.memory_space<hbm>> -> memref<128xi32, #tpu.memory_space<hbm>>
        tpu.enqueue_dma source(%dma_start3A_28 : memref<128xi32, #tpu.memory_space<hbm>>) target(%arg6 : memref<128xi32, #tpu.memory_space<vmem>>) target_semaphore(%run_scoped3A : memref<!tpu.dma_semaphore, #tpu.memory_space<semaphore_mem>>)
        %dma_wait3A_29 = tpu.memref_slice %arg3[%multiple_of3A] : memref<320000xi32, #tpu.memory_space<hbm>> -> memref<128xi32, #tpu.memory_space<hbm>>
        %dma_wait3A_30 = tpu.memref_slice %arg3[%multiple_of3A] : memref<320000xi32, #tpu.memory_space<hbm>> -> memref<128xi32, #tpu.memory_space<hbm>>
        tpu.wait_dma2 semaphore(%run_scoped3A : memref<!tpu.dma_semaphore, #tpu.memory_space<semaphore_mem>>) src(%dma_wait3A_30 : memref<128xi32, #tpu.memory_space<hbm>>) dst(%arg6 : memref<128xi32, #tpu.memory_space<vmem>>)
        tpu.yield
      }) : () -> ()
      "tpu.region"() ({
        %run_scoped3A = tpu.sem_alloc : memref<!tpu.dma_semaphore, #tpu.memory_space<semaphore_mem>>
        %dma_start3A = arith.constant 0 : i32
        %dma_start3A_28 = tpu.memref_slice %arg2[%multiple_of3A, %dma_start3A] : memref<320000x128xf32, #tpu.memory_space<hbm>> -> memref<128x128xf32, #tpu.memory_space<hbm>>
        %dma_start3A_29 = arith.constant 0 : i32
        %dma_start3A_30 = tpu.memref_slice %arg2[%multiple_of3A, %dma_start3A_29] : memref<320000x128xf32, #tpu.memory_space<hbm>> -> memref<128x128xf32, #tpu.memory_space<hbm>>
        tpu.enqueue_dma source(%dma_start3A_30 : memref<128x128xf32, #tpu.memory_space<hbm>>) target(%arg9 : memref<128x128xf32, #tpu.memory_space<vmem>>) target_semaphore(%run_scoped3A : memref<!tpu.dma_semaphore, #tpu.memory_space<semaphore_mem>>)
        %dma_wait3A_31 = arith.constant 0 : i32
        %dma_wait3A_32 = tpu.memref_slice %arg2[%multiple_of3A, %dma_wait3A_31] : memref<320000x128xf32, #tpu.memory_space<hbm>> -> memref<128x128xf32, #tpu.memory_space<hbm>>
        %dma_wait3A_33 = arith.constant 0 : i32
        %dma_wait3A_34 = tpu.memref_slice %arg2[%multiple_of3A, %dma_wait3A_33] : memref<320000x128xf32, #tpu.memory_space<hbm>> -> memref<128x128xf32, #tpu.memory_space<hbm>>
        tpu.wait_dma2 semaphore(%run_scoped3A : memref<!tpu.dma_semaphore, #tpu.memory_space<semaphore_mem>>) src(%dma_wait3A_34 : memref<128x128xf32, #tpu.memory_space<hbm>>) dst(%arg9 : memref<128x128xf32, #tpu.memory_space<vmem>>)
        tpu.yield
      }) : () -> ()
      "tpu.region"() ({
        %run_scoped3A = tpu.sem_alloc : memref<!tpu.dma_semaphore, #tpu.memory_space<semaphore_mem>>
        %dma_start3A = arith.constant 0 : i32
        %dma_start3A_28 = arith.constant 0 : i32
        %dma_start3A_29 = tpu.memref_slice %arg12[%dma_start3A, %dma_start3A_28] : memref<10112x128xf32, #tpu.memory_space<vmem_shared>> -> memref<10112x128xf32, #tpu.memory_space<vmem_shared>>
        tpu.enqueue_indirect_dma source(%arg9 : memref<128x128xf32, #tpu.memory_space<vmem>>) target(%dma_start3A_29 : memref<10112x128xf32, #tpu.memory_space<vmem_shared>>) offsets(%arg6 : memref<128xi32, #tpu.memory_space<vmem>>) semaphore(%run_scoped3A : memref<!tpu.dma_semaphore, #tpu.memory_space<semaphore_mem>>) {add = true}
        %dma_wait3A_30 = arith.constant 0 : i32
        %dma_wait3A_31 = arith.constant 0 : i32
        %dma_wait3A_32 = tpu.memref_slice %arg12[%dma_wait3A_30, %dma_wait3A_31] : memref<10112x128xf32, #tpu.memory_space<vmem_shared>> -> memref<10112x128xf32, #tpu.memory_space<vmem_shared>>
        tpu.wait_indirect_dma semaphore(%run_scoped3A : memref<!tpu.dma_semaphore, #tpu.memory_space<semaphore_mem>>) src(%arg9 : memref<128x128xf32, #tpu.memory_space<vmem>>) dst(%dma_wait3A_32 : memref<10112x128xf32, #tpu.memory_space<vmem_shared>>)
        tpu.yield
      }) : () -> ()
    } else {
    }
    %barrier3A_20 = arith.constant 0 : index
    tpu.barrier barrier_id(%barrier3A_20)
    %mul3A_21 = arith.constant 10112 : i32
    %mul3A_22 = arith.muli %arg0, %mul3A_21 : i32
    %add3A_23 = arith.addi %mul3A_22, %mul3A_4 : i32
    "tpu.region"() ({
      %run_scoped3A = tpu.sem_alloc : memref<!tpu.dma_semaphore, #tpu.memory_space<semaphore_mem>>
      %dma_start3A = arith.constant 0 : i32
      %dma_start3A_24 = tpu.memref_slice %arg5[%add3A_23, %dma_start3A] : memref<20224x128xf32, #tpu.memory_space<hbm>> -> memref<632x128xf32, #tpu.memory_space<hbm>>
      %dma_start3A_25 = arith.constant 0 : i32
      %dma_start3A_26 = tpu.memref_slice %arg12[%mul3A_4, %dma_start3A_25] : memref<10112x128xf32, #tpu.memory_space<vmem_shared>> -> memref<632x128xf32, #tpu.memory_space<vmem_shared>>
      tpu.enqueue_dma source(%dma_start3A_26 : memref<632x128xf32, #tpu.memory_space<vmem_shared>>) target(%dma_start3A_24 : memref<632x128xf32, #tpu.memory_space<hbm>>) target_semaphore(%run_scoped3A : memref<!tpu.dma_semaphore, #tpu.memory_space<semaphore_mem>>)
      %dma_wait3A_27 = arith.constant 0 : i32
      %dma_wait3A_28 = tpu.memref_slice %arg5[%add3A_23, %dma_wait3A_27] : memref<20224x128xf32, #tpu.memory_space<hbm>> -> memref<632x128xf32, #tpu.memory_space<hbm>>
      %dma_wait3A_29 = arith.constant 0 : i32
      %dma_wait3A_30 = tpu.memref_slice %arg12[%mul3A_4, %dma_wait3A_29] : memref<10112x128xf32, #tpu.memory_space<vmem_shared>> -> memref<632x128xf32, #tpu.memory_space<vmem_shared>>
      tpu.wait_dma2 semaphore(%run_scoped3A : memref<!tpu.dma_semaphore, #tpu.memory_space<semaphore_mem>>) src(%dma_wait3A_30 : memref<632x128xf32, #tpu.memory_space<vmem_shared>>) dst(%dma_wait3A_28 : memref<632x128xf32, #tpu.memory_space<hbm>>)
      tpu.yield
    }) : () -> ()
    return
  }
}

#map = affine_map<(d0, d1) -> (0, 0)>
#map1 = affine_map<(d0, d1) -> (0)>
module attributes {stable_mosaic.version = 14 : i64} {
  func.func @k(%arg0: i32, %arg1: i32, %arg2: memref<10000x128xf32, #tpu.memory_space<hbm>>, %arg3: memref<320000xi32, #tpu.memory_space<hbm>>, %arg4: memref<320000x128xf32, #tpu.memory_space<hbm>>, %arg5: memref<128xi32, #tpu.memory_space<vmem>>, %arg6: memref<128xi32, #tpu.memory_space<vmem>>, %arg7: memref<128xi32, #tpu.memory_space<vmem>>, %arg8: memref<128xi32, #tpu.memory_space<vmem>>, %arg9: memref<128xi32, #tpu.memory_space<vmem>>, %arg10: memref<128xi32, #tpu.memory_space<vmem>>, %arg11: memref<128x128xf32, #tpu.memory_space<vmem>>, %arg12: memref<128x128xf32, #tpu.memory_space<vmem>>, %arg13: memref<128x128xf32, #tpu.memory_space<vmem>>, %arg14: memref<128x128xf32, #tpu.memory_space<vmem>>, %arg15: memref<128x128xf32, #tpu.memory_space<vmem>>, %arg16: memref<128x128xf32, #tpu.memory_space<vmem>>, %arg17: memref<!tpu.dma_semaphore, #tpu.memory_space<semaphore_mem>>, %arg18: memref<!tpu.dma_semaphore, #tpu.memory_space<semaphore_mem>>, %arg19: memref<!tpu.dma_semaphore, #tpu.memory_space<semaphore_mem>>, %arg20: memref<!tpu.dma_semaphore, #tpu.memory_space<semaphore_mem>>, %arg21: memref<!tpu.dma_semaphore, #tpu.memory_space<semaphore_mem>>, %arg22: memref<!tpu.dma_semaphore, #tpu.memory_space<semaphore_mem>>, %arg23: memref<!tpu.dma_semaphore, #tpu.memory_space<semaphore_mem>>, %arg24: memref<!tpu.dma_semaphore, #tpu.memory_space<semaphore_mem>>, %arg25: memref<!tpu.dma_semaphore, #tpu.memory_space<semaphore_mem>>, %arg26: memref<!tpu.dma_semaphore, #tpu.memory_space<semaphore_mem>>, %arg27: memref<!tpu.dma_semaphore, #tpu.memory_space<semaphore_mem>>, %arg28: memref<!tpu.dma_semaphore, #tpu.memory_space<semaphore_mem>>, %arg29: memref<!tpu.dma_semaphore, #tpu.memory_space<semaphore_mem>>, %arg30: memref<!tpu.dma_semaphore, #tpu.memory_space<semaphore_mem>>, %arg31: memref<!tpu.dma_semaphore, #tpu.memory_space<semaphore_mem>>, %arg32: memref<!tpu.dma_semaphore, #tpu.memory_space<semaphore_mem>>, %arg33: memref<!tpu.dma_semaphore, #tpu.memory_space<semaphore_mem>>, %arg34: memref<!tpu.dma_semaphore, #tpu.memory_space<semaphore_mem>>) attributes {dimension_semantics = [#tpu.dimension_semantics<core_parallel>, #tpu.dimension_semantics<subcore_parallel>], iteration_bounds = array<i64: 2, 16>, scalar_prefetch = 0 : i64, scratch_operands = 30 : i64, tpu.core_type = #tpu.core_type<sc_vector_subcore>, window_params = [{transform_indices = #map}, {transform_indices = #map1}, {transform_indices = #map}]} {
    %mul3A = arith.constant 2 : i32
    %mul3A_0 = arith.muli %arg1, %mul3A : i32
    %add3A = arith.addi %mul3A_0, %arg0 : i32
    %mul3A_1 = arith.constant 78 : i32
    %mul3A_2 = arith.muli %add3A, %mul3A_1 : i32
    %scan3A = arith.constant 0 : i32
    %scan3A_3 = arith.constant 0 : i32
    %scan3A_4 = arith.constant 13 : i32
    %scan3A_5 = arith.addi %scan3A_3, %scan3A_4 : i32
    %scan3A_6 = arith.constant 1 : i32
    scf.for %scan3A_45 = %scan3A_3 to %scan3A_5 step %scan3A_6  : i32 {
      %mul3A_46 = arith.constant 6 : i32
      %mul3A_47 = arith.muli %scan3A_45, %mul3A_46 : i32
      %add3A_48 = arith.addi %mul3A_2, %mul3A_47 : i32
      %add3A_49 = arith.constant 0 : i32
      %add3A_50 = arith.addi %add3A_48, %add3A_49 : i32
      %mul3A_51 = arith.constant 128 : i32
      %mul3A_52 = arith.muli %add3A_50, %mul3A_51 : i32
      %multiple_of3A = tpu.assume_multiple %mul3A_52, 8 : i32
      %gt3A = arith.constant 0 : i32
      %gt3A_53 = arith.cmpi sgt, %scan3A_45, %gt3A : i32
      %convert_element_type3A_54 = arith.extui %gt3A_53 : i1 to i32
      %cond3A_55 = arith.constant 0 : i32
      %cond3A_56 = arith.cmpi ne, %convert_element_type3A_54, %cond3A_55 : i32
      scf.if %cond3A_56 {
        %dma_wait3A_253 = arith.constant 0 : i32
        %dma_wait3A_254 = arith.constant 0 : i32
        %dma_wait3A_255 = tpu.memref_slice %arg4[%dma_wait3A_253, %dma_wait3A_254] : memref<320000x128xf32, #tpu.memory_space<hbm>> -> memref<128x128xf32, #tpu.memory_space<hbm>>
        %dma_wait3A_256 = arith.constant 0 : i32
        %dma_wait3A_257 = arith.constant 0 : i32
        %dma_wait3A_258 = tpu.memref_slice %arg4[%dma_wait3A_256, %dma_wait3A_257] : memref<320000x128xf32, #tpu.memory_space<hbm>> -> memref<128x128xf32, #tpu.memory_space<hbm>>
        tpu.wait_dma2 semaphore(%arg29 : memref<!tpu.dma_semaphore, #tpu.memory_space<semaphore_mem>>) src(%arg11 : memref<128x128xf32, #tpu.memory_space<vmem>>) dst(%dma_wait3A_258 : memref<128x128xf32, #tpu.memory_space<hbm>>)
      } else {
      }
      %dma_start3A = tpu.memref_slice %arg3[%multiple_of3A] : memref<320000xi32, #tpu.memory_space<hbm>> -> memref<128xi32, #tpu.memory_space<hbm>>
      %dma_start3A_57 = tpu.memref_slice %arg3[%multiple_of3A] : memref<320000xi32, #tpu.memory_space<hbm>> -> memref<128xi32, #tpu.memory_space<hbm>>
      tpu.enqueue_dma source(%dma_start3A_57 : memref<128xi32, #tpu.memory_space<hbm>>) target(%arg5 : memref<128xi32, #tpu.memory_space<vmem>>) target_semaphore(%arg17 : memref<!tpu.dma_semaphore, #tpu.memory_space<semaphore_mem>>)
      %mul3A_58 = arith.constant 6 : i32
      %mul3A_59 = arith.muli %scan3A_45, %mul3A_58 : i32
      %add3A_60 = arith.addi %mul3A_2, %mul3A_59 : i32
      %add3A_61 = arith.constant 1 : i32
      %add3A_62 = arith.addi %add3A_60, %add3A_61 : i32
      %mul3A_63 = arith.constant 128 : i32
      %mul3A_64 = arith.muli %add3A_62, %mul3A_63 : i32
      %multiple_of3A_65 = tpu.assume_multiple %mul3A_64, 8 : i32
      %gt3A_66 = arith.constant 0 : i32
      %gt3A_67 = arith.cmpi sgt, %scan3A_45, %gt3A_66 : i32
      %convert_element_type3A_68 = arith.extui %gt3A_67 : i1 to i32
      %cond3A_69 = arith.constant 0 : i32
      %cond3A_70 = arith.cmpi ne, %convert_element_type3A_68, %cond3A_69 : i32
      scf.if %cond3A_70 {
        %dma_wait3A_253 = arith.constant 0 : i32
        %dma_wait3A_254 = arith.constant 0 : i32
        %dma_wait3A_255 = tpu.memref_slice %arg4[%dma_wait3A_253, %dma_wait3A_254] : memref<320000x128xf32, #tpu.memory_space<hbm>> -> memref<128x128xf32, #tpu.memory_space<hbm>>
        %dma_wait3A_256 = arith.constant 0 : i32
        %dma_wait3A_257 = arith.constant 0 : i32
        %dma_wait3A_258 = tpu.memref_slice %arg4[%dma_wait3A_256, %dma_wait3A_257] : memref<320000x128xf32, #tpu.memory_space<hbm>> -> memref<128x128xf32, #tpu.memory_space<hbm>>
        tpu.wait_dma2 semaphore(%arg30 : memref<!tpu.dma_semaphore, #tpu.memory_space<semaphore_mem>>) src(%arg12 : memref<128x128xf32, #tpu.memory_space<vmem>>) dst(%dma_wait3A_258 : memref<128x128xf32, #tpu.memory_space<hbm>>)
      } else {
      }
      %dma_start3A_71 = tpu.memref_slice %arg3[%multiple_of3A_65] : memref<320000xi32, #tpu.memory_space<hbm>> -> memref<128xi32, #tpu.memory_space<hbm>>
      %dma_start3A_72 = tpu.memref_slice %arg3[%multiple_of3A_65] : memref<320000xi32, #tpu.memory_space<hbm>> -> memref<128xi32, #tpu.memory_space<hbm>>
      tpu.enqueue_dma source(%dma_start3A_72 : memref<128xi32, #tpu.memory_space<hbm>>) target(%arg6 : memref<128xi32, #tpu.memory_space<vmem>>) target_semaphore(%arg18 : memref<!tpu.dma_semaphore, #tpu.memory_space<semaphore_mem>>)
      %mul3A_73 = arith.constant 6 : i32
      %mul3A_74 = arith.muli %scan3A_45, %mul3A_73 : i32
      %add3A_75 = arith.addi %mul3A_2, %mul3A_74 : i32
      %add3A_76 = arith.constant 2 : i32
      %add3A_77 = arith.addi %add3A_75, %add3A_76 : i32
      %mul3A_78 = arith.constant 128 : i32
      %mul3A_79 = arith.muli %add3A_77, %mul3A_78 : i32
      %multiple_of3A_80 = tpu.assume_multiple %mul3A_79, 8 : i32
      %gt3A_81 = arith.constant 0 : i32
      %gt3A_82 = arith.cmpi sgt, %scan3A_45, %gt3A_81 : i32
      %convert_element_type3A_83 = arith.extui %gt3A_82 : i1 to i32
      %cond3A_84 = arith.constant 0 : i32
      %cond3A_85 = arith.cmpi ne, %convert_element_type3A_83, %cond3A_84 : i32
      scf.if %cond3A_85 {
        %dma_wait3A_253 = arith.constant 0 : i32
        %dma_wait3A_254 = arith.constant 0 : i32
        %dma_wait3A_255 = tpu.memref_slice %arg4[%dma_wait3A_253, %dma_wait3A_254] : memref<320000x128xf32, #tpu.memory_space<hbm>> -> memref<128x128xf32, #tpu.memory_space<hbm>>
        %dma_wait3A_256 = arith.constant 0 : i32
        %dma_wait3A_257 = arith.constant 0 : i32
        %dma_wait3A_258 = tpu.memref_slice %arg4[%dma_wait3A_256, %dma_wait3A_257] : memref<320000x128xf32, #tpu.memory_space<hbm>> -> memref<128x128xf32, #tpu.memory_space<hbm>>
        tpu.wait_dma2 semaphore(%arg31 : memref<!tpu.dma_semaphore, #tpu.memory_space<semaphore_mem>>) src(%arg13 : memref<128x128xf32, #tpu.memory_space<vmem>>) dst(%dma_wait3A_258 : memref<128x128xf32, #tpu.memory_space<hbm>>)
      } else {
      }
      %dma_start3A_86 = tpu.memref_slice %arg3[%multiple_of3A_80] : memref<320000xi32, #tpu.memory_space<hbm>> -> memref<128xi32, #tpu.memory_space<hbm>>
      %dma_start3A_87 = tpu.memref_slice %arg3[%multiple_of3A_80] : memref<320000xi32, #tpu.memory_space<hbm>> -> memref<128xi32, #tpu.memory_space<hbm>>
      tpu.enqueue_dma source(%dma_start3A_87 : memref<128xi32, #tpu.memory_space<hbm>>) target(%arg7 : memref<128xi32, #tpu.memory_space<vmem>>) target_semaphore(%arg19 : memref<!tpu.dma_semaphore, #tpu.memory_space<semaphore_mem>>)
      %mul3A_88 = arith.constant 6 : i32
      %mul3A_89 = arith.muli %scan3A_45, %mul3A_88 : i32
      %add3A_90 = arith.addi %mul3A_2, %mul3A_89 : i32
      %add3A_91 = arith.constant 3 : i32
      %add3A_92 = arith.addi %add3A_90, %add3A_91 : i32
      %mul3A_93 = arith.constant 128 : i32
      %mul3A_94 = arith.muli %add3A_92, %mul3A_93 : i32
      %multiple_of3A_95 = tpu.assume_multiple %mul3A_94, 8 : i32
      %gt3A_96 = arith.constant 0 : i32
      %gt3A_97 = arith.cmpi sgt, %scan3A_45, %gt3A_96 : i32
      %convert_element_type3A_98 = arith.extui %gt3A_97 : i1 to i32
      %cond3A_99 = arith.constant 0 : i32
      %cond3A_100 = arith.cmpi ne, %convert_element_type3A_98, %cond3A_99 : i32
      scf.if %cond3A_100 {
        %dma_wait3A_253 = arith.constant 0 : i32
        %dma_wait3A_254 = arith.constant 0 : i32
        %dma_wait3A_255 = tpu.memref_slice %arg4[%dma_wait3A_253, %dma_wait3A_254] : memref<320000x128xf32, #tpu.memory_space<hbm>> -> memref<128x128xf32, #tpu.memory_space<hbm>>
        %dma_wait3A_256 = arith.constant 0 : i32
        %dma_wait3A_257 = arith.constant 0 : i32
        %dma_wait3A_258 = tpu.memref_slice %arg4[%dma_wait3A_256, %dma_wait3A_257] : memref<320000x128xf32, #tpu.memory_space<hbm>> -> memref<128x128xf32, #tpu.memory_space<hbm>>
        tpu.wait_dma2 semaphore(%arg32 : memref<!tpu.dma_semaphore, #tpu.memory_space<semaphore_mem>>) src(%arg14 : memref<128x128xf32, #tpu.memory_space<vmem>>) dst(%dma_wait3A_258 : memref<128x128xf32, #tpu.memory_space<hbm>>)
      } else {
      }
      %dma_start3A_101 = tpu.memref_slice %arg3[%multiple_of3A_95] : memref<320000xi32, #tpu.memory_space<hbm>> -> memref<128xi32, #tpu.memory_space<hbm>>
      %dma_start3A_102 = tpu.memref_slice %arg3[%multiple_of3A_95] : memref<320000xi32, #tpu.memory_space<hbm>> -> memref<128xi32, #tpu.memory_space<hbm>>
      tpu.enqueue_dma source(%dma_start3A_102 : memref<128xi32, #tpu.memory_space<hbm>>) target(%arg8 : memref<128xi32, #tpu.memory_space<vmem>>) target_semaphore(%arg20 : memref<!tpu.dma_semaphore, #tpu.memory_space<semaphore_mem>>)
      %mul3A_103 = arith.constant 6 : i32
      %mul3A_104 = arith.muli %scan3A_45, %mul3A_103 : i32
      %add3A_105 = arith.addi %mul3A_2, %mul3A_104 : i32
      %add3A_106 = arith.constant 4 : i32
      %add3A_107 = arith.addi %add3A_105, %add3A_106 : i32
      %mul3A_108 = arith.constant 128 : i32
      %mul3A_109 = arith.muli %add3A_107, %mul3A_108 : i32
      %multiple_of3A_110 = tpu.assume_multiple %mul3A_109, 8 : i32
      %gt3A_111 = arith.constant 0 : i32
      %gt3A_112 = arith.cmpi sgt, %scan3A_45, %gt3A_111 : i32
      %convert_element_type3A_113 = arith.extui %gt3A_112 : i1 to i32
      %cond3A_114 = arith.constant 0 : i32
      %cond3A_115 = arith.cmpi ne, %convert_element_type3A_113, %cond3A_114 : i32
      scf.if %cond3A_115 {
        %dma_wait3A_253 = arith.constant 0 : i32
        %dma_wait3A_254 = arith.constant 0 : i32
        %dma_wait3A_255 = tpu.memref_slice %arg4[%dma_wait3A_253, %dma_wait3A_254] : memref<320000x128xf32, #tpu.memory_space<hbm>> -> memref<128x128xf32, #tpu.memory_space<hbm>>
        %dma_wait3A_256 = arith.constant 0 : i32
        %dma_wait3A_257 = arith.constant 0 : i32
        %dma_wait3A_258 = tpu.memref_slice %arg4[%dma_wait3A_256, %dma_wait3A_257] : memref<320000x128xf32, #tpu.memory_space<hbm>> -> memref<128x128xf32, #tpu.memory_space<hbm>>
        tpu.wait_dma2 semaphore(%arg33 : memref<!tpu.dma_semaphore, #tpu.memory_space<semaphore_mem>>) src(%arg15 : memref<128x128xf32, #tpu.memory_space<vmem>>) dst(%dma_wait3A_258 : memref<128x128xf32, #tpu.memory_space<hbm>>)
      } else {
      }
      %dma_start3A_116 = tpu.memref_slice %arg3[%multiple_of3A_110] : memref<320000xi32, #tpu.memory_space<hbm>> -> memref<128xi32, #tpu.memory_space<hbm>>
      %dma_start3A_117 = tpu.memref_slice %arg3[%multiple_of3A_110] : memref<320000xi32, #tpu.memory_space<hbm>> -> memref<128xi32, #tpu.memory_space<hbm>>
      tpu.enqueue_dma source(%dma_start3A_117 : memref<128xi32, #tpu.memory_space<hbm>>) target(%arg9 : memref<128xi32, #tpu.memory_space<vmem>>) target_semaphore(%arg21 : memref<!tpu.dma_semaphore, #tpu.memory_space<semaphore_mem>>)
      %mul3A_118 = arith.constant 6 : i32
      %mul3A_119 = arith.muli %scan3A_45, %mul3A_118 : i32
      %add3A_120 = arith.addi %mul3A_2, %mul3A_119 : i32
      %add3A_121 = arith.constant 5 : i32
      %add3A_122 = arith.addi %add3A_120, %add3A_121 : i32
      %mul3A_123 = arith.constant 128 : i32
      %mul3A_124 = arith.muli %add3A_122, %mul3A_123 : i32
      %multiple_of3A_125 = tpu.assume_multiple %mul3A_124, 8 : i32
      %gt3A_126 = arith.constant 0 : i32
      %gt3A_127 = arith.cmpi sgt, %scan3A_45, %gt3A_126 : i32
      %convert_element_type3A_128 = arith.extui %gt3A_127 : i1 to i32
      %cond3A_129 = arith.constant 0 : i32
      %cond3A_130 = arith.cmpi ne, %convert_element_type3A_128, %cond3A_129 : i32
      scf.if %cond3A_130 {
        %dma_wait3A_253 = arith.constant 0 : i32
        %dma_wait3A_254 = arith.constant 0 : i32
        %dma_wait3A_255 = tpu.memref_slice %arg4[%dma_wait3A_253, %dma_wait3A_254] : memref<320000x128xf32, #tpu.memory_space<hbm>> -> memref<128x128xf32, #tpu.memory_space<hbm>>
        %dma_wait3A_256 = arith.constant 0 : i32
        %dma_wait3A_257 = arith.constant 0 : i32
        %dma_wait3A_258 = tpu.memref_slice %arg4[%dma_wait3A_256, %dma_wait3A_257] : memref<320000x128xf32, #tpu.memory_space<hbm>> -> memref<128x128xf32, #tpu.memory_space<hbm>>
        tpu.wait_dma2 semaphore(%arg34 : memref<!tpu.dma_semaphore, #tpu.memory_space<semaphore_mem>>) src(%arg16 : memref<128x128xf32, #tpu.memory_space<vmem>>) dst(%dma_wait3A_258 : memref<128x128xf32, #tpu.memory_space<hbm>>)
      } else {
      }
      %dma_start3A_131 = tpu.memref_slice %arg3[%multiple_of3A_125] : memref<320000xi32, #tpu.memory_space<hbm>> -> memref<128xi32, #tpu.memory_space<hbm>>
      %dma_start3A_132 = tpu.memref_slice %arg3[%multiple_of3A_125] : memref<320000xi32, #tpu.memory_space<hbm>> -> memref<128xi32, #tpu.memory_space<hbm>>
      tpu.enqueue_dma source(%dma_start3A_132 : memref<128xi32, #tpu.memory_space<hbm>>) target(%arg10 : memref<128xi32, #tpu.memory_space<vmem>>) target_semaphore(%arg22 : memref<!tpu.dma_semaphore, #tpu.memory_space<semaphore_mem>>)
      %dma_wait3A_133 = tpu.memref_slice %arg3[%multiple_of3A] : memref<320000xi32, #tpu.memory_space<hbm>> -> memref<128xi32, #tpu.memory_space<hbm>>
      %dma_wait3A_134 = tpu.memref_slice %arg3[%multiple_of3A] : memref<320000xi32, #tpu.memory_space<hbm>> -> memref<128xi32, #tpu.memory_space<hbm>>
      tpu.wait_dma2 semaphore(%arg17 : memref<!tpu.dma_semaphore, #tpu.memory_space<semaphore_mem>>) src(%dma_wait3A_134 : memref<128xi32, #tpu.memory_space<hbm>>) dst(%arg5 : memref<128xi32, #tpu.memory_space<vmem>>)
      %dma_start3A_135 = arith.constant 0 : i32
      %dma_start3A_136 = arith.constant 0 : i32
      %dma_start3A_137 = tpu.memref_slice %arg2[%dma_start3A_135, %dma_start3A_136] : memref<10000x128xf32, #tpu.memory_space<hbm>> -> memref<10000x128xf32, #tpu.memory_space<hbm>>
      tpu.enqueue_indirect_dma source(%dma_start3A_137 : memref<10000x128xf32, #tpu.memory_space<hbm>>) target(%arg11 : memref<128x128xf32, #tpu.memory_space<vmem>>) offsets(%arg5 : memref<128xi32, #tpu.memory_space<vmem>>) semaphore(%arg23 : memref<!tpu.dma_semaphore, #tpu.memory_space<semaphore_mem>>)
      %dma_wait3A_138 = tpu.memref_slice %arg3[%multiple_of3A_65] : memref<320000xi32, #tpu.memory_space<hbm>> -> memref<128xi32, #tpu.memory_space<hbm>>
      %dma_wait3A_139 = tpu.memref_slice %arg3[%multiple_of3A_65] : memref<320000xi32, #tpu.memory_space<hbm>> -> memref<128xi32, #tpu.memory_space<hbm>>
      tpu.wait_dma2 semaphore(%arg18 : memref<!tpu.dma_semaphore, #tpu.memory_space<semaphore_mem>>) src(%dma_wait3A_139 : memref<128xi32, #tpu.memory_space<hbm>>) dst(%arg6 : memref<128xi32, #tpu.memory_space<vmem>>)
      %dma_start3A_140 = arith.constant 0 : i32
      %dma_start3A_141 = arith.constant 0 : i32
      %dma_start3A_142 = tpu.memref_slice %arg2[%dma_start3A_140, %dma_start3A_141] : memref<10000x128xf32, #tpu.memory_space<hbm>> -> memref<10000x128xf32, #tpu.memory_space<hbm>>
      tpu.enqueue_indirect_dma source(%dma_start3A_142 : memref<10000x128xf32, #tpu.memory_space<hbm>>) target(%arg12 : memref<128x128xf32, #tpu.memory_space<vmem>>) offsets(%arg6 : memref<128xi32, #tpu.memory_space<vmem>>) semaphore(%arg24 : memref<!tpu.dma_semaphore, #tpu.memory_space<semaphore_mem>>)
      %dma_wait3A_143 = tpu.memref_slice %arg3[%multiple_of3A_80] : memref<320000xi32, #tpu.memory_space<hbm>> -> memref<128xi32, #tpu.memory_space<hbm>>
      %dma_wait3A_144 = tpu.memref_slice %arg3[%multiple_of3A_80] : memref<320000xi32, #tpu.memory_space<hbm>> -> memref<128xi32, #tpu.memory_space<hbm>>
      tpu.wait_dma2 semaphore(%arg19 : memref<!tpu.dma_semaphore, #tpu.memory_space<semaphore_mem>>) src(%dma_wait3A_144 : memref<128xi32, #tpu.memory_space<hbm>>) dst(%arg7 : memref<128xi32, #tpu.memory_space<vmem>>)
      %dma_start3A_145 = arith.constant 0 : i32
      %dma_start3A_146 = arith.constant 0 : i32
      %dma_start3A_147 = tpu.memref_slice %arg2[%dma_start3A_145, %dma_start3A_146] : memref<10000x128xf32, #tpu.memory_space<hbm>> -> memref<10000x128xf32, #tpu.memory_space<hbm>>
      tpu.enqueue_indirect_dma source(%dma_start3A_147 : memref<10000x128xf32, #tpu.memory_space<hbm>>) target(%arg13 : memref<128x128xf32, #tpu.memory_space<vmem>>) offsets(%arg7 : memref<128xi32, #tpu.memory_space<vmem>>) semaphore(%arg25 : memref<!tpu.dma_semaphore, #tpu.memory_space<semaphore_mem>>)
      %dma_wait3A_148 = tpu.memref_slice %arg3[%multiple_of3A_95] : memref<320000xi32, #tpu.memory_space<hbm>> -> memref<128xi32, #tpu.memory_space<hbm>>
      %dma_wait3A_149 = tpu.memref_slice %arg3[%multiple_of3A_95] : memref<320000xi32, #tpu.memory_space<hbm>> -> memref<128xi32, #tpu.memory_space<hbm>>
      tpu.wait_dma2 semaphore(%arg20 : memref<!tpu.dma_semaphore, #tpu.memory_space<semaphore_mem>>) src(%dma_wait3A_149 : memref<128xi32, #tpu.memory_space<hbm>>) dst(%arg8 : memref<128xi32, #tpu.memory_space<vmem>>)
      %dma_start3A_150 = arith.constant 0 : i32
      %dma_start3A_151 = arith.constant 0 : i32
      %dma_start3A_152 = tpu.memref_slice %arg2[%dma_start3A_150, %dma_start3A_151] : memref<10000x128xf32, #tpu.memory_space<hbm>> -> memref<10000x128xf32, #tpu.memory_space<hbm>>
      tpu.enqueue_indirect_dma source(%dma_start3A_152 : memref<10000x128xf32, #tpu.memory_space<hbm>>) target(%arg14 : memref<128x128xf32, #tpu.memory_space<vmem>>) offsets(%arg8 : memref<128xi32, #tpu.memory_space<vmem>>) semaphore(%arg26 : memref<!tpu.dma_semaphore, #tpu.memory_space<semaphore_mem>>)
      %dma_wait3A_153 = tpu.memref_slice %arg3[%multiple_of3A_110] : memref<320000xi32, #tpu.memory_space<hbm>> -> memref<128xi32, #tpu.memory_space<hbm>>
      %dma_wait3A_154 = tpu.memref_slice %arg3[%multiple_of3A_110] : memref<320000xi32, #tpu.memory_space<hbm>> -> memref<128xi32, #tpu.memory_space<hbm>>
      tpu.wait_dma2 semaphore(%arg21 : memref<!tpu.dma_semaphore, #tpu.memory_space<semaphore_mem>>) src(%dma_wait3A_154 : memref<128xi32, #tpu.memory_space<hbm>>) dst(%arg9 : memref<128xi32, #tpu.memory_space<vmem>>)
      %dma_start3A_155 = arith.constant 0 : i32
      %dma_start3A_156 = arith.constant 0 : i32
      %dma_start3A_157 = tpu.memref_slice %arg2[%dma_start3A_155, %dma_start3A_156] : memref<10000x128xf32, #tpu.memory_space<hbm>> -> memref<10000x128xf32, #tpu.memory_space<hbm>>
      tpu.enqueue_indirect_dma source(%dma_start3A_157 : memref<10000x128xf32, #tpu.memory_space<hbm>>) target(%arg15 : memref<128x128xf32, #tpu.memory_space<vmem>>) offsets(%arg9 : memref<128xi32, #tpu.memory_space<vmem>>) semaphore(%arg27 : memref<!tpu.dma_semaphore, #tpu.memory_space<semaphore_mem>>)
      %dma_wait3A_158 = tpu.memref_slice %arg3[%multiple_of3A_125] : memref<320000xi32, #tpu.memory_space<hbm>> -> memref<128xi32, #tpu.memory_space<hbm>>
      %dma_wait3A_159 = tpu.memref_slice %arg3[%multiple_of3A_125] : memref<320000xi32, #tpu.memory_space<hbm>> -> memref<128xi32, #tpu.memory_space<hbm>>
      tpu.wait_dma2 semaphore(%arg22 : memref<!tpu.dma_semaphore, #tpu.memory_space<semaphore_mem>>) src(%dma_wait3A_159 : memref<128xi32, #tpu.memory_space<hbm>>) dst(%arg10 : memref<128xi32, #tpu.memory_space<vmem>>)
      %dma_start3A_160 = arith.constant 0 : i32
      %dma_start3A_161 = arith.constant 0 : i32
      %dma_start3A_162 = tpu.memref_slice %arg2[%dma_start3A_160, %dma_start3A_161] : memref<10000x128xf32, #tpu.memory_space<hbm>> -> memref<10000x128xf32, #tpu.memory_space<hbm>>
      tpu.enqueue_indirect_dma source(%dma_start3A_162 : memref<10000x128xf32, #tpu.memory_space<hbm>>) target(%arg16 : memref<128x128xf32, #tpu.memory_space<vmem>>) offsets(%arg10 : memref<128xi32, #tpu.memory_space<vmem>>) semaphore(%arg28 : memref<!tpu.dma_semaphore, #tpu.memory_space<semaphore_mem>>)
      %mul3A_163 = arith.constant 6 : i32
      %mul3A_164 = arith.muli %scan3A_45, %mul3A_163 : i32
      %add3A_165 = arith.addi %mul3A_2, %mul3A_164 : i32
      %add3A_166 = arith.constant 0 : i32
      %add3A_167 = arith.addi %add3A_165, %add3A_166 : i32
      %mul3A_168 = arith.constant 128 : i32
      %mul3A_169 = arith.muli %add3A_167, %mul3A_168 : i32
      %multiple_of3A_170 = tpu.assume_multiple %mul3A_169, 8 : i32
      %dma_wait3A_171 = arith.constant 0 : i32
      %dma_wait3A_172 = arith.constant 0 : i32
      %dma_wait3A_173 = tpu.memref_slice %arg2[%dma_wait3A_171, %dma_wait3A_172] : memref<10000x128xf32, #tpu.memory_space<hbm>> -> memref<10000x128xf32, #tpu.memory_space<hbm>>
      tpu.wait_indirect_dma semaphore(%arg23 : memref<!tpu.dma_semaphore, #tpu.memory_space<semaphore_mem>>) src(%dma_wait3A_173 : memref<10000x128xf32, #tpu.memory_space<hbm>>) dst(%arg11 : memref<128x128xf32, #tpu.memory_space<vmem>>)
      %dma_start3A_174 = arith.constant 0 : i32
      %dma_start3A_175 = tpu.memref_slice %arg4[%multiple_of3A_170, %dma_start3A_174] : memref<320000x128xf32, #tpu.memory_space<hbm>> -> memref<128x128xf32, #tpu.memory_space<hbm>>
      %dma_start3A_176 = arith.constant 0 : i32
      %dma_start3A_177 = tpu.memref_slice %arg4[%multiple_of3A_170, %dma_start3A_176] : memref<320000x128xf32, #tpu.memory_space<hbm>> -> memref<128x128xf32, #tpu.memory_space<hbm>>
      tpu.enqueue_dma source(%arg11 : memref<128x128xf32, #tpu.memory_space<vmem>>) target(%dma_start3A_177 : memref<128x128xf32, #tpu.memory_space<hbm>>) target_semaphore(%arg29 : memref<!tpu.dma_semaphore, #tpu.memory_space<semaphore_mem>>)
      %mul3A_178 = arith.constant 6 : i32
      %mul3A_179 = arith.muli %scan3A_45, %mul3A_178 : i32
      %add3A_180 = arith.addi %mul3A_2, %mul3A_179 : i32
      %add3A_181 = arith.constant 1 : i32
      %add3A_182 = arith.addi %add3A_180, %add3A_181 : i32
      %mul3A_183 = arith.constant 128 : i32
      %mul3A_184 = arith.muli %add3A_182, %mul3A_183 : i32
      %multiple_of3A_185 = tpu.assume_multiple %mul3A_184, 8 : i32
      %dma_wait3A_186 = arith.constant 0 : i32
      %dma_wait3A_187 = arith.constant 0 : i32
      %dma_wait3A_188 = tpu.memref_slice %arg2[%dma_wait3A_186, %dma_wait3A_187] : memref<10000x128xf32, #tpu.memory_space<hbm>> -> memref<10000x128xf32, #tpu.memory_space<hbm>>
      tpu.wait_indirect_dma semaphore(%arg24 : memref<!tpu.dma_semaphore, #tpu.memory_space<semaphore_mem>>) src(%dma_wait3A_188 : memref<10000x128xf32, #tpu.memory_space<hbm>>) dst(%arg12 : memref<128x128xf32, #tpu.memory_space<vmem>>)
      %dma_start3A_189 = arith.constant 0 : i32
      %dma_start3A_190 = tpu.memref_slice %arg4[%multiple_of3A_185, %dma_start3A_189] : memref<320000x128xf32, #tpu.memory_space<hbm>> -> memref<128x128xf32, #tpu.memory_space<hbm>>
      %dma_start3A_191 = arith.constant 0 : i32
      %dma_start3A_192 = tpu.memref_slice %arg4[%multiple_of3A_185, %dma_start3A_191] : memref<320000x128xf32, #tpu.memory_space<hbm>> -> memref<128x128xf32, #tpu.memory_space<hbm>>
      tpu.enqueue_dma source(%arg12 : memref<128x128xf32, #tpu.memory_space<vmem>>) target(%dma_start3A_192 : memref<128x128xf32, #tpu.memory_space<hbm>>) target_semaphore(%arg30 : memref<!tpu.dma_semaphore, #tpu.memory_space<semaphore_mem>>)
      %mul3A_193 = arith.constant 6 : i32
      %mul3A_194 = arith.muli %scan3A_45, %mul3A_193 : i32
      %add3A_195 = arith.addi %mul3A_2, %mul3A_194 : i32
      %add3A_196 = arith.constant 2 : i32
      %add3A_197 = arith.addi %add3A_195, %add3A_196 : i32
      %mul3A_198 = arith.constant 128 : i32
      %mul3A_199 = arith.muli %add3A_197, %mul3A_198 : i32
      %multiple_of3A_200 = tpu.assume_multiple %mul3A_199, 8 : i32
      %dma_wait3A_201 = arith.constant 0 : i32
      %dma_wait3A_202 = arith.constant 0 : i32
      %dma_wait3A_203 = tpu.memref_slice %arg2[%dma_wait3A_201, %dma_wait3A_202] : memref<10000x128xf32, #tpu.memory_space<hbm>> -> memref<10000x128xf32, #tpu.memory_space<hbm>>
      tpu.wait_indirect_dma semaphore(%arg25 : memref<!tpu.dma_semaphore, #tpu.memory_space<semaphore_mem>>) src(%dma_wait3A_203 : memref<10000x128xf32, #tpu.memory_space<hbm>>) dst(%arg13 : memref<128x128xf32, #tpu.memory_space<vmem>>)
      %dma_start3A_204 = arith.constant 0 : i32
      %dma_start3A_205 = tpu.memref_slice %arg4[%multiple_of3A_200, %dma_start3A_204] : memref<320000x128xf32, #tpu.memory_space<hbm>> -> memref<128x128xf32, #tpu.memory_space<hbm>>
      %dma_start3A_206 = arith.constant 0 : i32
      %dma_start3A_207 = tpu.memref_slice %arg4[%multiple_of3A_200, %dma_start3A_206] : memref<320000x128xf32, #tpu.memory_space<hbm>> -> memref<128x128xf32, #tpu.memory_space<hbm>>
      tpu.enqueue_dma source(%arg13 : memref<128x128xf32, #tpu.memory_space<vmem>>) target(%dma_start3A_207 : memref<128x128xf32, #tpu.memory_space<hbm>>) target_semaphore(%arg31 : memref<!tpu.dma_semaphore, #tpu.memory_space<semaphore_mem>>)
      %mul3A_208 = arith.constant 6 : i32
      %mul3A_209 = arith.muli %scan3A_45, %mul3A_208 : i32
      %add3A_210 = arith.addi %mul3A_2, %mul3A_209 : i32
      %add3A_211 = arith.constant 3 : i32
      %add3A_212 = arith.addi %add3A_210, %add3A_211 : i32
      %mul3A_213 = arith.constant 128 : i32
      %mul3A_214 = arith.muli %add3A_212, %mul3A_213 : i32
      %multiple_of3A_215 = tpu.assume_multiple %mul3A_214, 8 : i32
      %dma_wait3A_216 = arith.constant 0 : i32
      %dma_wait3A_217 = arith.constant 0 : i32
      %dma_wait3A_218 = tpu.memref_slice %arg2[%dma_wait3A_216, %dma_wait3A_217] : memref<10000x128xf32, #tpu.memory_space<hbm>> -> memref<10000x128xf32, #tpu.memory_space<hbm>>
      tpu.wait_indirect_dma semaphore(%arg26 : memref<!tpu.dma_semaphore, #tpu.memory_space<semaphore_mem>>) src(%dma_wait3A_218 : memref<10000x128xf32, #tpu.memory_space<hbm>>) dst(%arg14 : memref<128x128xf32, #tpu.memory_space<vmem>>)
      %dma_start3A_219 = arith.constant 0 : i32
      %dma_start3A_220 = tpu.memref_slice %arg4[%multiple_of3A_215, %dma_start3A_219] : memref<320000x128xf32, #tpu.memory_space<hbm>> -> memref<128x128xf32, #tpu.memory_space<hbm>>
      %dma_start3A_221 = arith.constant 0 : i32
      %dma_start3A_222 = tpu.memref_slice %arg4[%multiple_of3A_215, %dma_start3A_221] : memref<320000x128xf32, #tpu.memory_space<hbm>> -> memref<128x128xf32, #tpu.memory_space<hbm>>
      tpu.enqueue_dma source(%arg14 : memref<128x128xf32, #tpu.memory_space<vmem>>) target(%dma_start3A_222 : memref<128x128xf32, #tpu.memory_space<hbm>>) target_semaphore(%arg32 : memref<!tpu.dma_semaphore, #tpu.memory_space<semaphore_mem>>)
      %mul3A_223 = arith.constant 6 : i32
      %mul3A_224 = arith.muli %scan3A_45, %mul3A_223 : i32
      %add3A_225 = arith.addi %mul3A_2, %mul3A_224 : i32
      %add3A_226 = arith.constant 4 : i32
      %add3A_227 = arith.addi %add3A_225, %add3A_226 : i32
      %mul3A_228 = arith.constant 128 : i32
      %mul3A_229 = arith.muli %add3A_227, %mul3A_228 : i32
      %multiple_of3A_230 = tpu.assume_multiple %mul3A_229, 8 : i32
      %dma_wait3A_231 = arith.constant 0 : i32
      %dma_wait3A_232 = arith.constant 0 : i32
      %dma_wait3A_233 = tpu.memref_slice %arg2[%dma_wait3A_231, %dma_wait3A_232] : memref<10000x128xf32, #tpu.memory_space<hbm>> -> memref<10000x128xf32, #tpu.memory_space<hbm>>
      tpu.wait_indirect_dma semaphore(%arg27 : memref<!tpu.dma_semaphore, #tpu.memory_space<semaphore_mem>>) src(%dma_wait3A_233 : memref<10000x128xf32, #tpu.memory_space<hbm>>) dst(%arg15 : memref<128x128xf32, #tpu.memory_space<vmem>>)
      %dma_start3A_234 = arith.constant 0 : i32
      %dma_start3A_235 = tpu.memref_slice %arg4[%multiple_of3A_230, %dma_start3A_234] : memref<320000x128xf32, #tpu.memory_space<hbm>> -> memref<128x128xf32, #tpu.memory_space<hbm>>
      %dma_start3A_236 = arith.constant 0 : i32
      %dma_start3A_237 = tpu.memref_slice %arg4[%multiple_of3A_230, %dma_start3A_236] : memref<320000x128xf32, #tpu.memory_space<hbm>> -> memref<128x128xf32, #tpu.memory_space<hbm>>
      tpu.enqueue_dma source(%arg15 : memref<128x128xf32, #tpu.memory_space<vmem>>) target(%dma_start3A_237 : memref<128x128xf32, #tpu.memory_space<hbm>>) target_semaphore(%arg33 : memref<!tpu.dma_semaphore, #tpu.memory_space<semaphore_mem>>)
      %mul3A_238 = arith.constant 6 : i32
      %mul3A_239 = arith.muli %scan3A_45, %mul3A_238 : i32
      %add3A_240 = arith.addi %mul3A_2, %mul3A_239 : i32
      %add3A_241 = arith.constant 5 : i32
      %add3A_242 = arith.addi %add3A_240, %add3A_241 : i32
      %mul3A_243 = arith.constant 128 : i32
      %mul3A_244 = arith.muli %add3A_242, %mul3A_243 : i32
      %multiple_of3A_245 = tpu.assume_multiple %mul3A_244, 8 : i32
      %dma_wait3A_246 = arith.constant 0 : i32
      %dma_wait3A_247 = arith.constant 0 : i32
      %dma_wait3A_248 = tpu.memref_slice %arg2[%dma_wait3A_246, %dma_wait3A_247] : memref<10000x128xf32, #tpu.memory_space<hbm>> -> memref<10000x128xf32, #tpu.memory_space<hbm>>
      tpu.wait_indirect_dma semaphore(%arg28 : memref<!tpu.dma_semaphore, #tpu.memory_space<semaphore_mem>>) src(%dma_wait3A_248 : memref<10000x128xf32, #tpu.memory_space<hbm>>) dst(%arg16 : memref<128x128xf32, #tpu.memory_space<vmem>>)
      %dma_start3A_249 = arith.constant 0 : i32
      %dma_start3A_250 = tpu.memref_slice %arg4[%multiple_of3A_245, %dma_start3A_249] : memref<320000x128xf32, #tpu.memory_space<hbm>> -> memref<128x128xf32, #tpu.memory_space<hbm>>
      %dma_start3A_251 = arith.constant 0 : i32
      %dma_start3A_252 = tpu.memref_slice %arg4[%multiple_of3A_245, %dma_start3A_251] : memref<320000x128xf32, #tpu.memory_space<hbm>> -> memref<128x128xf32, #tpu.memory_space<hbm>>
      tpu.enqueue_dma source(%arg16 : memref<128x128xf32, #tpu.memory_space<vmem>>) target(%dma_start3A_252 : memref<128x128xf32, #tpu.memory_space<hbm>>) target_semaphore(%arg34 : memref<!tpu.dma_semaphore, #tpu.memory_space<semaphore_mem>>)
    }
    %scan3A_7 = arith.constant 13 : i32
    %dma_wait3A = arith.constant 0 : i32
    %dma_wait3A_8 = arith.constant 0 : i32
    %dma_wait3A_9 = tpu.memref_slice %arg4[%dma_wait3A, %dma_wait3A_8] : memref<320000x128xf32, #tpu.memory_space<hbm>> -> memref<128x128xf32, #tpu.memory_space<hbm>>
    %dma_wait3A_10 = arith.constant 0 : i32
    %dma_wait3A_11 = arith.constant 0 : i32
    %dma_wait3A_12 = tpu.memref_slice %arg4[%dma_wait3A_10, %dma_wait3A_11] : memref<320000x128xf32, #tpu.memory_space<hbm>> -> memref<128x128xf32, #tpu.memory_space<hbm>>
    tpu.wait_dma2 semaphore(%arg29 : memref<!tpu.dma_semaphore, #tpu.memory_space<semaphore_mem>>) src(%arg11 : memref<128x128xf32, #tpu.memory_space<vmem>>) dst(%dma_wait3A_12 : memref<128x128xf32, #tpu.memory_space<hbm>>)
    %dma_wait3A_13 = arith.constant 0 : i32
    %dma_wait3A_14 = arith.constant 0 : i32
    %dma_wait3A_15 = tpu.memref_slice %arg4[%dma_wait3A_13, %dma_wait3A_14] : memref<320000x128xf32, #tpu.memory_space<hbm>> -> memref<128x128xf32, #tpu.memory_space<hbm>>
    %dma_wait3A_16 = arith.constant 0 : i32
    %dma_wait3A_17 = arith.constant 0 : i32
    %dma_wait3A_18 = tpu.memref_slice %arg4[%dma_wait3A_16, %dma_wait3A_17] : memref<320000x128xf32, #tpu.memory_space<hbm>> -> memref<128x128xf32, #tpu.memory_space<hbm>>
    tpu.wait_dma2 semaphore(%arg30 : memref<!tpu.dma_semaphore, #tpu.memory_space<semaphore_mem>>) src(%arg12 : memref<128x128xf32, #tpu.memory_space<vmem>>) dst(%dma_wait3A_18 : memref<128x128xf32, #tpu.memory_space<hbm>>)
    %dma_wait3A_19 = arith.constant 0 : i32
    %dma_wait3A_20 = arith.constant 0 : i32
    %dma_wait3A_21 = tpu.memref_slice %arg4[%dma_wait3A_19, %dma_wait3A_20] : memref<320000x128xf32, #tpu.memory_space<hbm>> -> memref<128x128xf32, #tpu.memory_space<hbm>>
    %dma_wait3A_22 = arith.constant 0 : i32
    %dma_wait3A_23 = arith.constant 0 : i32
    %dma_wait3A_24 = tpu.memref_slice %arg4[%dma_wait3A_22, %dma_wait3A_23] : memref<320000x128xf32, #tpu.memory_space<hbm>> -> memref<128x128xf32, #tpu.memory_space<hbm>>
    tpu.wait_dma2 semaphore(%arg31 : memref<!tpu.dma_semaphore, #tpu.memory_space<semaphore_mem>>) src(%arg13 : memref<128x128xf32, #tpu.memory_space<vmem>>) dst(%dma_wait3A_24 : memref<128x128xf32, #tpu.memory_space<hbm>>)
    %dma_wait3A_25 = arith.constant 0 : i32
    %dma_wait3A_26 = arith.constant 0 : i32
    %dma_wait3A_27 = tpu.memref_slice %arg4[%dma_wait3A_25, %dma_wait3A_26] : memref<320000x128xf32, #tpu.memory_space<hbm>> -> memref<128x128xf32, #tpu.memory_space<hbm>>
    %dma_wait3A_28 = arith.constant 0 : i32
    %dma_wait3A_29 = arith.constant 0 : i32
    %dma_wait3A_30 = tpu.memref_slice %arg4[%dma_wait3A_28, %dma_wait3A_29] : memref<320000x128xf32, #tpu.memory_space<hbm>> -> memref<128x128xf32, #tpu.memory_space<hbm>>
    tpu.wait_dma2 semaphore(%arg32 : memref<!tpu.dma_semaphore, #tpu.memory_space<semaphore_mem>>) src(%arg14 : memref<128x128xf32, #tpu.memory_space<vmem>>) dst(%dma_wait3A_30 : memref<128x128xf32, #tpu.memory_space<hbm>>)
    %dma_wait3A_31 = arith.constant 0 : i32
    %dma_wait3A_32 = arith.constant 0 : i32
    %dma_wait3A_33 = tpu.memref_slice %arg4[%dma_wait3A_31, %dma_wait3A_32] : memref<320000x128xf32, #tpu.memory_space<hbm>> -> memref<128x128xf32, #tpu.memory_space<hbm>>
    %dma_wait3A_34 = arith.constant 0 : i32
    %dma_wait3A_35 = arith.constant 0 : i32
    %dma_wait3A_36 = tpu.memref_slice %arg4[%dma_wait3A_34, %dma_wait3A_35] : memref<320000x128xf32, #tpu.memory_space<hbm>> -> memref<128x128xf32, #tpu.memory_space<hbm>>
    tpu.wait_dma2 semaphore(%arg33 : memref<!tpu.dma_semaphore, #tpu.memory_space<semaphore_mem>>) src(%arg15 : memref<128x128xf32, #tpu.memory_space<vmem>>) dst(%dma_wait3A_36 : memref<128x128xf32, #tpu.memory_space<hbm>>)
    %dma_wait3A_37 = arith.constant 0 : i32
    %dma_wait3A_38 = arith.constant 0 : i32
    %dma_wait3A_39 = tpu.memref_slice %arg4[%dma_wait3A_37, %dma_wait3A_38] : memref<320000x128xf32, #tpu.memory_space<hbm>> -> memref<128x128xf32, #tpu.memory_space<hbm>>
    %dma_wait3A_40 = arith.constant 0 : i32
    %dma_wait3A_41 = arith.constant 0 : i32
    %dma_wait3A_42 = tpu.memref_slice %arg4[%dma_wait3A_40, %dma_wait3A_41] : memref<320000x128xf32, #tpu.memory_space<hbm>> -> memref<128x128xf32, #tpu.memory_space<hbm>>
    tpu.wait_dma2 semaphore(%arg34 : memref<!tpu.dma_semaphore, #tpu.memory_space<semaphore_mem>>) src(%arg16 : memref<128x128xf32, #tpu.memory_space<vmem>>) dst(%dma_wait3A_42 : memref<128x128xf32, #tpu.memory_space<hbm>>)
    %lt3A = arith.constant 4 : i32
    %lt3A_43 = arith.cmpi slt, %add3A, %lt3A : i32
    %convert_element_type3A = arith.extui %lt3A_43 : i1 to i32
    %cond3A = arith.constant 0 : i32
    %cond3A_44 = arith.cmpi ne, %convert_element_type3A, %cond3A : i32
    scf.if %cond3A_44 {
      %add3A_45 = arith.constant 2496 : i32
      %add3A_46 = arith.addi %add3A_45, %add3A : i32
      %mul3A_47 = arith.constant 128 : i32
      %mul3A_48 = arith.muli %add3A_46, %mul3A_47 : i32
      %multiple_of3A = tpu.assume_multiple %mul3A_48, 8 : i32
      "tpu.region"() ({
        %run_scoped3A = tpu.sem_alloc : memref<!tpu.dma_semaphore, #tpu.memory_space<semaphore_mem>>
        %dma_start3A_54 = tpu.memref_slice %arg3[%multiple_of3A] : memref<320000xi32, #tpu.memory_space<hbm>> -> memref<128xi32, #tpu.memory_space<hbm>>
        %dma_start3A_55 = tpu.memref_slice %arg3[%multiple_of3A] : memref<320000xi32, #tpu.memory_space<hbm>> -> memref<128xi32, #tpu.memory_space<hbm>>
        tpu.enqueue_dma source(%dma_start3A_55 : memref<128xi32, #tpu.memory_space<hbm>>) target(%arg5 : memref<128xi32, #tpu.memory_space<vmem>>) target_semaphore(%run_scoped3A : memref<!tpu.dma_semaphore, #tpu.memory_space<semaphore_mem>>)
        %dma_wait3A_56 = tpu.memref_slice %arg3[%multiple_of3A] : memref<320000xi32, #tpu.memory_space<hbm>> -> memref<128xi32, #tpu.memory_space<hbm>>
        %dma_wait3A_57 = tpu.memref_slice %arg3[%multiple_of3A] : memref<320000xi32, #tpu.memory_space<hbm>> -> memref<128xi32, #tpu.memory_space<hbm>>
        tpu.wait_dma2 semaphore(%run_scoped3A : memref<!tpu.dma_semaphore, #tpu.memory_space<semaphore_mem>>) src(%dma_wait3A_57 : memref<128xi32, #tpu.memory_space<hbm>>) dst(%arg5 : memref<128xi32, #tpu.memory_space<vmem>>)
        tpu.yield
      }) : () -> ()
      %dma_start3A = arith.constant 0 : i32
      %dma_start3A_49 = arith.constant 0 : i32
      %dma_start3A_50 = tpu.memref_slice %arg2[%dma_start3A, %dma_start3A_49] : memref<10000x128xf32, #tpu.memory_space<hbm>> -> memref<10000x128xf32, #tpu.memory_space<hbm>>
      tpu.enqueue_indirect_dma source(%dma_start3A_50 : memref<10000x128xf32, #tpu.memory_space<hbm>>) target(%arg11 : memref<128x128xf32, #tpu.memory_space<vmem>>) offsets(%arg5 : memref<128xi32, #tpu.memory_space<vmem>>) semaphore(%arg23 : memref<!tpu.dma_semaphore, #tpu.memory_space<semaphore_mem>>)
      %dma_wait3A_51 = arith.constant 0 : i32
      %dma_wait3A_52 = arith.constant 0 : i32
      %dma_wait3A_53 = tpu.memref_slice %arg2[%dma_wait3A_51, %dma_wait3A_52] : memref<10000x128xf32, #tpu.memory_space<hbm>> -> memref<10000x128xf32, #tpu.memory_space<hbm>>
      tpu.wait_indirect_dma semaphore(%arg23 : memref<!tpu.dma_semaphore, #tpu.memory_space<semaphore_mem>>) src(%dma_wait3A_53 : memref<10000x128xf32, #tpu.memory_space<hbm>>) dst(%arg11 : memref<128x128xf32, #tpu.memory_space<vmem>>)
      "tpu.region"() ({
        %run_scoped3A = tpu.sem_alloc : memref<!tpu.dma_semaphore, #tpu.memory_space<semaphore_mem>>
        %dma_start3A_54 = arith.constant 0 : i32
        %dma_start3A_55 = tpu.memref_slice %arg4[%multiple_of3A, %dma_start3A_54] : memref<320000x128xf32, #tpu.memory_space<hbm>> -> memref<128x128xf32, #tpu.memory_space<hbm>>
        %dma_start3A_56 = arith.constant 0 : i32
        %dma_start3A_57 = tpu.memref_slice %arg4[%multiple_of3A, %dma_start3A_56] : memref<320000x128xf32, #tpu.memory_space<hbm>> -> memref<128x128xf32, #tpu.memory_space<hbm>>
        tpu.enqueue_dma source(%arg11 : memref<128x128xf32, #tpu.memory_space<vmem>>) target(%dma_start3A_57 : memref<128x128xf32, #tpu.memory_space<hbm>>) target_semaphore(%run_scoped3A : memref<!tpu.dma_semaphore, #tpu.memory_space<semaphore_mem>>)
        %dma_wait3A_58 = arith.constant 0 : i32
        %dma_wait3A_59 = tpu.memref_slice %arg4[%multiple_of3A, %dma_wait3A_58] : memref<320000x128xf32, #tpu.memory_space<hbm>> -> memref<128x128xf32, #tpu.memory_space<hbm>>
        %dma_wait3A_60 = arith.constant 0 : i32
        %dma_wait3A_61 = tpu.memref_slice %arg4[%multiple_of3A, %dma_wait3A_60] : memref<320000x128xf32, #tpu.memory_space<hbm>> -> memref<128x128xf32, #tpu.memory_space<hbm>>
        tpu.wait_dma2 semaphore(%run_scoped3A : memref<!tpu.dma_semaphore, #tpu.memory_space<semaphore_mem>>) src(%arg11 : memref<128x128xf32, #tpu.memory_space<vmem>>) dst(%dma_wait3A_61 : memref<128x128xf32, #tpu.memory_space<hbm>>)
        tpu.yield
      }) : () -> ()
    } else {
    }
    return
  }
}

#map = affine_map<(d0, d1) -> (0, 0)>
#map1 = affine_map<(d0, d1) -> (0)>
module attributes {stable_mosaic.version = 14 : i64} {
  func.func @k(%arg0: i32, %arg1: i32, %arg2: memref<320000x128xf32, #tpu.memory_space<hbm>>, %arg3: memref<320000xi32, #tpu.memory_space<hbm>>, %arg4: memref<10112x128xf32, #tpu.memory_space<hbm>>, %arg5: memref<20224x128xf32, #tpu.memory_space<hbm>>, %arg6: memref<128xi32, #tpu.memory_space<vmem>>, %arg7: memref<128xi32, #tpu.memory_space<vmem>>, %arg8: memref<128xi32, #tpu.memory_space<vmem>>, %arg9: memref<128x128xf32, #tpu.memory_space<vmem>>, %arg10: memref<128x128xf32, #tpu.memory_space<vmem>>, %arg11: memref<128x128xf32, #tpu.memory_space<vmem>>, %arg12: memref<10112x128xf32, #tpu.memory_space<vmem_shared>>, %arg13: memref<!tpu.dma_semaphore, #tpu.memory_space<semaphore_mem>>, %arg14: memref<!tpu.dma_semaphore, #tpu.memory_space<semaphore_mem>>, %arg15: memref<!tpu.dma_semaphore, #tpu.memory_space<semaphore_mem>>, %arg16: memref<!tpu.dma_semaphore, #tpu.memory_space<semaphore_mem>>, %arg17: memref<!tpu.dma_semaphore, #tpu.memory_space<semaphore_mem>>, %arg18: memref<!tpu.dma_semaphore, #tpu.memory_space<semaphore_mem>>, %arg19: memref<!tpu.dma_semaphore, #tpu.memory_space<semaphore_mem>>, %arg20: memref<!tpu.dma_semaphore, #tpu.memory_space<semaphore_mem>>, %arg21: memref<!tpu.dma_semaphore, #tpu.memory_space<semaphore_mem>>) attributes {dimension_semantics = [#tpu.dimension_semantics<core_parallel>, #tpu.dimension_semantics<subcore_parallel>], iteration_bounds = array<i64: 2, 16>, scalar_prefetch = 0 : i64, scratch_operands = 16 : i64, tpu.core_type = #tpu.core_type<sc_vector_subcore>, window_params = [{transform_indices = #map}, {transform_indices = #map1}, {transform_indices = #map}, {transform_indices = #map}]} {
    %mul3A = arith.constant 2 : i32
    %mul3A_0 = arith.muli %arg1, %mul3A : i32
    %add3A = arith.addi %mul3A_0, %arg0 : i32
    %mul3A_1 = arith.constant 78 : i32
    %mul3A_2 = arith.muli %add3A, %mul3A_1 : i32
    %mul3A_3 = arith.constant 632 : i32
    %mul3A_4 = arith.muli %arg1, %mul3A_3 : i32
    "tpu.region"() ({
      %run_scoped3A = tpu.sem_alloc : memref<!tpu.dma_semaphore, #tpu.memory_space<semaphore_mem>>
      %dma_start3A = arith.constant 0 : i32
      %dma_start3A_24 = tpu.memref_slice %arg12[%mul3A_4, %dma_start3A] : memref<10112x128xf32, #tpu.memory_space<vmem_shared>> -> memref<632x128xf32, #tpu.memory_space<vmem_shared>>
      %dma_start3A_25 = arith.constant 0 : i32
      %dma_start3A_26 = tpu.memref_slice %arg4[%mul3A_4, %dma_start3A_25] : memref<10112x128xf32, #tpu.memory_space<hbm>> -> memref<632x128xf32, #tpu.memory_space<hbm>>
      tpu.enqueue_dma source(%dma_start3A_26 : memref<632x128xf32, #tpu.memory_space<hbm>>) target(%dma_start3A_24 : memref<632x128xf32, #tpu.memory_space<vmem_shared>>) target_semaphore(%run_scoped3A : memref<!tpu.dma_semaphore, #tpu.memory_space<semaphore_mem>>)
      %dma_wait3A_27 = arith.constant 0 : i32
      %dma_wait3A_28 = tpu.memref_slice %arg12[%mul3A_4, %dma_wait3A_27] : memref<10112x128xf32, #tpu.memory_space<vmem_shared>> -> memref<632x128xf32, #tpu.memory_space<vmem_shared>>
      %dma_wait3A_29 = arith.constant 0 : i32
      %dma_wait3A_30 = tpu.memref_slice %arg4[%mul3A_4, %dma_wait3A_29] : memref<10112x128xf32, #tpu.memory_space<hbm>> -> memref<632x128xf32, #tpu.memory_space<hbm>>
      tpu.wait_dma2 semaphore(%run_scoped3A : memref<!tpu.dma_semaphore, #tpu.memory_space<semaphore_mem>>) src(%dma_wait3A_30 : memref<632x128xf32, #tpu.memory_space<hbm>>) dst(%dma_wait3A_28 : memref<632x128xf32, #tpu.memory_space<vmem_shared>>)
      tpu.yield
    }) : () -> ()
    %barrier3A = arith.constant 0 : index
    tpu.barrier barrier_id(%barrier3A)
    %scan3A = arith.constant 0 : i32
    %scan3A_5 = arith.constant 0 : i32
    %scan3A_6 = arith.constant 26 : i32
    %scan3A_7 = arith.addi %scan3A_5, %scan3A_6 : i32
    %scan3A_8 = arith.constant 1 : i32
    scf.for %scan3A_24 = %scan3A_5 to %scan3A_7 step %scan3A_8  : i32 {
      %mul3A_25 = arith.constant 3 : i32
      %mul3A_26 = arith.muli %scan3A_24, %mul3A_25 : i32
      %add3A_27 = arith.addi %mul3A_2, %mul3A_26 : i32
      %add3A_28 = arith.constant 0 : i32
      %add3A_29 = arith.addi %add3A_27, %add3A_28 : i32
      %mul3A_30 = arith.constant 128 : i32
      %mul3A_31 = arith.muli %add3A_29, %mul3A_30 : i32
      %multiple_of3A = tpu.assume_multiple %mul3A_31, 8 : i32
      %gt3A = arith.constant 0 : i32
      %gt3A_32 = arith.cmpi sgt, %scan3A_24, %gt3A : i32
      %convert_element_type3A_33 = arith.extui %gt3A_32 : i1 to i32
      %cond3A_34 = arith.constant 0 : i32
      %cond3A_35 = arith.cmpi ne, %convert_element_type3A_33, %cond3A_34 : i32
      scf.if %cond3A_35 {
        %dma_wait3A_106 = arith.constant 0 : i32
        %dma_wait3A_107 = arith.constant 0 : i32
        %dma_wait3A_108 = tpu.memref_slice %arg12[%dma_wait3A_106, %dma_wait3A_107] : memref<10112x128xf32, #tpu.memory_space<vmem_shared>> -> memref<10112x128xf32, #tpu.memory_space<vmem_shared>>
        tpu.wait_indirect_dma semaphore(%arg19 : memref<!tpu.dma_semaphore, #tpu.memory_space<semaphore_mem>>) src(%arg9 : memref<128x128xf32, #tpu.memory_space<vmem>>) dst(%dma_wait3A_108 : memref<10112x128xf32, #tpu.memory_space<vmem_shared>>)
      } else {
      }
      %dma_start3A = tpu.memref_slice %arg3[%multiple_of3A] : memref<320000xi32, #tpu.memory_space<hbm>> -> memref<128xi32, #tpu.memory_space<hbm>>
      %dma_start3A_36 = tpu.memref_slice %arg3[%multiple_of3A] : memref<320000xi32, #tpu.memory_space<hbm>> -> memref<128xi32, #tpu.memory_space<hbm>>
      tpu.enqueue_dma source(%dma_start3A_36 : memref<128xi32, #tpu.memory_space<hbm>>) target(%arg6 : memref<128xi32, #tpu.memory_space<vmem>>) target_semaphore(%arg13 : memref<!tpu.dma_semaphore, #tpu.memory_space<semaphore_mem>>)
      %dma_start3A_37 = arith.constant 0 : i32
      %dma_start3A_38 = tpu.memref_slice %arg2[%multiple_of3A, %dma_start3A_37] : memref<320000x128xf32, #tpu.memory_space<hbm>> -> memref<128x128xf32, #tpu.memory_space<hbm>>
      %dma_start3A_39 = arith.constant 0 : i32
      %dma_start3A_40 = tpu.memref_slice %arg2[%multiple_of3A, %dma_start3A_39] : memref<320000x128xf32, #tpu.memory_space<hbm>> -> memref<128x128xf32, #tpu.memory_space<hbm>>
      tpu.enqueue_dma source(%dma_start3A_40 : memref<128x128xf32, #tpu.memory_space<hbm>>) target(%arg9 : memref<128x128xf32, #tpu.memory_space<vmem>>) target_semaphore(%arg16 : memref<!tpu.dma_semaphore, #tpu.memory_space<semaphore_mem>>)
      %mul3A_41 = arith.constant 3 : i32
      %mul3A_42 = arith.muli %scan3A_24, %mul3A_41 : i32
      %add3A_43 = arith.addi %mul3A_2, %mul3A_42 : i32
      %add3A_44 = arith.constant 1 : i32
      %add3A_45 = arith.addi %add3A_43, %add3A_44 : i32
      %mul3A_46 = arith.constant 128 : i32
      %mul3A_47 = arith.muli %add3A_45, %mul3A_46 : i32
      %multiple_of3A_48 = tpu.assume_multiple %mul3A_47, 8 : i32
      %gt3A_49 = arith.constant 0 : i32
      %gt3A_50 = arith.cmpi sgt, %scan3A_24, %gt3A_49 : i32
      %convert_element_type3A_51 = arith.extui %gt3A_50 : i1 to i32
      %cond3A_52 = arith.constant 0 : i32
      %cond3A_53 = arith.cmpi ne, %convert_element_type3A_51, %cond3A_52 : i32
      scf.if %cond3A_53 {
        %dma_wait3A_106 = arith.constant 0 : i32
        %dma_wait3A_107 = arith.constant 0 : i32
        %dma_wait3A_108 = tpu.memref_slice %arg12[%dma_wait3A_106, %dma_wait3A_107] : memref<10112x128xf32, #tpu.memory_space<vmem_shared>> -> memref<10112x128xf32, #tpu.memory_space<vmem_shared>>
        tpu.wait_indirect_dma semaphore(%arg20 : memref<!tpu.dma_semaphore, #tpu.memory_space<semaphore_mem>>) src(%arg10 : memref<128x128xf32, #tpu.memory_space<vmem>>) dst(%dma_wait3A_108 : memref<10112x128xf32, #tpu.memory_space<vmem_shared>>)
      } else {
      }
      %dma_start3A_54 = tpu.memref_slice %arg3[%multiple_of3A_48] : memref<320000xi32, #tpu.memory_space<hbm>> -> memref<128xi32, #tpu.memory_space<hbm>>
      %dma_start3A_55 = tpu.memref_slice %arg3[%multiple_of3A_48] : memref<320000xi32, #tpu.memory_space<hbm>> -> memref<128xi32, #tpu.memory_space<hbm>>
      tpu.enqueue_dma source(%dma_start3A_55 : memref<128xi32, #tpu.memory_space<hbm>>) target(%arg7 : memref<128xi32, #tpu.memory_space<vmem>>) target_semaphore(%arg14 : memref<!tpu.dma_semaphore, #tpu.memory_space<semaphore_mem>>)
      %dma_start3A_56 = arith.constant 0 : i32
      %dma_start3A_57 = tpu.memref_slice %arg2[%multiple_of3A_48, %dma_start3A_56] : memref<320000x128xf32, #tpu.memory_space<hbm>> -> memref<128x128xf32, #tpu.memory_space<hbm>>
      %dma_start3A_58 = arith.constant 0 : i32
      %dma_start3A_59 = tpu.memref_slice %arg2[%multiple_of3A_48, %dma_start3A_58] : memref<320000x128xf32, #tpu.memory_space<hbm>> -> memref<128x128xf32, #tpu.memory_space<hbm>>
      tpu.enqueue_dma source(%dma_start3A_59 : memref<128x128xf32, #tpu.memory_space<hbm>>) target(%arg10 : memref<128x128xf32, #tpu.memory_space<vmem>>) target_semaphore(%arg17 : memref<!tpu.dma_semaphore, #tpu.memory_space<semaphore_mem>>)
      %mul3A_60 = arith.constant 3 : i32
      %mul3A_61 = arith.muli %scan3A_24, %mul3A_60 : i32
      %add3A_62 = arith.addi %mul3A_2, %mul3A_61 : i32
      %add3A_63 = arith.constant 2 : i32
      %add3A_64 = arith.addi %add3A_62, %add3A_63 : i32
      %mul3A_65 = arith.constant 128 : i32
      %mul3A_66 = arith.muli %add3A_64, %mul3A_65 : i32
      %multiple_of3A_67 = tpu.assume_multiple %mul3A_66, 8 : i32
      %gt3A_68 = arith.constant 0 : i32
      %gt3A_69 = arith.cmpi sgt, %scan3A_24, %gt3A_68 : i32
      %convert_element_type3A_70 = arith.extui %gt3A_69 : i1 to i32
      %cond3A_71 = arith.constant 0 : i32
      %cond3A_72 = arith.cmpi ne, %convert_element_type3A_70, %cond3A_71 : i32
      scf.if %cond3A_72 {
        %dma_wait3A_106 = arith.constant 0 : i32
        %dma_wait3A_107 = arith.constant 0 : i32
        %dma_wait3A_108 = tpu.memref_slice %arg12[%dma_wait3A_106, %dma_wait3A_107] : memref<10112x128xf32, #tpu.memory_space<vmem_shared>> -> memref<10112x128xf32, #tpu.memory_space<vmem_shared>>
        tpu.wait_indirect_dma semaphore(%arg21 : memref<!tpu.dma_semaphore, #tpu.memory_space<semaphore_mem>>) src(%arg11 : memref<128x128xf32, #tpu.memory_space<vmem>>) dst(%dma_wait3A_108 : memref<10112x128xf32, #tpu.memory_space<vmem_shared>>)
      } else {
      }
      %dma_start3A_73 = tpu.memref_slice %arg3[%multiple_of3A_67] : memref<320000xi32, #tpu.memory_space<hbm>> -> memref<128xi32, #tpu.memory_space<hbm>>
      %dma_start3A_74 = tpu.memref_slice %arg3[%multiple_of3A_67] : memref<320000xi32, #tpu.memory_space<hbm>> -> memref<128xi32, #tpu.memory_space<hbm>>
      tpu.enqueue_dma source(%dma_start3A_74 : memref<128xi32, #tpu.memory_space<hbm>>) target(%arg8 : memref<128xi32, #tpu.memory_space<vmem>>) target_semaphore(%arg15 : memref<!tpu.dma_semaphore, #tpu.memory_space<semaphore_mem>>)
      %dma_start3A_75 = arith.constant 0 : i32
      %dma_start3A_76 = tpu.memref_slice %arg2[%multiple_of3A_67, %dma_start3A_75] : memref<320000x128xf32, #tpu.memory_space<hbm>> -> memref<128x128xf32, #tpu.memory_space<hbm>>
      %dma_start3A_77 = arith.constant 0 : i32
      %dma_start3A_78 = tpu.memref_slice %arg2[%multiple_of3A_67, %dma_start3A_77] : memref<320000x128xf32, #tpu.memory_space<hbm>> -> memref<128x128xf32, #tpu.memory_space<hbm>>
      tpu.enqueue_dma source(%dma_start3A_78 : memref<128x128xf32, #tpu.memory_space<hbm>>) target(%arg11 : memref<128x128xf32, #tpu.memory_space<vmem>>) target_semaphore(%arg18 : memref<!tpu.dma_semaphore, #tpu.memory_space<semaphore_mem>>)
      %dma_wait3A_79 = tpu.memref_slice %arg3[%multiple_of3A] : memref<320000xi32, #tpu.memory_space<hbm>> -> memref<128xi32, #tpu.memory_space<hbm>>
      %dma_wait3A_80 = tpu.memref_slice %arg3[%multiple_of3A] : memref<320000xi32, #tpu.memory_space<hbm>> -> memref<128xi32, #tpu.memory_space<hbm>>
      tpu.wait_dma2 semaphore(%arg13 : memref<!tpu.dma_semaphore, #tpu.memory_space<semaphore_mem>>) src(%dma_wait3A_80 : memref<128xi32, #tpu.memory_space<hbm>>) dst(%arg6 : memref<128xi32, #tpu.memory_space<vmem>>)
      %dma_wait3A_81 = arith.constant 0 : i32
      %dma_wait3A_82 = tpu.memref_slice %arg2[%multiple_of3A, %dma_wait3A_81] : memref<320000x128xf32, #tpu.memory_space<hbm>> -> memref<128x128xf32, #tpu.memory_space<hbm>>
      %dma_wait3A_83 = arith.constant 0 : i32
      %dma_wait3A_84 = tpu.memref_slice %arg2[%multiple_of3A, %dma_wait3A_83] : memref<320000x128xf32, #tpu.memory_space<hbm>> -> memref<128x128xf32, #tpu.memory_space<hbm>>
      tpu.wait_dma2 semaphore(%arg16 : memref<!tpu.dma_semaphore, #tpu.memory_space<semaphore_mem>>) src(%dma_wait3A_84 : memref<128x128xf32, #tpu.memory_space<hbm>>) dst(%arg9 : memref<128x128xf32, #tpu.memory_space<vmem>>)
      %dma_start3A_85 = arith.constant 0 : i32
      %dma_start3A_86 = arith.constant 0 : i32
      %dma_start3A_87 = tpu.memref_slice %arg12[%dma_start3A_85, %dma_start3A_86] : memref<10112x128xf32, #tpu.memory_space<vmem_shared>> -> memref<10112x128xf32, #tpu.memory_space<vmem_shared>>
      tpu.enqueue_indirect_dma source(%arg9 : memref<128x128xf32, #tpu.memory_space<vmem>>) target(%dma_start3A_87 : memref<10112x128xf32, #tpu.memory_space<vmem_shared>>) offsets(%arg6 : memref<128xi32, #tpu.memory_space<vmem>>) semaphore(%arg19 : memref<!tpu.dma_semaphore, #tpu.memory_space<semaphore_mem>>) {add = true}
      %dma_wait3A_88 = tpu.memref_slice %arg3[%multiple_of3A_48] : memref<320000xi32, #tpu.memory_space<hbm>> -> memref<128xi32, #tpu.memory_space<hbm>>
      %dma_wait3A_89 = tpu.memref_slice %arg3[%multiple_of3A_48] : memref<320000xi32, #tpu.memory_space<hbm>> -> memref<128xi32, #tpu.memory_space<hbm>>
      tpu.wait_dma2 semaphore(%arg14 : memref<!tpu.dma_semaphore, #tpu.memory_space<semaphore_mem>>) src(%dma_wait3A_89 : memref<128xi32, #tpu.memory_space<hbm>>) dst(%arg7 : memref<128xi32, #tpu.memory_space<vmem>>)
      %dma_wait3A_90 = arith.constant 0 : i32
      %dma_wait3A_91 = tpu.memref_slice %arg2[%multiple_of3A_48, %dma_wait3A_90] : memref<320000x128xf32, #tpu.memory_space<hbm>> -> memref<128x128xf32, #tpu.memory_space<hbm>>
      %dma_wait3A_92 = arith.constant 0 : i32
      %dma_wait3A_93 = tpu.memref_slice %arg2[%multiple_of3A_48, %dma_wait3A_92] : memref<320000x128xf32, #tpu.memory_space<hbm>> -> memref<128x128xf32, #tpu.memory_space<hbm>>
      tpu.wait_dma2 semaphore(%arg17 : memref<!tpu.dma_semaphore, #tpu.memory_space<semaphore_mem>>) src(%dma_wait3A_93 : memref<128x128xf32, #tpu.memory_space<hbm>>) dst(%arg10 : memref<128x128xf32, #tpu.memory_space<vmem>>)
      %dma_start3A_94 = arith.constant 0 : i32
      %dma_start3A_95 = arith.constant 0 : i32
      %dma_start3A_96 = tpu.memref_slice %arg12[%dma_start3A_94, %dma_start3A_95] : memref<10112x128xf32, #tpu.memory_space<vmem_shared>> -> memref<10112x128xf32, #tpu.memory_space<vmem_shared>>
      tpu.enqueue_indirect_dma source(%arg10 : memref<128x128xf32, #tpu.memory_space<vmem>>) target(%dma_start3A_96 : memref<10112x128xf32, #tpu.memory_space<vmem_shared>>) offsets(%arg7 : memref<128xi32, #tpu.memory_space<vmem>>) semaphore(%arg20 : memref<!tpu.dma_semaphore, #tpu.memory_space<semaphore_mem>>) {add = true}
      %dma_wait3A_97 = tpu.memref_slice %arg3[%multiple_of3A_67] : memref<320000xi32, #tpu.memory_space<hbm>> -> memref<128xi32, #tpu.memory_space<hbm>>
      %dma_wait3A_98 = tpu.memref_slice %arg3[%multiple_of3A_67] : memref<320000xi32, #tpu.memory_space<hbm>> -> memref<128xi32, #tpu.memory_space<hbm>>
      tpu.wait_dma2 semaphore(%arg15 : memref<!tpu.dma_semaphore, #tpu.memory_space<semaphore_mem>>) src(%dma_wait3A_98 : memref<128xi32, #tpu.memory_space<hbm>>) dst(%arg8 : memref<128xi32, #tpu.memory_space<vmem>>)
      %dma_wait3A_99 = arith.constant 0 : i32
      %dma_wait3A_100 = tpu.memref_slice %arg2[%multiple_of3A_67, %dma_wait3A_99] : memref<320000x128xf32, #tpu.memory_space<hbm>> -> memref<128x128xf32, #tpu.memory_space<hbm>>
      %dma_wait3A_101 = arith.constant 0 : i32
      %dma_wait3A_102 = tpu.memref_slice %arg2[%multiple_of3A_67, %dma_wait3A_101] : memref<320000x128xf32, #tpu.memory_space<hbm>> -> memref<128x128xf32, #tpu.memory_space<hbm>>
      tpu.wait_dma2 semaphore(%arg18 : memref<!tpu.dma_semaphore, #tpu.memory_space<semaphore_mem>>) src(%dma_wait3A_102 : memref<128x128xf32, #tpu.memory_space<hbm>>) dst(%arg11 : memref<128x128xf32, #tpu.memory_space<vmem>>)
      %dma_start3A_103 = arith.constant 0 : i32
      %dma_start3A_104 = arith.constant 0 : i32
      %dma_start3A_105 = tpu.memref_slice %arg12[%dma_start3A_103, %dma_start3A_104] : memref<10112x128xf32, #tpu.memory_space<vmem_shared>> -> memref<10112x128xf32, #tpu.memory_space<vmem_shared>>
      tpu.enqueue_indirect_dma source(%arg11 : memref<128x128xf32, #tpu.memory_space<vmem>>) target(%dma_start3A_105 : memref<10112x128xf32, #tpu.memory_space<vmem_shared>>) offsets(%arg8 : memref<128xi32, #tpu.memory_space<vmem>>) semaphore(%arg21 : memref<!tpu.dma_semaphore, #tpu.memory_space<semaphore_mem>>) {add = true}
    }
    %scan3A_9 = arith.constant 26 : i32
    %dma_wait3A = arith.constant 0 : i32
    %dma_wait3A_10 = arith.constant 0 : i32
    %dma_wait3A_11 = tpu.memref_slice %arg12[%dma_wait3A, %dma_wait3A_10] : memref<10112x128xf32, #tpu.memory_space<vmem_shared>> -> memref<10112x128xf32, #tpu.memory_space<vmem_shared>>
    tpu.wait_indirect_dma semaphore(%arg19 : memref<!tpu.dma_semaphore, #tpu.memory_space<semaphore_mem>>) src(%arg9 : memref<128x128xf32, #tpu.memory_space<vmem>>) dst(%dma_wait3A_11 : memref<10112x128xf32, #tpu.memory_space<vmem_shared>>)
    %dma_wait3A_12 = arith.constant 0 : i32
    %dma_wait3A_13 = arith.constant 0 : i32
    %dma_wait3A_14 = tpu.memref_slice %arg12[%dma_wait3A_12, %dma_wait3A_13] : memref<10112x128xf32, #tpu.memory_space<vmem_shared>> -> memref<10112x128xf32, #tpu.memory_space<vmem_shared>>
    tpu.wait_indirect_dma semaphore(%arg20 : memref<!tpu.dma_semaphore, #tpu.memory_space<semaphore_mem>>) src(%arg10 : memref<128x128xf32, #tpu.memory_space<vmem>>) dst(%dma_wait3A_14 : memref<10112x128xf32, #tpu.memory_space<vmem_shared>>)
    %dma_wait3A_15 = arith.constant 0 : i32
    %dma_wait3A_16 = arith.constant 0 : i32
    %dma_wait3A_17 = tpu.memref_slice %arg12[%dma_wait3A_15, %dma_wait3A_16] : memref<10112x128xf32, #tpu.memory_space<vmem_shared>> -> memref<10112x128xf32, #tpu.memory_space<vmem_shared>>
    tpu.wait_indirect_dma semaphore(%arg21 : memref<!tpu.dma_semaphore, #tpu.memory_space<semaphore_mem>>) src(%arg11 : memref<128x128xf32, #tpu.memory_space<vmem>>) dst(%dma_wait3A_17 : memref<10112x128xf32, #tpu.memory_space<vmem_shared>>)
    %lt3A = arith.constant 4 : i32
    %lt3A_18 = arith.cmpi slt, %add3A, %lt3A : i32
    %convert_element_type3A = arith.extui %lt3A_18 : i1 to i32
    %cond3A = arith.constant 0 : i32
    %cond3A_19 = arith.cmpi ne, %convert_element_type3A, %cond3A : i32
    scf.if %cond3A_19 {
      %add3A_24 = arith.constant 2496 : i32
      %add3A_25 = arith.addi %add3A_24, %add3A : i32
      %mul3A_26 = arith.constant 128 : i32
      %mul3A_27 = arith.muli %add3A_25, %mul3A_26 : i32
      %multiple_of3A = tpu.assume_multiple %mul3A_27, 8 : i32
      "tpu.region"() ({
        %run_scoped3A = tpu.sem_alloc : memref<!tpu.dma_semaphore, #tpu.memory_space<semaphore_mem>>
        %dma_start3A = tpu.memref_slice %arg3[%multiple_of3A] : memref<320000xi32, #tpu.memory_space<hbm>> -> memref<128xi32, #tpu.memory_space<hbm>>
        %dma_start3A_28 = tpu.memref_slice %arg3[%multiple_of3A] : memref<320000xi32, #tpu.memory_space<hbm>> -> memref<128xi32, #tpu.memory_space<hbm>>
        tpu.enqueue_dma source(%dma_start3A_28 : memref<128xi32, #tpu.memory_space<hbm>>) target(%arg6 : memref<128xi32, #tpu.memory_space<vmem>>) target_semaphore(%run_scoped3A : memref<!tpu.dma_semaphore, #tpu.memory_space<semaphore_mem>>)
        %dma_wait3A_29 = tpu.memref_slice %arg3[%multiple_of3A] : memref<320000xi32, #tpu.memory_space<hbm>> -> memref<128xi32, #tpu.memory_space<hbm>>
        %dma_wait3A_30 = tpu.memref_slice %arg3[%multiple_of3A] : memref<320000xi32, #tpu.memory_space<hbm>> -> memref<128xi32, #tpu.memory_space<hbm>>
        tpu.wait_dma2 semaphore(%run_scoped3A : memref<!tpu.dma_semaphore, #tpu.memory_space<semaphore_mem>>) src(%dma_wait3A_30 : memref<128xi32, #tpu.memory_space<hbm>>) dst(%arg6 : memref<128xi32, #tpu.memory_space<vmem>>)
        tpu.yield
      }) : () -> ()
      "tpu.region"() ({
        %run_scoped3A = tpu.sem_alloc : memref<!tpu.dma_semaphore, #tpu.memory_space<semaphore_mem>>
        %dma_start3A = arith.constant 0 : i32
        %dma_start3A_28 = tpu.memref_slice %arg2[%multiple_of3A, %dma_start3A] : memref<320000x128xf32, #tpu.memory_space<hbm>> -> memref<128x128xf32, #tpu.memory_space<hbm>>
        %dma_start3A_29 = arith.constant 0 : i32
        %dma_start3A_30 = tpu.memref_slice %arg2[%multiple_of3A, %dma_start3A_29] : memref<320000x128xf32, #tpu.memory_space<hbm>> -> memref<128x128xf32, #tpu.memory_space<hbm>>
        tpu.enqueue_dma source(%dma_start3A_30 : memref<128x128xf32, #tpu.memory_space<hbm>>) target(%arg9 : memref<128x128xf32, #tpu.memory_space<vmem>>) target_semaphore(%run_scoped3A : memref<!tpu.dma_semaphore, #tpu.memory_space<semaphore_mem>>)
        %dma_wait3A_31 = arith.constant 0 : i32
        %dma_wait3A_32 = tpu.memref_slice %arg2[%multiple_of3A, %dma_wait3A_31] : memref<320000x128xf32, #tpu.memory_space<hbm>> -> memref<128x128xf32, #tpu.memory_space<hbm>>
        %dma_wait3A_33 = arith.constant 0 : i32
        %dma_wait3A_34 = tpu.memref_slice %arg2[%multiple_of3A, %dma_wait3A_33] : memref<320000x128xf32, #tpu.memory_space<hbm>> -> memref<128x128xf32, #tpu.memory_space<hbm>>
        tpu.wait_dma2 semaphore(%run_scoped3A : memref<!tpu.dma_semaphore, #tpu.memory_space<semaphore_mem>>) src(%dma_wait3A_34 : memref<128x128xf32, #tpu.memory_space<hbm>>) dst(%arg9 : memref<128x128xf32, #tpu.memory_space<vmem>>)
        tpu.yield
      }) : () -> ()
      "tpu.region"() ({
        %run_scoped3A = tpu.sem_alloc : memref<!tpu.dma_semaphore, #tpu.memory_space<semaphore_mem>>
        %dma_start3A = arith.constant 0 : i32
        %dma_start3A_28 = arith.constant 0 : i32
        %dma_start3A_29 = tpu.memref_slice %arg12[%dma_start3A, %dma_start3A_28] : memref<10112x128xf32, #tpu.memory_space<vmem_shared>> -> memref<10112x128xf32, #tpu.memory_space<vmem_shared>>
        tpu.enqueue_indirect_dma source(%arg9 : memref<128x128xf32, #tpu.memory_space<vmem>>) target(%dma_start3A_29 : memref<10112x128xf32, #tpu.memory_space<vmem_shared>>) offsets(%arg6 : memref<128xi32, #tpu.memory_space<vmem>>) semaphore(%run_scoped3A : memref<!tpu.dma_semaphore, #tpu.memory_space<semaphore_mem>>) {add = true}
        %dma_wait3A_30 = arith.constant 0 : i32
        %dma_wait3A_31 = arith.constant 0 : i32
        %dma_wait3A_32 = tpu.memref_slice %arg12[%dma_wait3A_30, %dma_wait3A_31] : memref<10112x128xf32, #tpu.memory_space<vmem_shared>> -> memref<10112x128xf32, #tpu.memory_space<vmem_shared>>
        tpu.wait_indirect_dma semaphore(%run_scoped3A : memref<!tpu.dma_semaphore, #tpu.memory_space<semaphore_mem>>) src(%arg9 : memref<128x128xf32, #tpu.memory_space<vmem>>) dst(%dma_wait3A_32 : memref<10112x128xf32, #tpu.memory_space<vmem_shared>>)
        tpu.yield
      }) : () -> ()
    } else {
    }
    %barrier3A_20 = arith.constant 0 : index
    tpu.barrier barrier_id(%barrier3A_20)
    %mul3A_21 = arith.constant 10112 : i32
    %mul3A_22 = arith.muli %arg0, %mul3A_21 : i32
    %add3A_23 = arith.addi %mul3A_22, %mul3A_4 : i32
    "tpu.region"() ({
      %run_scoped3A = tpu.sem_alloc : memref<!tpu.dma_semaphore, #tpu.memory_space<semaphore_mem>>
      %dma_start3A = arith.constant 0 : i32
      %dma_start3A_24 = tpu.memref_slice %arg5[%add3A_23, %dma_start3A] : memref<20224x128xf32, #tpu.memory_space<hbm>> -> memref<632x128xf32, #tpu.memory_space<hbm>>
      %dma_start3A_25 = arith.constant 0 : i32
      %dma_start3A_26 = tpu.memref_slice %arg12[%mul3A_4, %dma_start3A_25] : memref<10112x128xf32, #tpu.memory_space<vmem_shared>> -> memref<632x128xf32, #tpu.memory_space<vmem_shared>>
      tpu.enqueue_dma source(%dma_start3A_26 : memref<632x128xf32, #tpu.memory_space<vmem_shared>>) target(%dma_start3A_24 : memref<632x128xf32, #tpu.memory_space<hbm>>) target_semaphore(%run_scoped3A : memref<!tpu.dma_semaphore, #tpu.memory_space<semaphore_mem>>)
      %dma_wait3A_27 = arith.constant 0 : i32
      %dma_wait3A_28 = tpu.memref_slice %arg5[%add3A_23, %dma_wait3A_27] : memref<20224x128xf32, #tpu.memory_space<hbm>> -> memref<632x128xf32, #tpu.memory_space<hbm>>
      %dma_wait3A_29 = arith.constant 0 : i32
      %dma_wait3A_30 = tpu.memref_slice %arg12[%mul3A_4, %dma_wait3A_29] : memref<10112x128xf32, #tpu.memory_space<vmem_shared>> -> memref<632x128xf32, #tpu.memory_space<vmem_shared>>
      tpu.wait_dma2 semaphore(%run_scoped3A : memref<!tpu.dma_semaphore, #tpu.memory_space<semaphore_mem>>) src(%dma_wait3A_30 : memref<632x128xf32, #tpu.memory_space<vmem_shared>>) dst(%dma_wait3A_28 : memref<632x128xf32, #tpu.memory_space<hbm>>)
      tpu.yield
    }) : () -> ()
    return
  }
}

#map = affine_map<(d0, d1) -> (0, 0)>
#map1 = affine_map<(d0, d1) -> (0)>
module attributes {stable_mosaic.version = 14 : i64} {
  func.func @k(%arg0: i32, %arg1: i32, %arg2: memref<10000x128xf32, #tpu.memory_space<hbm>>, %arg3: memref<320000xi32, #tpu.memory_space<hbm>>, %arg4: memref<320000x128xf32, #tpu.memory_space<hbm>>, %arg5: memref<128xi32, #tpu.memory_space<vmem>>, %arg6: memref<128xi32, #tpu.memory_space<vmem>>, %arg7: memref<128xi32, #tpu.memory_space<vmem>>, %arg8: memref<128xi32, #tpu.memory_space<vmem>>, %arg9: memref<128xi32, #tpu.memory_space<vmem>>, %arg10: memref<128xi32, #tpu.memory_space<vmem>>, %arg11: memref<128x128xf32, #tpu.memory_space<vmem>>, %arg12: memref<128x128xf32, #tpu.memory_space<vmem>>, %arg13: memref<128x128xf32, #tpu.memory_space<vmem>>, %arg14: memref<128x128xf32, #tpu.memory_space<vmem>>, %arg15: memref<128x128xf32, #tpu.memory_space<vmem>>, %arg16: memref<128x128xf32, #tpu.memory_space<vmem>>, %arg17: memref<!tpu.dma_semaphore, #tpu.memory_space<semaphore_mem>>, %arg18: memref<!tpu.dma_semaphore, #tpu.memory_space<semaphore_mem>>, %arg19: memref<!tpu.dma_semaphore, #tpu.memory_space<semaphore_mem>>, %arg20: memref<!tpu.dma_semaphore, #tpu.memory_space<semaphore_mem>>, %arg21: memref<!tpu.dma_semaphore, #tpu.memory_space<semaphore_mem>>, %arg22: memref<!tpu.dma_semaphore, #tpu.memory_space<semaphore_mem>>, %arg23: memref<!tpu.dma_semaphore, #tpu.memory_space<semaphore_mem>>, %arg24: memref<!tpu.dma_semaphore, #tpu.memory_space<semaphore_mem>>, %arg25: memref<!tpu.dma_semaphore, #tpu.memory_space<semaphore_mem>>, %arg26: memref<!tpu.dma_semaphore, #tpu.memory_space<semaphore_mem>>, %arg27: memref<!tpu.dma_semaphore, #tpu.memory_space<semaphore_mem>>, %arg28: memref<!tpu.dma_semaphore, #tpu.memory_space<semaphore_mem>>, %arg29: memref<!tpu.dma_semaphore, #tpu.memory_space<semaphore_mem>>, %arg30: memref<!tpu.dma_semaphore, #tpu.memory_space<semaphore_mem>>, %arg31: memref<!tpu.dma_semaphore, #tpu.memory_space<semaphore_mem>>, %arg32: memref<!tpu.dma_semaphore, #tpu.memory_space<semaphore_mem>>, %arg33: memref<!tpu.dma_semaphore, #tpu.memory_space<semaphore_mem>>, %arg34: memref<!tpu.dma_semaphore, #tpu.memory_space<semaphore_mem>>) attributes {dimension_semantics = [#tpu.dimension_semantics<core_parallel>, #tpu.dimension_semantics<subcore_parallel>], iteration_bounds = array<i64: 2, 16>, scalar_prefetch = 0 : i64, scratch_operands = 30 : i64, tpu.core_type = #tpu.core_type<sc_vector_subcore>, window_params = [{transform_indices = #map}, {transform_indices = #map1}, {transform_indices = #map}]} {
    %mul3A = arith.constant 2 : i32
    %mul3A_0 = arith.muli %arg1, %mul3A : i32
    %add3A = arith.addi %mul3A_0, %arg0 : i32
    %mul3A_1 = arith.constant 78 : i32
    %mul3A_2 = arith.muli %add3A, %mul3A_1 : i32
    %scan3A = arith.constant 0 : i32
    %scan3A_3 = arith.constant 0 : i32
    %scan3A_4 = arith.constant 13 : i32
    %scan3A_5 = arith.addi %scan3A_3, %scan3A_4 : i32
    %scan3A_6 = arith.constant 1 : i32
    scf.for %scan3A_45 = %scan3A_3 to %scan3A_5 step %scan3A_6  : i32 {
      %mul3A_46 = arith.constant 6 : i32
      %mul3A_47 = arith.muli %scan3A_45, %mul3A_46 : i32
      %add3A_48 = arith.addi %mul3A_2, %mul3A_47 : i32
      %add3A_49 = arith.constant 0 : i32
      %add3A_50 = arith.addi %add3A_48, %add3A_49 : i32
      %mul3A_51 = arith.constant 128 : i32
      %mul3A_52 = arith.muli %add3A_50, %mul3A_51 : i32
      %multiple_of3A = tpu.assume_multiple %mul3A_52, 8 : i32
      %gt3A = arith.constant 0 : i32
      %gt3A_53 = arith.cmpi sgt, %scan3A_45, %gt3A : i32
      %convert_element_type3A_54 = arith.extui %gt3A_53 : i1 to i32
      %cond3A_55 = arith.constant 0 : i32
      %cond3A_56 = arith.cmpi ne, %convert_element_type3A_54, %cond3A_55 : i32
      scf.if %cond3A_56 {
        %dma_wait3A_253 = arith.constant 0 : i32
        %dma_wait3A_254 = arith.constant 0 : i32
        %dma_wait3A_255 = tpu.memref_slice %arg4[%dma_wait3A_253, %dma_wait3A_254] : memref<320000x128xf32, #tpu.memory_space<hbm>> -> memref<128x128xf32, #tpu.memory_space<hbm>>
        %dma_wait3A_256 = arith.constant 0 : i32
        %dma_wait3A_257 = arith.constant 0 : i32
        %dma_wait3A_258 = tpu.memref_slice %arg4[%dma_wait3A_256, %dma_wait3A_257] : memref<320000x128xf32, #tpu.memory_space<hbm>> -> memref<128x128xf32, #tpu.memory_space<hbm>>
        tpu.wait_dma2 semaphore(%arg29 : memref<!tpu.dma_semaphore, #tpu.memory_space<semaphore_mem>>) src(%arg11 : memref<128x128xf32, #tpu.memory_space<vmem>>) dst(%dma_wait3A_258 : memref<128x128xf32, #tpu.memory_space<hbm>>)
      } else {
      }
      %dma_start3A = tpu.memref_slice %arg3[%multiple_of3A] : memref<320000xi32, #tpu.memory_space<hbm>> -> memref<128xi32, #tpu.memory_space<hbm>>
      %dma_start3A_57 = tpu.memref_slice %arg3[%multiple_of3A] : memref<320000xi32, #tpu.memory_space<hbm>> -> memref<128xi32, #tpu.memory_space<hbm>>
      tpu.enqueue_dma source(%dma_start3A_57 : memref<128xi32, #tpu.memory_space<hbm>>) target(%arg5 : memref<128xi32, #tpu.memory_space<vmem>>) target_semaphore(%arg17 : memref<!tpu.dma_semaphore, #tpu.memory_space<semaphore_mem>>)
      %mul3A_58 = arith.constant 6 : i32
      %mul3A_59 = arith.muli %scan3A_45, %mul3A_58 : i32
      %add3A_60 = arith.addi %mul3A_2, %mul3A_59 : i32
      %add3A_61 = arith.constant 1 : i32
      %add3A_62 = arith.addi %add3A_60, %add3A_61 : i32
      %mul3A_63 = arith.constant 128 : i32
      %mul3A_64 = arith.muli %add3A_62, %mul3A_63 : i32
      %multiple_of3A_65 = tpu.assume_multiple %mul3A_64, 8 : i32
      %gt3A_66 = arith.constant 0 : i32
      %gt3A_67 = arith.cmpi sgt, %scan3A_45, %gt3A_66 : i32
      %convert_element_type3A_68 = arith.extui %gt3A_67 : i1 to i32
      %cond3A_69 = arith.constant 0 : i32
      %cond3A_70 = arith.cmpi ne, %convert_element_type3A_68, %cond3A_69 : i32
      scf.if %cond3A_70 {
        %dma_wait3A_253 = arith.constant 0 : i32
        %dma_wait3A_254 = arith.constant 0 : i32
        %dma_wait3A_255 = tpu.memref_slice %arg4[%dma_wait3A_253, %dma_wait3A_254] : memref<320000x128xf32, #tpu.memory_space<hbm>> -> memref<128x128xf32, #tpu.memory_space<hbm>>
        %dma_wait3A_256 = arith.constant 0 : i32
        %dma_wait3A_257 = arith.constant 0 : i32
        %dma_wait3A_258 = tpu.memref_slice %arg4[%dma_wait3A_256, %dma_wait3A_257] : memref<320000x128xf32, #tpu.memory_space<hbm>> -> memref<128x128xf32, #tpu.memory_space<hbm>>
        tpu.wait_dma2 semaphore(%arg30 : memref<!tpu.dma_semaphore, #tpu.memory_space<semaphore_mem>>) src(%arg12 : memref<128x128xf32, #tpu.memory_space<vmem>>) dst(%dma_wait3A_258 : memref<128x128xf32, #tpu.memory_space<hbm>>)
      } else {
      }
      %dma_start3A_71 = tpu.memref_slice %arg3[%multiple_of3A_65] : memref<320000xi32, #tpu.memory_space<hbm>> -> memref<128xi32, #tpu.memory_space<hbm>>
      %dma_start3A_72 = tpu.memref_slice %arg3[%multiple_of3A_65] : memref<320000xi32, #tpu.memory_space<hbm>> -> memref<128xi32, #tpu.memory_space<hbm>>
      tpu.enqueue_dma source(%dma_start3A_72 : memref<128xi32, #tpu.memory_space<hbm>>) target(%arg6 : memref<128xi32, #tpu.memory_space<vmem>>) target_semaphore(%arg18 : memref<!tpu.dma_semaphore, #tpu.memory_space<semaphore_mem>>)
      %mul3A_73 = arith.constant 6 : i32
      %mul3A_74 = arith.muli %scan3A_45, %mul3A_73 : i32
      %add3A_75 = arith.addi %mul3A_2, %mul3A_74 : i32
      %add3A_76 = arith.constant 2 : i32
      %add3A_77 = arith.addi %add3A_75, %add3A_76 : i32
      %mul3A_78 = arith.constant 128 : i32
      %mul3A_79 = arith.muli %add3A_77, %mul3A_78 : i32
      %multiple_of3A_80 = tpu.assume_multiple %mul3A_79, 8 : i32
      %gt3A_81 = arith.constant 0 : i32
      %gt3A_82 = arith.cmpi sgt, %scan3A_45, %gt3A_81 : i32
      %convert_element_type3A_83 = arith.extui %gt3A_82 : i1 to i32
      %cond3A_84 = arith.constant 0 : i32
      %cond3A_85 = arith.cmpi ne, %convert_element_type3A_83, %cond3A_84 : i32
      scf.if %cond3A_85 {
        %dma_wait3A_253 = arith.constant 0 : i32
        %dma_wait3A_254 = arith.constant 0 : i32
        %dma_wait3A_255 = tpu.memref_slice %arg4[%dma_wait3A_253, %dma_wait3A_254] : memref<320000x128xf32, #tpu.memory_space<hbm>> -> memref<128x128xf32, #tpu.memory_space<hbm>>
        %dma_wait3A_256 = arith.constant 0 : i32
        %dma_wait3A_257 = arith.constant 0 : i32
        %dma_wait3A_258 = tpu.memref_slice %arg4[%dma_wait3A_256, %dma_wait3A_257] : memref<320000x128xf32, #tpu.memory_space<hbm>> -> memref<128x128xf32, #tpu.memory_space<hbm>>
        tpu.wait_dma2 semaphore(%arg31 : memref<!tpu.dma_semaphore, #tpu.memory_space<semaphore_mem>>) src(%arg13 : memref<128x128xf32, #tpu.memory_space<vmem>>) dst(%dma_wait3A_258 : memref<128x128xf32, #tpu.memory_space<hbm>>)
      } else {
      }
      %dma_start3A_86 = tpu.memref_slice %arg3[%multiple_of3A_80] : memref<320000xi32, #tpu.memory_space<hbm>> -> memref<128xi32, #tpu.memory_space<hbm>>
      %dma_start3A_87 = tpu.memref_slice %arg3[%multiple_of3A_80] : memref<320000xi32, #tpu.memory_space<hbm>> -> memref<128xi32, #tpu.memory_space<hbm>>
      tpu.enqueue_dma source(%dma_start3A_87 : memref<128xi32, #tpu.memory_space<hbm>>) target(%arg7 : memref<128xi32, #tpu.memory_space<vmem>>) target_semaphore(%arg19 : memref<!tpu.dma_semaphore, #tpu.memory_space<semaphore_mem>>)
      %mul3A_88 = arith.constant 6 : i32
      %mul3A_89 = arith.muli %scan3A_45, %mul3A_88 : i32
      %add3A_90 = arith.addi %mul3A_2, %mul3A_89 : i32
      %add3A_91 = arith.constant 3 : i32
      %add3A_92 = arith.addi %add3A_90, %add3A_91 : i32
      %mul3A_93 = arith.constant 128 : i32
      %mul3A_94 = arith.muli %add3A_92, %mul3A_93 : i32
      %multiple_of3A_95 = tpu.assume_multiple %mul3A_94, 8 : i32
      %gt3A_96 = arith.constant 0 : i32
      %gt3A_97 = arith.cmpi sgt, %scan3A_45, %gt3A_96 : i32
      %convert_element_type3A_98 = arith.extui %gt3A_97 : i1 to i32
      %cond3A_99 = arith.constant 0 : i32
      %cond3A_100 = arith.cmpi ne, %convert_element_type3A_98, %cond3A_99 : i32
      scf.if %cond3A_100 {
        %dma_wait3A_253 = arith.constant 0 : i32
        %dma_wait3A_254 = arith.constant 0 : i32
        %dma_wait3A_255 = tpu.memref_slice %arg4[%dma_wait3A_253, %dma_wait3A_254] : memref<320000x128xf32, #tpu.memory_space<hbm>> -> memref<128x128xf32, #tpu.memory_space<hbm>>
        %dma_wait3A_256 = arith.constant 0 : i32
        %dma_wait3A_257 = arith.constant 0 : i32
        %dma_wait3A_258 = tpu.memref_slice %arg4[%dma_wait3A_256, %dma_wait3A_257] : memref<320000x128xf32, #tpu.memory_space<hbm>> -> memref<128x128xf32, #tpu.memory_space<hbm>>
        tpu.wait_dma2 semaphore(%arg32 : memref<!tpu.dma_semaphore, #tpu.memory_space<semaphore_mem>>) src(%arg14 : memref<128x128xf32, #tpu.memory_space<vmem>>) dst(%dma_wait3A_258 : memref<128x128xf32, #tpu.memory_space<hbm>>)
      } else {
      }
      %dma_start3A_101 = tpu.memref_slice %arg3[%multiple_of3A_95] : memref<320000xi32, #tpu.memory_space<hbm>> -> memref<128xi32, #tpu.memory_space<hbm>>
      %dma_start3A_102 = tpu.memref_slice %arg3[%multiple_of3A_95] : memref<320000xi32, #tpu.memory_space<hbm>> -> memref<128xi32, #tpu.memory_space<hbm>>
      tpu.enqueue_dma source(%dma_start3A_102 : memref<128xi32, #tpu.memory_space<hbm>>) target(%arg8 : memref<128xi32, #tpu.memory_space<vmem>>) target_semaphore(%arg20 : memref<!tpu.dma_semaphore, #tpu.memory_space<semaphore_mem>>)
      %mul3A_103 = arith.constant 6 : i32
      %mul3A_104 = arith.muli %scan3A_45, %mul3A_103 : i32
      %add3A_105 = arith.addi %mul3A_2, %mul3A_104 : i32
      %add3A_106 = arith.constant 4 : i32
      %add3A_107 = arith.addi %add3A_105, %add3A_106 : i32
      %mul3A_108 = arith.constant 128 : i32
      %mul3A_109 = arith.muli %add3A_107, %mul3A_108 : i32
      %multiple_of3A_110 = tpu.assume_multiple %mul3A_109, 8 : i32
      %gt3A_111 = arith.constant 0 : i32
      %gt3A_112 = arith.cmpi sgt, %scan3A_45, %gt3A_111 : i32
      %convert_element_type3A_113 = arith.extui %gt3A_112 : i1 to i32
      %cond3A_114 = arith.constant 0 : i32
      %cond3A_115 = arith.cmpi ne, %convert_element_type3A_113, %cond3A_114 : i32
      scf.if %cond3A_115 {
        %dma_wait3A_253 = arith.constant 0 : i32
        %dma_wait3A_254 = arith.constant 0 : i32
        %dma_wait3A_255 = tpu.memref_slice %arg4[%dma_wait3A_253, %dma_wait3A_254] : memref<320000x128xf32, #tpu.memory_space<hbm>> -> memref<128x128xf32, #tpu.memory_space<hbm>>
        %dma_wait3A_256 = arith.constant 0 : i32
        %dma_wait3A_257 = arith.constant 0 : i32
        %dma_wait3A_258 = tpu.memref_slice %arg4[%dma_wait3A_256, %dma_wait3A_257] : memref<320000x128xf32, #tpu.memory_space<hbm>> -> memref<128x128xf32, #tpu.memory_space<hbm>>
        tpu.wait_dma2 semaphore(%arg33 : memref<!tpu.dma_semaphore, #tpu.memory_space<semaphore_mem>>) src(%arg15 : memref<128x128xf32, #tpu.memory_space<vmem>>) dst(%dma_wait3A_258 : memref<128x128xf32, #tpu.memory_space<hbm>>)
      } else {
      }
      %dma_start3A_116 = tpu.memref_slice %arg3[%multiple_of3A_110] : memref<320000xi32, #tpu.memory_space<hbm>> -> memref<128xi32, #tpu.memory_space<hbm>>
      %dma_start3A_117 = tpu.memref_slice %arg3[%multiple_of3A_110] : memref<320000xi32, #tpu.memory_space<hbm>> -> memref<128xi32, #tpu.memory_space<hbm>>
      tpu.enqueue_dma source(%dma_start3A_117 : memref<128xi32, #tpu.memory_space<hbm>>) target(%arg9 : memref<128xi32, #tpu.memory_space<vmem>>) target_semaphore(%arg21 : memref<!tpu.dma_semaphore, #tpu.memory_space<semaphore_mem>>)
      %mul3A_118 = arith.constant 6 : i32
      %mul3A_119 = arith.muli %scan3A_45, %mul3A_118 : i32
      %add3A_120 = arith.addi %mul3A_2, %mul3A_119 : i32
      %add3A_121 = arith.constant 5 : i32
      %add3A_122 = arith.addi %add3A_120, %add3A_121 : i32
      %mul3A_123 = arith.constant 128 : i32
      %mul3A_124 = arith.muli %add3A_122, %mul3A_123 : i32
      %multiple_of3A_125 = tpu.assume_multiple %mul3A_124, 8 : i32
      %gt3A_126 = arith.constant 0 : i32
      %gt3A_127 = arith.cmpi sgt, %scan3A_45, %gt3A_126 : i32
      %convert_element_type3A_128 = arith.extui %gt3A_127 : i1 to i32
      %cond3A_129 = arith.constant 0 : i32
      %cond3A_130 = arith.cmpi ne, %convert_element_type3A_128, %cond3A_129 : i32
      scf.if %cond3A_130 {
        %dma_wait3A_253 = arith.constant 0 : i32
        %dma_wait3A_254 = arith.constant 0 : i32
        %dma_wait3A_255 = tpu.memref_slice %arg4[%dma_wait3A_253, %dma_wait3A_254] : memref<320000x128xf32, #tpu.memory_space<hbm>> -> memref<128x128xf32, #tpu.memory_space<hbm>>
        %dma_wait3A_256 = arith.constant 0 : i32
        %dma_wait3A_257 = arith.constant 0 : i32
        %dma_wait3A_258 = tpu.memref_slice %arg4[%dma_wait3A_256, %dma_wait3A_257] : memref<320000x128xf32, #tpu.memory_space<hbm>> -> memref<128x128xf32, #tpu.memory_space<hbm>>
        tpu.wait_dma2 semaphore(%arg34 : memref<!tpu.dma_semaphore, #tpu.memory_space<semaphore_mem>>) src(%arg16 : memref<128x128xf32, #tpu.memory_space<vmem>>) dst(%dma_wait3A_258 : memref<128x128xf32, #tpu.memory_space<hbm>>)
      } else {
      }
      %dma_start3A_131 = tpu.memref_slice %arg3[%multiple_of3A_125] : memref<320000xi32, #tpu.memory_space<hbm>> -> memref<128xi32, #tpu.memory_space<hbm>>
      %dma_start3A_132 = tpu.memref_slice %arg3[%multiple_of3A_125] : memref<320000xi32, #tpu.memory_space<hbm>> -> memref<128xi32, #tpu.memory_space<hbm>>
      tpu.enqueue_dma source(%dma_start3A_132 : memref<128xi32, #tpu.memory_space<hbm>>) target(%arg10 : memref<128xi32, #tpu.memory_space<vmem>>) target_semaphore(%arg22 : memref<!tpu.dma_semaphore, #tpu.memory_space<semaphore_mem>>)
      %dma_wait3A_133 = tpu.memref_slice %arg3[%multiple_of3A] : memref<320000xi32, #tpu.memory_space<hbm>> -> memref<128xi32, #tpu.memory_space<hbm>>
      %dma_wait3A_134 = tpu.memref_slice %arg3[%multiple_of3A] : memref<320000xi32, #tpu.memory_space<hbm>> -> memref<128xi32, #tpu.memory_space<hbm>>
      tpu.wait_dma2 semaphore(%arg17 : memref<!tpu.dma_semaphore, #tpu.memory_space<semaphore_mem>>) src(%dma_wait3A_134 : memref<128xi32, #tpu.memory_space<hbm>>) dst(%arg5 : memref<128xi32, #tpu.memory_space<vmem>>)
      %dma_start3A_135 = arith.constant 0 : i32
      %dma_start3A_136 = arith.constant 0 : i32
      %dma_start3A_137 = tpu.memref_slice %arg2[%dma_start3A_135, %dma_start3A_136] : memref<10000x128xf32, #tpu.memory_space<hbm>> -> memref<10000x128xf32, #tpu.memory_space<hbm>>
      tpu.enqueue_indirect_dma source(%dma_start3A_137 : memref<10000x128xf32, #tpu.memory_space<hbm>>) target(%arg11 : memref<128x128xf32, #tpu.memory_space<vmem>>) offsets(%arg5 : memref<128xi32, #tpu.memory_space<vmem>>) semaphore(%arg23 : memref<!tpu.dma_semaphore, #tpu.memory_space<semaphore_mem>>)
      %dma_wait3A_138 = tpu.memref_slice %arg3[%multiple_of3A_65] : memref<320000xi32, #tpu.memory_space<hbm>> -> memref<128xi32, #tpu.memory_space<hbm>>
      %dma_wait3A_139 = tpu.memref_slice %arg3[%multiple_of3A_65] : memref<320000xi32, #tpu.memory_space<hbm>> -> memref<128xi32, #tpu.memory_space<hbm>>
      tpu.wait_dma2 semaphore(%arg18 : memref<!tpu.dma_semaphore, #tpu.memory_space<semaphore_mem>>) src(%dma_wait3A_139 : memref<128xi32, #tpu.memory_space<hbm>>) dst(%arg6 : memref<128xi32, #tpu.memory_space<vmem>>)
      %dma_start3A_140 = arith.constant 0 : i32
      %dma_start3A_141 = arith.constant 0 : i32
      %dma_start3A_142 = tpu.memref_slice %arg2[%dma_start3A_140, %dma_start3A_141] : memref<10000x128xf32, #tpu.memory_space<hbm>> -> memref<10000x128xf32, #tpu.memory_space<hbm>>
      tpu.enqueue_indirect_dma source(%dma_start3A_142 : memref<10000x128xf32, #tpu.memory_space<hbm>>) target(%arg12 : memref<128x128xf32, #tpu.memory_space<vmem>>) offsets(%arg6 : memref<128xi32, #tpu.memory_space<vmem>>) semaphore(%arg24 : memref<!tpu.dma_semaphore, #tpu.memory_space<semaphore_mem>>)
      %dma_wait3A_143 = tpu.memref_slice %arg3[%multiple_of3A_80] : memref<320000xi32, #tpu.memory_space<hbm>> -> memref<128xi32, #tpu.memory_space<hbm>>
      %dma_wait3A_144 = tpu.memref_slice %arg3[%multiple_of3A_80] : memref<320000xi32, #tpu.memory_space<hbm>> -> memref<128xi32, #tpu.memory_space<hbm>>
      tpu.wait_dma2 semaphore(%arg19 : memref<!tpu.dma_semaphore, #tpu.memory_space<semaphore_mem>>) src(%dma_wait3A_144 : memref<128xi32, #tpu.memory_space<hbm>>) dst(%arg7 : memref<128xi32, #tpu.memory_space<vmem>>)
      %dma_start3A_145 = arith.constant 0 : i32
      %dma_start3A_146 = arith.constant 0 : i32
      %dma_start3A_147 = tpu.memref_slice %arg2[%dma_start3A_145, %dma_start3A_146] : memref<10000x128xf32, #tpu.memory_space<hbm>> -> memref<10000x128xf32, #tpu.memory_space<hbm>>
      tpu.enqueue_indirect_dma source(%dma_start3A_147 : memref<10000x128xf32, #tpu.memory_space<hbm>>) target(%arg13 : memref<128x128xf32, #tpu.memory_space<vmem>>) offsets(%arg7 : memref<128xi32, #tpu.memory_space<vmem>>) semaphore(%arg25 : memref<!tpu.dma_semaphore, #tpu.memory_space<semaphore_mem>>)
      %dma_wait3A_148 = tpu.memref_slice %arg3[%multiple_of3A_95] : memref<320000xi32, #tpu.memory_space<hbm>> -> memref<128xi32, #tpu.memory_space<hbm>>
      %dma_wait3A_149 = tpu.memref_slice %arg3[%multiple_of3A_95] : memref<320000xi32, #tpu.memory_space<hbm>> -> memref<128xi32, #tpu.memory_space<hbm>>
      tpu.wait_dma2 semaphore(%arg20 : memref<!tpu.dma_semaphore, #tpu.memory_space<semaphore_mem>>) src(%dma_wait3A_149 : memref<128xi32, #tpu.memory_space<hbm>>) dst(%arg8 : memref<128xi32, #tpu.memory_space<vmem>>)
      %dma_start3A_150 = arith.constant 0 : i32
      %dma_start3A_151 = arith.constant 0 : i32
      %dma_start3A_152 = tpu.memref_slice %arg2[%dma_start3A_150, %dma_start3A_151] : memref<10000x128xf32, #tpu.memory_space<hbm>> -> memref<10000x128xf32, #tpu.memory_space<hbm>>
      tpu.enqueue_indirect_dma source(%dma_start3A_152 : memref<10000x128xf32, #tpu.memory_space<hbm>>) target(%arg14 : memref<128x128xf32, #tpu.memory_space<vmem>>) offsets(%arg8 : memref<128xi32, #tpu.memory_space<vmem>>) semaphore(%arg26 : memref<!tpu.dma_semaphore, #tpu.memory_space<semaphore_mem>>)
      %dma_wait3A_153 = tpu.memref_slice %arg3[%multiple_of3A_110] : memref<320000xi32, #tpu.memory_space<hbm>> -> memref<128xi32, #tpu.memory_space<hbm>>
      %dma_wait3A_154 = tpu.memref_slice %arg3[%multiple_of3A_110] : memref<320000xi32, #tpu.memory_space<hbm>> -> memref<128xi32, #tpu.memory_space<hbm>>
      tpu.wait_dma2 semaphore(%arg21 : memref<!tpu.dma_semaphore, #tpu.memory_space<semaphore_mem>>) src(%dma_wait3A_154 : memref<128xi32, #tpu.memory_space<hbm>>) dst(%arg9 : memref<128xi32, #tpu.memory_space<vmem>>)
      %dma_start3A_155 = arith.constant 0 : i32
      %dma_start3A_156 = arith.constant 0 : i32
      %dma_start3A_157 = tpu.memref_slice %arg2[%dma_start3A_155, %dma_start3A_156] : memref<10000x128xf32, #tpu.memory_space<hbm>> -> memref<10000x128xf32, #tpu.memory_space<hbm>>
      tpu.enqueue_indirect_dma source(%dma_start3A_157 : memref<10000x128xf32, #tpu.memory_space<hbm>>) target(%arg15 : memref<128x128xf32, #tpu.memory_space<vmem>>) offsets(%arg9 : memref<128xi32, #tpu.memory_space<vmem>>) semaphore(%arg27 : memref<!tpu.dma_semaphore, #tpu.memory_space<semaphore_mem>>)
      %dma_wait3A_158 = tpu.memref_slice %arg3[%multiple_of3A_125] : memref<320000xi32, #tpu.memory_space<hbm>> -> memref<128xi32, #tpu.memory_space<hbm>>
      %dma_wait3A_159 = tpu.memref_slice %arg3[%multiple_of3A_125] : memref<320000xi32, #tpu.memory_space<hbm>> -> memref<128xi32, #tpu.memory_space<hbm>>
      tpu.wait_dma2 semaphore(%arg22 : memref<!tpu.dma_semaphore, #tpu.memory_space<semaphore_mem>>) src(%dma_wait3A_159 : memref<128xi32, #tpu.memory_space<hbm>>) dst(%arg10 : memref<128xi32, #tpu.memory_space<vmem>>)
      %dma_start3A_160 = arith.constant 0 : i32
      %dma_start3A_161 = arith.constant 0 : i32
      %dma_start3A_162 = tpu.memref_slice %arg2[%dma_start3A_160, %dma_start3A_161] : memref<10000x128xf32, #tpu.memory_space<hbm>> -> memref<10000x128xf32, #tpu.memory_space<hbm>>
      tpu.enqueue_indirect_dma source(%dma_start3A_162 : memref<10000x128xf32, #tpu.memory_space<hbm>>) target(%arg16 : memref<128x128xf32, #tpu.memory_space<vmem>>) offsets(%arg10 : memref<128xi32, #tpu.memory_space<vmem>>) semaphore(%arg28 : memref<!tpu.dma_semaphore, #tpu.memory_space<semaphore_mem>>)
      %mul3A_163 = arith.constant 6 : i32
      %mul3A_164 = arith.muli %scan3A_45, %mul3A_163 : i32
      %add3A_165 = arith.addi %mul3A_2, %mul3A_164 : i32
      %add3A_166 = arith.constant 0 : i32
      %add3A_167 = arith.addi %add3A_165, %add3A_166 : i32
      %mul3A_168 = arith.constant 128 : i32
      %mul3A_169 = arith.muli %add3A_167, %mul3A_168 : i32
      %multiple_of3A_170 = tpu.assume_multiple %mul3A_169, 8 : i32
      %dma_wait3A_171 = arith.constant 0 : i32
      %dma_wait3A_172 = arith.constant 0 : i32
      %dma_wait3A_173 = tpu.memref_slice %arg2[%dma_wait3A_171, %dma_wait3A_172] : memref<10000x128xf32, #tpu.memory_space<hbm>> -> memref<10000x128xf32, #tpu.memory_space<hbm>>
      tpu.wait_indirect_dma semaphore(%arg23 : memref<!tpu.dma_semaphore, #tpu.memory_space<semaphore_mem>>) src(%dma_wait3A_173 : memref<10000x128xf32, #tpu.memory_space<hbm>>) dst(%arg11 : memref<128x128xf32, #tpu.memory_space<vmem>>)
      %dma_start3A_174 = arith.constant 0 : i32
      %dma_start3A_175 = tpu.memref_slice %arg4[%multiple_of3A_170, %dma_start3A_174] : memref<320000x128xf32, #tpu.memory_space<hbm>> -> memref<128x128xf32, #tpu.memory_space<hbm>>
      %dma_start3A_176 = arith.constant 0 : i32
      %dma_start3A_177 = tpu.memref_slice %arg4[%multiple_of3A_170, %dma_start3A_176] : memref<320000x128xf32, #tpu.memory_space<hbm>> -> memref<128x128xf32, #tpu.memory_space<hbm>>
      tpu.enqueue_dma source(%arg11 : memref<128x128xf32, #tpu.memory_space<vmem>>) target(%dma_start3A_177 : memref<128x128xf32, #tpu.memory_space<hbm>>) target_semaphore(%arg29 : memref<!tpu.dma_semaphore, #tpu.memory_space<semaphore_mem>>)
      %mul3A_178 = arith.constant 6 : i32
      %mul3A_179 = arith.muli %scan3A_45, %mul3A_178 : i32
      %add3A_180 = arith.addi %mul3A_2, %mul3A_179 : i32
      %add3A_181 = arith.constant 1 : i32
      %add3A_182 = arith.addi %add3A_180, %add3A_181 : i32
      %mul3A_183 = arith.constant 128 : i32
      %mul3A_184 = arith.muli %add3A_182, %mul3A_183 : i32
      %multiple_of3A_185 = tpu.assume_multiple %mul3A_184, 8 : i32
      %dma_wait3A_186 = arith.constant 0 : i32
      %dma_wait3A_187 = arith.constant 0 : i32
      %dma_wait3A_188 = tpu.memref_slice %arg2[%dma_wait3A_186, %dma_wait3A_187] : memref<10000x128xf32, #tpu.memory_space<hbm>> -> memref<10000x128xf32, #tpu.memory_space<hbm>>
      tpu.wait_indirect_dma semaphore(%arg24 : memref<!tpu.dma_semaphore, #tpu.memory_space<semaphore_mem>>) src(%dma_wait3A_188 : memref<10000x128xf32, #tpu.memory_space<hbm>>) dst(%arg12 : memref<128x128xf32, #tpu.memory_space<vmem>>)
      %dma_start3A_189 = arith.constant 0 : i32
      %dma_start3A_190 = tpu.memref_slice %arg4[%multiple_of3A_185, %dma_start3A_189] : memref<320000x128xf32, #tpu.memory_space<hbm>> -> memref<128x128xf32, #tpu.memory_space<hbm>>
      %dma_start3A_191 = arith.constant 0 : i32
      %dma_start3A_192 = tpu.memref_slice %arg4[%multiple_of3A_185, %dma_start3A_191] : memref<320000x128xf32, #tpu.memory_space<hbm>> -> memref<128x128xf32, #tpu.memory_space<hbm>>
      tpu.enqueue_dma source(%arg12 : memref<128x128xf32, #tpu.memory_space<vmem>>) target(%dma_start3A_192 : memref<128x128xf32, #tpu.memory_space<hbm>>) target_semaphore(%arg30 : memref<!tpu.dma_semaphore, #tpu.memory_space<semaphore_mem>>)
      %mul3A_193 = arith.constant 6 : i32
      %mul3A_194 = arith.muli %scan3A_45, %mul3A_193 : i32
      %add3A_195 = arith.addi %mul3A_2, %mul3A_194 : i32
      %add3A_196 = arith.constant 2 : i32
      %add3A_197 = arith.addi %add3A_195, %add3A_196 : i32
      %mul3A_198 = arith.constant 128 : i32
      %mul3A_199 = arith.muli %add3A_197, %mul3A_198 : i32
      %multiple_of3A_200 = tpu.assume_multiple %mul3A_199, 8 : i32
      %dma_wait3A_201 = arith.constant 0 : i32
      %dma_wait3A_202 = arith.constant 0 : i32
      %dma_wait3A_203 = tpu.memref_slice %arg2[%dma_wait3A_201, %dma_wait3A_202] : memref<10000x128xf32, #tpu.memory_space<hbm>> -> memref<10000x128xf32, #tpu.memory_space<hbm>>
      tpu.wait_indirect_dma semaphore(%arg25 : memref<!tpu.dma_semaphore, #tpu.memory_space<semaphore_mem>>) src(%dma_wait3A_203 : memref<10000x128xf32, #tpu.memory_space<hbm>>) dst(%arg13 : memref<128x128xf32, #tpu.memory_space<vmem>>)
      %dma_start3A_204 = arith.constant 0 : i32
      %dma_start3A_205 = tpu.memref_slice %arg4[%multiple_of3A_200, %dma_start3A_204] : memref<320000x128xf32, #tpu.memory_space<hbm>> -> memref<128x128xf32, #tpu.memory_space<hbm>>
      %dma_start3A_206 = arith.constant 0 : i32
      %dma_start3A_207 = tpu.memref_slice %arg4[%multiple_of3A_200, %dma_start3A_206] : memref<320000x128xf32, #tpu.memory_space<hbm>> -> memref<128x128xf32, #tpu.memory_space<hbm>>
      tpu.enqueue_dma source(%arg13 : memref<128x128xf32, #tpu.memory_space<vmem>>) target(%dma_start3A_207 : memref<128x128xf32, #tpu.memory_space<hbm>>) target_semaphore(%arg31 : memref<!tpu.dma_semaphore, #tpu.memory_space<semaphore_mem>>)
      %mul3A_208 = arith.constant 6 : i32
      %mul3A_209 = arith.muli %scan3A_45, %mul3A_208 : i32
      %add3A_210 = arith.addi %mul3A_2, %mul3A_209 : i32
      %add3A_211 = arith.constant 3 : i32
      %add3A_212 = arith.addi %add3A_210, %add3A_211 : i32
      %mul3A_213 = arith.constant 128 : i32
      %mul3A_214 = arith.muli %add3A_212, %mul3A_213 : i32
      %multiple_of3A_215 = tpu.assume_multiple %mul3A_214, 8 : i32
      %dma_wait3A_216 = arith.constant 0 : i32
      %dma_wait3A_217 = arith.constant 0 : i32
      %dma_wait3A_218 = tpu.memref_slice %arg2[%dma_wait3A_216, %dma_wait3A_217] : memref<10000x128xf32, #tpu.memory_space<hbm>> -> memref<10000x128xf32, #tpu.memory_space<hbm>>
      tpu.wait_indirect_dma semaphore(%arg26 : memref<!tpu.dma_semaphore, #tpu.memory_space<semaphore_mem>>) src(%dma_wait3A_218 : memref<10000x128xf32, #tpu.memory_space<hbm>>) dst(%arg14 : memref<128x128xf32, #tpu.memory_space<vmem>>)
      %dma_start3A_219 = arith.constant 0 : i32
      %dma_start3A_220 = tpu.memref_slice %arg4[%multiple_of3A_215, %dma_start3A_219] : memref<320000x128xf32, #tpu.memory_space<hbm>> -> memref<128x128xf32, #tpu.memory_space<hbm>>
      %dma_start3A_221 = arith.constant 0 : i32
      %dma_start3A_222 = tpu.memref_slice %arg4[%multiple_of3A_215, %dma_start3A_221] : memref<320000x128xf32, #tpu.memory_space<hbm>> -> memref<128x128xf32, #tpu.memory_space<hbm>>
      tpu.enqueue_dma source(%arg14 : memref<128x128xf32, #tpu.memory_space<vmem>>) target(%dma_start3A_222 : memref<128x128xf32, #tpu.memory_space<hbm>>) target_semaphore(%arg32 : memref<!tpu.dma_semaphore, #tpu.memory_space<semaphore_mem>>)
      %mul3A_223 = arith.constant 6 : i32
      %mul3A_224 = arith.muli %scan3A_45, %mul3A_223 : i32
      %add3A_225 = arith.addi %mul3A_2, %mul3A_224 : i32
      %add3A_226 = arith.constant 4 : i32
      %add3A_227 = arith.addi %add3A_225, %add3A_226 : i32
      %mul3A_228 = arith.constant 128 : i32
      %mul3A_229 = arith.muli %add3A_227, %mul3A_228 : i32
      %multiple_of3A_230 = tpu.assume_multiple %mul3A_229, 8 : i32
      %dma_wait3A_231 = arith.constant 0 : i32
      %dma_wait3A_232 = arith.constant 0 : i32
      %dma_wait3A_233 = tpu.memref_slice %arg2[%dma_wait3A_231, %dma_wait3A_232] : memref<10000x128xf32, #tpu.memory_space<hbm>> -> memref<10000x128xf32, #tpu.memory_space<hbm>>
      tpu.wait_indirect_dma semaphore(%arg27 : memref<!tpu.dma_semaphore, #tpu.memory_space<semaphore_mem>>) src(%dma_wait3A_233 : memref<10000x128xf32, #tpu.memory_space<hbm>>) dst(%arg15 : memref<128x128xf32, #tpu.memory_space<vmem>>)
      %dma_start3A_234 = arith.constant 0 : i32
      %dma_start3A_235 = tpu.memref_slice %arg4[%multiple_of3A_230, %dma_start3A_234] : memref<320000x128xf32, #tpu.memory_space<hbm>> -> memref<128x128xf32, #tpu.memory_space<hbm>>
      %dma_start3A_236 = arith.constant 0 : i32
      %dma_start3A_237 = tpu.memref_slice %arg4[%multiple_of3A_230, %dma_start3A_236] : memref<320000x128xf32, #tpu.memory_space<hbm>> -> memref<128x128xf32, #tpu.memory_space<hbm>>
      tpu.enqueue_dma source(%arg15 : memref<128x128xf32, #tpu.memory_space<vmem>>) target(%dma_start3A_237 : memref<128x128xf32, #tpu.memory_space<hbm>>) target_semaphore(%arg33 : memref<!tpu.dma_semaphore, #tpu.memory_space<semaphore_mem>>)
      %mul3A_238 = arith.constant 6 : i32
      %mul3A_239 = arith.muli %scan3A_45, %mul3A_238 : i32
      %add3A_240 = arith.addi %mul3A_2, %mul3A_239 : i32
      %add3A_241 = arith.constant 5 : i32
      %add3A_242 = arith.addi %add3A_240, %add3A_241 : i32
      %mul3A_243 = arith.constant 128 : i32
      %mul3A_244 = arith.muli %add3A_242, %mul3A_243 : i32
      %multiple_of3A_245 = tpu.assume_multiple %mul3A_244, 8 : i32
      %dma_wait3A_246 = arith.constant 0 : i32
      %dma_wait3A_247 = arith.constant 0 : i32
      %dma_wait3A_248 = tpu.memref_slice %arg2[%dma_wait3A_246, %dma_wait3A_247] : memref<10000x128xf32, #tpu.memory_space<hbm>> -> memref<10000x128xf32, #tpu.memory_space<hbm>>
      tpu.wait_indirect_dma semaphore(%arg28 : memref<!tpu.dma_semaphore, #tpu.memory_space<semaphore_mem>>) src(%dma_wait3A_248 : memref<10000x128xf32, #tpu.memory_space<hbm>>) dst(%arg16 : memref<128x128xf32, #tpu.memory_space<vmem>>)
      %dma_start3A_249 = arith.constant 0 : i32
      %dma_start3A_250 = tpu.memref_slice %arg4[%multiple_of3A_245, %dma_start3A_249] : memref<320000x128xf32, #tpu.memory_space<hbm>> -> memref<128x128xf32, #tpu.memory_space<hbm>>
      %dma_start3A_251 = arith.constant 0 : i32
      %dma_start3A_252 = tpu.memref_slice %arg4[%multiple_of3A_245, %dma_start3A_251] : memref<320000x128xf32, #tpu.memory_space<hbm>> -> memref<128x128xf32, #tpu.memory_space<hbm>>
      tpu.enqueue_dma source(%arg16 : memref<128x128xf32, #tpu.memory_space<vmem>>) target(%dma_start3A_252 : memref<128x128xf32, #tpu.memory_space<hbm>>) target_semaphore(%arg34 : memref<!tpu.dma_semaphore, #tpu.memory_space<semaphore_mem>>)
    }
    %scan3A_7 = arith.constant 13 : i32
    %dma_wait3A = arith.constant 0 : i32
    %dma_wait3A_8 = arith.constant 0 : i32
    %dma_wait3A_9 = tpu.memref_slice %arg4[%dma_wait3A, %dma_wait3A_8] : memref<320000x128xf32, #tpu.memory_space<hbm>> -> memref<128x128xf32, #tpu.memory_space<hbm>>
    %dma_wait3A_10 = arith.constant 0 : i32
    %dma_wait3A_11 = arith.constant 0 : i32
    %dma_wait3A_12 = tpu.memref_slice %arg4[%dma_wait3A_10, %dma_wait3A_11] : memref<320000x128xf32, #tpu.memory_space<hbm>> -> memref<128x128xf32, #tpu.memory_space<hbm>>
    tpu.wait_dma2 semaphore(%arg29 : memref<!tpu.dma_semaphore, #tpu.memory_space<semaphore_mem>>) src(%arg11 : memref<128x128xf32, #tpu.memory_space<vmem>>) dst(%dma_wait3A_12 : memref<128x128xf32, #tpu.memory_space<hbm>>)
    %dma_wait3A_13 = arith.constant 0 : i32
    %dma_wait3A_14 = arith.constant 0 : i32
    %dma_wait3A_15 = tpu.memref_slice %arg4[%dma_wait3A_13, %dma_wait3A_14] : memref<320000x128xf32, #tpu.memory_space<hbm>> -> memref<128x128xf32, #tpu.memory_space<hbm>>
    %dma_wait3A_16 = arith.constant 0 : i32
    %dma_wait3A_17 = arith.constant 0 : i32
    %dma_wait3A_18 = tpu.memref_slice %arg4[%dma_wait3A_16, %dma_wait3A_17] : memref<320000x128xf32, #tpu.memory_space<hbm>> -> memref<128x128xf32, #tpu.memory_space<hbm>>
    tpu.wait_dma2 semaphore(%arg30 : memref<!tpu.dma_semaphore, #tpu.memory_space<semaphore_mem>>) src(%arg12 : memref<128x128xf32, #tpu.memory_space<vmem>>) dst(%dma_wait3A_18 : memref<128x128xf32, #tpu.memory_space<hbm>>)
    %dma_wait3A_19 = arith.constant 0 : i32
    %dma_wait3A_20 = arith.constant 0 : i32
    %dma_wait3A_21 = tpu.memref_slice %arg4[%dma_wait3A_19, %dma_wait3A_20] : memref<320000x128xf32, #tpu.memory_space<hbm>> -> memref<128x128xf32, #tpu.memory_space<hbm>>
    %dma_wait3A_22 = arith.constant 0 : i32
    %dma_wait3A_23 = arith.constant 0 : i32
    %dma_wait3A_24 = tpu.memref_slice %arg4[%dma_wait3A_22, %dma_wait3A_23] : memref<320000x128xf32, #tpu.memory_space<hbm>> -> memref<128x128xf32, #tpu.memory_space<hbm>>
    tpu.wait_dma2 semaphore(%arg31 : memref<!tpu.dma_semaphore, #tpu.memory_space<semaphore_mem>>) src(%arg13 : memref<128x128xf32, #tpu.memory_space<vmem>>) dst(%dma_wait3A_24 : memref<128x128xf32, #tpu.memory_space<hbm>>)
    %dma_wait3A_25 = arith.constant 0 : i32
    %dma_wait3A_26 = arith.constant 0 : i32
    %dma_wait3A_27 = tpu.memref_slice %arg4[%dma_wait3A_25, %dma_wait3A_26] : memref<320000x128xf32, #tpu.memory_space<hbm>> -> memref<128x128xf32, #tpu.memory_space<hbm>>
    %dma_wait3A_28 = arith.constant 0 : i32
    %dma_wait3A_29 = arith.constant 0 : i32
    %dma_wait3A_30 = tpu.memref_slice %arg4[%dma_wait3A_28, %dma_wait3A_29] : memref<320000x128xf32, #tpu.memory_space<hbm>> -> memref<128x128xf32, #tpu.memory_space<hbm>>
    tpu.wait_dma2 semaphore(%arg32 : memref<!tpu.dma_semaphore, #tpu.memory_space<semaphore_mem>>) src(%arg14 : memref<128x128xf32, #tpu.memory_space<vmem>>) dst(%dma_wait3A_30 : memref<128x128xf32, #tpu.memory_space<hbm>>)
    %dma_wait3A_31 = arith.constant 0 : i32
    %dma_wait3A_32 = arith.constant 0 : i32
    %dma_wait3A_33 = tpu.memref_slice %arg4[%dma_wait3A_31, %dma_wait3A_32] : memref<320000x128xf32, #tpu.memory_space<hbm>> -> memref<128x128xf32, #tpu.memory_space<hbm>>
    %dma_wait3A_34 = arith.constant 0 : i32
    %dma_wait3A_35 = arith.constant 0 : i32
    %dma_wait3A_36 = tpu.memref_slice %arg4[%dma_wait3A_34, %dma_wait3A_35] : memref<320000x128xf32, #tpu.memory_space<hbm>> -> memref<128x128xf32, #tpu.memory_space<hbm>>
    tpu.wait_dma2 semaphore(%arg33 : memref<!tpu.dma_semaphore, #tpu.memory_space<semaphore_mem>>) src(%arg15 : memref<128x128xf32, #tpu.memory_space<vmem>>) dst(%dma_wait3A_36 : memref<128x128xf32, #tpu.memory_space<hbm>>)
    %dma_wait3A_37 = arith.constant 0 : i32
    %dma_wait3A_38 = arith.constant 0 : i32
    %dma_wait3A_39 = tpu.memref_slice %arg4[%dma_wait3A_37, %dma_wait3A_38] : memref<320000x128xf32, #tpu.memory_space<hbm>> -> memref<128x128xf32, #tpu.memory_space<hbm>>
    %dma_wait3A_40 = arith.constant 0 : i32
    %dma_wait3A_41 = arith.constant 0 : i32
    %dma_wait3A_42 = tpu.memref_slice %arg4[%dma_wait3A_40, %dma_wait3A_41] : memref<320000x128xf32, #tpu.memory_space<hbm>> -> memref<128x128xf32, #tpu.memory_space<hbm>>
    tpu.wait_dma2 semaphore(%arg34 : memref<!tpu.dma_semaphore, #tpu.memory_space<semaphore_mem>>) src(%arg16 : memref<128x128xf32, #tpu.memory_space<vmem>>) dst(%dma_wait3A_42 : memref<128x128xf32, #tpu.memory_space<hbm>>)
    %lt3A = arith.constant 4 : i32
    %lt3A_43 = arith.cmpi slt, %add3A, %lt3A : i32
    %convert_element_type3A = arith.extui %lt3A_43 : i1 to i32
    %cond3A = arith.constant 0 : i32
    %cond3A_44 = arith.cmpi ne, %convert_element_type3A, %cond3A : i32
    scf.if %cond3A_44 {
      %add3A_45 = arith.constant 2496 : i32
      %add3A_46 = arith.addi %add3A_45, %add3A : i32
      %mul3A_47 = arith.constant 128 : i32
      %mul3A_48 = arith.muli %add3A_46, %mul3A_47 : i32
      %multiple_of3A = tpu.assume_multiple %mul3A_48, 8 : i32
      "tpu.region"() ({
        %run_scoped3A = tpu.sem_alloc : memref<!tpu.dma_semaphore, #tpu.memory_space<semaphore_mem>>
        %dma_start3A_54 = tpu.memref_slice %arg3[%multiple_of3A] : memref<320000xi32, #tpu.memory_space<hbm>> -> memref<128xi32, #tpu.memory_space<hbm>>
        %dma_start3A_55 = tpu.memref_slice %arg3[%multiple_of3A] : memref<320000xi32, #tpu.memory_space<hbm>> -> memref<128xi32, #tpu.memory_space<hbm>>
        tpu.enqueue_dma source(%dma_start3A_55 : memref<128xi32, #tpu.memory_space<hbm>>) target(%arg5 : memref<128xi32, #tpu.memory_space<vmem>>) target_semaphore(%run_scoped3A : memref<!tpu.dma_semaphore, #tpu.memory_space<semaphore_mem>>)
        %dma_wait3A_56 = tpu.memref_slice %arg3[%multiple_of3A] : memref<320000xi32, #tpu.memory_space<hbm>> -> memref<128xi32, #tpu.memory_space<hbm>>
        %dma_wait3A_57 = tpu.memref_slice %arg3[%multiple_of3A] : memref<320000xi32, #tpu.memory_space<hbm>> -> memref<128xi32, #tpu.memory_space<hbm>>
        tpu.wait_dma2 semaphore(%run_scoped3A : memref<!tpu.dma_semaphore, #tpu.memory_space<semaphore_mem>>) src(%dma_wait3A_57 : memref<128xi32, #tpu.memory_space<hbm>>) dst(%arg5 : memref<128xi32, #tpu.memory_space<vmem>>)
        tpu.yield
      }) : () -> ()
      %dma_start3A = arith.constant 0 : i32
      %dma_start3A_49 = arith.constant 0 : i32
      %dma_start3A_50 = tpu.memref_slice %arg2[%dma_start3A, %dma_start3A_49] : memref<10000x128xf32, #tpu.memory_space<hbm>> -> memref<10000x128xf32, #tpu.memory_space<hbm>>
      tpu.enqueue_indirect_dma source(%dma_start3A_50 : memref<10000x128xf32, #tpu.memory_space<hbm>>) target(%arg11 : memref<128x128xf32, #tpu.memory_space<vmem>>) offsets(%arg5 : memref<128xi32, #tpu.memory_space<vmem>>) semaphore(%arg23 : memref<!tpu.dma_semaphore, #tpu.memory_space<semaphore_mem>>)
      %dma_wait3A_51 = arith.constant 0 : i32
      %dma_wait3A_52 = arith.constant 0 : i32
      %dma_wait3A_53 = tpu.memref_slice %arg2[%dma_wait3A_51, %dma_wait3A_52] : memref<10000x128xf32, #tpu.memory_space<hbm>> -> memref<10000x128xf32, #tpu.memory_space<hbm>>
      tpu.wait_indirect_dma semaphore(%arg23 : memref<!tpu.dma_semaphore, #tpu.memory_space<semaphore_mem>>) src(%dma_wait3A_53 : memref<10000x128xf32, #tpu.memory_space<hbm>>) dst(%arg11 : memref<128x128xf32, #tpu.memory_space<vmem>>)
      "tpu.region"() ({
        %run_scoped3A = tpu.sem_alloc : memref<!tpu.dma_semaphore, #tpu.memory_space<semaphore_mem>>
        %dma_start3A_54 = arith.constant 0 : i32
        %dma_start3A_55 = tpu.memref_slice %arg4[%multiple_of3A, %dma_start3A_54] : memref<320000x128xf32, #tpu.memory_space<hbm>> -> memref<128x128xf32, #tpu.memory_space<hbm>>
        %dma_start3A_56 = arith.constant 0 : i32
        %dma_start3A_57 = tpu.memref_slice %arg4[%multiple_of3A, %dma_start3A_56] : memref<320000x128xf32, #tpu.memory_space<hbm>> -> memref<128x128xf32, #tpu.memory_space<hbm>>
        tpu.enqueue_dma source(%arg11 : memref<128x128xf32, #tpu.memory_space<vmem>>) target(%dma_start3A_57 : memref<128x128xf32, #tpu.memory_space<hbm>>) target_semaphore(%run_scoped3A : memref<!tpu.dma_semaphore, #tpu.memory_space<semaphore_mem>>)
        %dma_wait3A_58 = arith.constant 0 : i32
        %dma_wait3A_59 = tpu.memref_slice %arg4[%multiple_of3A, %dma_wait3A_58] : memref<320000x128xf32, #tpu.memory_space<hbm>> -> memref<128x128xf32, #tpu.memory_space<hbm>>
        %dma_wait3A_60 = arith.constant 0 : i32
        %dma_wait3A_61 = tpu.memref_slice %arg4[%multiple_of3A, %dma_wait3A_60] : memref<320000x128xf32, #tpu.memory_space<hbm>> -> memref<128x128xf32, #tpu.memory_space<hbm>>
        tpu.wait_dma2 semaphore(%run_scoped3A : memref<!tpu.dma_semaphore, #tpu.memory_space<semaphore_mem>>) src(%arg11 : memref<128x128xf32, #tpu.memory_space<vmem>>) dst(%dma_wait3A_61 : memref<128x128xf32, #tpu.memory_space<hbm>>)
        tpu.yield
      }) : () -> ()
    } else {
    }
    return
  }
}

#map = affine_map<(d0, d1) -> (0, 0)>
#map1 = affine_map<(d0, d1) -> (0)>
module attributes {stable_mosaic.version = 14 : i64} {
  func.func @k(%arg0: i32, %arg1: i32, %arg2: memref<10000x128xf32, #tpu.memory_space<hbm>>, %arg3: memref<320000xi32, #tpu.memory_space<hbm>>, %arg4: memref<320000x128xf32, #tpu.memory_space<hbm>>, %arg5: memref<128xi32, #tpu.memory_space<vmem>>, %arg6: memref<128xi32, #tpu.memory_space<vmem>>, %arg7: memref<128xi32, #tpu.memory_space<vmem>>, %arg8: memref<128xi32, #tpu.memory_space<vmem>>, %arg9: memref<128xi32, #tpu.memory_space<vmem>>, %arg10: memref<128xi32, #tpu.memory_space<vmem>>, %arg11: memref<128x128xf32, #tpu.memory_space<vmem>>, %arg12: memref<128x128xf32, #tpu.memory_space<vmem>>, %arg13: memref<128x128xf32, #tpu.memory_space<vmem>>, %arg14: memref<128x128xf32, #tpu.memory_space<vmem>>, %arg15: memref<128x128xf32, #tpu.memory_space<vmem>>, %arg16: memref<128x128xf32, #tpu.memory_space<vmem>>, %arg17: memref<!tpu.dma_semaphore, #tpu.memory_space<semaphore_mem>>, %arg18: memref<!tpu.dma_semaphore, #tpu.memory_space<semaphore_mem>>, %arg19: memref<!tpu.dma_semaphore, #tpu.memory_space<semaphore_mem>>, %arg20: memref<!tpu.dma_semaphore, #tpu.memory_space<semaphore_mem>>, %arg21: memref<!tpu.dma_semaphore, #tpu.memory_space<semaphore_mem>>, %arg22: memref<!tpu.dma_semaphore, #tpu.memory_space<semaphore_mem>>, %arg23: memref<!tpu.dma_semaphore, #tpu.memory_space<semaphore_mem>>, %arg24: memref<!tpu.dma_semaphore, #tpu.memory_space<semaphore_mem>>, %arg25: memref<!tpu.dma_semaphore, #tpu.memory_space<semaphore_mem>>, %arg26: memref<!tpu.dma_semaphore, #tpu.memory_space<semaphore_mem>>, %arg27: memref<!tpu.dma_semaphore, #tpu.memory_space<semaphore_mem>>, %arg28: memref<!tpu.dma_semaphore, #tpu.memory_space<semaphore_mem>>, %arg29: memref<!tpu.dma_semaphore, #tpu.memory_space<semaphore_mem>>, %arg30: memref<!tpu.dma_semaphore, #tpu.memory_space<semaphore_mem>>, %arg31: memref<!tpu.dma_semaphore, #tpu.memory_space<semaphore_mem>>, %arg32: memref<!tpu.dma_semaphore, #tpu.memory_space<semaphore_mem>>, %arg33: memref<!tpu.dma_semaphore, #tpu.memory_space<semaphore_mem>>, %arg34: memref<!tpu.dma_semaphore, #tpu.memory_space<semaphore_mem>>) attributes {dimension_semantics = [#tpu.dimension_semantics<core_parallel>, #tpu.dimension_semantics<subcore_parallel>], iteration_bounds = array<i64: 2, 16>, scalar_prefetch = 0 : i64, scratch_operands = 30 : i64, tpu.core_type = #tpu.core_type<sc_vector_subcore>, window_params = [{transform_indices = #map}, {transform_indices = #map1}, {transform_indices = #map}]} {
    %mul3A = arith.constant 2 : i32
    %mul3A_0 = arith.muli %arg1, %mul3A : i32
    %add3A = arith.addi %mul3A_0, %arg0 : i32
    %mul3A_1 = arith.constant 78 : i32
    %mul3A_2 = arith.muli %add3A, %mul3A_1 : i32
    %scan3A = arith.constant 0 : i32
    %scan3A_3 = arith.constant 0 : i32
    %scan3A_4 = arith.constant 13 : i32
    %scan3A_5 = arith.addi %scan3A_3, %scan3A_4 : i32
    %scan3A_6 = arith.constant 1 : i32
    scf.for %scan3A_45 = %scan3A_3 to %scan3A_5 step %scan3A_6  : i32 {
      %mul3A_46 = arith.constant 6 : i32
      %mul3A_47 = arith.muli %scan3A_45, %mul3A_46 : i32
      %add3A_48 = arith.addi %mul3A_2, %mul3A_47 : i32
      %add3A_49 = arith.constant 0 : i32
      %add3A_50 = arith.addi %add3A_48, %add3A_49 : i32
      %mul3A_51 = arith.constant 128 : i32
      %mul3A_52 = arith.muli %add3A_50, %mul3A_51 : i32
      %multiple_of3A = tpu.assume_multiple %mul3A_52, 8 : i32
      %gt3A = arith.constant 0 : i32
      %gt3A_53 = arith.cmpi sgt, %scan3A_45, %gt3A : i32
      %convert_element_type3A_54 = arith.extui %gt3A_53 : i1 to i32
      %cond3A_55 = arith.constant 0 : i32
      %cond3A_56 = arith.cmpi ne, %convert_element_type3A_54, %cond3A_55 : i32
      scf.if %cond3A_56 {
        %dma_wait3A_253 = arith.constant 0 : i32
        %dma_wait3A_254 = arith.constant 0 : i32
        %dma_wait3A_255 = tpu.memref_slice %arg4[%dma_wait3A_253, %dma_wait3A_254] : memref<320000x128xf32, #tpu.memory_space<hbm>> -> memref<128x128xf32, #tpu.memory_space<hbm>>
        %dma_wait3A_256 = arith.constant 0 : i32
        %dma_wait3A_257 = arith.constant 0 : i32
        %dma_wait3A_258 = tpu.memref_slice %arg4[%dma_wait3A_256, %dma_wait3A_257] : memref<320000x128xf32, #tpu.memory_space<hbm>> -> memref<128x128xf32, #tpu.memory_space<hbm>>
        tpu.wait_dma2 semaphore(%arg29 : memref<!tpu.dma_semaphore, #tpu.memory_space<semaphore_mem>>) src(%arg11 : memref<128x128xf32, #tpu.memory_space<vmem>>) dst(%dma_wait3A_258 : memref<128x128xf32, #tpu.memory_space<hbm>>)
      } else {
      }
      %dma_start3A = tpu.memref_slice %arg3[%multiple_of3A] : memref<320000xi32, #tpu.memory_space<hbm>> -> memref<128xi32, #tpu.memory_space<hbm>>
      %dma_start3A_57 = tpu.memref_slice %arg3[%multiple_of3A] : memref<320000xi32, #tpu.memory_space<hbm>> -> memref<128xi32, #tpu.memory_space<hbm>>
      tpu.enqueue_dma source(%dma_start3A_57 : memref<128xi32, #tpu.memory_space<hbm>>) target(%arg5 : memref<128xi32, #tpu.memory_space<vmem>>) target_semaphore(%arg17 : memref<!tpu.dma_semaphore, #tpu.memory_space<semaphore_mem>>)
      %mul3A_58 = arith.constant 6 : i32
      %mul3A_59 = arith.muli %scan3A_45, %mul3A_58 : i32
      %add3A_60 = arith.addi %mul3A_2, %mul3A_59 : i32
      %add3A_61 = arith.constant 1 : i32
      %add3A_62 = arith.addi %add3A_60, %add3A_61 : i32
      %mul3A_63 = arith.constant 128 : i32
      %mul3A_64 = arith.muli %add3A_62, %mul3A_63 : i32
      %multiple_of3A_65 = tpu.assume_multiple %mul3A_64, 8 : i32
      %gt3A_66 = arith.constant 0 : i32
      %gt3A_67 = arith.cmpi sgt, %scan3A_45, %gt3A_66 : i32
      %convert_element_type3A_68 = arith.extui %gt3A_67 : i1 to i32
      %cond3A_69 = arith.constant 0 : i32
      %cond3A_70 = arith.cmpi ne, %convert_element_type3A_68, %cond3A_69 : i32
      scf.if %cond3A_70 {
        %dma_wait3A_253 = arith.constant 0 : i32
        %dma_wait3A_254 = arith.constant 0 : i32
        %dma_wait3A_255 = tpu.memref_slice %arg4[%dma_wait3A_253, %dma_wait3A_254] : memref<320000x128xf32, #tpu.memory_space<hbm>> -> memref<128x128xf32, #tpu.memory_space<hbm>>
        %dma_wait3A_256 = arith.constant 0 : i32
        %dma_wait3A_257 = arith.constant 0 : i32
        %dma_wait3A_258 = tpu.memref_slice %arg4[%dma_wait3A_256, %dma_wait3A_257] : memref<320000x128xf32, #tpu.memory_space<hbm>> -> memref<128x128xf32, #tpu.memory_space<hbm>>
        tpu.wait_dma2 semaphore(%arg30 : memref<!tpu.dma_semaphore, #tpu.memory_space<semaphore_mem>>) src(%arg12 : memref<128x128xf32, #tpu.memory_space<vmem>>) dst(%dma_wait3A_258 : memref<128x128xf32, #tpu.memory_space<hbm>>)
      } else {
      }
      %dma_start3A_71 = tpu.memref_slice %arg3[%multiple_of3A_65] : memref<320000xi32, #tpu.memory_space<hbm>> -> memref<128xi32, #tpu.memory_space<hbm>>
      %dma_start3A_72 = tpu.memref_slice %arg3[%multiple_of3A_65] : memref<320000xi32, #tpu.memory_space<hbm>> -> memref<128xi32, #tpu.memory_space<hbm>>
      tpu.enqueue_dma source(%dma_start3A_72 : memref<128xi32, #tpu.memory_space<hbm>>) target(%arg6 : memref<128xi32, #tpu.memory_space<vmem>>) target_semaphore(%arg18 : memref<!tpu.dma_semaphore, #tpu.memory_space<semaphore_mem>>)
      %mul3A_73 = arith.constant 6 : i32
      %mul3A_74 = arith.muli %scan3A_45, %mul3A_73 : i32
      %add3A_75 = arith.addi %mul3A_2, %mul3A_74 : i32
      %add3A_76 = arith.constant 2 : i32
      %add3A_77 = arith.addi %add3A_75, %add3A_76 : i32
      %mul3A_78 = arith.constant 128 : i32
      %mul3A_79 = arith.muli %add3A_77, %mul3A_78 : i32
      %multiple_of3A_80 = tpu.assume_multiple %mul3A_79, 8 : i32
      %gt3A_81 = arith.constant 0 : i32
      %gt3A_82 = arith.cmpi sgt, %scan3A_45, %gt3A_81 : i32
      %convert_element_type3A_83 = arith.extui %gt3A_82 : i1 to i32
      %cond3A_84 = arith.constant 0 : i32
      %cond3A_85 = arith.cmpi ne, %convert_element_type3A_83, %cond3A_84 : i32
      scf.if %cond3A_85 {
        %dma_wait3A_253 = arith.constant 0 : i32
        %dma_wait3A_254 = arith.constant 0 : i32
        %dma_wait3A_255 = tpu.memref_slice %arg4[%dma_wait3A_253, %dma_wait3A_254] : memref<320000x128xf32, #tpu.memory_space<hbm>> -> memref<128x128xf32, #tpu.memory_space<hbm>>
        %dma_wait3A_256 = arith.constant 0 : i32
        %dma_wait3A_257 = arith.constant 0 : i32
        %dma_wait3A_258 = tpu.memref_slice %arg4[%dma_wait3A_256, %dma_wait3A_257] : memref<320000x128xf32, #tpu.memory_space<hbm>> -> memref<128x128xf32, #tpu.memory_space<hbm>>
        tpu.wait_dma2 semaphore(%arg31 : memref<!tpu.dma_semaphore, #tpu.memory_space<semaphore_mem>>) src(%arg13 : memref<128x128xf32, #tpu.memory_space<vmem>>) dst(%dma_wait3A_258 : memref<128x128xf32, #tpu.memory_space<hbm>>)
      } else {
      }
      %dma_start3A_86 = tpu.memref_slice %arg3[%multiple_of3A_80] : memref<320000xi32, #tpu.memory_space<hbm>> -> memref<128xi32, #tpu.memory_space<hbm>>
      %dma_start3A_87 = tpu.memref_slice %arg3[%multiple_of3A_80] : memref<320000xi32, #tpu.memory_space<hbm>> -> memref<128xi32, #tpu.memory_space<hbm>>
      tpu.enqueue_dma source(%dma_start3A_87 : memref<128xi32, #tpu.memory_space<hbm>>) target(%arg7 : memref<128xi32, #tpu.memory_space<vmem>>) target_semaphore(%arg19 : memref<!tpu.dma_semaphore, #tpu.memory_space<semaphore_mem>>)
      %mul3A_88 = arith.constant 6 : i32
      %mul3A_89 = arith.muli %scan3A_45, %mul3A_88 : i32
      %add3A_90 = arith.addi %mul3A_2, %mul3A_89 : i32
      %add3A_91 = arith.constant 3 : i32
      %add3A_92 = arith.addi %add3A_90, %add3A_91 : i32
      %mul3A_93 = arith.constant 128 : i32
      %mul3A_94 = arith.muli %add3A_92, %mul3A_93 : i32
      %multiple_of3A_95 = tpu.assume_multiple %mul3A_94, 8 : i32
      %gt3A_96 = arith.constant 0 : i32
      %gt3A_97 = arith.cmpi sgt, %scan3A_45, %gt3A_96 : i32
      %convert_element_type3A_98 = arith.extui %gt3A_97 : i1 to i32
      %cond3A_99 = arith.constant 0 : i32
      %cond3A_100 = arith.cmpi ne, %convert_element_type3A_98, %cond3A_99 : i32
      scf.if %cond3A_100 {
        %dma_wait3A_253 = arith.constant 0 : i32
        %dma_wait3A_254 = arith.constant 0 : i32
        %dma_wait3A_255 = tpu.memref_slice %arg4[%dma_wait3A_253, %dma_wait3A_254] : memref<320000x128xf32, #tpu.memory_space<hbm>> -> memref<128x128xf32, #tpu.memory_space<hbm>>
        %dma_wait3A_256 = arith.constant 0 : i32
        %dma_wait3A_257 = arith.constant 0 : i32
        %dma_wait3A_258 = tpu.memref_slice %arg4[%dma_wait3A_256, %dma_wait3A_257] : memref<320000x128xf32, #tpu.memory_space<hbm>> -> memref<128x128xf32, #tpu.memory_space<hbm>>
        tpu.wait_dma2 semaphore(%arg32 : memref<!tpu.dma_semaphore, #tpu.memory_space<semaphore_mem>>) src(%arg14 : memref<128x128xf32, #tpu.memory_space<vmem>>) dst(%dma_wait3A_258 : memref<128x128xf32, #tpu.memory_space<hbm>>)
      } else {
      }
      %dma_start3A_101 = tpu.memref_slice %arg3[%multiple_of3A_95] : memref<320000xi32, #tpu.memory_space<hbm>> -> memref<128xi32, #tpu.memory_space<hbm>>
      %dma_start3A_102 = tpu.memref_slice %arg3[%multiple_of3A_95] : memref<320000xi32, #tpu.memory_space<hbm>> -> memref<128xi32, #tpu.memory_space<hbm>>
      tpu.enqueue_dma source(%dma_start3A_102 : memref<128xi32, #tpu.memory_space<hbm>>) target(%arg8 : memref<128xi32, #tpu.memory_space<vmem>>) target_semaphore(%arg20 : memref<!tpu.dma_semaphore, #tpu.memory_space<semaphore_mem>>)
      %mul3A_103 = arith.constant 6 : i32
      %mul3A_104 = arith.muli %scan3A_45, %mul3A_103 : i32
      %add3A_105 = arith.addi %mul3A_2, %mul3A_104 : i32
      %add3A_106 = arith.constant 4 : i32
      %add3A_107 = arith.addi %add3A_105, %add3A_106 : i32
      %mul3A_108 = arith.constant 128 : i32
      %mul3A_109 = arith.muli %add3A_107, %mul3A_108 : i32
      %multiple_of3A_110 = tpu.assume_multiple %mul3A_109, 8 : i32
      %gt3A_111 = arith.constant 0 : i32
      %gt3A_112 = arith.cmpi sgt, %scan3A_45, %gt3A_111 : i32
      %convert_element_type3A_113 = arith.extui %gt3A_112 : i1 to i32
      %cond3A_114 = arith.constant 0 : i32
      %cond3A_115 = arith.cmpi ne, %convert_element_type3A_113, %cond3A_114 : i32
      scf.if %cond3A_115 {
        %dma_wait3A_253 = arith.constant 0 : i32
        %dma_wait3A_254 = arith.constant 0 : i32
        %dma_wait3A_255 = tpu.memref_slice %arg4[%dma_wait3A_253, %dma_wait3A_254] : memref<320000x128xf32, #tpu.memory_space<hbm>> -> memref<128x128xf32, #tpu.memory_space<hbm>>
        %dma_wait3A_256 = arith.constant 0 : i32
        %dma_wait3A_257 = arith.constant 0 : i32
        %dma_wait3A_258 = tpu.memref_slice %arg4[%dma_wait3A_256, %dma_wait3A_257] : memref<320000x128xf32, #tpu.memory_space<hbm>> -> memref<128x128xf32, #tpu.memory_space<hbm>>
        tpu.wait_dma2 semaphore(%arg33 : memref<!tpu.dma_semaphore, #tpu.memory_space<semaphore_mem>>) src(%arg15 : memref<128x128xf32, #tpu.memory_space<vmem>>) dst(%dma_wait3A_258 : memref<128x128xf32, #tpu.memory_space<hbm>>)
      } else {
      }
      %dma_start3A_116 = tpu.memref_slice %arg3[%multiple_of3A_110] : memref<320000xi32, #tpu.memory_space<hbm>> -> memref<128xi32, #tpu.memory_space<hbm>>
      %dma_start3A_117 = tpu.memref_slice %arg3[%multiple_of3A_110] : memref<320000xi32, #tpu.memory_space<hbm>> -> memref<128xi32, #tpu.memory_space<hbm>>
      tpu.enqueue_dma source(%dma_start3A_117 : memref<128xi32, #tpu.memory_space<hbm>>) target(%arg9 : memref<128xi32, #tpu.memory_space<vmem>>) target_semaphore(%arg21 : memref<!tpu.dma_semaphore, #tpu.memory_space<semaphore_mem>>)
      %mul3A_118 = arith.constant 6 : i32
      %mul3A_119 = arith.muli %scan3A_45, %mul3A_118 : i32
      %add3A_120 = arith.addi %mul3A_2, %mul3A_119 : i32
      %add3A_121 = arith.constant 5 : i32
      %add3A_122 = arith.addi %add3A_120, %add3A_121 : i32
      %mul3A_123 = arith.constant 128 : i32
      %mul3A_124 = arith.muli %add3A_122, %mul3A_123 : i32
      %multiple_of3A_125 = tpu.assume_multiple %mul3A_124, 8 : i32
      %gt3A_126 = arith.constant 0 : i32
      %gt3A_127 = arith.cmpi sgt, %scan3A_45, %gt3A_126 : i32
      %convert_element_type3A_128 = arith.extui %gt3A_127 : i1 to i32
      %cond3A_129 = arith.constant 0 : i32
      %cond3A_130 = arith.cmpi ne, %convert_element_type3A_128, %cond3A_129 : i32
      scf.if %cond3A_130 {
        %dma_wait3A_253 = arith.constant 0 : i32
        %dma_wait3A_254 = arith.constant 0 : i32
        %dma_wait3A_255 = tpu.memref_slice %arg4[%dma_wait3A_253, %dma_wait3A_254] : memref<320000x128xf32, #tpu.memory_space<hbm>> -> memref<128x128xf32, #tpu.memory_space<hbm>>
        %dma_wait3A_256 = arith.constant 0 : i32
        %dma_wait3A_257 = arith.constant 0 : i32
        %dma_wait3A_258 = tpu.memref_slice %arg4[%dma_wait3A_256, %dma_wait3A_257] : memref<320000x128xf32, #tpu.memory_space<hbm>> -> memref<128x128xf32, #tpu.memory_space<hbm>>
        tpu.wait_dma2 semaphore(%arg34 : memref<!tpu.dma_semaphore, #tpu.memory_space<semaphore_mem>>) src(%arg16 : memref<128x128xf32, #tpu.memory_space<vmem>>) dst(%dma_wait3A_258 : memref<128x128xf32, #tpu.memory_space<hbm>>)
      } else {
      }
      %dma_start3A_131 = tpu.memref_slice %arg3[%multiple_of3A_125] : memref<320000xi32, #tpu.memory_space<hbm>> -> memref<128xi32, #tpu.memory_space<hbm>>
      %dma_start3A_132 = tpu.memref_slice %arg3[%multiple_of3A_125] : memref<320000xi32, #tpu.memory_space<hbm>> -> memref<128xi32, #tpu.memory_space<hbm>>
      tpu.enqueue_dma source(%dma_start3A_132 : memref<128xi32, #tpu.memory_space<hbm>>) target(%arg10 : memref<128xi32, #tpu.memory_space<vmem>>) target_semaphore(%arg22 : memref<!tpu.dma_semaphore, #tpu.memory_space<semaphore_mem>>)
      %dma_wait3A_133 = tpu.memref_slice %arg3[%multiple_of3A] : memref<320000xi32, #tpu.memory_space<hbm>> -> memref<128xi32, #tpu.memory_space<hbm>>
      %dma_wait3A_134 = tpu.memref_slice %arg3[%multiple_of3A] : memref<320000xi32, #tpu.memory_space<hbm>> -> memref<128xi32, #tpu.memory_space<hbm>>
      tpu.wait_dma2 semaphore(%arg17 : memref<!tpu.dma_semaphore, #tpu.memory_space<semaphore_mem>>) src(%dma_wait3A_134 : memref<128xi32, #tpu.memory_space<hbm>>) dst(%arg5 : memref<128xi32, #tpu.memory_space<vmem>>)
      %dma_start3A_135 = arith.constant 0 : i32
      %dma_start3A_136 = arith.constant 0 : i32
      %dma_start3A_137 = tpu.memref_slice %arg2[%dma_start3A_135, %dma_start3A_136] : memref<10000x128xf32, #tpu.memory_space<hbm>> -> memref<10000x128xf32, #tpu.memory_space<hbm>>
      tpu.enqueue_indirect_dma source(%dma_start3A_137 : memref<10000x128xf32, #tpu.memory_space<hbm>>) target(%arg11 : memref<128x128xf32, #tpu.memory_space<vmem>>) offsets(%arg5 : memref<128xi32, #tpu.memory_space<vmem>>) semaphore(%arg23 : memref<!tpu.dma_semaphore, #tpu.memory_space<semaphore_mem>>)
      %dma_wait3A_138 = tpu.memref_slice %arg3[%multiple_of3A_65] : memref<320000xi32, #tpu.memory_space<hbm>> -> memref<128xi32, #tpu.memory_space<hbm>>
      %dma_wait3A_139 = tpu.memref_slice %arg3[%multiple_of3A_65] : memref<320000xi32, #tpu.memory_space<hbm>> -> memref<128xi32, #tpu.memory_space<hbm>>
      tpu.wait_dma2 semaphore(%arg18 : memref<!tpu.dma_semaphore, #tpu.memory_space<semaphore_mem>>) src(%dma_wait3A_139 : memref<128xi32, #tpu.memory_space<hbm>>) dst(%arg6 : memref<128xi32, #tpu.memory_space<vmem>>)
      %dma_start3A_140 = arith.constant 0 : i32
      %dma_start3A_141 = arith.constant 0 : i32
      %dma_start3A_142 = tpu.memref_slice %arg2[%dma_start3A_140, %dma_start3A_141] : memref<10000x128xf32, #tpu.memory_space<hbm>> -> memref<10000x128xf32, #tpu.memory_space<hbm>>
      tpu.enqueue_indirect_dma source(%dma_start3A_142 : memref<10000x128xf32, #tpu.memory_space<hbm>>) target(%arg12 : memref<128x128xf32, #tpu.memory_space<vmem>>) offsets(%arg6 : memref<128xi32, #tpu.memory_space<vmem>>) semaphore(%arg24 : memref<!tpu.dma_semaphore, #tpu.memory_space<semaphore_mem>>)
      %dma_wait3A_143 = tpu.memref_slice %arg3[%multiple_of3A_80] : memref<320000xi32, #tpu.memory_space<hbm>> -> memref<128xi32, #tpu.memory_space<hbm>>
      %dma_wait3A_144 = tpu.memref_slice %arg3[%multiple_of3A_80] : memref<320000xi32, #tpu.memory_space<hbm>> -> memref<128xi32, #tpu.memory_space<hbm>>
      tpu.wait_dma2 semaphore(%arg19 : memref<!tpu.dma_semaphore, #tpu.memory_space<semaphore_mem>>) src(%dma_wait3A_144 : memref<128xi32, #tpu.memory_space<hbm>>) dst(%arg7 : memref<128xi32, #tpu.memory_space<vmem>>)
      %dma_start3A_145 = arith.constant 0 : i32
      %dma_start3A_146 = arith.constant 0 : i32
      %dma_start3A_147 = tpu.memref_slice %arg2[%dma_start3A_145, %dma_start3A_146] : memref<10000x128xf32, #tpu.memory_space<hbm>> -> memref<10000x128xf32, #tpu.memory_space<hbm>>
      tpu.enqueue_indirect_dma source(%dma_start3A_147 : memref<10000x128xf32, #tpu.memory_space<hbm>>) target(%arg13 : memref<128x128xf32, #tpu.memory_space<vmem>>) offsets(%arg7 : memref<128xi32, #tpu.memory_space<vmem>>) semaphore(%arg25 : memref<!tpu.dma_semaphore, #tpu.memory_space<semaphore_mem>>)
      %dma_wait3A_148 = tpu.memref_slice %arg3[%multiple_of3A_95] : memref<320000xi32, #tpu.memory_space<hbm>> -> memref<128xi32, #tpu.memory_space<hbm>>
      %dma_wait3A_149 = tpu.memref_slice %arg3[%multiple_of3A_95] : memref<320000xi32, #tpu.memory_space<hbm>> -> memref<128xi32, #tpu.memory_space<hbm>>
      tpu.wait_dma2 semaphore(%arg20 : memref<!tpu.dma_semaphore, #tpu.memory_space<semaphore_mem>>) src(%dma_wait3A_149 : memref<128xi32, #tpu.memory_space<hbm>>) dst(%arg8 : memref<128xi32, #tpu.memory_space<vmem>>)
      %dma_start3A_150 = arith.constant 0 : i32
      %dma_start3A_151 = arith.constant 0 : i32
      %dma_start3A_152 = tpu.memref_slice %arg2[%dma_start3A_150, %dma_start3A_151] : memref<10000x128xf32, #tpu.memory_space<hbm>> -> memref<10000x128xf32, #tpu.memory_space<hbm>>
      tpu.enqueue_indirect_dma source(%dma_start3A_152 : memref<10000x128xf32, #tpu.memory_space<hbm>>) target(%arg14 : memref<128x128xf32, #tpu.memory_space<vmem>>) offsets(%arg8 : memref<128xi32, #tpu.memory_space<vmem>>) semaphore(%arg26 : memref<!tpu.dma_semaphore, #tpu.memory_space<semaphore_mem>>)
      %dma_wait3A_153 = tpu.memref_slice %arg3[%multiple_of3A_110] : memref<320000xi32, #tpu.memory_space<hbm>> -> memref<128xi32, #tpu.memory_space<hbm>>
      %dma_wait3A_154 = tpu.memref_slice %arg3[%multiple_of3A_110] : memref<320000xi32, #tpu.memory_space<hbm>> -> memref<128xi32, #tpu.memory_space<hbm>>
      tpu.wait_dma2 semaphore(%arg21 : memref<!tpu.dma_semaphore, #tpu.memory_space<semaphore_mem>>) src(%dma_wait3A_154 : memref<128xi32, #tpu.memory_space<hbm>>) dst(%arg9 : memref<128xi32, #tpu.memory_space<vmem>>)
      %dma_start3A_155 = arith.constant 0 : i32
      %dma_start3A_156 = arith.constant 0 : i32
      %dma_start3A_157 = tpu.memref_slice %arg2[%dma_start3A_155, %dma_start3A_156] : memref<10000x128xf32, #tpu.memory_space<hbm>> -> memref<10000x128xf32, #tpu.memory_space<hbm>>
      tpu.enqueue_indirect_dma source(%dma_start3A_157 : memref<10000x128xf32, #tpu.memory_space<hbm>>) target(%arg15 : memref<128x128xf32, #tpu.memory_space<vmem>>) offsets(%arg9 : memref<128xi32, #tpu.memory_space<vmem>>) semaphore(%arg27 : memref<!tpu.dma_semaphore, #tpu.memory_space<semaphore_mem>>)
      %dma_wait3A_158 = tpu.memref_slice %arg3[%multiple_of3A_125] : memref<320000xi32, #tpu.memory_space<hbm>> -> memref<128xi32, #tpu.memory_space<hbm>>
      %dma_wait3A_159 = tpu.memref_slice %arg3[%multiple_of3A_125] : memref<320000xi32, #tpu.memory_space<hbm>> -> memref<128xi32, #tpu.memory_space<hbm>>
      tpu.wait_dma2 semaphore(%arg22 : memref<!tpu.dma_semaphore, #tpu.memory_space<semaphore_mem>>) src(%dma_wait3A_159 : memref<128xi32, #tpu.memory_space<hbm>>) dst(%arg10 : memref<128xi32, #tpu.memory_space<vmem>>)
      %dma_start3A_160 = arith.constant 0 : i32
      %dma_start3A_161 = arith.constant 0 : i32
      %dma_start3A_162 = tpu.memref_slice %arg2[%dma_start3A_160, %dma_start3A_161] : memref<10000x128xf32, #tpu.memory_space<hbm>> -> memref<10000x128xf32, #tpu.memory_space<hbm>>
      tpu.enqueue_indirect_dma source(%dma_start3A_162 : memref<10000x128xf32, #tpu.memory_space<hbm>>) target(%arg16 : memref<128x128xf32, #tpu.memory_space<vmem>>) offsets(%arg10 : memref<128xi32, #tpu.memory_space<vmem>>) semaphore(%arg28 : memref<!tpu.dma_semaphore, #tpu.memory_space<semaphore_mem>>)
      %mul3A_163 = arith.constant 6 : i32
      %mul3A_164 = arith.muli %scan3A_45, %mul3A_163 : i32
      %add3A_165 = arith.addi %mul3A_2, %mul3A_164 : i32
      %add3A_166 = arith.constant 0 : i32
      %add3A_167 = arith.addi %add3A_165, %add3A_166 : i32
      %mul3A_168 = arith.constant 128 : i32
      %mul3A_169 = arith.muli %add3A_167, %mul3A_168 : i32
      %multiple_of3A_170 = tpu.assume_multiple %mul3A_169, 8 : i32
      %dma_wait3A_171 = arith.constant 0 : i32
      %dma_wait3A_172 = arith.constant 0 : i32
      %dma_wait3A_173 = tpu.memref_slice %arg2[%dma_wait3A_171, %dma_wait3A_172] : memref<10000x128xf32, #tpu.memory_space<hbm>> -> memref<10000x128xf32, #tpu.memory_space<hbm>>
      tpu.wait_indirect_dma semaphore(%arg23 : memref<!tpu.dma_semaphore, #tpu.memory_space<semaphore_mem>>) src(%dma_wait3A_173 : memref<10000x128xf32, #tpu.memory_space<hbm>>) dst(%arg11 : memref<128x128xf32, #tpu.memory_space<vmem>>)
      %dma_start3A_174 = arith.constant 0 : i32
      %dma_start3A_175 = tpu.memref_slice %arg4[%multiple_of3A_170, %dma_start3A_174] : memref<320000x128xf32, #tpu.memory_space<hbm>> -> memref<128x128xf32, #tpu.memory_space<hbm>>
      %dma_start3A_176 = arith.constant 0 : i32
      %dma_start3A_177 = tpu.memref_slice %arg4[%multiple_of3A_170, %dma_start3A_176] : memref<320000x128xf32, #tpu.memory_space<hbm>> -> memref<128x128xf32, #tpu.memory_space<hbm>>
      tpu.enqueue_dma source(%arg11 : memref<128x128xf32, #tpu.memory_space<vmem>>) target(%dma_start3A_177 : memref<128x128xf32, #tpu.memory_space<hbm>>) target_semaphore(%arg29 : memref<!tpu.dma_semaphore, #tpu.memory_space<semaphore_mem>>)
      %mul3A_178 = arith.constant 6 : i32
      %mul3A_179 = arith.muli %scan3A_45, %mul3A_178 : i32
      %add3A_180 = arith.addi %mul3A_2, %mul3A_179 : i32
      %add3A_181 = arith.constant 1 : i32
      %add3A_182 = arith.addi %add3A_180, %add3A_181 : i32
      %mul3A_183 = arith.constant 128 : i32
      %mul3A_184 = arith.muli %add3A_182, %mul3A_183 : i32
      %multiple_of3A_185 = tpu.assume_multiple %mul3A_184, 8 : i32
      %dma_wait3A_186 = arith.constant 0 : i32
      %dma_wait3A_187 = arith.constant 0 : i32
      %dma_wait3A_188 = tpu.memref_slice %arg2[%dma_wait3A_186, %dma_wait3A_187] : memref<10000x128xf32, #tpu.memory_space<hbm>> -> memref<10000x128xf32, #tpu.memory_space<hbm>>
      tpu.wait_indirect_dma semaphore(%arg24 : memref<!tpu.dma_semaphore, #tpu.memory_space<semaphore_mem>>) src(%dma_wait3A_188 : memref<10000x128xf32, #tpu.memory_space<hbm>>) dst(%arg12 : memref<128x128xf32, #tpu.memory_space<vmem>>)
      %dma_start3A_189 = arith.constant 0 : i32
      %dma_start3A_190 = tpu.memref_slice %arg4[%multiple_of3A_185, %dma_start3A_189] : memref<320000x128xf32, #tpu.memory_space<hbm>> -> memref<128x128xf32, #tpu.memory_space<hbm>>
      %dma_start3A_191 = arith.constant 0 : i32
      %dma_start3A_192 = tpu.memref_slice %arg4[%multiple_of3A_185, %dma_start3A_191] : memref<320000x128xf32, #tpu.memory_space<hbm>> -> memref<128x128xf32, #tpu.memory_space<hbm>>
      tpu.enqueue_dma source(%arg12 : memref<128x128xf32, #tpu.memory_space<vmem>>) target(%dma_start3A_192 : memref<128x128xf32, #tpu.memory_space<hbm>>) target_semaphore(%arg30 : memref<!tpu.dma_semaphore, #tpu.memory_space<semaphore_mem>>)
      %mul3A_193 = arith.constant 6 : i32
      %mul3A_194 = arith.muli %scan3A_45, %mul3A_193 : i32
      %add3A_195 = arith.addi %mul3A_2, %mul3A_194 : i32
      %add3A_196 = arith.constant 2 : i32
      %add3A_197 = arith.addi %add3A_195, %add3A_196 : i32
      %mul3A_198 = arith.constant 128 : i32
      %mul3A_199 = arith.muli %add3A_197, %mul3A_198 : i32
      %multiple_of3A_200 = tpu.assume_multiple %mul3A_199, 8 : i32
      %dma_wait3A_201 = arith.constant 0 : i32
      %dma_wait3A_202 = arith.constant 0 : i32
      %dma_wait3A_203 = tpu.memref_slice %arg2[%dma_wait3A_201, %dma_wait3A_202] : memref<10000x128xf32, #tpu.memory_space<hbm>> -> memref<10000x128xf32, #tpu.memory_space<hbm>>
      tpu.wait_indirect_dma semaphore(%arg25 : memref<!tpu.dma_semaphore, #tpu.memory_space<semaphore_mem>>) src(%dma_wait3A_203 : memref<10000x128xf32, #tpu.memory_space<hbm>>) dst(%arg13 : memref<128x128xf32, #tpu.memory_space<vmem>>)
      %dma_start3A_204 = arith.constant 0 : i32
      %dma_start3A_205 = tpu.memref_slice %arg4[%multiple_of3A_200, %dma_start3A_204] : memref<320000x128xf32, #tpu.memory_space<hbm>> -> memref<128x128xf32, #tpu.memory_space<hbm>>
      %dma_start3A_206 = arith.constant 0 : i32
      %dma_start3A_207 = tpu.memref_slice %arg4[%multiple_of3A_200, %dma_start3A_206] : memref<320000x128xf32, #tpu.memory_space<hbm>> -> memref<128x128xf32, #tpu.memory_space<hbm>>
      tpu.enqueue_dma source(%arg13 : memref<128x128xf32, #tpu.memory_space<vmem>>) target(%dma_start3A_207 : memref<128x128xf32, #tpu.memory_space<hbm>>) target_semaphore(%arg31 : memref<!tpu.dma_semaphore, #tpu.memory_space<semaphore_mem>>)
      %mul3A_208 = arith.constant 6 : i32
      %mul3A_209 = arith.muli %scan3A_45, %mul3A_208 : i32
      %add3A_210 = arith.addi %mul3A_2, %mul3A_209 : i32
      %add3A_211 = arith.constant 3 : i32
      %add3A_212 = arith.addi %add3A_210, %add3A_211 : i32
      %mul3A_213 = arith.constant 128 : i32
      %mul3A_214 = arith.muli %add3A_212, %mul3A_213 : i32
      %multiple_of3A_215 = tpu.assume_multiple %mul3A_214, 8 : i32
      %dma_wait3A_216 = arith.constant 0 : i32
      %dma_wait3A_217 = arith.constant 0 : i32
      %dma_wait3A_218 = tpu.memref_slice %arg2[%dma_wait3A_216, %dma_wait3A_217] : memref<10000x128xf32, #tpu.memory_space<hbm>> -> memref<10000x128xf32, #tpu.memory_space<hbm>>
      tpu.wait_indirect_dma semaphore(%arg26 : memref<!tpu.dma_semaphore, #tpu.memory_space<semaphore_mem>>) src(%dma_wait3A_218 : memref<10000x128xf32, #tpu.memory_space<hbm>>) dst(%arg14 : memref<128x128xf32, #tpu.memory_space<vmem>>)
      %dma_start3A_219 = arith.constant 0 : i32
      %dma_start3A_220 = tpu.memref_slice %arg4[%multiple_of3A_215, %dma_start3A_219] : memref<320000x128xf32, #tpu.memory_space<hbm>> -> memref<128x128xf32, #tpu.memory_space<hbm>>
      %dma_start3A_221 = arith.constant 0 : i32
      %dma_start3A_222 = tpu.memref_slice %arg4[%multiple_of3A_215, %dma_start3A_221] : memref<320000x128xf32, #tpu.memory_space<hbm>> -> memref<128x128xf32, #tpu.memory_space<hbm>>
      tpu.enqueue_dma source(%arg14 : memref<128x128xf32, #tpu.memory_space<vmem>>) target(%dma_start3A_222 : memref<128x128xf32, #tpu.memory_space<hbm>>) target_semaphore(%arg32 : memref<!tpu.dma_semaphore, #tpu.memory_space<semaphore_mem>>)
      %mul3A_223 = arith.constant 6 : i32
      %mul3A_224 = arith.muli %scan3A_45, %mul3A_223 : i32
      %add3A_225 = arith.addi %mul3A_2, %mul3A_224 : i32
      %add3A_226 = arith.constant 4 : i32
      %add3A_227 = arith.addi %add3A_225, %add3A_226 : i32
      %mul3A_228 = arith.constant 128 : i32
      %mul3A_229 = arith.muli %add3A_227, %mul3A_228 : i32
      %multiple_of3A_230 = tpu.assume_multiple %mul3A_229, 8 : i32
      %dma_wait3A_231 = arith.constant 0 : i32
      %dma_wait3A_232 = arith.constant 0 : i32
      %dma_wait3A_233 = tpu.memref_slice %arg2[%dma_wait3A_231, %dma_wait3A_232] : memref<10000x128xf32, #tpu.memory_space<hbm>> -> memref<10000x128xf32, #tpu.memory_space<hbm>>
      tpu.wait_indirect_dma semaphore(%arg27 : memref<!tpu.dma_semaphore, #tpu.memory_space<semaphore_mem>>) src(%dma_wait3A_233 : memref<10000x128xf32, #tpu.memory_space<hbm>>) dst(%arg15 : memref<128x128xf32, #tpu.memory_space<vmem>>)
      %dma_start3A_234 = arith.constant 0 : i32
      %dma_start3A_235 = tpu.memref_slice %arg4[%multiple_of3A_230, %dma_start3A_234] : memref<320000x128xf32, #tpu.memory_space<hbm>> -> memref<128x128xf32, #tpu.memory_space<hbm>>
      %dma_start3A_236 = arith.constant 0 : i32
      %dma_start3A_237 = tpu.memref_slice %arg4[%multiple_of3A_230, %dma_start3A_236] : memref<320000x128xf32, #tpu.memory_space<hbm>> -> memref<128x128xf32, #tpu.memory_space<hbm>>
      tpu.enqueue_dma source(%arg15 : memref<128x128xf32, #tpu.memory_space<vmem>>) target(%dma_start3A_237 : memref<128x128xf32, #tpu.memory_space<hbm>>) target_semaphore(%arg33 : memref<!tpu.dma_semaphore, #tpu.memory_space<semaphore_mem>>)
      %mul3A_238 = arith.constant 6 : i32
      %mul3A_239 = arith.muli %scan3A_45, %mul3A_238 : i32
      %add3A_240 = arith.addi %mul3A_2, %mul3A_239 : i32
      %add3A_241 = arith.constant 5 : i32
      %add3A_242 = arith.addi %add3A_240, %add3A_241 : i32
      %mul3A_243 = arith.constant 128 : i32
      %mul3A_244 = arith.muli %add3A_242, %mul3A_243 : i32
      %multiple_of3A_245 = tpu.assume_multiple %mul3A_244, 8 : i32
      %dma_wait3A_246 = arith.constant 0 : i32
      %dma_wait3A_247 = arith.constant 0 : i32
      %dma_wait3A_248 = tpu.memref_slice %arg2[%dma_wait3A_246, %dma_wait3A_247] : memref<10000x128xf32, #tpu.memory_space<hbm>> -> memref<10000x128xf32, #tpu.memory_space<hbm>>
      tpu.wait_indirect_dma semaphore(%arg28 : memref<!tpu.dma_semaphore, #tpu.memory_space<semaphore_mem>>) src(%dma_wait3A_248 : memref<10000x128xf32, #tpu.memory_space<hbm>>) dst(%arg16 : memref<128x128xf32, #tpu.memory_space<vmem>>)
      %dma_start3A_249 = arith.constant 0 : i32
      %dma_start3A_250 = tpu.memref_slice %arg4[%multiple_of3A_245, %dma_start3A_249] : memref<320000x128xf32, #tpu.memory_space<hbm>> -> memref<128x128xf32, #tpu.memory_space<hbm>>
      %dma_start3A_251 = arith.constant 0 : i32
      %dma_start3A_252 = tpu.memref_slice %arg4[%multiple_of3A_245, %dma_start3A_251] : memref<320000x128xf32, #tpu.memory_space<hbm>> -> memref<128x128xf32, #tpu.memory_space<hbm>>
      tpu.enqueue_dma source(%arg16 : memref<128x128xf32, #tpu.memory_space<vmem>>) target(%dma_start3A_252 : memref<128x128xf32, #tpu.memory_space<hbm>>) target_semaphore(%arg34 : memref<!tpu.dma_semaphore, #tpu.memory_space<semaphore_mem>>)
    }
    %scan3A_7 = arith.constant 13 : i32
    %dma_wait3A = arith.constant 0 : i32
    %dma_wait3A_8 = arith.constant 0 : i32
    %dma_wait3A_9 = tpu.memref_slice %arg4[%dma_wait3A, %dma_wait3A_8] : memref<320000x128xf32, #tpu.memory_space<hbm>> -> memref<128x128xf32, #tpu.memory_space<hbm>>
    %dma_wait3A_10 = arith.constant 0 : i32
    %dma_wait3A_11 = arith.constant 0 : i32
    %dma_wait3A_12 = tpu.memref_slice %arg4[%dma_wait3A_10, %dma_wait3A_11] : memref<320000x128xf32, #tpu.memory_space<hbm>> -> memref<128x128xf32, #tpu.memory_space<hbm>>
    tpu.wait_dma2 semaphore(%arg29 : memref<!tpu.dma_semaphore, #tpu.memory_space<semaphore_mem>>) src(%arg11 : memref<128x128xf32, #tpu.memory_space<vmem>>) dst(%dma_wait3A_12 : memref<128x128xf32, #tpu.memory_space<hbm>>)
    %dma_wait3A_13 = arith.constant 0 : i32
    %dma_wait3A_14 = arith.constant 0 : i32
    %dma_wait3A_15 = tpu.memref_slice %arg4[%dma_wait3A_13, %dma_wait3A_14] : memref<320000x128xf32, #tpu.memory_space<hbm>> -> memref<128x128xf32, #tpu.memory_space<hbm>>
    %dma_wait3A_16 = arith.constant 0 : i32
    %dma_wait3A_17 = arith.constant 0 : i32
    %dma_wait3A_18 = tpu.memref_slice %arg4[%dma_wait3A_16, %dma_wait3A_17] : memref<320000x128xf32, #tpu.memory_space<hbm>> -> memref<128x128xf32, #tpu.memory_space<hbm>>
    tpu.wait_dma2 semaphore(%arg30 : memref<!tpu.dma_semaphore, #tpu.memory_space<semaphore_mem>>) src(%arg12 : memref<128x128xf32, #tpu.memory_space<vmem>>) dst(%dma_wait3A_18 : memref<128x128xf32, #tpu.memory_space<hbm>>)
    %dma_wait3A_19 = arith.constant 0 : i32
    %dma_wait3A_20 = arith.constant 0 : i32
    %dma_wait3A_21 = tpu.memref_slice %arg4[%dma_wait3A_19, %dma_wait3A_20] : memref<320000x128xf32, #tpu.memory_space<hbm>> -> memref<128x128xf32, #tpu.memory_space<hbm>>
    %dma_wait3A_22 = arith.constant 0 : i32
    %dma_wait3A_23 = arith.constant 0 : i32
    %dma_wait3A_24 = tpu.memref_slice %arg4[%dma_wait3A_22, %dma_wait3A_23] : memref<320000x128xf32, #tpu.memory_space<hbm>> -> memref<128x128xf32, #tpu.memory_space<hbm>>
    tpu.wait_dma2 semaphore(%arg31 : memref<!tpu.dma_semaphore, #tpu.memory_space<semaphore_mem>>) src(%arg13 : memref<128x128xf32, #tpu.memory_space<vmem>>) dst(%dma_wait3A_24 : memref<128x128xf32, #tpu.memory_space<hbm>>)
    %dma_wait3A_25 = arith.constant 0 : i32
    %dma_wait3A_26 = arith.constant 0 : i32
    %dma_wait3A_27 = tpu.memref_slice %arg4[%dma_wait3A_25, %dma_wait3A_26] : memref<320000x128xf32, #tpu.memory_space<hbm>> -> memref<128x128xf32, #tpu.memory_space<hbm>>
    %dma_wait3A_28 = arith.constant 0 : i32
    %dma_wait3A_29 = arith.constant 0 : i32
    %dma_wait3A_30 = tpu.memref_slice %arg4[%dma_wait3A_28, %dma_wait3A_29] : memref<320000x128xf32, #tpu.memory_space<hbm>> -> memref<128x128xf32, #tpu.memory_space<hbm>>
    tpu.wait_dma2 semaphore(%arg32 : memref<!tpu.dma_semaphore, #tpu.memory_space<semaphore_mem>>) src(%arg14 : memref<128x128xf32, #tpu.memory_space<vmem>>) dst(%dma_wait3A_30 : memref<128x128xf32, #tpu.memory_space<hbm>>)
    %dma_wait3A_31 = arith.constant 0 : i32
    %dma_wait3A_32 = arith.constant 0 : i32
    %dma_wait3A_33 = tpu.memref_slice %arg4[%dma_wait3A_31, %dma_wait3A_32] : memref<320000x128xf32, #tpu.memory_space<hbm>> -> memref<128x128xf32, #tpu.memory_space<hbm>>
    %dma_wait3A_34 = arith.constant 0 : i32
    %dma_wait3A_35 = arith.constant 0 : i32
    %dma_wait3A_36 = tpu.memref_slice %arg4[%dma_wait3A_34, %dma_wait3A_35] : memref<320000x128xf32, #tpu.memory_space<hbm>> -> memref<128x128xf32, #tpu.memory_space<hbm>>
    tpu.wait_dma2 semaphore(%arg33 : memref<!tpu.dma_semaphore, #tpu.memory_space<semaphore_mem>>) src(%arg15 : memref<128x128xf32, #tpu.memory_space<vmem>>) dst(%dma_wait3A_36 : memref<128x128xf32, #tpu.memory_space<hbm>>)
    %dma_wait3A_37 = arith.constant 0 : i32
    %dma_wait3A_38 = arith.constant 0 : i32
    %dma_wait3A_39 = tpu.memref_slice %arg4[%dma_wait3A_37, %dma_wait3A_38] : memref<320000x128xf32, #tpu.memory_space<hbm>> -> memref<128x128xf32, #tpu.memory_space<hbm>>
    %dma_wait3A_40 = arith.constant 0 : i32
    %dma_wait3A_41 = arith.constant 0 : i32
    %dma_wait3A_42 = tpu.memref_slice %arg4[%dma_wait3A_40, %dma_wait3A_41] : memref<320000x128xf32, #tpu.memory_space<hbm>> -> memref<128x128xf32, #tpu.memory_space<hbm>>
    tpu.wait_dma2 semaphore(%arg34 : memref<!tpu.dma_semaphore, #tpu.memory_space<semaphore_mem>>) src(%arg16 : memref<128x128xf32, #tpu.memory_space<vmem>>) dst(%dma_wait3A_42 : memref<128x128xf32, #tpu.memory_space<hbm>>)
    %lt3A = arith.constant 4 : i32
    %lt3A_43 = arith.cmpi slt, %add3A, %lt3A : i32
    %convert_element_type3A = arith.extui %lt3A_43 : i1 to i32
    %cond3A = arith.constant 0 : i32
    %cond3A_44 = arith.cmpi ne, %convert_element_type3A, %cond3A : i32
    scf.if %cond3A_44 {
      %add3A_45 = arith.constant 2496 : i32
      %add3A_46 = arith.addi %add3A_45, %add3A : i32
      %mul3A_47 = arith.constant 128 : i32
      %mul3A_48 = arith.muli %add3A_46, %mul3A_47 : i32
      %multiple_of3A = tpu.assume_multiple %mul3A_48, 8 : i32
      "tpu.region"() ({
        %run_scoped3A = tpu.sem_alloc : memref<!tpu.dma_semaphore, #tpu.memory_space<semaphore_mem>>
        %dma_start3A_54 = tpu.memref_slice %arg3[%multiple_of3A] : memref<320000xi32, #tpu.memory_space<hbm>> -> memref<128xi32, #tpu.memory_space<hbm>>
        %dma_start3A_55 = tpu.memref_slice %arg3[%multiple_of3A] : memref<320000xi32, #tpu.memory_space<hbm>> -> memref<128xi32, #tpu.memory_space<hbm>>
        tpu.enqueue_dma source(%dma_start3A_55 : memref<128xi32, #tpu.memory_space<hbm>>) target(%arg5 : memref<128xi32, #tpu.memory_space<vmem>>) target_semaphore(%run_scoped3A : memref<!tpu.dma_semaphore, #tpu.memory_space<semaphore_mem>>)
        %dma_wait3A_56 = tpu.memref_slice %arg3[%multiple_of3A] : memref<320000xi32, #tpu.memory_space<hbm>> -> memref<128xi32, #tpu.memory_space<hbm>>
        %dma_wait3A_57 = tpu.memref_slice %arg3[%multiple_of3A] : memref<320000xi32, #tpu.memory_space<hbm>> -> memref<128xi32, #tpu.memory_space<hbm>>
        tpu.wait_dma2 semaphore(%run_scoped3A : memref<!tpu.dma_semaphore, #tpu.memory_space<semaphore_mem>>) src(%dma_wait3A_57 : memref<128xi32, #tpu.memory_space<hbm>>) dst(%arg5 : memref<128xi32, #tpu.memory_space<vmem>>)
        tpu.yield
      }) : () -> ()
      %dma_start3A = arith.constant 0 : i32
      %dma_start3A_49 = arith.constant 0 : i32
      %dma_start3A_50 = tpu.memref_slice %arg2[%dma_start3A, %dma_start3A_49] : memref<10000x128xf32, #tpu.memory_space<hbm>> -> memref<10000x128xf32, #tpu.memory_space<hbm>>
      tpu.enqueue_indirect_dma source(%dma_start3A_50 : memref<10000x128xf32, #tpu.memory_space<hbm>>) target(%arg11 : memref<128x128xf32, #tpu.memory_space<vmem>>) offsets(%arg5 : memref<128xi32, #tpu.memory_space<vmem>>) semaphore(%arg23 : memref<!tpu.dma_semaphore, #tpu.memory_space<semaphore_mem>>)
      %dma_wait3A_51 = arith.constant 0 : i32
      %dma_wait3A_52 = arith.constant 0 : i32
      %dma_wait3A_53 = tpu.memref_slice %arg2[%dma_wait3A_51, %dma_wait3A_52] : memref<10000x128xf32, #tpu.memory_space<hbm>> -> memref<10000x128xf32, #tpu.memory_space<hbm>>
      tpu.wait_indirect_dma semaphore(%arg23 : memref<!tpu.dma_semaphore, #tpu.memory_space<semaphore_mem>>) src(%dma_wait3A_53 : memref<10000x128xf32, #tpu.memory_space<hbm>>) dst(%arg11 : memref<128x128xf32, #tpu.memory_space<vmem>>)
      "tpu.region"() ({
        %run_scoped3A = tpu.sem_alloc : memref<!tpu.dma_semaphore, #tpu.memory_space<semaphore_mem>>
        %dma_start3A_54 = arith.constant 0 : i32
        %dma_start3A_55 = tpu.memref_slice %arg4[%multiple_of3A, %dma_start3A_54] : memref<320000x128xf32, #tpu.memory_space<hbm>> -> memref<128x128xf32, #tpu.memory_space<hbm>>
        %dma_start3A_56 = arith.constant 0 : i32
        %dma_start3A_57 = tpu.memref_slice %arg4[%multiple_of3A, %dma_start3A_56] : memref<320000x128xf32, #tpu.memory_space<hbm>> -> memref<128x128xf32, #tpu.memory_space<hbm>>
        tpu.enqueue_dma source(%arg11 : memref<128x128xf32, #tpu.memory_space<vmem>>) target(%dma_start3A_57 : memref<128x128xf32, #tpu.memory_space<hbm>>) target_semaphore(%run_scoped3A : memref<!tpu.dma_semaphore, #tpu.memory_space<semaphore_mem>>)
        %dma_wait3A_58 = arith.constant 0 : i32
        %dma_wait3A_59 = tpu.memref_slice %arg4[%multiple_of3A, %dma_wait3A_58] : memref<320000x128xf32, #tpu.memory_space<hbm>> -> memref<128x128xf32, #tpu.memory_space<hbm>>
        %dma_wait3A_60 = arith.constant 0 : i32
        %dma_wait3A_61 = tpu.memref_slice %arg4[%multiple_of3A, %dma_wait3A_60] : memref<320000x128xf32, #tpu.memory_space<hbm>> -> memref<128x128xf32, #tpu.memory_space<hbm>>
        tpu.wait_dma2 semaphore(%run_scoped3A : memref<!tpu.dma_semaphore, #tpu.memory_space<semaphore_mem>>) src(%arg11 : memref<128x128xf32, #tpu.memory_space<vmem>>) dst(%dma_wait3A_61 : memref<128x128xf32, #tpu.memory_space<hbm>>)
        tpu.yield
      }) : () -> ()
    } else {
    }
    return
  }
}

#map = affine_map<(d0, d1) -> (0, 0)>
#map1 = affine_map<(d0, d1) -> (0)>
module attributes {stable_mosaic.version = 14 : i64} {
  func.func @k(%arg0: i32, %arg1: i32, %arg2: memref<320000x128xf32, #tpu.memory_space<hbm>>, %arg3: memref<320000xi32, #tpu.memory_space<hbm>>, %arg4: memref<10112x128xf32, #tpu.memory_space<hbm>>, %arg5: memref<20224x128xf32, #tpu.memory_space<hbm>>, %arg6: memref<128xi32, #tpu.memory_space<vmem>>, %arg7: memref<128xi32, #tpu.memory_space<vmem>>, %arg8: memref<128xi32, #tpu.memory_space<vmem>>, %arg9: memref<128x128xf32, #tpu.memory_space<vmem>>, %arg10: memref<128x128xf32, #tpu.memory_space<vmem>>, %arg11: memref<128x128xf32, #tpu.memory_space<vmem>>, %arg12: memref<10112x128xf32, #tpu.memory_space<vmem_shared>>, %arg13: memref<!tpu.dma_semaphore, #tpu.memory_space<semaphore_mem>>, %arg14: memref<!tpu.dma_semaphore, #tpu.memory_space<semaphore_mem>>, %arg15: memref<!tpu.dma_semaphore, #tpu.memory_space<semaphore_mem>>, %arg16: memref<!tpu.dma_semaphore, #tpu.memory_space<semaphore_mem>>, %arg17: memref<!tpu.dma_semaphore, #tpu.memory_space<semaphore_mem>>, %arg18: memref<!tpu.dma_semaphore, #tpu.memory_space<semaphore_mem>>, %arg19: memref<!tpu.dma_semaphore, #tpu.memory_space<semaphore_mem>>, %arg20: memref<!tpu.dma_semaphore, #tpu.memory_space<semaphore_mem>>, %arg21: memref<!tpu.dma_semaphore, #tpu.memory_space<semaphore_mem>>) attributes {dimension_semantics = [#tpu.dimension_semantics<core_parallel>, #tpu.dimension_semantics<subcore_parallel>], iteration_bounds = array<i64: 2, 16>, scalar_prefetch = 0 : i64, scratch_operands = 16 : i64, tpu.core_type = #tpu.core_type<sc_vector_subcore>, window_params = [{transform_indices = #map}, {transform_indices = #map1}, {transform_indices = #map}, {transform_indices = #map}]} {
    %mul3A = arith.constant 2 : i32
    %mul3A_0 = arith.muli %arg1, %mul3A : i32
    %add3A = arith.addi %mul3A_0, %arg0 : i32
    %mul3A_1 = arith.constant 78 : i32
    %mul3A_2 = arith.muli %add3A, %mul3A_1 : i32
    %mul3A_3 = arith.constant 632 : i32
    %mul3A_4 = arith.muli %arg1, %mul3A_3 : i32
    "tpu.region"() ({
      %run_scoped3A = tpu.sem_alloc : memref<!tpu.dma_semaphore, #tpu.memory_space<semaphore_mem>>
      %dma_start3A = arith.constant 0 : i32
      %dma_start3A_24 = tpu.memref_slice %arg12[%mul3A_4, %dma_start3A] : memref<10112x128xf32, #tpu.memory_space<vmem_shared>> -> memref<632x128xf32, #tpu.memory_space<vmem_shared>>
      %dma_start3A_25 = arith.constant 0 : i32
      %dma_start3A_26 = tpu.memref_slice %arg4[%mul3A_4, %dma_start3A_25] : memref<10112x128xf32, #tpu.memory_space<hbm>> -> memref<632x128xf32, #tpu.memory_space<hbm>>
      tpu.enqueue_dma source(%dma_start3A_26 : memref<632x128xf32, #tpu.memory_space<hbm>>) target(%dma_start3A_24 : memref<632x128xf32, #tpu.memory_space<vmem_shared>>) target_semaphore(%run_scoped3A : memref<!tpu.dma_semaphore, #tpu.memory_space<semaphore_mem>>)
      %dma_wait3A_27 = arith.constant 0 : i32
      %dma_wait3A_28 = tpu.memref_slice %arg12[%mul3A_4, %dma_wait3A_27] : memref<10112x128xf32, #tpu.memory_space<vmem_shared>> -> memref<632x128xf32, #tpu.memory_space<vmem_shared>>
      %dma_wait3A_29 = arith.constant 0 : i32
      %dma_wait3A_30 = tpu.memref_slice %arg4[%mul3A_4, %dma_wait3A_29] : memref<10112x128xf32, #tpu.memory_space<hbm>> -> memref<632x128xf32, #tpu.memory_space<hbm>>
      tpu.wait_dma2 semaphore(%run_scoped3A : memref<!tpu.dma_semaphore, #tpu.memory_space<semaphore_mem>>) src(%dma_wait3A_30 : memref<632x128xf32, #tpu.memory_space<hbm>>) dst(%dma_wait3A_28 : memref<632x128xf32, #tpu.memory_space<vmem_shared>>)
      tpu.yield
    }) : () -> ()
    %barrier3A = arith.constant 0 : index
    tpu.barrier barrier_id(%barrier3A)
    %scan3A = arith.constant 0 : i32
    %scan3A_5 = arith.constant 0 : i32
    %scan3A_6 = arith.constant 26 : i32
    %scan3A_7 = arith.addi %scan3A_5, %scan3A_6 : i32
    %scan3A_8 = arith.constant 1 : i32
    scf.for %scan3A_24 = %scan3A_5 to %scan3A_7 step %scan3A_8  : i32 {
      %mul3A_25 = arith.constant 3 : i32
      %mul3A_26 = arith.muli %scan3A_24, %mul3A_25 : i32
      %add3A_27 = arith.addi %mul3A_2, %mul3A_26 : i32
      %add3A_28 = arith.constant 0 : i32
      %add3A_29 = arith.addi %add3A_27, %add3A_28 : i32
      %mul3A_30 = arith.constant 128 : i32
      %mul3A_31 = arith.muli %add3A_29, %mul3A_30 : i32
      %multiple_of3A = tpu.assume_multiple %mul3A_31, 8 : i32
      %gt3A = arith.constant 0 : i32
      %gt3A_32 = arith.cmpi sgt, %scan3A_24, %gt3A : i32
      %convert_element_type3A_33 = arith.extui %gt3A_32 : i1 to i32
      %cond3A_34 = arith.constant 0 : i32
      %cond3A_35 = arith.cmpi ne, %convert_element_type3A_33, %cond3A_34 : i32
      scf.if %cond3A_35 {
        %dma_wait3A_106 = arith.constant 0 : i32
        %dma_wait3A_107 = arith.constant 0 : i32
        %dma_wait3A_108 = tpu.memref_slice %arg12[%dma_wait3A_106, %dma_wait3A_107] : memref<10112x128xf32, #tpu.memory_space<vmem_shared>> -> memref<10112x128xf32, #tpu.memory_space<vmem_shared>>
        tpu.wait_indirect_dma semaphore(%arg19 : memref<!tpu.dma_semaphore, #tpu.memory_space<semaphore_mem>>) src(%arg9 : memref<128x128xf32, #tpu.memory_space<vmem>>) dst(%dma_wait3A_108 : memref<10112x128xf32, #tpu.memory_space<vmem_shared>>)
      } else {
      }
      %dma_start3A = tpu.memref_slice %arg3[%multiple_of3A] : memref<320000xi32, #tpu.memory_space<hbm>> -> memref<128xi32, #tpu.memory_space<hbm>>
      %dma_start3A_36 = tpu.memref_slice %arg3[%multiple_of3A] : memref<320000xi32, #tpu.memory_space<hbm>> -> memref<128xi32, #tpu.memory_space<hbm>>
      tpu.enqueue_dma source(%dma_start3A_36 : memref<128xi32, #tpu.memory_space<hbm>>) target(%arg6 : memref<128xi32, #tpu.memory_space<vmem>>) target_semaphore(%arg13 : memref<!tpu.dma_semaphore, #tpu.memory_space<semaphore_mem>>)
      %dma_start3A_37 = arith.constant 0 : i32
      %dma_start3A_38 = tpu.memref_slice %arg2[%multiple_of3A, %dma_start3A_37] : memref<320000x128xf32, #tpu.memory_space<hbm>> -> memref<128x128xf32, #tpu.memory_space<hbm>>
      %dma_start3A_39 = arith.constant 0 : i32
      %dma_start3A_40 = tpu.memref_slice %arg2[%multiple_of3A, %dma_start3A_39] : memref<320000x128xf32, #tpu.memory_space<hbm>> -> memref<128x128xf32, #tpu.memory_space<hbm>>
      tpu.enqueue_dma source(%dma_start3A_40 : memref<128x128xf32, #tpu.memory_space<hbm>>) target(%arg9 : memref<128x128xf32, #tpu.memory_space<vmem>>) target_semaphore(%arg16 : memref<!tpu.dma_semaphore, #tpu.memory_space<semaphore_mem>>)
      %mul3A_41 = arith.constant 3 : i32
      %mul3A_42 = arith.muli %scan3A_24, %mul3A_41 : i32
      %add3A_43 = arith.addi %mul3A_2, %mul3A_42 : i32
      %add3A_44 = arith.constant 1 : i32
      %add3A_45 = arith.addi %add3A_43, %add3A_44 : i32
      %mul3A_46 = arith.constant 128 : i32
      %mul3A_47 = arith.muli %add3A_45, %mul3A_46 : i32
      %multiple_of3A_48 = tpu.assume_multiple %mul3A_47, 8 : i32
      %gt3A_49 = arith.constant 0 : i32
      %gt3A_50 = arith.cmpi sgt, %scan3A_24, %gt3A_49 : i32
      %convert_element_type3A_51 = arith.extui %gt3A_50 : i1 to i32
      %cond3A_52 = arith.constant 0 : i32
      %cond3A_53 = arith.cmpi ne, %convert_element_type3A_51, %cond3A_52 : i32
      scf.if %cond3A_53 {
        %dma_wait3A_106 = arith.constant 0 : i32
        %dma_wait3A_107 = arith.constant 0 : i32
        %dma_wait3A_108 = tpu.memref_slice %arg12[%dma_wait3A_106, %dma_wait3A_107] : memref<10112x128xf32, #tpu.memory_space<vmem_shared>> -> memref<10112x128xf32, #tpu.memory_space<vmem_shared>>
        tpu.wait_indirect_dma semaphore(%arg20 : memref<!tpu.dma_semaphore, #tpu.memory_space<semaphore_mem>>) src(%arg10 : memref<128x128xf32, #tpu.memory_space<vmem>>) dst(%dma_wait3A_108 : memref<10112x128xf32, #tpu.memory_space<vmem_shared>>)
      } else {
      }
      %dma_start3A_54 = tpu.memref_slice %arg3[%multiple_of3A_48] : memref<320000xi32, #tpu.memory_space<hbm>> -> memref<128xi32, #tpu.memory_space<hbm>>
      %dma_start3A_55 = tpu.memref_slice %arg3[%multiple_of3A_48] : memref<320000xi32, #tpu.memory_space<hbm>> -> memref<128xi32, #tpu.memory_space<hbm>>
      tpu.enqueue_dma source(%dma_start3A_55 : memref<128xi32, #tpu.memory_space<hbm>>) target(%arg7 : memref<128xi32, #tpu.memory_space<vmem>>) target_semaphore(%arg14 : memref<!tpu.dma_semaphore, #tpu.memory_space<semaphore_mem>>)
      %dma_start3A_56 = arith.constant 0 : i32
      %dma_start3A_57 = tpu.memref_slice %arg2[%multiple_of3A_48, %dma_start3A_56] : memref<320000x128xf32, #tpu.memory_space<hbm>> -> memref<128x128xf32, #tpu.memory_space<hbm>>
      %dma_start3A_58 = arith.constant 0 : i32
      %dma_start3A_59 = tpu.memref_slice %arg2[%multiple_of3A_48, %dma_start3A_58] : memref<320000x128xf32, #tpu.memory_space<hbm>> -> memref<128x128xf32, #tpu.memory_space<hbm>>
      tpu.enqueue_dma source(%dma_start3A_59 : memref<128x128xf32, #tpu.memory_space<hbm>>) target(%arg10 : memref<128x128xf32, #tpu.memory_space<vmem>>) target_semaphore(%arg17 : memref<!tpu.dma_semaphore, #tpu.memory_space<semaphore_mem>>)
      %mul3A_60 = arith.constant 3 : i32
      %mul3A_61 = arith.muli %scan3A_24, %mul3A_60 : i32
      %add3A_62 = arith.addi %mul3A_2, %mul3A_61 : i32
      %add3A_63 = arith.constant 2 : i32
      %add3A_64 = arith.addi %add3A_62, %add3A_63 : i32
      %mul3A_65 = arith.constant 128 : i32
      %mul3A_66 = arith.muli %add3A_64, %mul3A_65 : i32
      %multiple_of3A_67 = tpu.assume_multiple %mul3A_66, 8 : i32
      %gt3A_68 = arith.constant 0 : i32
      %gt3A_69 = arith.cmpi sgt, %scan3A_24, %gt3A_68 : i32
      %convert_element_type3A_70 = arith.extui %gt3A_69 : i1 to i32
      %cond3A_71 = arith.constant 0 : i32
      %cond3A_72 = arith.cmpi ne, %convert_element_type3A_70, %cond3A_71 : i32
      scf.if %cond3A_72 {
        %dma_wait3A_106 = arith.constant 0 : i32
        %dma_wait3A_107 = arith.constant 0 : i32
        %dma_wait3A_108 = tpu.memref_slice %arg12[%dma_wait3A_106, %dma_wait3A_107] : memref<10112x128xf32, #tpu.memory_space<vmem_shared>> -> memref<10112x128xf32, #tpu.memory_space<vmem_shared>>
        tpu.wait_indirect_dma semaphore(%arg21 : memref<!tpu.dma_semaphore, #tpu.memory_space<semaphore_mem>>) src(%arg11 : memref<128x128xf32, #tpu.memory_space<vmem>>) dst(%dma_wait3A_108 : memref<10112x128xf32, #tpu.memory_space<vmem_shared>>)
      } else {
      }
      %dma_start3A_73 = tpu.memref_slice %arg3[%multiple_of3A_67] : memref<320000xi32, #tpu.memory_space<hbm>> -> memref<128xi32, #tpu.memory_space<hbm>>
      %dma_start3A_74 = tpu.memref_slice %arg3[%multiple_of3A_67] : memref<320000xi32, #tpu.memory_space<hbm>> -> memref<128xi32, #tpu.memory_space<hbm>>
      tpu.enqueue_dma source(%dma_start3A_74 : memref<128xi32, #tpu.memory_space<hbm>>) target(%arg8 : memref<128xi32, #tpu.memory_space<vmem>>) target_semaphore(%arg15 : memref<!tpu.dma_semaphore, #tpu.memory_space<semaphore_mem>>)
      %dma_start3A_75 = arith.constant 0 : i32
      %dma_start3A_76 = tpu.memref_slice %arg2[%multiple_of3A_67, %dma_start3A_75] : memref<320000x128xf32, #tpu.memory_space<hbm>> -> memref<128x128xf32, #tpu.memory_space<hbm>>
      %dma_start3A_77 = arith.constant 0 : i32
      %dma_start3A_78 = tpu.memref_slice %arg2[%multiple_of3A_67, %dma_start3A_77] : memref<320000x128xf32, #tpu.memory_space<hbm>> -> memref<128x128xf32, #tpu.memory_space<hbm>>
      tpu.enqueue_dma source(%dma_start3A_78 : memref<128x128xf32, #tpu.memory_space<hbm>>) target(%arg11 : memref<128x128xf32, #tpu.memory_space<vmem>>) target_semaphore(%arg18 : memref<!tpu.dma_semaphore, #tpu.memory_space<semaphore_mem>>)
      %dma_wait3A_79 = tpu.memref_slice %arg3[%multiple_of3A] : memref<320000xi32, #tpu.memory_space<hbm>> -> memref<128xi32, #tpu.memory_space<hbm>>
      %dma_wait3A_80 = tpu.memref_slice %arg3[%multiple_of3A] : memref<320000xi32, #tpu.memory_space<hbm>> -> memref<128xi32, #tpu.memory_space<hbm>>
      tpu.wait_dma2 semaphore(%arg13 : memref<!tpu.dma_semaphore, #tpu.memory_space<semaphore_mem>>) src(%dma_wait3A_80 : memref<128xi32, #tpu.memory_space<hbm>>) dst(%arg6 : memref<128xi32, #tpu.memory_space<vmem>>)
      %dma_wait3A_81 = arith.constant 0 : i32
      %dma_wait3A_82 = tpu.memref_slice %arg2[%multiple_of3A, %dma_wait3A_81] : memref<320000x128xf32, #tpu.memory_space<hbm>> -> memref<128x128xf32, #tpu.memory_space<hbm>>
      %dma_wait3A_83 = arith.constant 0 : i32
      %dma_wait3A_84 = tpu.memref_slice %arg2[%multiple_of3A, %dma_wait3A_83] : memref<320000x128xf32, #tpu.memory_space<hbm>> -> memref<128x128xf32, #tpu.memory_space<hbm>>
      tpu.wait_dma2 semaphore(%arg16 : memref<!tpu.dma_semaphore, #tpu.memory_space<semaphore_mem>>) src(%dma_wait3A_84 : memref<128x128xf32, #tpu.memory_space<hbm>>) dst(%arg9 : memref<128x128xf32, #tpu.memory_space<vmem>>)
      %dma_start3A_85 = arith.constant 0 : i32
      %dma_start3A_86 = arith.constant 0 : i32
      %dma_start3A_87 = tpu.memref_slice %arg12[%dma_start3A_85, %dma_start3A_86] : memref<10112x128xf32, #tpu.memory_space<vmem_shared>> -> memref<10112x128xf32, #tpu.memory_space<vmem_shared>>
      tpu.enqueue_indirect_dma source(%arg9 : memref<128x128xf32, #tpu.memory_space<vmem>>) target(%dma_start3A_87 : memref<10112x128xf32, #tpu.memory_space<vmem_shared>>) offsets(%arg6 : memref<128xi32, #tpu.memory_space<vmem>>) semaphore(%arg19 : memref<!tpu.dma_semaphore, #tpu.memory_space<semaphore_mem>>) {add = true}
      %dma_wait3A_88 = tpu.memref_slice %arg3[%multiple_of3A_48] : memref<320000xi32, #tpu.memory_space<hbm>> -> memref<128xi32, #tpu.memory_space<hbm>>
      %dma_wait3A_89 = tpu.memref_slice %arg3[%multiple_of3A_48] : memref<320000xi32, #tpu.memory_space<hbm>> -> memref<128xi32, #tpu.memory_space<hbm>>
      tpu.wait_dma2 semaphore(%arg14 : memref<!tpu.dma_semaphore, #tpu.memory_space<semaphore_mem>>) src(%dma_wait3A_89 : memref<128xi32, #tpu.memory_space<hbm>>) dst(%arg7 : memref<128xi32, #tpu.memory_space<vmem>>)
      %dma_wait3A_90 = arith.constant 0 : i32
      %dma_wait3A_91 = tpu.memref_slice %arg2[%multiple_of3A_48, %dma_wait3A_90] : memref<320000x128xf32, #tpu.memory_space<hbm>> -> memref<128x128xf32, #tpu.memory_space<hbm>>
      %dma_wait3A_92 = arith.constant 0 : i32
      %dma_wait3A_93 = tpu.memref_slice %arg2[%multiple_of3A_48, %dma_wait3A_92] : memref<320000x128xf32, #tpu.memory_space<hbm>> -> memref<128x128xf32, #tpu.memory_space<hbm>>
      tpu.wait_dma2 semaphore(%arg17 : memref<!tpu.dma_semaphore, #tpu.memory_space<semaphore_mem>>) src(%dma_wait3A_93 : memref<128x128xf32, #tpu.memory_space<hbm>>) dst(%arg10 : memref<128x128xf32, #tpu.memory_space<vmem>>)
      %dma_start3A_94 = arith.constant 0 : i32
      %dma_start3A_95 = arith.constant 0 : i32
      %dma_start3A_96 = tpu.memref_slice %arg12[%dma_start3A_94, %dma_start3A_95] : memref<10112x128xf32, #tpu.memory_space<vmem_shared>> -> memref<10112x128xf32, #tpu.memory_space<vmem_shared>>
      tpu.enqueue_indirect_dma source(%arg10 : memref<128x128xf32, #tpu.memory_space<vmem>>) target(%dma_start3A_96 : memref<10112x128xf32, #tpu.memory_space<vmem_shared>>) offsets(%arg7 : memref<128xi32, #tpu.memory_space<vmem>>) semaphore(%arg20 : memref<!tpu.dma_semaphore, #tpu.memory_space<semaphore_mem>>) {add = true}
      %dma_wait3A_97 = tpu.memref_slice %arg3[%multiple_of3A_67] : memref<320000xi32, #tpu.memory_space<hbm>> -> memref<128xi32, #tpu.memory_space<hbm>>
      %dma_wait3A_98 = tpu.memref_slice %arg3[%multiple_of3A_67] : memref<320000xi32, #tpu.memory_space<hbm>> -> memref<128xi32, #tpu.memory_space<hbm>>
      tpu.wait_dma2 semaphore(%arg15 : memref<!tpu.dma_semaphore, #tpu.memory_space<semaphore_mem>>) src(%dma_wait3A_98 : memref<128xi32, #tpu.memory_space<hbm>>) dst(%arg8 : memref<128xi32, #tpu.memory_space<vmem>>)
      %dma_wait3A_99 = arith.constant 0 : i32
      %dma_wait3A_100 = tpu.memref_slice %arg2[%multiple_of3A_67, %dma_wait3A_99] : memref<320000x128xf32, #tpu.memory_space<hbm>> -> memref<128x128xf32, #tpu.memory_space<hbm>>
      %dma_wait3A_101 = arith.constant 0 : i32
      %dma_wait3A_102 = tpu.memref_slice %arg2[%multiple_of3A_67, %dma_wait3A_101] : memref<320000x128xf32, #tpu.memory_space<hbm>> -> memref<128x128xf32, #tpu.memory_space<hbm>>
      tpu.wait_dma2 semaphore(%arg18 : memref<!tpu.dma_semaphore, #tpu.memory_space<semaphore_mem>>) src(%dma_wait3A_102 : memref<128x128xf32, #tpu.memory_space<hbm>>) dst(%arg11 : memref<128x128xf32, #tpu.memory_space<vmem>>)
      %dma_start3A_103 = arith.constant 0 : i32
      %dma_start3A_104 = arith.constant 0 : i32
      %dma_start3A_105 = tpu.memref_slice %arg12[%dma_start3A_103, %dma_start3A_104] : memref<10112x128xf32, #tpu.memory_space<vmem_shared>> -> memref<10112x128xf32, #tpu.memory_space<vmem_shared>>
      tpu.enqueue_indirect_dma source(%arg11 : memref<128x128xf32, #tpu.memory_space<vmem>>) target(%dma_start3A_105 : memref<10112x128xf32, #tpu.memory_space<vmem_shared>>) offsets(%arg8 : memref<128xi32, #tpu.memory_space<vmem>>) semaphore(%arg21 : memref<!tpu.dma_semaphore, #tpu.memory_space<semaphore_mem>>) {add = true}
    }
    %scan3A_9 = arith.constant 26 : i32
    %dma_wait3A = arith.constant 0 : i32
    %dma_wait3A_10 = arith.constant 0 : i32
    %dma_wait3A_11 = tpu.memref_slice %arg12[%dma_wait3A, %dma_wait3A_10] : memref<10112x128xf32, #tpu.memory_space<vmem_shared>> -> memref<10112x128xf32, #tpu.memory_space<vmem_shared>>
    tpu.wait_indirect_dma semaphore(%arg19 : memref<!tpu.dma_semaphore, #tpu.memory_space<semaphore_mem>>) src(%arg9 : memref<128x128xf32, #tpu.memory_space<vmem>>) dst(%dma_wait3A_11 : memref<10112x128xf32, #tpu.memory_space<vmem_shared>>)
    %dma_wait3A_12 = arith.constant 0 : i32
    %dma_wait3A_13 = arith.constant 0 : i32
    %dma_wait3A_14 = tpu.memref_slice %arg12[%dma_wait3A_12, %dma_wait3A_13] : memref<10112x128xf32, #tpu.memory_space<vmem_shared>> -> memref<10112x128xf32, #tpu.memory_space<vmem_shared>>
    tpu.wait_indirect_dma semaphore(%arg20 : memref<!tpu.dma_semaphore, #tpu.memory_space<semaphore_mem>>) src(%arg10 : memref<128x128xf32, #tpu.memory_space<vmem>>) dst(%dma_wait3A_14 : memref<10112x128xf32, #tpu.memory_space<vmem_shared>>)
    %dma_wait3A_15 = arith.constant 0 : i32
    %dma_wait3A_16 = arith.constant 0 : i32
    %dma_wait3A_17 = tpu.memref_slice %arg12[%dma_wait3A_15, %dma_wait3A_16] : memref<10112x128xf32, #tpu.memory_space<vmem_shared>> -> memref<10112x128xf32, #tpu.memory_space<vmem_shared>>
    tpu.wait_indirect_dma semaphore(%arg21 : memref<!tpu.dma_semaphore, #tpu.memory_space<semaphore_mem>>) src(%arg11 : memref<128x128xf32, #tpu.memory_space<vmem>>) dst(%dma_wait3A_17 : memref<10112x128xf32, #tpu.memory_space<vmem_shared>>)
    %lt3A = arith.constant 4 : i32
    %lt3A_18 = arith.cmpi slt, %add3A, %lt3A : i32
    %convert_element_type3A = arith.extui %lt3A_18 : i1 to i32
    %cond3A = arith.constant 0 : i32
    %cond3A_19 = arith.cmpi ne, %convert_element_type3A, %cond3A : i32
    scf.if %cond3A_19 {
      %add3A_24 = arith.constant 2496 : i32
      %add3A_25 = arith.addi %add3A_24, %add3A : i32
      %mul3A_26 = arith.constant 128 : i32
      %mul3A_27 = arith.muli %add3A_25, %mul3A_26 : i32
      %multiple_of3A = tpu.assume_multiple %mul3A_27, 8 : i32
      "tpu.region"() ({
        %run_scoped3A = tpu.sem_alloc : memref<!tpu.dma_semaphore, #tpu.memory_space<semaphore_mem>>
        %dma_start3A = tpu.memref_slice %arg3[%multiple_of3A] : memref<320000xi32, #tpu.memory_space<hbm>> -> memref<128xi32, #tpu.memory_space<hbm>>
        %dma_start3A_28 = tpu.memref_slice %arg3[%multiple_of3A] : memref<320000xi32, #tpu.memory_space<hbm>> -> memref<128xi32, #tpu.memory_space<hbm>>
        tpu.enqueue_dma source(%dma_start3A_28 : memref<128xi32, #tpu.memory_space<hbm>>) target(%arg6 : memref<128xi32, #tpu.memory_space<vmem>>) target_semaphore(%run_scoped3A : memref<!tpu.dma_semaphore, #tpu.memory_space<semaphore_mem>>)
        %dma_wait3A_29 = tpu.memref_slice %arg3[%multiple_of3A] : memref<320000xi32, #tpu.memory_space<hbm>> -> memref<128xi32, #tpu.memory_space<hbm>>
        %dma_wait3A_30 = tpu.memref_slice %arg3[%multiple_of3A] : memref<320000xi32, #tpu.memory_space<hbm>> -> memref<128xi32, #tpu.memory_space<hbm>>
        tpu.wait_dma2 semaphore(%run_scoped3A : memref<!tpu.dma_semaphore, #tpu.memory_space<semaphore_mem>>) src(%dma_wait3A_30 : memref<128xi32, #tpu.memory_space<hbm>>) dst(%arg6 : memref<128xi32, #tpu.memory_space<vmem>>)
        tpu.yield
      }) : () -> ()
      "tpu.region"() ({
        %run_scoped3A = tpu.sem_alloc : memref<!tpu.dma_semaphore, #tpu.memory_space<semaphore_mem>>
        %dma_start3A = arith.constant 0 : i32
        %dma_start3A_28 = tpu.memref_slice %arg2[%multiple_of3A, %dma_start3A] : memref<320000x128xf32, #tpu.memory_space<hbm>> -> memref<128x128xf32, #tpu.memory_space<hbm>>
        %dma_start3A_29 = arith.constant 0 : i32
        %dma_start3A_30 = tpu.memref_slice %arg2[%multiple_of3A, %dma_start3A_29] : memref<320000x128xf32, #tpu.memory_space<hbm>> -> memref<128x128xf32, #tpu.memory_space<hbm>>
        tpu.enqueue_dma source(%dma_start3A_30 : memref<128x128xf32, #tpu.memory_space<hbm>>) target(%arg9 : memref<128x128xf32, #tpu.memory_space<vmem>>) target_semaphore(%run_scoped3A : memref<!tpu.dma_semaphore, #tpu.memory_space<semaphore_mem>>)
        %dma_wait3A_31 = arith.constant 0 : i32
        %dma_wait3A_32 = tpu.memref_slice %arg2[%multiple_of3A, %dma_wait3A_31] : memref<320000x128xf32, #tpu.memory_space<hbm>> -> memref<128x128xf32, #tpu.memory_space<hbm>>
        %dma_wait3A_33 = arith.constant 0 : i32
        %dma_wait3A_34 = tpu.memref_slice %arg2[%multiple_of3A, %dma_wait3A_33] : memref<320000x128xf32, #tpu.memory_space<hbm>> -> memref<128x128xf32, #tpu.memory_space<hbm>>
        tpu.wait_dma2 semaphore(%run_scoped3A : memref<!tpu.dma_semaphore, #tpu.memory_space<semaphore_mem>>) src(%dma_wait3A_34 : memref<128x128xf32, #tpu.memory_space<hbm>>) dst(%arg9 : memref<128x128xf32, #tpu.memory_space<vmem>>)
        tpu.yield
      }) : () -> ()
      "tpu.region"() ({
        %run_scoped3A = tpu.sem_alloc : memref<!tpu.dma_semaphore, #tpu.memory_space<semaphore_mem>>
        %dma_start3A = arith.constant 0 : i32
        %dma_start3A_28 = arith.constant 0 : i32
        %dma_start3A_29 = tpu.memref_slice %arg12[%dma_start3A, %dma_start3A_28] : memref<10112x128xf32, #tpu.memory_space<vmem_shared>> -> memref<10112x128xf32, #tpu.memory_space<vmem_shared>>
        tpu.enqueue_indirect_dma source(%arg9 : memref<128x128xf32, #tpu.memory_space<vmem>>) target(%dma_start3A_29 : memref<10112x128xf32, #tpu.memory_space<vmem_shared>>) offsets(%arg6 : memref<128xi32, #tpu.memory_space<vmem>>) semaphore(%run_scoped3A : memref<!tpu.dma_semaphore, #tpu.memory_space<semaphore_mem>>) {add = true}
        %dma_wait3A_30 = arith.constant 0 : i32
        %dma_wait3A_31 = arith.constant 0 : i32
        %dma_wait3A_32 = tpu.memref_slice %arg12[%dma_wait3A_30, %dma_wait3A_31] : memref<10112x128xf32, #tpu.memory_space<vmem_shared>> -> memref<10112x128xf32, #tpu.memory_space<vmem_shared>>
        tpu.wait_indirect_dma semaphore(%run_scoped3A : memref<!tpu.dma_semaphore, #tpu.memory_space<semaphore_mem>>) src(%arg9 : memref<128x128xf32, #tpu.memory_space<vmem>>) dst(%dma_wait3A_32 : memref<10112x128xf32, #tpu.memory_space<vmem_shared>>)
        tpu.yield
      }) : () -> ()
    } else {
    }
    %barrier3A_20 = arith.constant 0 : index
    tpu.barrier barrier_id(%barrier3A_20)
    %mul3A_21 = arith.constant 10112 : i32
    %mul3A_22 = arith.muli %arg0, %mul3A_21 : i32
    %add3A_23 = arith.addi %mul3A_22, %mul3A_4 : i32
    "tpu.region"() ({
      %run_scoped3A = tpu.sem_alloc : memref<!tpu.dma_semaphore, #tpu.memory_space<semaphore_mem>>
      %dma_start3A = arith.constant 0 : i32
      %dma_start3A_24 = tpu.memref_slice %arg5[%add3A_23, %dma_start3A] : memref<20224x128xf32, #tpu.memory_space<hbm>> -> memref<632x128xf32, #tpu.memory_space<hbm>>
      %dma_start3A_25 = arith.constant 0 : i32
      %dma_start3A_26 = tpu.memref_slice %arg12[%mul3A_4, %dma_start3A_25] : memref<10112x128xf32, #tpu.memory_space<vmem_shared>> -> memref<632x128xf32, #tpu.memory_space<vmem_shared>>
      tpu.enqueue_dma source(%dma_start3A_26 : memref<632x128xf32, #tpu.memory_space<vmem_shared>>) target(%dma_start3A_24 : memref<632x128xf32, #tpu.memory_space<hbm>>) target_semaphore(%run_scoped3A : memref<!tpu.dma_semaphore, #tpu.memory_space<semaphore_mem>>)
      %dma_wait3A_27 = arith.constant 0 : i32
      %dma_wait3A_28 = tpu.memref_slice %arg5[%add3A_23, %dma_wait3A_27] : memref<20224x128xf32, #tpu.memory_space<hbm>> -> memref<632x128xf32, #tpu.memory_space<hbm>>
      %dma_wait3A_29 = arith.constant 0 : i32
      %dma_wait3A_30 = tpu.memref_slice %arg12[%mul3A_4, %dma_wait3A_29] : memref<10112x128xf32, #tpu.memory_space<vmem_shared>> -> memref<632x128xf32, #tpu.memory_space<vmem_shared>>
      tpu.wait_dma2 semaphore(%run_scoped3A : memref<!tpu.dma_semaphore, #tpu.memory_space<semaphore_mem>>) src(%dma_wait3A_30 : memref<632x128xf32, #tpu.memory_space<vmem_shared>>) dst(%dma_wait3A_28 : memref<632x128xf32, #tpu.memory_space<hbm>>)
      tpu.yield
    }) : () -> ()
    return
  }
}

module attributes {stable_mosaic.version = 14 : i64} {
  func.func @body(%arg0: i32, %arg1: memref<2000x48xf32, #tpu.memory_space<vmem>>, %arg2: memref<48x128xf32, #tpu.memory_space<vmem>>, %arg3: memref<2000x128xf32, #tpu.memory_space<vmem>>) attributes {dimension_semantics = [#tpu.dimension_semantics<arbitrary>], iteration_bounds = array<i64: 5>, scalar_prefetch = 0 : i64, scratch_operands = 0 : i64, tpu.core_type = #tpu.core_type<tc>, window_params = [{transform_indices = @transform_0, window_bounds = array<i64: 2000, 48>}, {pipeline_mode = #tpu.pipeline_mode<synchronous>, transform_indices = @transform_1, window_bounds = array<i64: 48, 128>}, {transform_indices = @transform_2, window_bounds = array<i64: 2000, 128>}]} {
    %get3A = arith.constant 0 : index
    %get3A_0 = arith.constant 0 : index
    %get3A_1 = vector.load %arg1[%get3A, %get3A_0] : memref<2000x48xf32, #tpu.memory_space<vmem>>, vector<2000x48xf32>
    %get3A_2 = arith.constant 0 : index
    %get3A_3 = arith.constant 0 : index
    %get3A_4 = vector.load %arg2[%get3A_2, %get3A_3] : memref<48x128xf32, #tpu.memory_space<vmem>>, vector<48x128xf32>
    %dot_general3A = arith.constant dense<0.000000e+00> : vector<2000x128xf32>
    %dot_general3A_5 = tpu.matmul %get3A_1, %get3A_4, %dot_general3A {dimension_numbers = #tpu.dot_dimension_numbers<[1], [0], [0], [1], [0, 0, 1, 1], [], []>, transpose_lhs_hint = false} : vector<2000x48xf32>, vector<48x128xf32>, vector<2000x128xf32> -> vector<2000x128xf32>
    %swap3A = arith.constant 0 : index
    %swap3A_6 = arith.constant 0 : index
    %swap3A_7 = vector.load %arg3[%swap3A, %swap3A_6] : memref<2000x128xf32, #tpu.memory_space<vmem>>, vector<2000x128xf32>
    tpu.vector_store %arg3[%swap3A, %swap3A_6], %dot_general3A_5 {strides = array<i32>} : memref<2000x128xf32, #tpu.memory_space<vmem>>, vector<2000x128xf32>,
    return
  }
  func.func @transform_0(%arg0: i32) -> (i32, i32) {
    %c0_i32 = arith.constant 0 : i32
    %c0_i32_0 = arith.constant 0 : i32
    return %arg0, %c0_i32 : i32, i32
  }
  func.func @transform_1(%arg0: i32) -> (i32, i32) {
    %c0_i32 = arith.constant 0 : i32
    %c0_i32_0 = arith.constant 0 : i32
    %c0_i32_1 = arith.constant 0 : i32
    return %c0_i32, %c0_i32_0 : i32, i32
  }
  func.func @transform_2(%arg0: i32) -> (i32, i32) {
    %c0_i32 = arith.constant 0 : i32
    %c0_i32_0 = arith.constant 0 : i32
    return %arg0, %c0_i32 : i32, i32
  }
}

module attributes {stable_mosaic.version = 14 : i64} {
  func.func @body(%arg0: i32, %arg1: memref<8000x16xf32, #tpu.memory_space<vmem>>, %arg2: memref<16x128xf32, #tpu.memory_space<vmem>>, %arg3: memref<8000x128xf32, #tpu.memory_space<vmem>>, %arg4: memref<1x128xf32, #tpu.memory_space<vmem>>, %arg5: memref<8000x128xf32, #tpu.memory_space<vmem>>) attributes {dimension_semantics = [#tpu.dimension_semantics<arbitrary>], iteration_bounds = array<i64: 40>, scalar_prefetch = 0 : i64, scratch_operands = 0 : i64, tpu.core_type = #tpu.core_type<tc>, window_params = [{transform_indices = @transform_0, window_bounds = array<i64: 8000, 16>}, {pipeline_mode = #tpu.pipeline_mode<synchronous>, transform_indices = @transform_1, window_bounds = array<i64: 16, 128>}, {transform_indices = @transform_2, window_bounds = array<i64: 8000, 128>}, {pipeline_mode = #tpu.pipeline_mode<synchronous>, transform_indices = @transform_3, window_bounds = array<i64: 1, 128>}, {transform_indices = @transform_4, window_bounds = array<i64: 8000, 128>}]} {
    %get3A = arith.constant 0 : index
    %get3A_0 = arith.constant 0 : index
    %get3A_1 = vector.load %arg1[%get3A, %get3A_0] : memref<8000x16xf32, #tpu.memory_space<vmem>>, vector<8000x16xf32>
    %get3A_2 = arith.constant 0 : index
    %get3A_3 = arith.constant 0 : index
    %get3A_4 = vector.load %arg2[%get3A_2, %get3A_3] : memref<16x128xf32, #tpu.memory_space<vmem>>, vector<16x128xf32>
    %dot_general3A = arith.constant dense<0.000000e+00> : vector<8000x128xf32>
    %dot_general3A_5 = tpu.matmul %get3A_1, %get3A_4, %dot_general3A {dimension_numbers = #tpu.dot_dimension_numbers<[1], [0], [0], [1], [0, 0, 1, 1], [], []>, transpose_lhs_hint = false} : vector<8000x16xf32>, vector<16x128xf32>, vector<8000x128xf32> -> vector<8000x128xf32>
    %get3A_6 = arith.constant 0 : index
    %get3A_7 = arith.constant 0 : index
    %get3A_8 = vector.load %arg3[%get3A_6, %get3A_7] : memref<8000x128xf32, #tpu.memory_space<vmem>>, vector<8000x128xf32>
    %add3A = arith.addf %dot_general3A_5, %get3A_8 : vector<8000x128xf32>
    %ge3A = arith.constant 0.000000e+00 : f32
    %ge3A_9 = vector.broadcast %ge3A : f32 to vector<8000x128xf32>
    %ge3A_10 = arith.cmpf oge, %add3A, %ge3A_9 : vector<8000x128xf32>
    %get3A_11 = arith.constant 0 : index
    %get3A_12 = arith.constant 0 : index
    %get3A_13 = vector.load %arg4[%get3A_11, %get3A_12] : memref<1x128xf32, #tpu.memory_space<vmem>>, vector<1x128xf32>
    %mul3A = vector.broadcast %get3A_13 : vector<1x128xf32> to vector<8000x128xf32>
    %mul3A_14 = arith.mulf %add3A, %mul3A : vector<8000x128xf32>
    %select_n3A = arith.select %ge3A_10, %add3A, %mul3A_14 : vector<8000x128xi1>, vector<8000x128xf32>
    %swap3A = arith.constant 0 : index
    %swap3A_15 = arith.constant 0 : index
    %swap3A_16 = vector.load %arg5[%swap3A, %swap3A_15] : memref<8000x128xf32, #tpu.memory_space<vmem>>, vector<8000x128xf32>
    tpu.vector_store %arg5[%swap3A, %swap3A_15], %select_n3A {strides = array<i32>} : memref<8000x128xf32, #tpu.memory_space<vmem>>, vector<8000x128xf32>,
    return
  }
  func.func @transform_0(%arg0: i32) -> (i32, i32) {
    %c0_i32 = arith.constant 0 : i32
    %c0_i32_0 = arith.constant 0 : i32
    return %arg0, %c0_i32 : i32, i32
  }
  func.func @transform_1(%arg0: i32) -> (i32, i32) {
    %c0_i32 = arith.constant 0 : i32
    %c0_i32_0 = arith.constant 0 : i32
    %c0_i32_1 = arith.constant 0 : i32
    return %c0_i32, %c0_i32_0 : i32, i32
  }
  func.func @transform_2(%arg0: i32) -> (i32, i32) {
    %c0_i32 = arith.constant 0 : i32
    %c0_i32_0 = arith.constant 0 : i32
    return %arg0, %c0_i32 : i32, i32
  }
  func.func @transform_3(%arg0: i32) -> (i32, i32) {
    %c0_i32 = arith.constant 0 : i32
    %c0_i32_0 = arith.constant 0 : i32
    %c0_i32_1 = arith.constant 0 : i32
    return %c0_i32, %c0_i32_0 : i32, i32
  }
  func.func @transform_4(%arg0: i32) -> (i32, i32) {
    %c0_i32 = arith.constant 0 : i32
    %c0_i32_0 = arith.constant 0 : i32
    return %arg0, %c0_i32 : i32, i32
  }
}

module attributes {stable_mosaic.version = 14 : i64} {
  func.func @body(%arg0: i32, %arg1: memref<2000x128xf32, #tpu.memory_space<vmem>>, %arg2: memref<2000x128xf32, #tpu.memory_space<vmem>>, %arg3: memref<2000x48xf32, #tpu.memory_space<vmem>>, %arg4: memref<128x128xf32, #tpu.memory_space<vmem>>, %arg5: memref<48x128xf32, #tpu.memory_space<vmem>>, %arg6: memref<1x128xf32, #tpu.memory_space<vmem>>, %arg7: memref<128x128xf32, #tpu.memory_space<vmem>>, %arg8: memref<2000x128xf32, #tpu.memory_space<vmem>>, %arg9: memref<2000x128xf32, #tpu.memory_space<vmem>>) attributes {dimension_semantics = [#tpu.dimension_semantics<arbitrary>], iteration_bounds = array<i64: 5>, scalar_prefetch = 0 : i64, scratch_operands = 0 : i64, tpu.core_type = #tpu.core_type<tc>, window_params = [{transform_indices = @transform_0, window_bounds = array<i64: 2000, 128>}, {transform_indices = @transform_1, window_bounds = array<i64: 2000, 128>}, {transform_indices = @transform_2, window_bounds = array<i64: 2000, 48>}, {pipeline_mode = #tpu.pipeline_mode<synchronous>, transform_indices = @transform_3, window_bounds = array<i64: 128, 128>}, {pipeline_mode = #tpu.pipeline_mode<synchronous>, transform_indices = @transform_4, window_bounds = array<i64: 48, 128>}, {pipeline_mode = #tpu.pipeline_mode<synchronous>, transform_indices = @transform_5, window_bounds = array<i64: 1, 128>}, {pipeline_mode = #tpu.pipeline_mode<synchronous>, transform_indices = @transform_6, window_bounds = array<i64: 128, 128>}, {transform_indices = @transform_7, window_bounds = array<i64: 2000, 128>}, {transform_indices = @transform_8, window_bounds = array<i64: 2000, 128>}]} {
    %get3A = arith.constant 0 : index
    %get3A_0 = arith.constant 0 : index
    %get3A_1 = vector.load %arg1[%get3A, %get3A_0] : memref<2000x128xf32, #tpu.memory_space<vmem>>, vector<2000x128xf32>
    %get3A_2 = arith.constant 0 : index
    %get3A_3 = arith.constant 0 : index
    %get3A_4 = vector.load %arg2[%get3A_2, %get3A_3] : memref<2000x128xf32, #tpu.memory_space<vmem>>, vector<2000x128xf32>
    %add3A = arith.addf %get3A_1, %get3A_4 : vector<2000x128xf32>
    %get3A_5 = arith.constant 0 : index
    %get3A_6 = arith.constant 0 : index
    %get3A_7 = vector.load %arg4[%get3A_5, %get3A_6] : memref<128x128xf32, #tpu.memory_space<vmem>>, vector<128x128xf32>
    %dot_general3A = arith.constant dense<0.000000e+00> : vector<2000x128xf32>
    %dot_general3A_8 = tpu.matmul %add3A, %get3A_7, %dot_general3A {dimension_numbers = #tpu.dot_dimension_numbers<[1], [0], [0], [1], [0, 0, 1, 1], [], []>, transpose_lhs_hint = false} : vector<2000x128xf32>, vector<128x128xf32>, vector<2000x128xf32> -> vector<2000x128xf32>
    %get3A_9 = arith.constant 0 : index
    %get3A_10 = arith.constant 0 : index
    %get3A_11 = vector.load %arg3[%get3A_9, %get3A_10] : memref<2000x48xf32, #tpu.memory_space<vmem>>, vector<2000x48xf32>
    %get3A_12 = arith.constant 0 : index
    %get3A_13 = arith.constant 0 : index
    %get3A_14 = vector.load %arg5[%get3A_12, %get3A_13] : memref<48x128xf32, #tpu.memory_space<vmem>>, vector<48x128xf32>
    %dot_general3A_15 = arith.constant dense<0.000000e+00> : vector<2000x128xf32>
    %dot_general3A_16 = tpu.matmul %get3A_11, %get3A_14, %dot_general3A_15 {dimension_numbers = #tpu.dot_dimension_numbers<[1], [0], [0], [1], [0, 0, 1, 1], [], []>, transpose_lhs_hint = false} : vector<2000x48xf32>, vector<48x128xf32>, vector<2000x128xf32> -> vector<2000x128xf32>
    %add3A_17 = arith.addf %dot_general3A_8, %dot_general3A_16 : vector<2000x128xf32>
    %ge3A = arith.constant 0.000000e+00 : f32
    %ge3A_18 = vector.broadcast %ge3A : f32 to vector<2000x128xf32>
    %ge3A_19 = arith.cmpf oge, %add3A_17, %ge3A_18 : vector<2000x128xf32>
    %get3A_20 = arith.constant 0 : index
    %get3A_21 = arith.constant 0 : index
    %get3A_22 = vector.load %arg6[%get3A_20, %get3A_21] : memref<1x128xf32, #tpu.memory_space<vmem>>, vector<1x128xf32>
    %mul3A = vector.broadcast %get3A_22 : vector<1x128xf32> to vector<2000x128xf32>
    %mul3A_23 = arith.mulf %add3A_17, %mul3A : vector<2000x128xf32>
    %select_n3A = arith.select %ge3A_19, %add3A_17, %mul3A_23 : vector<2000x128xi1>, vector<2000x128xf32>
    %swap3A = arith.constant 0 : index
    %swap3A_24 = arith.constant 0 : index
    %swap3A_25 = vector.load %arg8[%swap3A, %swap3A_24] : memref<2000x128xf32, #tpu.memory_space<vmem>>, vector<2000x128xf32>
    tpu.vector_store %arg8[%swap3A, %swap3A_24], %select_n3A {strides = array<i32>} : memref<2000x128xf32, #tpu.memory_space<vmem>>, vector<2000x128xf32>,
    %get3A_26 = arith.constant 0 : index
    %get3A_27 = arith.constant 0 : index
    %get3A_28 = vector.load %arg7[%get3A_26, %get3A_27] : memref<128x128xf32, #tpu.memory_space<vmem>>, vector<128x128xf32>
    %dot_general3A_29 = arith.constant dense<0.000000e+00> : vector<2000x128xf32>
    %dot_general3A_30 = tpu.matmul %select_n3A, %get3A_28, %dot_general3A_29 {dimension_numbers = #tpu.dot_dimension_numbers<[1], [0], [0], [1], [0, 0, 1, 1], [], []>, transpose_lhs_hint = false} : vector<2000x128xf32>, vector<128x128xf32>, vector<2000x128xf32> -> vector<2000x128xf32>
    %swap3A_31 = arith.constant 0 : index
    %swap3A_32 = arith.constant 0 : index
    %swap3A_33 = vector.load %arg9[%swap3A_31, %swap3A_32] : memref<2000x128xf32, #tpu.memory_space<vmem>>, vector<2000x128xf32>
    tpu.vector_store %arg9[%swap3A_31, %swap3A_32], %dot_general3A_30 {strides = array<i32>} : memref<2000x128xf32, #tpu.memory_space<vmem>>, vector<2000x128xf32>,
    return
  }
  func.func @transform_0(%arg0: i32) -> (i32, i32) {
    %c0_i32 = arith.constant 0 : i32
    %c0_i32_0 = arith.constant 0 : i32
    return %arg0, %c0_i32 : i32, i32
  }
  func.func @transform_1(%arg0: i32) -> (i32, i32) {
    %c0_i32 = arith.constant 0 : i32
    %c0_i32_0 = arith.constant 0 : i32
    return %arg0, %c0_i32 : i32, i32
  }
  func.func @transform_2(%arg0: i32) -> (i32, i32) {
    %c0_i32 = arith.constant 0 : i32
    %c0_i32_0 = arith.constant 0 : i32
    return %arg0, %c0_i32 : i32, i32
  }
  func.func @transform_3(%arg0: i32) -> (i32, i32) {
    %c0_i32 = arith.constant 0 : i32
    %c0_i32_0 = arith.constant 0 : i32
    %c0_i32_1 = arith.constant 0 : i32
    return %c0_i32, %c0_i32_0 : i32, i32
  }
  func.func @transform_4(%arg0: i32) -> (i32, i32) {
    %c0_i32 = arith.constant 0 : i32
    %c0_i32_0 = arith.constant 0 : i32
    %c0_i32_1 = arith.constant 0 : i32
    return %c0_i32, %c0_i32_0 : i32, i32
  }
  func.func @transform_5(%arg0: i32) -> (i32, i32) {
    %c0_i32 = arith.constant 0 : i32
    %c0_i32_0 = arith.constant 0 : i32
    %c0_i32_1 = arith.constant 0 : i32
    return %c0_i32, %c0_i32_0 : i32, i32
  }
  func.func @transform_6(%arg0: i32) -> (i32, i32) {
    %c0_i32 = arith.constant 0 : i32
    %c0_i32_0 = arith.constant 0 : i32
    %c0_i32_1 = arith.constant 0 : i32
    return %c0_i32, %c0_i32_0 : i32, i32
  }
  func.func @transform_7(%arg0: i32) -> (i32, i32) {
    %c0_i32 = arith.constant 0 : i32
    %c0_i32_0 = arith.constant 0 : i32
    return %arg0, %c0_i32 : i32, i32
  }
  func.func @transform_8(%arg0: i32) -> (i32, i32) {
    %c0_i32 = arith.constant 0 : i32
    %c0_i32_0 = arith.constant 0 : i32
    return %arg0, %c0_i32 : i32, i32
  }
}

module attributes {stable_mosaic.version = 14 : i64} {
  func.func @body(%arg0: i32, %arg1: memref<8000x128xf32, #tpu.memory_space<vmem>>, %arg2: memref<128x128xf32, #tpu.memory_space<vmem>>, %arg3: memref<8000x128xf32, #tpu.memory_space<vmem>>, %arg4: memref<1x128xf32, #tpu.memory_space<vmem>>, %arg5: memref<8000x128xf32, #tpu.memory_space<vmem>>) attributes {dimension_semantics = [#tpu.dimension_semantics<arbitrary>], iteration_bounds = array<i64: 40>, scalar_prefetch = 0 : i64, scratch_operands = 0 : i64, tpu.core_type = #tpu.core_type<tc>, window_params = [{transform_indices = @transform_0, window_bounds = array<i64: 8000, 128>}, {pipeline_mode = #tpu.pipeline_mode<synchronous>, transform_indices = @transform_1, window_bounds = array<i64: 128, 128>}, {transform_indices = @transform_2, window_bounds = array<i64: 8000, 128>}, {pipeline_mode = #tpu.pipeline_mode<synchronous>, transform_indices = @transform_3, window_bounds = array<i64: 1, 128>}, {transform_indices = @transform_4, window_bounds = array<i64: 8000, 128>}]} {
    %get3A = arith.constant 0 : index
    %get3A_0 = arith.constant 0 : index
    %get3A_1 = vector.load %arg1[%get3A, %get3A_0] : memref<8000x128xf32, #tpu.memory_space<vmem>>, vector<8000x128xf32>
    %get3A_2 = arith.constant 0 : index
    %get3A_3 = arith.constant 0 : index
    %get3A_4 = vector.load %arg2[%get3A_2, %get3A_3] : memref<128x128xf32, #tpu.memory_space<vmem>>, vector<128x128xf32>
    %dot_general3A = arith.constant dense<0.000000e+00> : vector<8000x128xf32>
    %dot_general3A_5 = tpu.matmul %get3A_1, %get3A_4, %dot_general3A {dimension_numbers = #tpu.dot_dimension_numbers<[1], [0], [0], [1], [0, 0, 1, 1], [], []>, transpose_lhs_hint = false} : vector<8000x128xf32>, vector<128x128xf32>, vector<8000x128xf32> -> vector<8000x128xf32>
    %get3A_6 = arith.constant 0 : index
    %get3A_7 = arith.constant 0 : index
    %get3A_8 = vector.load %arg3[%get3A_6, %get3A_7] : memref<8000x128xf32, #tpu.memory_space<vmem>>, vector<8000x128xf32>
    %add3A = arith.addf %dot_general3A_5, %get3A_8 : vector<8000x128xf32>
    %ge3A = arith.constant 0.000000e+00 : f32
    %ge3A_9 = vector.broadcast %ge3A : f32 to vector<8000x128xf32>
    %ge3A_10 = arith.cmpf oge, %add3A, %ge3A_9 : vector<8000x128xf32>
    %get3A_11 = arith.constant 0 : index
    %get3A_12 = arith.constant 0 : index
    %get3A_13 = vector.load %arg4[%get3A_11, %get3A_12] : memref<1x128xf32, #tpu.memory_space<vmem>>, vector<1x128xf32>
    %mul3A = vector.broadcast %get3A_13 : vector<1x128xf32> to vector<8000x128xf32>
    %mul3A_14 = arith.mulf %add3A, %mul3A : vector<8000x128xf32>
    %select_n3A = arith.select %ge3A_10, %add3A, %mul3A_14 : vector<8000x128xi1>, vector<8000x128xf32>
    %swap3A = arith.constant 0 : index
    %swap3A_15 = arith.constant 0 : index
    %swap3A_16 = vector.load %arg5[%swap3A, %swap3A_15] : memref<8000x128xf32, #tpu.memory_space<vmem>>, vector<8000x128xf32>
    tpu.vector_store %arg5[%swap3A, %swap3A_15], %select_n3A {strides = array<i32>} : memref<8000x128xf32, #tpu.memory_space<vmem>>, vector<8000x128xf32>,
    return
  }
  func.func @transform_0(%arg0: i32) -> (i32, i32) {
    %c0_i32 = arith.constant 0 : i32
    %c0_i32_0 = arith.constant 0 : i32
    return %arg0, %c0_i32 : i32, i32
  }
  func.func @transform_1(%arg0: i32) -> (i32, i32) {
    %c0_i32 = arith.constant 0 : i32
    %c0_i32_0 = arith.constant 0 : i32
    %c0_i32_1 = arith.constant 0 : i32
    return %c0_i32, %c0_i32_0 : i32, i32
  }
  func.func @transform_2(%arg0: i32) -> (i32, i32) {
    %c0_i32 = arith.constant 0 : i32
    %c0_i32_0 = arith.constant 0 : i32
    return %arg0, %c0_i32 : i32, i32
  }
  func.func @transform_3(%arg0: i32) -> (i32, i32) {
    %c0_i32 = arith.constant 0 : i32
    %c0_i32_0 = arith.constant 0 : i32
    %c0_i32_1 = arith.constant 0 : i32
    return %c0_i32, %c0_i32_0 : i32, i32
  }
  func.func @transform_4(%arg0: i32) -> (i32, i32) {
    %c0_i32 = arith.constant 0 : i32
    %c0_i32_0 = arith.constant 0 : i32
    return %arg0, %c0_i32 : i32, i32
  }
}

module attributes {stable_mosaic.version = 14 : i64} {
  func.func @body(%arg0: i32, %arg1: memref<2000x128xf32, #tpu.memory_space<vmem>>, %arg2: memref<2000x128xf32, #tpu.memory_space<vmem>>, %arg3: memref<2000x128xf32, #tpu.memory_space<vmem>>, %arg4: memref<128x128xf32, #tpu.memory_space<vmem>>, %arg5: memref<128x128xf32, #tpu.memory_space<vmem>>, %arg6: memref<1x128xf32, #tpu.memory_space<vmem>>, %arg7: memref<128x128xf32, #tpu.memory_space<vmem>>, %arg8: memref<2000x128xf32, #tpu.memory_space<vmem>>, %arg9: memref<2000x128xf32, #tpu.memory_space<vmem>>) attributes {dimension_semantics = [#tpu.dimension_semantics<arbitrary>], iteration_bounds = array<i64: 5>, scalar_prefetch = 0 : i64, scratch_operands = 0 : i64, tpu.core_type = #tpu.core_type<tc>, window_params = [{transform_indices = @transform_0, window_bounds = array<i64: 2000, 128>}, {transform_indices = @transform_1, window_bounds = array<i64: 2000, 128>}, {transform_indices = @transform_2, window_bounds = array<i64: 2000, 128>}, {pipeline_mode = #tpu.pipeline_mode<synchronous>, transform_indices = @transform_3, window_bounds = array<i64: 128, 128>}, {pipeline_mode = #tpu.pipeline_mode<synchronous>, transform_indices = @transform_4, window_bounds = array<i64: 128, 128>}, {pipeline_mode = #tpu.pipeline_mode<synchronous>, transform_indices = @transform_5, window_bounds = array<i64: 1, 128>}, {pipeline_mode = #tpu.pipeline_mode<synchronous>, transform_indices = @transform_6, window_bounds = array<i64: 128, 128>}, {transform_indices = @transform_7, window_bounds = array<i64: 2000, 128>}, {transform_indices = @transform_8, window_bounds = array<i64: 2000, 128>}]} {
    %get3A = arith.constant 0 : index
    %get3A_0 = arith.constant 0 : index
    %get3A_1 = vector.load %arg1[%get3A, %get3A_0] : memref<2000x128xf32, #tpu.memory_space<vmem>>, vector<2000x128xf32>
    %get3A_2 = arith.constant 0 : index
    %get3A_3 = arith.constant 0 : index
    %get3A_4 = vector.load %arg2[%get3A_2, %get3A_3] : memref<2000x128xf32, #tpu.memory_space<vmem>>, vector<2000x128xf32>
    %add3A = arith.addf %get3A_1, %get3A_4 : vector<2000x128xf32>
    %get3A_5 = arith.constant 0 : index
    %get3A_6 = arith.constant 0 : index
    %get3A_7 = vector.load %arg4[%get3A_5, %get3A_6] : memref<128x128xf32, #tpu.memory_space<vmem>>, vector<128x128xf32>
    %dot_general3A = arith.constant dense<0.000000e+00> : vector<2000x128xf32>
    %dot_general3A_8 = tpu.matmul %add3A, %get3A_7, %dot_general3A {dimension_numbers = #tpu.dot_dimension_numbers<[1], [0], [0], [1], [0, 0, 1, 1], [], []>, transpose_lhs_hint = false} : vector<2000x128xf32>, vector<128x128xf32>, vector<2000x128xf32> -> vector<2000x128xf32>
    %get3A_9 = arith.constant 0 : index
    %get3A_10 = arith.constant 0 : index
    %get3A_11 = vector.load %arg3[%get3A_9, %get3A_10] : memref<2000x128xf32, #tpu.memory_space<vmem>>, vector<2000x128xf32>
    %get3A_12 = arith.constant 0 : index
    %get3A_13 = arith.constant 0 : index
    %get3A_14 = vector.load %arg5[%get3A_12, %get3A_13] : memref<128x128xf32, #tpu.memory_space<vmem>>, vector<128x128xf32>
    %dot_general3A_15 = arith.constant dense<0.000000e+00> : vector<2000x128xf32>
    %dot_general3A_16 = tpu.matmul %get3A_11, %get3A_14, %dot_general3A_15 {dimension_numbers = #tpu.dot_dimension_numbers<[1], [0], [0], [1], [0, 0, 1, 1], [], []>, transpose_lhs_hint = false} : vector<2000x128xf32>, vector<128x128xf32>, vector<2000x128xf32> -> vector<2000x128xf32>
    %add3A_17 = arith.addf %dot_general3A_8, %dot_general3A_16 : vector<2000x128xf32>
    %ge3A = arith.constant 0.000000e+00 : f32
    %ge3A_18 = vector.broadcast %ge3A : f32 to vector<2000x128xf32>
    %ge3A_19 = arith.cmpf oge, %add3A_17, %ge3A_18 : vector<2000x128xf32>
    %get3A_20 = arith.constant 0 : index
    %get3A_21 = arith.constant 0 : index
    %get3A_22 = vector.load %arg6[%get3A_20, %get3A_21] : memref<1x128xf32, #tpu.memory_space<vmem>>, vector<1x128xf32>
    %mul3A = vector.broadcast %get3A_22 : vector<1x128xf32> to vector<2000x128xf32>
    %mul3A_23 = arith.mulf %add3A_17, %mul3A : vector<2000x128xf32>
    %select_n3A = arith.select %ge3A_19, %add3A_17, %mul3A_23 : vector<2000x128xi1>, vector<2000x128xf32>
    %swap3A = arith.constant 0 : index
    %swap3A_24 = arith.constant 0 : index
    %swap3A_25 = vector.load %arg8[%swap3A, %swap3A_24] : memref<2000x128xf32, #tpu.memory_space<vmem>>, vector<2000x128xf32>
    tpu.vector_store %arg8[%swap3A, %swap3A_24], %select_n3A {strides = array<i32>} : memref<2000x128xf32, #tpu.memory_space<vmem>>, vector<2000x128xf32>,
    %get3A_26 = arith.constant 0 : index
    %get3A_27 = arith.constant 0 : index
    %get3A_28 = vector.load %arg7[%get3A_26, %get3A_27] : memref<128x128xf32, #tpu.memory_space<vmem>>, vector<128x128xf32>
    %dot_general3A_29 = arith.constant dense<0.000000e+00> : vector<2000x128xf32>
    %dot_general3A_30 = tpu.matmul %select_n3A, %get3A_28, %dot_general3A_29 {dimension_numbers = #tpu.dot_dimension_numbers<[1], [0], [0], [1], [0, 0, 1, 1], [], []>, transpose_lhs_hint = false} : vector<2000x128xf32>, vector<128x128xf32>, vector<2000x128xf32> -> vector<2000x128xf32>
    %swap3A_31 = arith.constant 0 : index
    %swap3A_32 = arith.constant 0 : index
    %swap3A_33 = vector.load %arg9[%swap3A_31, %swap3A_32] : memref<2000x128xf32, #tpu.memory_space<vmem>>, vector<2000x128xf32>
    tpu.vector_store %arg9[%swap3A_31, %swap3A_32], %dot_general3A_30 {strides = array<i32>} : memref<2000x128xf32, #tpu.memory_space<vmem>>, vector<2000x128xf32>,
    return
  }
  func.func @transform_0(%arg0: i32) -> (i32, i32) {
    %c0_i32 = arith.constant 0 : i32
    %c0_i32_0 = arith.constant 0 : i32
    return %arg0, %c0_i32 : i32, i32
  }
  func.func @transform_1(%arg0: i32) -> (i32, i32) {
    %c0_i32 = arith.constant 0 : i32
    %c0_i32_0 = arith.constant 0 : i32
    return %arg0, %c0_i32 : i32, i32
  }
  func.func @transform_2(%arg0: i32) -> (i32, i32) {
    %c0_i32 = arith.constant 0 : i32
    %c0_i32_0 = arith.constant 0 : i32
    return %arg0, %c0_i32 : i32, i32
  }
  func.func @transform_3(%arg0: i32) -> (i32, i32) {
    %c0_i32 = arith.constant 0 : i32
    %c0_i32_0 = arith.constant 0 : i32
    %c0_i32_1 = arith.constant 0 : i32
    return %c0_i32, %c0_i32_0 : i32, i32
  }
  func.func @transform_4(%arg0: i32) -> (i32, i32) {
    %c0_i32 = arith.constant 0 : i32
    %c0_i32_0 = arith.constant 0 : i32
    %c0_i32_1 = arith.constant 0 : i32
    return %c0_i32, %c0_i32_0 : i32, i32
  }
  func.func @transform_5(%arg0: i32) -> (i32, i32) {
    %c0_i32 = arith.constant 0 : i32
    %c0_i32_0 = arith.constant 0 : i32
    %c0_i32_1 = arith.constant 0 : i32
    return %c0_i32, %c0_i32_0 : i32, i32
  }
  func.func @transform_6(%arg0: i32) -> (i32, i32) {
    %c0_i32 = arith.constant 0 : i32
    %c0_i32_0 = arith.constant 0 : i32
    %c0_i32_1 = arith.constant 0 : i32
    return %c0_i32, %c0_i32_0 : i32, i32
  }
  func.func @transform_7(%arg0: i32) -> (i32, i32) {
    %c0_i32 = arith.constant 0 : i32
    %c0_i32_0 = arith.constant 0 : i32
    return %arg0, %c0_i32 : i32, i32
  }
  func.func @transform_8(%arg0: i32) -> (i32, i32) {
    %c0_i32 = arith.constant 0 : i32
    %c0_i32_0 = arith.constant 0 : i32
    return %arg0, %c0_i32 : i32, i32
  }
}

module attributes {stable_mosaic.version = 14 : i64} {
  func.func @body(%arg0: i32, %arg1: memref<2000x128xf32, #tpu.memory_space<vmem>>, %arg2: memref<2000x128xf32, #tpu.memory_space<vmem>>, %arg3: memref<2000x128xf32, #tpu.memory_space<vmem>>, %arg4: memref<128x128xf32, #tpu.memory_space<vmem>>, %arg5: memref<128x128xf32, #tpu.memory_space<vmem>>, %arg6: memref<1x128xf32, #tpu.memory_space<vmem>>, %arg7: memref<1x1x2000xi32, #tpu.memory_space<vmem>>, %arg8: memref<128x128xf32, #tpu.memory_space<vmem>>, %arg9: memref<1x128xf32, #tpu.memory_space<vmem>>, %arg10: memref<1x128xf32, #tpu.memory_space<vmem>>, %arg11: memref<128x128xf32, #tpu.memory_space<vmem>>, %arg12: memref<1x128xf32, #tpu.memory_space<vmem>>, %arg13: memref<1x128xf32, #tpu.memory_space<vmem>>, %arg14: memref<128x128xf32, #tpu.memory_space<vmem>>, %arg15: memref<1x128xf32, #tpu.memory_space<vmem>>, %arg16: memref<1x128xf32, #tpu.memory_space<vmem>>, %arg17: memref<128x1xf32, #tpu.memory_space<vmem>>, %arg18: memref<1x1xf32, #tpu.memory_space<vmem>>, %arg19: memref<64x1xf32, #tpu.memory_space<vmem>>, %arg20: memref<64x128xf32, #tpu.memory_space<vmem>>) attributes {dimension_semantics = [#tpu.dimension_semantics<arbitrary>], iteration_bounds = array<i64: 5>, scalar_prefetch = 0 : i64, scratch_operands = 1 : i64, tpu.core_type = #tpu.core_type<tc>, window_params = [{transform_indices = @transform_0, window_bounds = array<i64: 2000, 128>}, {transform_indices = @transform_1, window_bounds = array<i64: 2000, 128>}, {transform_indices = @transform_2, window_bounds = array<i64: 2000, 128>}, {pipeline_mode = #tpu.pipeline_mode<synchronous>, transform_indices = @transform_3, window_bounds = array<i64: 128, 128>}, {pipeline_mode = #tpu.pipeline_mode<synchronous>, transform_indices = @transform_4, window_bounds = array<i64: 128, 128>}, {pipeline_mode = #tpu.pipeline_mode<synchronous>, transform_indices = @transform_5, window_bounds = array<i64: 1, 128>}, {transform_indices = @transform_6, window_bounds = array<i64: 1, 1, 2000>}, {pipeline_mode = #tpu.pipeline_mode<synchronous>, transform_indices = @transform_7, window_bounds = array<i64: 128, 128>}, {pipeline_mode = #tpu.pipeline_mode<synchronous>, transform_indices = @transform_8, window_bounds = array<i64: 1, 128>}, {pipeline_mode = #tpu.pipeline_mode<synchronous>, transform_indices = @transform_9, window_bounds = array<i64: 1, 128>}, {pipeline_mode = #tpu.pipeline_mode<synchronous>, transform_indices = @transform_10, window_bounds = array<i64: 128, 128>}, {pipeline_mode = #tpu.pipeline_mode<synchronous>, transform_indices = @transform_11, window_bounds = array<i64: 1, 128>}, {pipeline_mode = #tpu.pipeline_mode<synchronous>, transform_indices = @transform_12, window_bounds = array<i64: 1, 128>}, {pipeline_mode = #tpu.pipeline_mode<synchronous>, transform_indices = @transform_13, window_bounds = array<i64: 128, 128>}, {pipeline_mode = #tpu.pipeline_mode<synchronous>, transform_indices = @transform_14, window_bounds = array<i64: 1, 128>}, {pipeline_mode = #tpu.pipeline_mode<synchronous>, transform_indices = @transform_15, window_bounds = array<i64: 1, 128>}, {pipeline_mode = #tpu.pipeline_mode<synchronous>, transform_indices = @transform_16, window_bounds = array<i64: 128, 1>}, {pipeline_mode = #tpu.pipeline_mode<synchronous>, transform_indices = @transform_17, window_bounds = array<i64: 1, 1>}, {pipeline_mode = #tpu.pipeline_mode<synchronous>, transform_indices = @transform_18, window_bounds = array<i64: 64, 1>}]} {
    %eq3A = arith.constant 0 : i32
    %eq3A_0 = arith.cmpi eq, %arg0, %eq3A : i32
    %convert_element_type3A = arith.extui %eq3A_0 : i1 to i32
    %cond3A = arith.constant 0 : i32
    %cond3A_1 = arith.cmpi ne, %convert_element_type3A, %cond3A : i32
    scf.if %cond3A_1 {
      %broadcast_in_dim3A = arith.constant 0.000000e+00 : f32
      %broadcast_in_dim3A_48 = vector.broadcast %broadcast_in_dim3A : f32 to vector<64x128xf32>
      %swap3A_49 = arith.constant 0 : index
      %swap3A_50 = arith.constant 0 : index
      %swap3A_51 = vector.load %arg20[%swap3A_49, %swap3A_50] : memref<64x128xf32, #tpu.memory_space<vmem>>, vector<64x128xf32>
      tpu.vector_store %arg20[%swap3A_49, %swap3A_50], %broadcast_in_dim3A_48 {strides = array<i32>} : memref<64x128xf32, #tpu.memory_space<vmem>>, vector<64x128xf32>,
    } else {
    }
    %get3A = arith.constant 0 : index
    %get3A_2 = arith.constant 0 : index
    %get3A_3 = vector.load %arg1[%get3A, %get3A_2] : memref<2000x128xf32, #tpu.memory_space<vmem>>, vector<2000x128xf32>
    %get3A_4 = arith.constant 0 : index
    %get3A_5 = arith.constant 0 : index
    %get3A_6 = vector.load %arg2[%get3A_4, %get3A_5] : memref<2000x128xf32, #tpu.memory_space<vmem>>, vector<2000x128xf32>
    %add3A = arith.addf %get3A_3, %get3A_6 : vector<2000x128xf32>
    %get3A_7 = arith.constant 0 : index
    %get3A_8 = arith.constant 0 : index
    %get3A_9 = vector.load %arg4[%get3A_7, %get3A_8] : memref<128x128xf32, #tpu.memory_space<vmem>>, vector<128x128xf32>
    %dot_general3A = arith.constant dense<0.000000e+00> : vector<2000x128xf32>
    %dot_general3A_10 = tpu.matmul %add3A, %get3A_9, %dot_general3A {dimension_numbers = #tpu.dot_dimension_numbers<[1], [0], [0], [1], [0, 0, 1, 1], [], []>, transpose_lhs_hint = false} : vector<2000x128xf32>, vector<128x128xf32>, vector<2000x128xf32> -> vector<2000x128xf32>
    %get3A_11 = arith.constant 0 : index
    %get3A_12 = arith.constant 0 : index
    %get3A_13 = vector.load %arg3[%get3A_11, %get3A_12] : memref<2000x128xf32, #tpu.memory_space<vmem>>, vector<2000x128xf32>
    %get3A_14 = arith.constant 0 : index
    %get3A_15 = arith.constant 0 : index
    %get3A_16 = vector.load %arg5[%get3A_14, %get3A_15] : memref<128x128xf32, #tpu.memory_space<vmem>>, vector<128x128xf32>
    %dot_general3A_17 = arith.constant dense<0.000000e+00> : vector<2000x128xf32>
    %dot_general3A_18 = tpu.matmul %get3A_13, %get3A_16, %dot_general3A_17 {dimension_numbers = #tpu.dot_dimension_numbers<[1], [0], [0], [1], [0, 0, 1, 1], [], []>, transpose_lhs_hint = false} : vector<2000x128xf32>, vector<128x128xf32>, vector<2000x128xf32> -> vector<2000x128xf32>
    %add3A_19 = arith.addf %dot_general3A_10, %dot_general3A_18 : vector<2000x128xf32>
    %ge3A = arith.constant 0.000000e+00 : f32
    %ge3A_20 = vector.broadcast %ge3A : f32 to vector<2000x128xf32>
    %ge3A_21 = arith.cmpf oge, %add3A_19, %ge3A_20 : vector<2000x128xf32>
    %get3A_22 = arith.constant 0 : index
    %get3A_23 = arith.constant 0 : index
    %get3A_24 = vector.load %arg6[%get3A_22, %get3A_23] : memref<1x128xf32, #tpu.memory_space<vmem>>, vector<1x128xf32>
    %mul3A = vector.broadcast %get3A_24 : vector<1x128xf32> to vector<2000x128xf32>
    %mul3A_25 = arith.mulf %add3A_19, %mul3A : vector<2000x128xf32>
    %select_n3A = arith.select %ge3A_21, %add3A_19, %mul3A_25 : vector<2000x128xi1>, vector<2000x128xf32>
    %get3A_26 = arith.constant 0 : index
    %get3A_27 = arith.constant 0 : index
    %get3A_28 = arith.constant 0 : index
    %get3A_29 = vector.load %arg7[%get3A_26, %get3A_27, %get3A_28] : memref<1x1x2000xi32, #tpu.memory_space<vmem>>, vector<1x1x2000xi32>
    %get3A_30 = vector.shape_cast %get3A_29 : vector<1x1x2000xi32> to vector<1x2000xi32>
    %iota3A = tpu.iota {dimensions = array<i32: 0>} : vector<64x2000xi32>
    %eq3A_31 = vector.broadcast %get3A_30 : vector<1x2000xi32> to vector<64x2000xi32>
    %eq3A_32 = arith.cmpi eq, %iota3A, %eq3A_31 : vector<64x2000xi32>
    %convert_element_type3A_33 = arith.extui %eq3A_32 : vector<64x2000xi1> to vector<64x2000xi32>
    %convert_element_type3A_34 = arith.sitofp %convert_element_type3A_33 : vector<64x2000xi32> to vector<64x2000xf32>
    %get3A_35 = arith.constant 0 : index
    %get3A_36 = arith.constant 0 : index
    %get3A_37 = vector.load %arg20[%get3A_35, %get3A_36] : memref<64x128xf32, #tpu.memory_space<vmem>>, vector<64x128xf32>
    %dot_general3A_38 = arith.constant dense<0.000000e+00> : vector<64x128xf32>
    %dot_general3A_39 = tpu.matmul %convert_element_type3A_34, %select_n3A, %dot_general3A_38 {dimension_numbers = #tpu.dot_dimension_numbers<[1], [0], [0], [1], [0, 0, 1, 1], [], []>, transpose_lhs_hint = false} : vector<64x2000xf32>, vector<2000x128xf32>, vector<64x128xf32> -> vector<64x128xf32>
    %add3A_40 = arith.addf %get3A_37, %dot_general3A_39 : vector<64x128xf32>
    %swap3A = arith.constant 0 : index
    %swap3A_41 = arith.constant 0 : index
    %swap3A_42 = vector.load %arg20[%swap3A, %swap3A_41] : memref<64x128xf32, #tpu.memory_space<vmem>>, vector<64x128xf32>
    tpu.vector_store %arg20[%swap3A, %swap3A_41], %add3A_40 {strides = array<i32>} : memref<64x128xf32, #tpu.memory_space<vmem>>, vector<64x128xf32>,
    %eq3A_43 = arith.constant 4 : i32
    %eq3A_44 = arith.cmpi eq, %arg0, %eq3A_43 : i32
    %convert_element_type3A_45 = arith.extui %eq3A_44 : i1 to i32
    %cond3A_46 = arith.constant 0 : i32
    %cond3A_47 = arith.cmpi ne, %convert_element_type3A_45, %cond3A_46 : i32
    scf.if %cond3A_47 {
      %get3A_48 = arith.constant 0 : index
      %get3A_49 = arith.constant 0 : index
      %get3A_50 = vector.load %arg20[%get3A_48, %get3A_49] : memref<64x128xf32, #tpu.memory_space<vmem>>, vector<64x128xf32>
      %get3A_51 = arith.constant 0 : index
      %get3A_52 = arith.constant 0 : index
      %get3A_53 = vector.load %arg8[%get3A_51, %get3A_52] : memref<128x128xf32, #tpu.memory_space<vmem>>, vector<128x128xf32>
      %dot_general3A_54 = arith.constant dense<0.000000e+00> : vector<64x128xf32>
      %dot_general3A_55 = tpu.matmul %get3A_50, %get3A_53, %dot_general3A_54 {dimension_numbers = #tpu.dot_dimension_numbers<[1], [0], [0], [1], [0, 0, 1, 1], [], []>, transpose_lhs_hint = false} : vector<64x128xf32>, vector<128x128xf32>, vector<64x128xf32> -> vector<64x128xf32>
      %get3A_56 = arith.constant 0 : index
      %get3A_57 = arith.constant 0 : index
      %get3A_58 = vector.load %arg9[%get3A_56, %get3A_57] : memref<1x128xf32, #tpu.memory_space<vmem>>, vector<1x128xf32>
      %add3A_59 = vector.broadcast %get3A_58 : vector<1x128xf32> to vector<64x128xf32>
      %add3A_60 = arith.addf %dot_general3A_55, %add3A_59 : vector<64x128xf32>
      %ge3A_61 = arith.constant 0.000000e+00 : f32
      %ge3A_62 = vector.broadcast %ge3A_61 : f32 to vector<64x128xf32>
      %ge3A_63 = arith.cmpf oge, %add3A_60, %ge3A_62 : vector<64x128xf32>
      %get3A_64 = arith.constant 0 : index
      %get3A_65 = arith.constant 0 : index
      %get3A_66 = vector.load %arg10[%get3A_64, %get3A_65] : memref<1x128xf32, #tpu.memory_space<vmem>>, vector<1x128xf32>
      %mul3A_67 = vector.broadcast %get3A_66 : vector<1x128xf32> to vector<64x128xf32>
      %mul3A_68 = arith.mulf %add3A_60, %mul3A_67 : vector<64x128xf32>
      %select_n3A_69 = arith.select %ge3A_63, %add3A_60, %mul3A_68 : vector<64x128xi1>, vector<64x128xf32>
      %get3A_70 = arith.constant 0 : index
      %get3A_71 = arith.constant 0 : index
      %get3A_72 = vector.load %arg11[%get3A_70, %get3A_71] : memref<128x128xf32, #tpu.memory_space<vmem>>, vector<128x128xf32>
      %dot_general3A_73 = arith.constant dense<0.000000e+00> : vector<64x128xf32>
      %dot_general3A_74 = tpu.matmul %select_n3A_69, %get3A_72, %dot_general3A_73 {dimension_numbers = #tpu.dot_dimension_numbers<[1], [0], [0], [1], [0, 0, 1, 1], [], []>, transpose_lhs_hint = false} : vector<64x128xf32>, vector<128x128xf32>, vector<64x128xf32> -> vector<64x128xf32>
      %get3A_75 = arith.constant 0 : index
      %get3A_76 = arith.constant 0 : index
      %get3A_77 = vector.load %arg12[%get3A_75, %get3A_76] : memref<1x128xf32, #tpu.memory_space<vmem>>, vector<1x128xf32>
      %add3A_78 = vector.broadcast %get3A_77 : vector<1x128xf32> to vector<64x128xf32>
      %add3A_79 = arith.addf %dot_general3A_74, %add3A_78 : vector<64x128xf32>
      %ge3A_80 = arith.constant 0.000000e+00 : f32
      %ge3A_81 = vector.broadcast %ge3A_80 : f32 to vector<64x128xf32>
      %ge3A_82 = arith.cmpf oge, %add3A_79, %ge3A_81 : vector<64x128xf32>
      %get3A_83 = arith.constant 0 : index
      %get3A_84 = arith.constant 0 : index
      %get3A_85 = vector.load %arg13[%get3A_83, %get3A_84] : memref<1x128xf32, #tpu.memory_space<vmem>>, vector<1x128xf32>
      %mul3A_86 = vector.broadcast %get3A_85 : vector<1x128xf32> to vector<64x128xf32>
      %mul3A_87 = arith.mulf %add3A_79, %mul3A_86 : vector<64x128xf32>
      %select_n3A_88 = arith.select %ge3A_82, %add3A_79, %mul3A_87 : vector<64x128xi1>, vector<64x128xf32>
      %get3A_89 = arith.constant 0 : index
      %get3A_90 = arith.constant 0 : index
      %get3A_91 = vector.load %arg14[%get3A_89, %get3A_90] : memref<128x128xf32, #tpu.memory_space<vmem>>, vector<128x128xf32>
      %dot_general3A_92 = arith.constant dense<0.000000e+00> : vector<64x128xf32>
      %dot_general3A_93 = tpu.matmul %select_n3A_88, %get3A_91, %dot_general3A_92 {dimension_numbers = #tpu.dot_dimension_numbers<[1], [0], [0], [1], [0, 0, 1, 1], [], []>, transpose_lhs_hint = false} : vector<64x128xf32>, vector<128x128xf32>, vector<64x128xf32> -> vector<64x128xf32>
      %get3A_94 = arith.constant 0 : index
      %get3A_95 = arith.constant 0 : index
      %get3A_96 = vector.load %arg15[%get3A_94, %get3A_95] : memref<1x128xf32, #tpu.memory_space<vmem>>, vector<1x128xf32>
      %add3A_97 = vector.broadcast %get3A_96 : vector<1x128xf32> to vector<64x128xf32>
      %add3A_98 = arith.addf %dot_general3A_93, %add3A_97 : vector<64x128xf32>
      %ge3A_99 = arith.constant 0.000000e+00 : f32
      %ge3A_100 = vector.broadcast %ge3A_99 : f32 to vector<64x128xf32>
      %ge3A_101 = arith.cmpf oge, %add3A_98, %ge3A_100 : vector<64x128xf32>
      %get3A_102 = arith.constant 0 : index
      %get3A_103 = arith.constant 0 : index
      %get3A_104 = vector.load %arg16[%get3A_102, %get3A_103] : memref<1x128xf32, #tpu.memory_space<vmem>>, vector<1x128xf32>
      %mul3A_105 = vector.broadcast %get3A_104 : vector<1x128xf32> to vector<64x128xf32>
      %mul3A_106 = arith.mulf %add3A_98, %mul3A_105 : vector<64x128xf32>
      %select_n3A_107 = arith.select %ge3A_101, %add3A_98, %mul3A_106 : vector<64x128xi1>, vector<64x128xf32>
      %get3A_108 = arith.constant 0 : index
      %get3A_109 = arith.constant 0 : index
      %get3A_110 = vector.load %arg17[%get3A_108, %get3A_109] : memref<128x1xf32, #tpu.memory_space<vmem>>, vector<128x1xf32>
      %dot_general3A_111 = arith.constant dense<0.000000e+00> : vector<64x1xf32>
      %dot_general3A_112 = tpu.matmul %select_n3A_107, %get3A_110, %dot_general3A_111 {dimension_numbers = #tpu.dot_dimension_numbers<[1], [0], [0], [1], [0, 0, 1, 1], [], []>, transpose_lhs_hint = false} : vector<64x128xf32>, vector<128x1xf32>, vector<64x1xf32> -> vector<64x1xf32>
      %get3A_113 = arith.constant 0 : index
      %get3A_114 = arith.constant 0 : index
      %get3A_115 = vector.load %arg18[%get3A_113, %get3A_114] : memref<1x1xf32, #tpu.memory_space<vmem>>, vector<1x1xf32>
      %add3A_116 = vector.broadcast %get3A_115 : vector<1x1xf32> to vector<64x1xf32>
      %add3A_117 = arith.addf %dot_general3A_112, %add3A_116 : vector<64x1xf32>
      %swap3A_118 = arith.constant 0 : index
      %swap3A_119 = arith.constant 0 : index
      %swap3A_120 = vector.load %arg19[%swap3A_118, %swap3A_119] : memref<64x1xf32, #tpu.memory_space<vmem>>, vector<64x1xf32>
      tpu.vector_store %arg19[%swap3A_118, %swap3A_119], %add3A_117 {strides = array<i32>} : memref<64x1xf32, #tpu.memory_space<vmem>>, vector<64x1xf32>,
    } else {
    }
    return
  }
  func.func @transform_0(%arg0: i32) -> (i32, i32) {
    %c0_i32 = arith.constant 0 : i32
    %c0_i32_0 = arith.constant 0 : i32
    return %arg0, %c0_i32 : i32, i32
  }
  func.func @transform_1(%arg0: i32) -> (i32, i32) {
    %c0_i32 = arith.constant 0 : i32
    %c0_i32_0 = arith.constant 0 : i32
    return %arg0, %c0_i32 : i32, i32
  }
  func.func @transform_2(%arg0: i32) -> (i32, i32) {
    %c0_i32 = arith.constant 0 : i32
    %c0_i32_0 = arith.constant 0 : i32
    return %arg0, %c0_i32 : i32, i32
  }
  func.func @transform_3(%arg0: i32) -> (i32, i32) {
    %c0_i32 = arith.constant 0 : i32
    %c0_i32_0 = arith.constant 0 : i32
    %c0_i32_1 = arith.constant 0 : i32
    return %c0_i32, %c0_i32_0 : i32, i32
  }
  func.func @transform_4(%arg0: i32) -> (i32, i32) {
    %c0_i32 = arith.constant 0 : i32
    %c0_i32_0 = arith.constant 0 : i32
    %c0_i32_1 = arith.constant 0 : i32
    return %c0_i32, %c0_i32_0 : i32, i32
  }
  func.func @transform_5(%arg0: i32) -> (i32, i32) {
    %c0_i32 = arith.constant 0 : i32
    %c0_i32_0 = arith.constant 0 : i32
    %c0_i32_1 = arith.constant 0 : i32
    return %c0_i32, %c0_i32_0 : i32, i32
  }
  func.func @transform_6(%arg0: i32) -> (i32, i32, i32) {
    %c0_i32 = arith.constant 0 : i32
    %c0_i32_0 = arith.constant 0 : i32
    %c0_i32_1 = arith.constant 0 : i32
    return %arg0, %c0_i32, %c0_i32_0 : i32, i32, i32
  }
  func.func @transform_7(%arg0: i32) -> (i32, i32) {
    %c0_i32 = arith.constant 0 : i32
    %c0_i32_0 = arith.constant 0 : i32
    %c0_i32_1 = arith.constant 0 : i32
    return %c0_i32, %c0_i32_0 : i32, i32
  }
  func.func @transform_8(%arg0: i32) -> (i32, i32) {
    %c0_i32 = arith.constant 0 : i32
    %c0_i32_0 = arith.constant 0 : i32
    %c0_i32_1 = arith.constant 0 : i32
    return %c0_i32, %c0_i32_0 : i32, i32
  }
  func.func @transform_9(%arg0: i32) -> (i32, i32) {
    %c0_i32 = arith.constant 0 : i32
    %c0_i32_0 = arith.constant 0 : i32
    %c0_i32_1 = arith.constant 0 : i32
    return %c0_i32, %c0_i32_0 : i32, i32
  }
  func.func @transform_10(%arg0: i32) -> (i32, i32) {
    %c0_i32 = arith.constant 0 : i32
    %c0_i32_0 = arith.constant 0 : i32
    %c0_i32_1 = arith.constant 0 : i32
    return %c0_i32, %c0_i32_0 : i32, i32
  }
  func.func @transform_11(%arg0: i32) -> (i32, i32) {
    %c0_i32 = arith.constant 0 : i32
    %c0_i32_0 = arith.constant 0 : i32
    %c0_i32_1 = arith.constant 0 : i32
    return %c0_i32, %c0_i32_0 : i32, i32
  }
  func.func @transform_12(%arg0: i32) -> (i32, i32) {
    %c0_i32 = arith.constant 0 : i32
    %c0_i32_0 = arith.constant 0 : i32
    %c0_i32_1 = arith.constant 0 : i32
    return %c0_i32, %c0_i32_0 : i32, i32
  }
  func.func @transform_13(%arg0: i32) -> (i32, i32) {
    %c0_i32 = arith.constant 0 : i32
    %c0_i32_0 = arith.constant 0 : i32
    %c0_i32_1 = arith.constant 0 : i32
    return %c0_i32, %c0_i32_0 : i32, i32
  }
  func.func @transform_14(%arg0: i32) -> (i32, i32) {
    %c0_i32 = arith.constant 0 : i32
    %c0_i32_0 = arith.constant 0 : i32
    %c0_i32_1 = arith.constant 0 : i32
    return %c0_i32, %c0_i32_0 : i32, i32
  }
  func.func @transform_15(%arg0: i32) -> (i32, i32) {
    %c0_i32 = arith.constant 0 : i32
    %c0_i32_0 = arith.constant 0 : i32
    %c0_i32_1 = arith.constant 0 : i32
    return %c0_i32, %c0_i32_0 : i32, i32
  }
  func.func @transform_16(%arg0: i32) -> (i32, i32) {
    %c0_i32 = arith.constant 0 : i32
    %c0_i32_0 = arith.constant 0 : i32
    %c0_i32_1 = arith.constant 0 : i32
    return %c0_i32, %c0_i32_0 : i32, i32
  }
  func.func @transform_17(%arg0: i32) -> (i32, i32) {
    %c0_i32 = arith.constant 0 : i32
    %c0_i32_0 = arith.constant 0 : i32
    %c0_i32_1 = arith.constant 0 : i32
    return %c0_i32, %c0_i32_0 : i32, i32
  }
  func.func @transform_18(%arg0: i32) -> (i32, i32) {
    %c0_i32 = arith.constant 0 : i32
    %c0_i32_0 = arith.constant 0 : i32
    %c0_i32_1 = arith.constant 0 : i32
    return %c0_i32, %c0_i32_0 : i32, i32
  }
}

</mosaic_0001>

<sc_bundles>
// kernel: kernel.15.cloned.1.call-start
scs
__scs_entry_jumppad:
0x0: {  	(pc) =	sbr.rel $0x88, $3  }
0x1: {  	(tag) =	ssettag $0x0;
	lr =	simm.s32 $0x1  }
0x2: {  	[smem:$0x3F86] =	sst lr;
	_ =	strace $0xD0000000  }
0x3: {  	_ = 	snop  }
0x4: {  	_ = 	snop  }
0x5: {  	_ = 	snop  }
0x6: {  	_ = 	snop  }
0x7: {  	_ = 	snop  }
__scs_overlays_trampoline_lowered:
0x8: {  	[smem:$0x3F95] =	sst s0  }
0x9: {  	[smem:$0x3F96] =	sst s1  }
0xa: {  	[smem:$0x3F97] =	sst s2  }
0xb: {  	[smem:$0x3F98] =	sst s3  }
0xc: {  	[smem:$0x3F99] =	sst s4  }
0xd: {  	[smem:$0x3F9A] =	sst s5  }
0xe: {  	[smem:$0x3F9B] =	sst s6  }
0xf: {  	[smem:$0x3F9C] =	sst s7  }
0x10: {  	[smem:$0x3F9D] =	sst s8  }
0x11: {  	[smem:$0x3F9E] =	sst s9;
	s0 =	simm.s32 @!p0 $0x0  }
0x12: {  	s1 =	sld [smem:$0x3F84];
	s0 =	simm.s32 @p0 $0x1  }
0x13: {  	[smem:$0x3F9F] =	sst s0;
	s0 =	simm.s32 @!p1 $0x0  }
0x14: {  	s2 =	sld [smem:$0x3F83];
	s0 =	simm.s32 @p1 $0x1  }
0x15: {  	[smem:$0x3FA0] =	sst s0;
	s0 =	simm.s32 @!p2 $0x0  }
0x16: {  	s3 =	sld [smem:$0x3FDB];
	s0 =	simm.s32 @p2 $0x1  }
0x17: {  	s4 =	simm.s32 $0x1BF5;
	[smem:$0x3FA2] =	sst s0  }
0x18: {  	s0 =	sld [smem:$0x3F85];
	_ =	swait.ge [sflag:s4], $0x0  }
0x19: {  	s7 =	sld [smem:$0x3F86]  }
0x1a: {  	s8 =	sadd.s32 $0xFFFFE003, lr  }
0x1b: {  	s9 =	sadd.s32 $0xFFFFFEF7, lr;
	s5 =	simm.s32 $0xFFFFFFFF;
	p2 =	slt.u32 s8, $0xFFFFF086  }
0x1c: {  	p1 =	slt.u32 s9, $0xF7A;
	s5 =	simm.s32 @!p2 $0x0  }
0x1d: {  	s5 =	simm.s32 @p1 $0x1;
	p0 =	seq.s32 s7, s2  }
0x1e: {  	s7 =	smul.u32 @!p0 $0xF7A, s2;
	p2 =	seq.s32 @!p0 s5, $0x0  }
0x1f: {  	s9 =	smul.u32 $0xF7A, s1;
	s8 =	simm.s32 @!p0 $0x1BF5;
	p2 =	por !p2, p0  }
0x20: {  	[sflag:s8] =	ssyncset.s32 @!p0 $0xFFFFF086;
	s6 =	sadd.s32 @!p0 s3, s7;
	s7 =	simm.s32 @!p0 $0x108  }
0x21: {  	s3 =	sadd.s32 s3, s9;
	s6 =	sadd.s32 @!p0 $0x88, s6;
	s7 =	simm.s32 @p2 $0x1082  }
0x22: {  	[simem:s7], [sflag:s8] =	dma.local @!p0 [hbm:s6], $0xF7A  }
0x23: {  	s9 =	sor.u32 $0xD0000000, s2;
	s6 =	simm.s32 $0x108;
	_ =	swait.ge @!p0 [sflag:s8], $0x0  }
0x24: {  	s3 =	sadd.s32 $0x88, s3;
	s6 =	simm.s32 @!p1 $0x1082;
	[sflag:s4] =	ssyncset.s32 $0xFFFFF086  }
0x25: {  	[simem:s6], [sflag:s4] =	dma.local [hbm:s3], $0xF7A  }
0x26: {  	[smem:$0x3F86] =	sst s1;
	(tag) =	ssettag s2;
	_ =	strace s9  }
0x27: {  	s1 =	sld [smem:$0x3F96]  }
0x28: {  	s2 =	sld [smem:$0x3F97]  }
0x29: {  	s4 =	sld [smem:$0x3F99]  }
0x2a: {  	p0 =	seq.s32 s5, $0x0;
	s5 =	sld [smem:$0x3F9A]  }
0x2b: {  	s6 =	sld [smem:$0x3F9B]  }
0x2c: {  	s7 =	sld [smem:$0x3F9C]  }
0x2d: {  	s3 =	simm.s32 $0x108;
	s8 =	sld [smem:$0x3F9D]  }
0x2e: {  	s3 =	simm.s32 @!p0 $0x1082;
	s9 =	sld [smem:$0x3F9E]  }
0x2f: {  	lr =	sadd.s32 s0, s3;
	s0 =	sld [smem:$0x3F95]  }
0x30: {  	s3 =	sld [smem:$0x3F98]  }
0x31: {  	[smem:$0x3FA1] =	sst s10  }
0x32: {  	s10 =	sld [smem:$0x3F9F];
	_ =	sdelay $0x3  }
0x33: {  	p0 =	seq.s32 s10, $0x1;
	s10 =	sld [smem:$0x3FA1];
	_ =	sdelay $0x3  }
0x34: {  	[smem:$0x3FA1] =	sst s10  }
0x35: {  	s10 =	sld [smem:$0x3FA0];
	_ =	sdelay $0x3  }
0x36: {  	p1 =	seq.s32 s10, $0x1;
	s10 =	sld [smem:$0x3FA1];
	_ =	sdelay $0x3  }
0x37: {  	[smem:$0x3FA1] =	sst s10  }
0x38: {  	s10 =	sld [smem:$0x3FA2]  }
0x39: {  	_ = 	snop;
	(pc) =	sbr.ind lr, $3  }
0x3a: {  	_ = 	snop  }
0x3b: {  	_ = 	snop  }
0x3c: {  	p2 =	seq.s32 s10, $0x1;
	s10 =	sld [smem:$0x3FA1]  }
0x3d: {  	_ =	shalt  }
0x3e: {  	_ =	shalt  }
0x3f: {  	_ =	shalt  }
0x40: {  	_ =	shalt  }
0x41: {  	_ =	shalt  }
0x42: {  	_ =	shalt  }
0x43: {  	_ =	shalt  }
0x44: {  	_ =	shalt  }
0x45: {  	_ =	shalt  }
0x46: {  	_ =	shalt  }
0x47: {  	_ =	shalt  }
0x48: {  	_ =	shalt  }
0x49: {  	_ =	shalt  }
0x4a: {  	_ =	shalt  }
0x4b: {  	_ =	shalt  }
0x4c: {  	_ =	shalt  }
0x4d: {  	_ =	shalt  }
0x4e: {  	_ =	shalt  }
0x4f: {  	_ =	shalt  }
0x50: {  	_ =	shalt  }
0x51: {  	_ =	shalt  }
0x52: {  	_ =	shalt  }
0x53: {  	_ =	shalt  }
0x54: {  	_ =	shalt  }
0x55: {  	_ =	shalt  }
0x56: {  	_ =	shalt  }
0x57: {  	_ =	shalt  }
0x58: {  	_ =	shalt  }
0x59: {  	_ =	shalt  }
0x5a: {  	_ =	shalt  }
0x5b: {  	_ =	shalt  }
0x5c: {  	_ =	shalt  }
0x5d: {  	_ =	shalt  }
0x5e: {  	_ =	shalt  }
0x5f: {  	_ =	shalt  }
0x60: {  	_ =	shalt  }
0x61: {  	_ =	shalt  }
0x62: {  	_ =	shalt  }
0x63: {  	_ =	shalt  }
0x64: {  	_ =	shalt  }
0x65: {  	_ =	shalt  }
0x66: {  	_ =	shalt  }
0x67: {  	_ =	shalt  }
0x68: {  	_ =	shalt  }
0x69: {  	_ =	shalt  }
0x6a: {  	_ =	shalt  }
0x6b: {  	_ =	shalt  }
0x6c: {  	_ =	shalt  }
0x6d: {  	_ =	shalt  }
0x6e: {  	_ =	shalt  }
0x6f: {  	_ =	shalt  }
0x70: {  	_ =	shalt  }
0x71: {  	_ =	shalt  }
0x72: {  	_ =	shalt  }
0x73: {  	_ =	shalt  }
0x74: {  	_ =	shalt  }
0x75: {  	_ =	shalt  }
0x76: {  	_ =	shalt  }
0x77: {  	_ =	shalt  }
0x78: {  	_ =	shalt  }
0x79: {  	_ =	shalt  }
0x7a: {  	_ =	shalt  }
0x7b: {  	_ =	shalt  }
0x7c: {  	_ =	shalt  }
0x7d: {  	_ =	shalt  }
0x7e: {  	_ =	shalt  }
0x7f: {  	_ =	shalt  }
0x80: {  	_ =	shalt  }
0x81: {  	_ =	shalt  }
0x82: {  	_ =	shalt  }
0x83: {  	_ =	shalt  }
0x84: {  	_ =	shalt  }
0x85: {  	_ =	shalt  }
0x86: {  	_ =	shalt  }
0x87: {  	_ =	shalt  }
.Lfunc_end0:
.L_simem_size_0:
called_computation_lowered:
.L_overlay_start_0:
0x88: {  	s2 =	sld [smem:$0x3FD9]  }
0x89: {  	s3 =	sld [smem:$0x3FFE];
	_ =	sdelay $0x1  }
0x8a: {  	s1 =	srdreg.scid  }
0x8b: {  	s0 =	sand.u32 $0x1, s1  }
0x8c: {  	s16 =	sshll.u32 s0, $0xA;
	s2 =	sadd.s32 s3, s2  }
0x8d: {  	s2 =	sadd.s32 s2, s16  }
0x8e: {  	[smem:$0x3FAD] =	sst s2  }
0x8f: {  	_ = 	snop  }
0x90: {  	(tm) =	ssettm $0x1  }
0x91: {  	s17 =	sld [smem:$0x3FFB];
	_ =	sdelay $0x3  }
0x92: {  	_ =	strace s17  }
0x93: {  	s2 =	sld [smem:$0x3FFC];
	_ =	sdelay $0x3  }
0x94: {  	_ =	strace s2  }
0x95: {  	s2 =	sld [smem:$0x3FFD];
	_ =	sdelay $0x3  }
0x96: {  	_ =	strace s2  }
0x97: {  	_ =	strace $0x8FFFFFFF  }
0x98: {  	s18 =	sld [smem:$0x3FDB];
	_ =	sdelay $0x1  }
0x99: {  	s19 =	simm.s32 $_scs_section_size  }
0x9a: {  	s4 =	simm.s32 $_size__tile_overlayer_lowered;
	s5 =	simm.s32 $_tile_overlayer_lowered  }
0x9b: {  	s22 =	simm.s32 $0x1BFF;
	s21 =	sshll.u32 s5, $0x1;
	s2 =	sadd.s32 s19, s18  }
0x9c: {  	s6 =	simm.s32 $0x0;
	s20 =	sshll.u32 s4, $0x1;
	s4 =	sadd.s32 s21, s2  }
0x9d: {  	[timem:s6], [sflag:s22] =	dma.local [hbm:s4], s20  }
0x9e: {  	_ =	swait.ge [sflag:s22], s20  }
0x9f: {  	s3 =	ssub.s32 $0x0, s20;
	[sflag:s22] =	ssyncset.done $0x0  }
0xa0: {  	[sflag:s22] =	ssyncadd.s32 s3;
	_ =	sdelay $0x1  }
0xa1: {  	s23 =	simm.s32 $0x1B8B  }
0xa2: {  	_ =	swait.ge [sflag:s23], $0x1  }
0xa3: {  	[sflag:s23] =	ssyncset.done $0x0  }
0xa4: {  	s25 =	simm.s32 $0x1B8E;
	s24 =	sld [smem:$0x3FFE];
	[sflag:s23] =	ssyncadd.s32 $0xFFFFFFFF  }
0xa5: {  	s26 =	simm.s32 $execute0_lowered;
	[smem:$0x3FD2] =	sst s25  }
0xa6: {  	s4 =	sshll.u32 s26, $0x1;
	_ =	strace $0x80000046;
	[dreg:$0x1] =	wrdreg $0xFFFFFFFF  }
0xa7: {  	s28 =	simm.s32 $_size_execute0_lowered;
	s2 =	sadd.s32 s2, s4;
	[dreg:$0x0] =	wrdreg $0x0  }
0xa8: {  	s4 =	sshll.u32 s28, $0x1;
	[dreg:$0x2] =	wrdreg s2  }
0xa9: {  	[dreg:$0x3] =	wrdreg s4  }
0xaa: {  	[dreg:$0x4] =	wrdreg $0xC0  }
0xab: {  	_ =	task [dreg:s6], $0x5FFFF  }
0xac: {  	[dreg:$0x1] =	wrdreg $0xFFFFFFFF  }
0xad: {  	[dreg:$0x0] =	wrdreg $0x60  }
0xae: {  	[dreg:$0x2] =	wrdreg s24  }
0xaf: {  	[dreg:$0x3] =	wrdreg $0x9  }
0xb0: {  	_ =	task.clear_ibuf [dreg:s6], $0x4FFFF;
	_ =	strace $0x90000046  }
0xb1: {  	s29 =	simm.s32 $0x9;
	_ =	strace $0x80000048  }
0xb2: {  	_ =	swait.ge [sflag:s29], $0x1  }
0xb3: {  	[sflag:s29] =	ssyncadd.s32 $0xFFFFFFFF  }
0xb4: {  	_ =	strace $0x90000048  }
0xb5: {  	_ =	sfence  }
0xb6: {  	s30 =	sld [smem:$0x0];
	_ =	sdelay $0x2  }
0xb7: {  	s31 =	sshll.u32 s1, $0xD;
	s1 =	sshrl.u32 s1, $0x2  }
0xb8: {  	s3 =	sand.u32 $0x4000, s31;
	s1 =	sadd.s32 s1, s30  }
0xb9: {  	s0 =	sor.u32 s3, s0;
	s1 =	sshll.u32 s1, $0x11  }
0xba: {  	s0 =	sor.u32 s1, s0  }
0xbb: {  	s0 =	sadd.s32 $0x8F2B, s0  }
0xbc: {  	[sflag:s0] =	ssyncadd.remote.s32 $0x1  }
0xbd: {  	_ =	sfence.sel $0xFFFF  }
0xbe: {  	[dreg:$0x0] =	wrdreg $0xFFFFFFFF;
	(pc) =	sbr.abs _section_cstart, $3  }
0xbf: {  	[dreg:$0x1] =	wrdreg $0xFFFFFFFF  }
0xc0: {  	_ =	task.clear_ibuf [dreg:s6], $0x2FFFF;
	_ =	strace $0x9FFFFFFF  }
0xc1: {  	(tm) =	ssettm $0x7FFFFFFF  }
tec
execute0_lowered:
.L_overlay_start_1:
0x0: {  	(tag) =	ssettag $0x1  }
0x1: {  	s0 =	rddreg [dreg:$0x0]  }
0x2: {  	s1 =	simm.s32 $0x0;
	s2 =	srdreg.scid;
	s12 =	stileid.u32  }
0x3: {  	s13 =	simm.s32 $0x80;
	s29 =	simm.s32 $0x6;
	s30 =	simm.s32 $0x14300  }
0x4: {  	s31 =	simm.s32 $0x7;
	[smem:$0x7FF] =	sst s1;
	s8 =	smul.u32 $0x4E000, s12  }
0x5: {  	s3 =	sadd.s32 $0x41800, s0;
	s4 =	sadd.s32 $0x6A00, s0;
	s16 =	smul.u32 $0x4E00, s12  }
0x6: {  	s2 =	sand.u32 $0x1, s2;
	s0 =	sadd.s32 $0x68A00, s0;
	s24 =	smul.u32 $0x9C0, s12  }
0x7: {  	s6 =	sshll.u32 s12, $0x8;
	p0 =	sgt.u32 s12, $0x1;
	s15 =	smul.u32 $0x27000, s2  }
0x8: {  	_ =	strace $0x80000047;
	s5 =	ssub.s32 $0x2, s2;
	s11 =	smul.u32 $0x2700, s2  }
0x9: {  	s7 =	sshll.u32 s2, $0x7;
	s2 =	smul.u32 $0x4E0, s2;
	s9 =	sshrl.u32 s5, $0x1  }
0xa: {  	s6 =	sor.u32 s7, s6;
	s26 =	sadd.s32 s24, s4;
	s24 =	simm.s32 $0x4  }
0xb: {  	s5 =	ssub.s32 s5, s9;
	s6 =	sor.u32 $0x4E000, s6;
	s17 =	sadd.s32 s11, s16  }
0xc: {  	s28 =	sadd.s32 s2, s26;
	s26 =	simm.s32 $0x5;
	s2 =	simm.s32 $0x9  }
0xd: {  	s9 =	simm.s32 $0x0;
	s10 =	sshrl.u32 s6, $0x3;
	s6 =	sshll.u32 s6, $0x4  }
0xe: {  	s5 =	smax.u32 s5, $0x1;
	s18 =	sadd.s32 $0x280, s17;
	s19 =	sadd.s32 $0x200, s17  }
0xf: {  	s20 =	sadd.s32 $0x180, s17;
	s23 =	sadd.s32 $0x100, s17;
	[dreg:$0xb] =	wrdreg s28  }
0x10: {  	s10 =	sadd.s32 s4, s10;
	s6 =	sadd.s32 s0, s6;
	[dreg:$0x5] =	wrdreg s5  }
0x11: {  	s0 =	sadd.s32 s8, s0;
	s22 =	sshrl.u32 s20, $0x3;
	[dreg:$0x3] =	wrdreg s10  }
0x12: {  	s5 =	sor.u32 $0x80, s17;
	[dreg:$0x4] =	wrdreg s6;
	s0 =	sadd.s32 s15, s0  }
0x13: {  	s20 =	simm.s32 $0x2;
	[dreg:$0x2] =	wrdreg s0;
	s0 =	sshrl.u32 s18, $0x3  }
0x14: {  	s6 =	sshrl.u32 s19, $0x3;
	s25 =	sshrl.u32 s5, $0x3;
	s0 =	sadd.s32 s0, s4  }
0x15: {  	s5 =	simm.s32 $0xB;
	[dreg:$0x6] =	wrdreg s0;
	s0 =	sadd.s32 s22, s4  }
0x16: {  	s21 =	sadd.s32 s6, s4;
	[dreg:$0x8] =	wrdreg s0;
	s0 =	sshrl.u32 s23, $0x3  }
0x17: {  	s6 =	simm.s32 $0xC;
	[dreg:$0x7] =	wrdreg s21;
	s0 =	sadd.s32 s0, s4  }
0x18: {  	s22 =	simm.s32 $0x3;
	[dreg:$0x9] =	wrdreg s0;
	s0 =	sadd.s32 s25, s4  }
0x19: {  	s4 =	simm.s32 $0xA;
	[dreg:$0xa] =	wrdreg s0;
	s0 =	simm.s32 $0x8  }
.LBB2_1:
0x1a: {  	p1 =	por $0x1, $0x1  }
0x1b: {  	[dreg:$0xc] =	wrdreg s9;
	s7 =	simm.s32 @!p1 $0xD  }
0x1c: {  	_ =	swait.ge @!p1 [sflag:s7], $0x4000  }
0x1d: {  	[sflag:s7] =	ssyncset.done @!p1 $0x0  }
0x1e: {  	s14 =	rddreg [dreg:$0xb];
	[sflag:s7] =	ssyncadd.s32 @!p1 $0xFFFFC000;
	s7 =	simm.s32 @!p1 $0xE  }
0x1f: {  	[tilespmem:s1], [sflag:$0x1] =	stream.linear.gather [hbm4b:s14+s1], $0x80, $0x38;
	[tilespmem:$0x18300] =	vst v63  }
0x20: {  	_ =	swait.ge @!p1 [sflag:s7], $0x4000  }
0x21: {  	[sflag:s7] =	ssyncset.done @!p1 $0x0  }
0x22: {  	s12 =	rddreg [dreg:$0xa];
	[sflag:s7] =	ssyncadd.s32 @!p1 $0xFFFFC000;
	s7 =	simm.s32 @!p1 $0xF  }
0x23: {  	[tilespmem:s13], [sflag:$0x2] =	stream.linear.gather [hbm4b:s12+s1], $0x80, $0x38;
	[tilespmem:$0x18300] =	vst v63  }
0x24: {  	_ =	swait.ge @!p1 [sflag:s7], $0x4000  }
0x25: {  	s8 =	simm.s32 $0x100;
	[sflag:s7] =	ssyncset.done @!p1 $0x0  }
0x26: {  	s9 =	rddreg [dreg:$0x9];
	[sflag:s7] =	ssyncadd.s32 @!p1 $0xFFFFC000;
	s7 =	simm.s32 @!p1 $0x10  }
0x27: {  	[tilespmem:s8], [sflag:$0x3] =	stream.linear.gather [hbm4b:s9+s1], $0x80, $0x38;
	[tilespmem:$0x18300] =	vst v63  }
0x28: {  	_ =	swait.ge @!p1 [sflag:s7], $0x4000  }
0x29: {  	s15 =	simm.s32 $0x180;
	[sflag:s7] =	ssyncset.done @!p1 $0x0  }
0x2a: {  	s11 =	rddreg [dreg:$0x8];
	[sflag:s7] =	ssyncadd.s32 @!p1 $0xFFFFC000;
	s7 =	simm.s32 @!p1 $0x11  }
0x2b: {  	[tilespmem:s15], [sflag:$0x4] =	stream.linear.gather [hbm4b:s11+s1], $0x80, $0x38;
	[tilespmem:$0x18300] =	vst v63  }
0x2c: {  	_ =	swait.ge @!p1 [sflag:s7], $0x4000  }
0x2d: {  	s16 =	simm.s32 $0x200;
	[sflag:s7] =	ssyncset.done @!p1 $0x0  }
0x2e: {  	s17 =	rddreg [dreg:$0x7];
	[sflag:s7] =	ssyncadd.s32 @!p1 $0xFFFFC000;
	s7 =	simm.s32 @!p1 $0x12  }
0x2f: {  	[tilespmem:s16], [sflag:$0x5] =	stream.linear.gather [hbm4b:s17+s1], $0x80, $0x38;
	[tilespmem:$0x18300] =	vst v63  }
0x30: {  	_ =	swait.ge @!p1 [sflag:s7], $0x4000  }
0x31: {  	s18 =	simm.s32 $0x1;
	[sflag:s7] =	ssyncset.done @!p1 $0x0  }
0x32: {  	s10 =	rddreg [dreg:$0x6];
	[sflag:s7] =	ssyncadd.s32 @!p1 $0xFFFFC000;
	s7 =	simm.s32 $0x280  }
0x33: {  	[tilespmem:s7], [sflag:$0x6] =	stream.linear.gather [hbm4b:s10+s1], $0x80, $0x38;
	[tilespmem:$0x18300] =	vst v63  }
0x34: {  	_ =	swait.ge [sflag:s18], $0x80  }
0x35: {  	[sflag:s18] =	ssyncset.done $0x0  }
0x36: {  	s19 =	simm.s32 $0x300;
	[sflag:s18] =	ssyncadd.s32 $0xFFFFFF80  }
0x37: {  	[tilespmem:s19], [sflag:$0x7] =	stream.indirect.gather [hbm4b:s3+s13], $0x80, s1, s13, $0xb8;
	[tilespmem:$0x18300] =	vst v63  }
0x38: {  	_ =	swait.ge [sflag:s20], $0x80  }
0x39: {  	[sflag:s20] =	ssyncset.done $0x0  }
0x3a: {  	s21 =	simm.s32 $0x4300;
	[sflag:s20] =	ssyncadd.s32 $0xFFFFFF80  }
0x3b: {  	[tilespmem:s21], [sflag:$0x8] =	stream.indirect.gather [hbm4b:s3+s13], $0x80, s13, s13, $0xb8;
	[tilespmem:$0x18300] =	vst v63  }
0x3c: {  	_ =	swait.ge [sflag:s22], $0x80  }
0x3d: {  	[sflag:s22] =	ssyncset.done $0x0  }
0x3e: {  	s23 =	simm.s32 $0x8300;
	[sflag:s22] =	ssyncadd.s32 $0xFFFFFF80  }
0x3f: {  	[tilespmem:s23], [sflag:$0x9] =	stream.indirect.gather [hbm4b:s3+s13], $0x80, s8, s13, $0xb8;
	[tilespmem:$0x18300] =	vst v63  }
0x40: {  	_ =	swait.ge [sflag:s24], $0x80  }
0x41: {  	[sflag:s24] =	ssyncset.done $0x0  }
0x42: {  	s25 =	simm.s32 $0xC300;
	[sflag:s24] =	ssyncadd.s32 $0xFFFFFF80  }
0x43: {  	[tilespmem:s25], [sflag:$0xA] =	stream.indirect.gather [hbm4b:s3+s13], $0x80, s15, s13, $0xb8;
	[tilespmem:$0x18300] =	vst v63  }
0x44: {  	_ =	swait.ge [sflag:s26], $0x80  }
0x45: {  	[sflag:s26] =	ssyncset.done $0x0  }
0x46: {  	s28 =	simm.s32 $0x10300;
	[sflag:s26] =	ssyncadd.s32 $0xFFFFFF80  }
0x47: {  	[tilespmem:s28], [sflag:$0xB] =	stream.indirect.gather [hbm4b:s3+s13], $0x80, s16, s13, $0xb8;
	[tilespmem:$0x18300] =	vst v63  }
0x48: {  	_ =	swait.ge [sflag:s29], $0x80  }
0x49: {  	[sflag:s29] =	ssyncset.done $0x0  }
0x4a: {  	[sflag:s29] =	ssyncadd.s32 $0xFFFFFF80  }
0x4b: {  	[tilespmem:s30], [sflag:$0xC] =	stream.indirect.gather [hbm4b:s3+s13], $0x80, s7, s13, $0xb8;
	[tilespmem:$0x18300] =	vst v63  }
0x4c: {  	_ =	swait.ge [sflag:s31], $0x4000  }
0x4d: {  	s16 =	rddreg [dreg:$0x2];
	[sflag:s31] =	ssyncset.done $0x0  }
0x4e: {  	[sflag:s31] =	ssyncadd.s32 $0xFFFFC000;
	s18 =	sadd.s32 $0x0, s16  }
0x4f: {  	[hbm4b:s18+s1] =	stream.linear.scatter [tilespmem:s19], [sflag:$0xD], $0x4000, $0x38;
	[tilespmem:$0x18300] =	vst v63  }
0x50: {  	_ =	swait.ge [sflag:s0], $0x4000  }
0x51: {  	[sflag:s0] =	ssyncset.done $0x0  }
0x52: {  	s7 =	sadd.s32 $0x800, s18;
	[sflag:s0] =	ssyncadd.s32 $0xFFFFC000  }
0x53: {  	[hbm4b:s7+s1] =	stream.linear.scatter [tilespmem:s21], [sflag:$0xE], $0x4000, $0x38;
	[tilespmem:$0x18300] =	vst v63  }
0x54: {  	_ =	swait.ge [sflag:s2], $0x4000  }
0x55: {  	[sflag:s2] =	ssyncset.done $0x0  }
0x56: {  	s21 =	sadd.s32 $0x1000, s18;
	[sflag:s2] =	ssyncadd.s32 $0xFFFFC000  }
0x57: {  	[hbm4b:s21+s1] =	stream.linear.scatter [tilespmem:s23], [sflag:$0xF], $0x4000, $0x38;
	[tilespmem:$0x18300] =	vst v63  }
0x58: {  	_ =	swait.ge [sflag:s4], $0x4000  }
0x59: {  	[sflag:s4] =	ssyncset.done $0x0  }
0x5a: {  	p2 =	por $0x0, $0x0;
	s23 =	sadd.s32 $0x1800, s18;
	[sflag:s4] =	ssyncadd.s32 $0xFFFFC000  }
0x5b: {  	[hbm4b:s23+s1] =	stream.linear.scatter [tilespmem:s25], [sflag:$0x10], $0x4000, $0x38;
	[tilespmem:$0x18300] =	vst v63  }
0x5c: {  	s14 =	sadd.s32 $0x60, s14;
	s11 =	sadd.s32 $0x60, s11;
	_ =	swait.ge [sflag:s5], $0x4000  }
0x5d: {  	s8 =	simm.s32 $0x3000;
	s15 =	simm.s32 $0x6000;
	[sflag:s5] =	ssyncset.done $0x0  }
0x5e: {  	s30 =	sadd.s32 $0x2000, s18;
	s7 =	sadd.s32 $0x60, s12;
	[sflag:s5] =	ssyncadd.s32 $0xFFFFC000  }
0x5f: {  	[hbm4b:s30+s1] =	stream.linear.scatter [tilespmem:s28], [sflag:$0x11], $0x4000, $0x38;
	[tilespmem:$0x18300] =	vst v63  }
0x60: {  	s12 =	sadd.s32 $0x60, s9;
	s9 =	sadd.s32 $0x60, s10;
	_ =	swait.ge [sflag:s6], $0x4000  }
0x61: {  	s10 =	sadd.s32 $0x60, s17;
	s17 =	sadd.s32 $0x2800, s18;
	[sflag:s6] =	ssyncset.done $0x0  }
.LBB2_2:
0x62: {  	s19 =	simm.s32 @!p2 $0xD;
	[sflag:s6] =	ssyncadd.s32 $0xFFFFC000;
	s18 =	simm.s32 $0x14300  }
0x63: {  	[hbm4b:s17+s1] =	stream.linear.scatter [tilespmem:s18], [sflag:$0x12], $0x4000, $0x38;
	[tilespmem:$0x18300] =	vst v63  }
0x64: {  	_ =	swait.ge @!p2 [sflag:s19], $0x4000  }
0x65: {  	[sflag:s19] =	ssyncset.done @!p2 $0x0  }
0x66: {  	s17 =	simm.s32 @!p2 $0xE;
	[sflag:s19] =	ssyncadd.s32 @!p2 $0xFFFFC000  }
0x67: {  	[tilespmem:s1], [sflag:$0x1] =	stream.linear.gather [hbm4b:s14+s1], $0x80, $0x38;
	[tilespmem:$0x18300] =	vst v63  }
0x68: {  	_ =	swait.ge @!p2 [sflag:s17], $0x4000  }
0x69: {  	[sflag:s17] =	ssyncset.done @!p2 $0x0  }
0x6a: {  	[sflag:s17] =	ssyncadd.s32 @!p2 $0xFFFFC000;
	s17 =	simm.s32 @!p2 $0xF  }
0x6b: {  	[tilespmem:s13], [sflag:$0x2] =	stream.linear.gather [hbm4b:s7+s1], $0x80, $0x38;
	[tilespmem:$0x18300] =	vst v63  }
0x6c: {  	_ =	swait.ge @!p2 [sflag:s17], $0x4000  }
0x6d: {  	[sflag:s17] =	ssyncset.done @!p2 $0x0  }
0x6e: {  	s19 =	simm.s32 $0x100;
	[sflag:s17] =	ssyncadd.s32 @!p2 $0xFFFFC000;
	s17 =	simm.s32 @!p2 $0x10  }
0x6f: {  	[tilespmem:s19], [sflag:$0x3] =	stream.linear.gather [hbm4b:s12+s1], $0x80, $0x38;
	[tilespmem:$0x18300] =	vst v63  }
0x70: {  	_ =	swait.ge @!p2 [sflag:s17], $0x4000  }
0x71: {  	[sflag:s17] =	ssyncset.done @!p2 $0x0  }
0x72: {  	s21 =	simm.s32 $0x180;
	[sflag:s17] =	ssyncadd.s32 @!p2 $0xFFFFC000;
	s17 =	simm.s32 @!p2 $0x11  }
0x73: {  	[tilespmem:s21], [sflag:$0x4] =	stream.linear.gather [hbm4b:s11+s1], $0x80, $0x38;
	[tilespmem:$0x18300] =	vst v63  }
0x74: {  	_ =	swait.ge @!p2 [sflag:s17], $0x4000  }
0x75: {  	[sflag:s17] =	ssyncset.done @!p2 $0x0  }
0x76: {  	s23 =	simm.s32 $0x200;
	[sflag:s17] =	ssyncadd.s32 @!p2 $0xFFFFC000;
	s17 =	simm.s32 @!p2 $0x12  }
0x77: {  	[tilespmem:s23], [sflag:$0x5] =	stream.linear.gather [hbm4b:s10+s1], $0x80, $0x38;
	[tilespmem:$0x18300] =	vst v63  }
0x78: {  	_ =	swait.ge @!p2 [sflag:s17], $0x4000  }
0x79: {  	[sflag:s17] =	ssyncset.done @!p2 $0x0  }
0x7a: {  	s25 =	simm.s32 $0x1;
	[sflag:s17] =	ssyncadd.s32 @!p2 $0xFFFFC000;
	s17 =	simm.s32 $0x280  }
0x7b: {  	[tilespmem:s17], [sflag:$0x6] =	stream.linear.gather [hbm4b:s9+s1], $0x80, $0x38;
	[tilespmem:$0x18300] =	vst v63  }
0x7c: {  	_ =	swait.ge [sflag:s25], $0x80  }
0x7d: {  	[sflag:s25] =	ssyncset.done $0x0  }
0x7e: {  	[sflag:s25] =	ssyncadd.s32 $0xFFFFFF80;
	s25 =	simm.s32 $0x300  }
0x7f: {  	[tilespmem:s25], [sflag:$0x7] =	stream.indirect.gather [hbm4b:s3+s13], $0x80, s1, s13, $0xb8;
	[tilespmem:$0x18300] =	vst v63  }
0x80: {  	_ =	swait.ge [sflag:s20], $0x80  }
0x81: {  	[sflag:s20] =	ssyncset.done $0x0  }
0x82: {  	s28 =	simm.s32 $0x4300;
	[sflag:s20] =	ssyncadd.s32 $0xFFFFFF80  }
0x83: {  	[tilespmem:s28], [sflag:$0x8] =	stream.indirect.gather [hbm4b:s3+s13], $0x80, s13, s13, $0xb8;
	[tilespmem:$0x18300] =	vst v63  }
0x84: {  	_ =	swait.ge [sflag:s22], $0x80  }
0x85: {  	[sflag:s22] =	ssyncset.done $0x0  }
0x86: {  	s30 =	simm.s32 $0x8300;
	[sflag:s22] =	ssyncadd.s32 $0xFFFFFF80  }
0x87: {  	[tilespmem:s30], [sflag:$0x9] =	stream.indirect.gather [hbm4b:s3+s13], $0x80, s19, s13, $0xb8;
	[tilespmem:$0x18300] =	vst v63  }
0x88: {  	_ =	swait.ge [sflag:s24], $0x80  }
0x89: {  	[sflag:s24] =	ssyncset.done $0x0  }
0x8a: {  	s19 =	simm.s32 $0xC300;
	[sflag:s24] =	ssyncadd.s32 $0xFFFFFF80  }
0x8b: {  	[tilespmem:s19], [sflag:$0xA] =	stream.indirect.gather [hbm4b:s3+s13], $0x80, s21, s13, $0xb8;
	[tilespmem:$0x18300] =	vst v63  }
0x8c: {  	_ =	swait.ge [sflag:s26], $0x80  }
0x8d: {  	[sflag:s26] =	ssyncset.done $0x0  }
0x8e: {  	s21 =	simm.s32 $0x10300;
	[sflag:s26] =	ssyncadd.s32 $0xFFFFFF80  }
0x8f: {  	[tilespmem:s21], [sflag:$0xB] =	stream.indirect.gather [hbm4b:s3+s13], $0x80, s23, s13, $0xb8;
	[tilespmem:$0x18300] =	vst v63  }
0x90: {  	_ =	swait.ge [sflag:s29], $0x80  }
0x91: {  	[sflag:s29] =	ssyncset.done $0x0  }
0x92: {  	[sflag:s29] =	ssyncadd.s32 $0xFFFFFF80  }
0x93: {  	[tilespmem:s18], [sflag:$0xC] =	stream.indirect.gather [hbm4b:s3+s13], $0x80, s17, s13, $0xb8;
	[tilespmem:$0x18300] =	vst v63  }
0x94: {  	_ =	swait.ge [sflag:s31], $0x4000  }
0x95: {  	s18 =	rddreg [dreg:$0x2];
	[sflag:s31] =	ssyncset.done $0x0  }
0x96: {  	[sflag:s31] =	ssyncadd.s32 $0xFFFFC000;
	s17 =	sadd.s32 s8, s18  }
0x97: {  	[hbm4b:s17+s1] =	stream.linear.scatter [tilespmem:s25], [sflag:$0xD], $0x4000, $0x38;
	[tilespmem:$0x18300] =	vst v63  }
0x98: {  	_ =	swait.ge [sflag:s0], $0x4000  }
0x99: {  	[sflag:s0] =	ssyncset.done $0x0  }
0x9a: {  	s23 =	sadd.s32 $0x800, s17;
	[sflag:s0] =	ssyncadd.s32 $0xFFFFC000  }
0x9b: {  	[hbm4b:s23+s1] =	stream.linear.scatter [tilespmem:s28], [sflag:$0xE], $0x4000, $0x38;
	[tilespmem:$0x18300] =	vst v63  }
0x9c: {  	_ =	swait.ge [sflag:s2], $0x4000  }
0x9d: {  	[sflag:s2] =	ssyncset.done $0x0  }
0x9e: {  	s25 =	sadd.s32 $0x1000, s17;
	[sflag:s2] =	ssyncadd.s32 $0xFFFFC000  }
0x9f: {  	[hbm4b:s25+s1] =	stream.linear.scatter [tilespmem:s30], [sflag:$0xF], $0x4000, $0x38;
	[tilespmem:$0x18300] =	vst v63  }
0xa0: {  	s16 =	smov.u32 s15;
	s15 =	sadd.s32 $0x3000, s15;
	_ =	swait.ge [sflag:s4], $0x4000  }
0xa1: {  	p1 =	sne.s32 s15, $0x27000;
	[sflag:s4] =	ssyncset.done $0x0  }
0xa2: {  	s14 =	sadd.s32 $0x60, s14;
	s28 =	sadd.s32 $0x1800, s17;
	[sflag:s4] =	ssyncadd.s32 $0xFFFFC000  }
0xa3: {  	[hbm4b:s28+s1] =	stream.linear.scatter [tilespmem:s19], [sflag:$0x10], $0x4000, $0x38;
	[tilespmem:$0x18300] =	vst v63  }
0xa4: {  	s7 =	sadd.s32 $0x60, s7;
	s12 =	sadd.s32 $0x60, s12;
	_ =	swait.ge [sflag:s5], $0x4000  }
.Ltmp0:
0xa5: {  	s11 =	sadd.s32 $0x60, s11;
	[sflag:s5] =	ssyncset.done $0x0;
	(pc) =	sbr.rel @p1 .LBB2_2-.Ltmp0, $4  }
0xa6: {  	s10 =	sadd.s32 $0x60, s10;
	s30 =	sadd.s32 $0x2000, s17;
	[sflag:s5] =	ssyncadd.s32 $0xFFFFC000  }
0xa7: {  	[hbm4b:s30+s1] =	stream.linear.scatter [tilespmem:s21], [sflag:$0x11], $0x4000, $0x38;
	[tilespmem:$0x18300] =	vst v63  }
0xa8: {  	s9 =	sadd.s32 $0x60, s9;
	s8 =	smov.u32 s16;
	_ =	swait.ge [sflag:s6], $0x4000  }
0xa9: {  	p2 =	seq.s32 s8, $0x0;
	s17 =	sadd.s32 $0x2800, s17;
	[sflag:s6] =	ssyncset.done $0x0  }
0xaa: {  	[sflag:s6] =	ssyncadd.s32 $0xFFFFC000;
	s16 =	simm.s32 $0x14300;
	s15 =	simm.s32 @!p2 $0xD  }
0xab: {  	[hbm4b:s17+s1] =	stream.linear.scatter [tilespmem:s16], [sflag:$0x12], $0x4000, $0x38;
	[tilespmem:$0x18300] =	vst v63  }
0xac: {  	_ =	swait.ge @!p2 [sflag:s15], $0x4000  }
0xad: {  	[sflag:s15] =	ssyncset.done @!p2 $0x0  }
0xae: {  	[sflag:s15] =	ssyncadd.s32 @!p2 $0xFFFFC000  }
0xaf: {  	[tilespmem:s1], [sflag:$0x1] =	stream.linear.gather [hbm4b:s14+s1], $0x80, $0x38;
	[tilespmem:$0x18300] =	vst v63  }
0xb0: {  	s14 =	simm.s32 @!p2 $0xE  }
0xb1: {  	_ =	swait.ge @!p2 [sflag:s14], $0x4000  }
0xb2: {  	[sflag:s14] =	ssyncset.done @!p2 $0x0  }
0xb3: {  	[sflag:s14] =	ssyncadd.s32 @!p2 $0xFFFFC000  }
0xb4: {  	[tilespmem:s13], [sflag:$0x2] =	stream.linear.gather [hbm4b:s7+s1], $0x80, $0x38;
	[tilespmem:$0x18300] =	vst v63  }
0xb5: {  	s7 =	simm.s32 @!p2 $0xF  }
0xb6: {  	_ =	swait.ge @!p2 [sflag:s7], $0x4000  }
0xb7: {  	[sflag:s7] =	ssyncset.done @!p2 $0x0  }
0xb8: {  	s23 =	simm.s32 $0x100;
	[sflag:s7] =	ssyncadd.s32 @!p2 $0xFFFFC000;
	s7 =	simm.s32 @!p2 $0x10  }
0xb9: {  	[tilespmem:s23], [sflag:$0x3] =	stream.linear.gather [hbm4b:s12+s1], $0x80, $0x38;
	[tilespmem:$0x18300] =	vst v63  }
0xba: {  	_ =	swait.ge @!p2 [sflag:s7], $0x4000  }
0xbb: {  	[sflag:s7] =	ssyncset.done @!p2 $0x0  }
0xbc: {  	s25 =	simm.s32 $0x180;
	[sflag:s7] =	ssyncadd.s32 @!p2 $0xFFFFC000;
	s7 =	simm.s32 @!p2 $0x11  }
0xbd: {  	[tilespmem:s25], [sflag:$0x4] =	stream.linear.gather [hbm4b:s11+s1], $0x80, $0x38;
	[tilespmem:$0x18300] =	vst v63  }
0xbe: {  	_ =	swait.ge @!p2 [sflag:s7], $0x4000  }
0xbf: {  	[sflag:s7] =	ssyncset.done @!p2 $0x0  }
0xc0: {  	s28 =	simm.s32 $0x200;
	[sflag:s7] =	ssyncadd.s32 @!p2 $0xFFFFC000;
	s7 =	simm.s32 @!p2 $0x12  }
0xc1: {  	[tilespmem:s28], [sflag:$0x5] =	stream.linear.gather [hbm4b:s10+s1], $0x80, $0x38;
	[tilespmem:$0x18300] =	vst v63  }
0xc2: {  	_ =	swait.ge @!p2 [sflag:s7], $0x4000  }
0xc3: {  	[sflag:s7] =	ssyncset.done @!p2 $0x0  }
0xc4: {  	s17 =	simm.s32 $0x1;
	s15 =	simm.s32 $0x280;
	[sflag:s7] =	ssyncadd.s32 @!p2 $0xFFFFC000  }
0xc5: {  	[tilespmem:s15], [sflag:$0x6] =	stream.linear.gather [hbm4b:s9+s1], $0x80, $0x38;
	[tilespmem:$0x18300] =	vst v63  }
0xc6: {  	_ =	swait.ge [sflag:s17], $0x80  }
0xc7: {  	[sflag:s17] =	ssyncset.done $0x0  }
0xc8: {  	s18 =	simm.s32 $0x300;
	[sflag:s17] =	ssyncadd.s32 $0xFFFFFF80  }
0xc9: {  	[tilespmem:s18], [sflag:$0x7] =	stream.indirect.gather [hbm4b:s3+s13], $0x80, s1, s13, $0xb8;
	[tilespmem:$0x18300] =	vst v63  }
0xca: {  	_ =	swait.ge [sflag:s20], $0x80  }
0xcb: {  	[sflag:s20] =	ssyncset.done $0x0  }
0xcc: {  	s19 =	simm.s32 $0x4300;
	[sflag:s20] =	ssyncadd.s32 $0xFFFFFF80  }
0xcd: {  	[tilespmem:s19], [sflag:$0x8] =	stream.indirect.gather [hbm4b:s3+s13], $0x80, s13, s13, $0xb8;
	[tilespmem:$0x18300] =	vst v63  }
0xce: {  	_ =	swait.ge [sflag:s22], $0x80  }
0xcf: {  	[sflag:s22] =	ssyncset.done $0x0  }
0xd0: {  	s21 =	simm.s32 $0x8300;
	[sflag:s22] =	ssyncadd.s32 $0xFFFFFF80  }
0xd1: {  	[tilespmem:s21], [sflag:$0x9] =	stream.indirect.gather [hbm4b:s3+s13], $0x80, s23, s13, $0xb8;
	[tilespmem:$0x18300] =	vst v63  }
0xd2: {  	_ =	swait.ge [sflag:s24], $0x80  }
0xd3: {  	[sflag:s24] =	ssyncset.done $0x0  }
0xd4: {  	s23 =	simm.s32 $0xC300;
	[sflag:s24] =	ssyncadd.s32 $0xFFFFFF80  }
0xd5: {  	[tilespmem:s23], [sflag:$0xA] =	stream.indirect.gather [hbm4b:s3+s13], $0x80, s25, s13, $0xb8;
	[tilespmem:$0x18300] =	vst v63  }
0xd6: {  	_ =	swait.ge [sflag:s26], $0x80  }
0xd7: {  	[sflag:s26] =	ssyncset.done $0x0  }
0xd8: {  	s25 =	simm.s32 $0x10300;
	[sflag:s26] =	ssyncadd.s32 $0xFFFFFF80  }
0xd9: {  	[tilespmem:s25], [sflag:$0xB] =	stream.indirect.gather [hbm4b:s3+s13], $0x80, s28, s13, $0xb8;
	[tilespmem:$0x18300] =	vst v63  }
0xda: {  	_ =	swait.ge [sflag:s29], $0x80  }
0xdb: {  	[sflag:s29] =	ssyncset.done $0x0  }
0xdc: {  	[sflag:s29] =	ssyncadd.s32 $0xFFFFFF80  }
0xdd: {  	[tilespmem:s16], [sflag:$0xC] =	stream.indirect.gather [hbm4b:s3+s13], $0x80, s15, s13, $0xb8;
	[tilespmem:$0x18300] =	vst v63  }
0xde: {  	_ =	swait.ge [sflag:s31], $0x4000  }
0xdf: {  	s28 =	rddreg [dreg:$0x2];
	[sflag:s31] =	ssyncset.done $0x0  }
0xe0: {  	[sflag:s31] =	ssyncadd.s32 $0xFFFFC000;
	s7 =	sadd.s32 s8, s28  }
0xe1: {  	[hbm4b:s7+s1] =	stream.linear.scatter [tilespmem:s18], [sflag:$0xD], $0x4000, $0x38;
	[tilespmem:$0x18300] =	vst v63  }
0xe2: {  	_ =	swait.ge [sflag:s0], $0x4000  }
0xe3: {  	[sflag:s0] =	ssyncset.done $0x0  }
0xe4: {  	s8 =	sadd.s32 $0x800, s7;
	[sflag:s0] =	ssyncadd.s32 $0xFFFFC000  }
0xe5: {  	[hbm4b:s8+s1] =	stream.linear.scatter [tilespmem:s19], [sflag:$0xE], $0x4000, $0x38;
	[tilespmem:$0x18300] =	vst v63  }
0xe6: {  	_ =	swait.ge [sflag:s2], $0x4000  }
0xe7: {  	[sflag:s2] =	ssyncset.done $0x0  }
0xe8: {  	s10 =	sadd.s32 $0x1000, s7;
	[sflag:s2] =	ssyncadd.s32 $0xFFFFC000  }
0xe9: {  	[hbm4b:s10+s1] =	stream.linear.scatter [tilespmem:s21], [sflag:$0xF], $0x4000, $0x38;
	[tilespmem:$0x18300] =	vst v63  }
0xea: {  	_ =	swait.ge [sflag:s4], $0x4000  }
0xeb: {  	[sflag:s4] =	ssyncset.done $0x0  }
0xec: {  	s11 =	sadd.s32 $0x1800, s7;
	[sflag:s4] =	ssyncadd.s32 $0xFFFFC000  }
0xed: {  	[hbm4b:s11+s1] =	stream.linear.scatter [tilespmem:s23], [sflag:$0x10], $0x4000, $0x38;
	[tilespmem:$0x18300] =	vst v63  }
0xee: {  	_ =	swait.ge [sflag:s5], $0x4000  }
0xef: {  	[sflag:s5] =	ssyncset.done $0x0  }
0xf0: {  	s15 =	sadd.s32 $0x2000, s7;
	[sflag:s5] =	ssyncadd.s32 $0xFFFFC000  }
0xf1: {  	[hbm4b:s15+s1] =	stream.linear.scatter [tilespmem:s25], [sflag:$0x11], $0x4000, $0x38;
	[tilespmem:$0x18300] =	vst v63  }
0xf2: {  	_ =	swait.ge [sflag:s6], $0x4000  }
0xf3: {  	[sflag:s6] =	ssyncset.done $0x0  }
0xf4: {  	s7 =	sadd.s32 $0x2800, s7;
	[sflag:s6] =	ssyncadd.s32 $0xFFFFC000  }
0xf5: {  	[hbm4b:s7+s1] =	stream.linear.scatter [tilespmem:s16], [sflag:$0x12], $0x4000, $0x38;
	[tilespmem:$0x18300] =	vst v63  }
0xf6: {  	s16 =	simm.s32 $0xD  }
0xf7: {  	_ =	swait.ge [sflag:s16], $0x4000  }
0xf8: {  	[sflag:s16] =	ssyncset.done $0x0  }
0xf9: {  	s17 =	simm.s32 $0xE;
	[sflag:s16] =	ssyncadd.s32 $0xFFFFC000  }
0xfa: {  	_ =	swait.ge [sflag:s17], $0x4000  }
0xfb: {  	[sflag:s17] =	ssyncset.done $0x0  }
0xfc: {  	s18 =	simm.s32 $0xF;
	[sflag:s17] =	ssyncadd.s32 $0xFFFFC000  }
0xfd: {  	_ =	swait.ge [sflag:s18], $0x4000  }
0xfe: {  	[sflag:s18] =	ssyncset.done $0x0  }
0xff: {  	s19 =	simm.s32 $0x10;
	[sflag:s18] =	ssyncadd.s32 $0xFFFFC000  }
0x100: {  	_ =	swait.ge [sflag:s19], $0x4000  }
0x101: {  	[sflag:s19] =	ssyncset.done $0x0  }
0x102: {  	s21 =	simm.s32 $0x11;
	[sflag:s19] =	ssyncadd.s32 $0xFFFFC000  }
0x103: {  	_ =	swait.ge [sflag:s21], $0x4000  }
0x104: {  	[sflag:s21] =	ssyncset.done $0x0  }
0x105: {  	s23 =	simm.s32 $0x12;
	[sflag:s21] =	ssyncadd.s32 $0xFFFFC000  }
0x106: {  	_ =	swait.ge [sflag:s23], $0x4000  }
0x107: {  	[sflag:s23] =	ssyncset.done $0x0  }
0x108: {  	s7 =	simm.s32 @!p0 $0x0;
	s8 =	rddreg [dreg:$0x3];
	[sflag:s23] =	ssyncadd.s32 $0xFFFFC000  }
0x109: {  	[tilespmem:s7], [sflag:$0x13] =	stream.linear.gather @!p0 [hbm4b:s8+s7], $0x80, $0x38;
	[tilespmem:$0x18300] =	vst v63  }
0x10a: {  	s8 =	simm.s32 @!p0 $0x13  }
0x10b: {  	_ =	swait.ge @!p0 [sflag:s8], $0x80  }
0x10c: {  	[sflag:s8] =	ssyncset.done @!p0 $0x0  }
0x10d: {  	s9 =	simm.s32 @!p0 $0x80;
	s10 =	simm.s32 @!p0 $0x300;
	[sflag:s8] =	ssyncadd.s32 @!p0 $0xFFFFFF80  }
0x10e: {  	[tilespmem:s10], [sflag:$0x7] =	stream.indirect.gather @!p0 [hbm4b:s3+s9], $0x80, s7, s9, $0xb8;
	[tilespmem:$0x18300] =	vst v63  }
0x10f: {  	s9 =	simm.s32 @!p0 $0x7  }
0x110: {  	_ =	swait.ge @!p0 [sflag:s9], $0x4000  }
0x111: {  	[sflag:s9] =	ssyncset.done @!p0 $0x0  }
0x112: {  	[sflag:s9] =	ssyncadd.s32 @!p0 $0xFFFFC000;
	s9 =	rddreg [dreg:$0x4]  }
0x113: {  	[hbm4b:s9+s7] =	stream.linear.scatter @!p0 [tilespmem:s10], [sflag:$0x13], $0x4000, $0x38;
	[tilespmem:$0x18300] =	vst v63  }
0x114: {  	_ =	swait.ge @!p0 [sflag:s8], $0x4000  }
0x115: {  	s25 =	rddreg [dreg:$0xc]  }
0x116: {  	s28 =	rddreg [dreg:$0x5];
	s9 =	sadd.s32 $0x1, s25  }
0x117: {  	p1 =	sne.s32 s9, s28  }
.Ltmp1:
0x118: {  	_ = 	snop;
	(pc) =	sbr.rel @p1 .LBB2_1-.Ltmp1, $3  }
0x119: {  	_ =	sdelay $0x1  }
0x11a: {  	[sflag:s8] =	ssyncset.done @!p0 $0x0  }
0x11b: {  	s30 =	simm.s32 $0x14300;
	[sflag:s8] =	ssyncadd.s32 @!p0 $0xFFFFC000  }
0x11c: {  	_ =	sfence.sel $0x180000  }
0x11d: {  	[bflag:$0x0] =	sbarrier.arrive $0xFFFF  }
0x11e: {  	_ =	strace $0x90000047  }
0x11f: {  	s0 =	stileid.u32;
	[bflag:$0x2] =	sbarrier.arrive $0xFFFF  }
0x120: {  	p0 =	sne.s32 s0, $0x0;
	s0 =	rddreg [dreg:$0x1]  }
0x121: {  	s0 =	sadd.s32 @!p0 $0x100000, s0  }
0x122: {  	[sflag:s0] =	ssyncadd.tile.s32 @!p0 $0x1;
	_ =	shalt  }
.Lfunc_end2:
_tile_overlayer_lowered:
.L_overlay_start_2:
0x123: {  	(tag) =	ssettag $0x2  }
0x124: {  	s0 =	rddreg [dreg:$0x0];
	s2 =	stileid.u32  }
0x125: {  	s1 =	rddreg [dreg:$0x1];
	p0 =	sne.s32 s2, $0x0  }
0x126: {  	s3 =	rddreg [dreg:$0x2];
	[bflag:$0x3] =	sbarrier.arrive $0xFFFF;
	s2 =	simm.s32 @!p0 $0x1C13  }
0x127: {  	[timem:s3], [sflag:s2] =	dma.local @!p0 [hbm:s0], s1  }
0x128: {  	s0 =	simm.s32 @!p0 $0x13  }
0x129: {  	_ =	swait.ge @!p0 [sflag:s0], s1  }
0x12a: {  	s1 =	ssub.s32 @!p0 $0x0, s1;
	[sflag:s0] =	ssyncset.done @!p0 $0x0  }
0x12b: {  	[sflag:s0] =	ssyncadd.s32 @!p0 s1  }
0x12c: {  	[bflag:$0x3] =	sbarrier.arrive $0xFFFF  }
0x12d: {  	_ =	shalt  }

// kernel: kernel.18.cloned.1.call-start
scs
__scs_entry_jumppad:
0x0: {  	(pc) =	sbr.rel $0x88, $3  }
0x1: {  	(tag) =	ssettag $0x0;
	lr =	simm.s32 $0x1  }
0x2: {  	[smem:$0x3F86] =	sst lr;
	_ =	strace $0xD0000000  }
0x3: {  	_ = 	snop  }
0x4: {  	_ = 	snop  }
0x5: {  	_ = 	snop  }
0x6: {  	_ = 	snop  }
0x7: {  	_ = 	snop  }
__scs_overlays_trampoline_lowered:
0x8: {  	[smem:$0x3F95] =	sst s0  }
0x9: {  	[smem:$0x3F96] =	sst s1  }
0xa: {  	[smem:$0x3F97] =	sst s2  }
0xb: {  	[smem:$0x3F98] =	sst s3  }
0xc: {  	[smem:$0x3F99] =	sst s4  }
0xd: {  	[smem:$0x3F9A] =	sst s5  }
0xe: {  	[smem:$0x3F9B] =	sst s6  }
0xf: {  	[smem:$0x3F9C] =	sst s7  }
0x10: {  	[smem:$0x3F9D] =	sst s8  }
0x11: {  	[smem:$0x3F9E] =	sst s9;
	s0 =	simm.s32 @!p0 $0x0  }
0x12: {  	s1 =	sld [smem:$0x3F84];
	s0 =	simm.s32 @p0 $0x1  }
0x13: {  	[smem:$0x3F9F] =	sst s0;
	s0 =	simm.s32 @!p1 $0x0  }
0x14: {  	s2 =	sld [smem:$0x3F83];
	s0 =	simm.s32 @p1 $0x1  }
0x15: {  	[smem:$0x3FA0] =	sst s0;
	s0 =	simm.s32 @!p2 $0x0  }
0x16: {  	s3 =	sld [smem:$0x3FDB];
	s0 =	simm.s32 @p2 $0x1  }
0x17: {  	s4 =	simm.s32 $0x1BF5;
	[smem:$0x3FA2] =	sst s0  }
0x18: {  	s0 =	sld [smem:$0x3F85];
	_ =	swait.ge [sflag:s4], $0x0  }
0x19: {  	s7 =	sld [smem:$0x3F86]  }
0x1a: {  	s8 =	sadd.s32 $0xFFFFE003, lr  }
0x1b: {  	s9 =	sadd.s32 $0xFFFFFEF7, lr;
	s5 =	simm.s32 $0xFFFFFFFF;
	p2 =	slt.u32 s8, $0xFFFFF086  }
0x1c: {  	p1 =	slt.u32 s9, $0xF7A;
	s5 =	simm.s32 @!p2 $0x0  }
0x1d: {  	s5 =	simm.s32 @p1 $0x1;
	p0 =	seq.s32 s7, s2  }
0x1e: {  	s7 =	smul.u32 @!p0 $0xF7A, s2;
	p2 =	seq.s32 @!p0 s5, $0x0  }
0x1f: {  	s9 =	smul.u32 $0xF7A, s1;
	s8 =	simm.s32 @!p0 $0x1BF5;
	p2 =	por !p2, p0  }
0x20: {  	[sflag:s8] =	ssyncset.s32 @!p0 $0xFFFFF086;
	s6 =	sadd.s32 @!p0 s3, s7;
	s7 =	simm.s32 @!p0 $0x108  }
0x21: {  	s3 =	sadd.s32 s3, s9;
	s6 =	sadd.s32 @!p0 $0x88, s6;
	s7 =	simm.s32 @p2 $0x1082  }
0x22: {  	[simem:s7], [sflag:s8] =	dma.local @!p0 [hbm:s6], $0xF7A  }
0x23: {  	s9 =	sor.u32 $0xD0000000, s2;
	s6 =	simm.s32 $0x108;
	_ =	swait.ge @!p0 [sflag:s8], $0x0  }
0x24: {  	s3 =	sadd.s32 $0x88, s3;
	s6 =	simm.s32 @!p1 $0x1082;
	[sflag:s4] =	ssyncset.s32 $0xFFFFF086  }
0x25: {  	[simem:s6], [sflag:s4] =	dma.local [hbm:s3], $0xF7A  }
0x26: {  	[smem:$0x3F86] =	sst s1;
	(tag) =	ssettag s2;
	_ =	strace s9  }
0x27: {  	s1 =	sld [smem:$0x3F96]  }
0x28: {  	s2 =	sld [smem:$0x3F97]  }
0x29: {  	s4 =	sld [smem:$0x3F99]  }
0x2a: {  	p0 =	seq.s32 s5, $0x0;
	s5 =	sld [smem:$0x3F9A]  }
0x2b: {  	s6 =	sld [smem:$0x3F9B]  }
0x2c: {  	s7 =	sld [smem:$0x3F9C]  }
0x2d: {  	s3 =	simm.s32 $0x108;
	s8 =	sld [smem:$0x3F9D]  }
0x2e: {  	s3 =	simm.s32 @!p0 $0x1082;
	s9 =	sld [smem:$0x3F9E]  }
0x2f: {  	lr =	sadd.s32 s0, s3;
	s0 =	sld [smem:$0x3F95]  }
0x30: {  	s3 =	sld [smem:$0x3F98]  }
0x31: {  	[smem:$0x3FA1] =	sst s10  }
0x32: {  	s10 =	sld [smem:$0x3F9F];
	_ =	sdelay $0x3  }
0x33: {  	p0 =	seq.s32 s10, $0x1;
	s10 =	sld [smem:$0x3FA1];
	_ =	sdelay $0x3  }
0x34: {  	[smem:$0x3FA1] =	sst s10  }
0x35: {  	s10 =	sld [smem:$0x3FA0];
	_ =	sdelay $0x3  }
0x36: {  	p1 =	seq.s32 s10, $0x1;
	s10 =	sld [smem:$0x3FA1];
	_ =	sdelay $0x3  }
0x37: {  	[smem:$0x3FA1] =	sst s10  }
0x38: {  	s10 =	sld [smem:$0x3FA2]  }
0x39: {  	_ = 	snop;
	(pc) =	sbr.ind lr, $3  }
0x3a: {  	_ = 	snop  }
0x3b: {  	_ = 	snop  }
0x3c: {  	p2 =	seq.s32 s10, $0x1;
	s10 =	sld [smem:$0x3FA1]  }
0x3d: {  	_ =	shalt  }
0x3e: {  	_ =	shalt  }
0x3f: {  	_ =	shalt  }
0x40: {  	_ =	shalt  }
0x41: {  	_ =	shalt  }
0x42: {  	_ =	shalt  }
0x43: {  	_ =	shalt  }
0x44: {  	_ =	shalt  }
0x45: {  	_ =	shalt  }
0x46: {  	_ =	shalt  }
0x47: {  	_ =	shalt  }
0x48: {  	_ =	shalt  }
0x49: {  	_ =	shalt  }
0x4a: {  	_ =	shalt  }
0x4b: {  	_ =	shalt  }
0x4c: {  	_ =	shalt  }
0x4d: {  	_ =	shalt  }
0x4e: {  	_ =	shalt  }
0x4f: {  	_ =	shalt  }
0x50: {  	_ =	shalt  }
0x51: {  	_ =	shalt  }
0x52: {  	_ =	shalt  }
0x53: {  	_ =	shalt  }
0x54: {  	_ =	shalt  }
0x55: {  	_ =	shalt  }
0x56: {  	_ =	shalt  }
0x57: {  	_ =	shalt  }
0x58: {  	_ =	shalt  }
0x59: {  	_ =	shalt  }
0x5a: {  	_ =	shalt  }
0x5b: {  	_ =	shalt  }
0x5c: {  	_ =	shalt  }
0x5d: {  	_ =	shalt  }
0x5e: {  	_ =	shalt  }
0x5f: {  	_ =	shalt  }
0x60: {  	_ =	shalt  }
0x61: {  	_ =	shalt  }
0x62: {  	_ =	shalt  }
0x63: {  	_ =	shalt  }
0x64: {  	_ =	shalt  }
0x65: {  	_ =	shalt  }
0x66: {  	_ =	shalt  }
0x67: {  	_ =	shalt  }
0x68: {  	_ =	shalt  }
0x69: {  	_ =	shalt  }
0x6a: {  	_ =	shalt  }
0x6b: {  	_ =	shalt  }
0x6c: {  	_ =	shalt  }
0x6d: {  	_ =	shalt  }
0x6e: {  	_ =	shalt  }
0x6f: {  	_ =	shalt  }
0x70: {  	_ =	shalt  }
0x71: {  	_ =	shalt  }
0x72: {  	_ =	shalt  }
0x73: {  	_ =	shalt  }
0x74: {  	_ =	shalt  }
0x75: {  	_ =	shalt  }
0x76: {  	_ =	shalt  }
0x77: {  	_ =	shalt  }
0x78: {  	_ =	shalt  }
0x79: {  	_ =	shalt  }
0x7a: {  	_ =	shalt  }
0x7b: {  	_ =	shalt  }
0x7c: {  	_ =	shalt  }
0x7d: {  	_ =	shalt  }
0x7e: {  	_ =	shalt  }
0x7f: {  	_ =	shalt  }
0x80: {  	_ =	shalt  }
0x81: {  	_ =	shalt  }
0x82: {  	_ =	shalt  }
0x83: {  	_ =	shalt  }
0x84: {  	_ =	shalt  }
0x85: {  	_ =	shalt  }
0x86: {  	_ =	shalt  }
0x87: {  	_ =	shalt  }
.Lfunc_end0:
.L_simem_size_0:
called_computation.1_lowered:
.L_overlay_start_0:
0x88: {  	s2 =	sld [smem:$0x3FD9]  }
0x89: {  	s3 =	sld [smem:$0x3FFE];
	_ =	sdelay $0x1  }
0x8a: {  	s1 =	srdreg.scid  }
0x8b: {  	s0 =	sand.u32 $0x1, s1  }
0x8c: {  	s16 =	sshll.u32 s0, $0xA;
	s2 =	sadd.s32 s3, s2  }
0x8d: {  	s2 =	sadd.s32 s2, s16  }
0x8e: {  	[smem:$0x3FAD] =	sst s2  }
0x8f: {  	_ = 	snop  }
0x90: {  	(tm) =	ssettm $0x1  }
0x91: {  	s17 =	sld [smem:$0x3FFB];
	_ =	sdelay $0x3  }
0x92: {  	_ =	strace s17  }
0x93: {  	s2 =	sld [smem:$0x3FFC];
	_ =	sdelay $0x3  }
0x94: {  	_ =	strace s2  }
0x95: {  	s2 =	sld [smem:$0x3FFD];
	_ =	sdelay $0x3  }
0x96: {  	_ =	strace s2  }
0x97: {  	_ =	strace $0x8FFFFFFF  }
0x98: {  	s18 =	sld [smem:$0x3FDB];
	_ =	sdelay $0x1  }
0x99: {  	s19 =	simm.s32 $_scs_section_size  }
0x9a: {  	s4 =	simm.s32 $_size__tile_overlayer_lowered;
	s5 =	simm.s32 $_tile_overlayer_lowered  }
0x9b: {  	s22 =	simm.s32 $0x1BFF;
	s21 =	sshll.u32 s5, $0x1;
	s2 =	sadd.s32 s19, s18  }
0x9c: {  	s6 =	simm.s32 $0x0;
	s20 =	sshll.u32 s4, $0x1;
	s4 =	sadd.s32 s21, s2  }
0x9d: {  	[timem:s6], [sflag:s22] =	dma.local [hbm:s4], s20  }
0x9e: {  	_ =	swait.ge [sflag:s22], s20  }
0x9f: {  	s3 =	ssub.s32 $0x0, s20;
	[sflag:s22] =	ssyncset.done $0x0  }
0xa0: {  	[sflag:s22] =	ssyncadd.s32 s3;
	_ =	sdelay $0x1  }
0xa1: {  	s23 =	simm.s32 $0x1B8B  }
0xa2: {  	_ =	swait.ge [sflag:s23], $0x1  }
0xa3: {  	[sflag:s23] =	ssyncset.done $0x0  }
0xa4: {  	s25 =	simm.s32 $0x1B8E;
	s24 =	sld [smem:$0x3FFE];
	[sflag:s23] =	ssyncadd.s32 $0xFFFFFFFF  }
0xa5: {  	s26 =	simm.s32 $execute0_lowered;
	[smem:$0x3FD2] =	sst s25  }
0xa6: {  	s4 =	sshll.u32 s26, $0x1;
	_ =	strace $0x80000049;
	[dreg:$0x1] =	wrdreg $0xFFFFFFFF  }
0xa7: {  	s28 =	simm.s32 $_size_execute0_lowered;
	s2 =	sadd.s32 s2, s4;
	[dreg:$0x0] =	wrdreg $0x0  }
0xa8: {  	s4 =	sshll.u32 s28, $0x1;
	[dreg:$0x2] =	wrdreg s2  }
0xa9: {  	[dreg:$0x3] =	wrdreg s4  }
0xaa: {  	[dreg:$0x4] =	wrdreg $0xC0  }
0xab: {  	_ =	task [dreg:s6], $0x5FFFF  }
0xac: {  	[dreg:$0x1] =	wrdreg $0xFFFFFFFF  }
0xad: {  	[dreg:$0x0] =	wrdreg $0x60  }
0xae: {  	[dreg:$0x2] =	wrdreg s24  }
0xaf: {  	[dreg:$0x3] =	wrdreg $0xC1800  }
0xb0: {  	[dreg:$0x4] =	wrdreg $0x9  }
0xb1: {  	_ =	task.clear_ibuf [dreg:s6], $0x5FFFF;
	_ =	strace $0x90000049  }
0xb2: {  	s29 =	simm.s32 $0x9;
	_ =	strace $0x8000004B  }
0xb3: {  	_ =	swait.ge [sflag:s29], $0x1  }
0xb4: {  	[sflag:s29] =	ssyncadd.s32 $0xFFFFFFFF  }
0xb5: {  	_ =	strace $0x9000004B  }
0xb6: {  	_ =	sfence  }
0xb7: {  	s30 =	sld [smem:$0x0];
	_ =	sdelay $0x2  }
0xb8: {  	s31 =	sshll.u32 s1, $0xD;
	s1 =	sshrl.u32 s1, $0x2  }
0xb9: {  	s3 =	sand.u32 $0x4000, s31;
	s1 =	sadd.s32 s1, s30  }
0xba: {  	s0 =	sor.u32 s3, s0;
	s1 =	sshll.u32 s1, $0x11  }
0xbb: {  	s0 =	sor.u32 s1, s0  }
0xbc: {  	s0 =	sadd.s32 $0x8F2B, s0  }
0xbd: {  	[sflag:s0] =	ssyncadd.remote.s32 $0x1  }
0xbe: {  	_ =	sfence.sel $0xFFFF  }
0xbf: {  	[dreg:$0x0] =	wrdreg $0xFFFFFFFF;
	(pc) =	sbr.abs _section_cstart, $3  }
0xc0: {  	[dreg:$0x1] =	wrdreg $0xFFFFFFFF  }
0xc1: {  	_ =	task.clear_ibuf [dreg:s6], $0x2FFFF;
	_ =	strace $0x9FFFFFFF  }
0xc2: {  	(tm) =	ssettm $0x7FFFFFFF  }
0xc3: {  	_ =	shalt  }
tec
execute0_lowered:
.L_overlay_start_1:
0x0: {  	(tag) =	ssettag $0x1  }
0x1: {  	s0 =	rddreg [dreg:$0x0];
	s26 =	stileid.u32  }
0x2: {  	s2 =	rddreg [dreg:$0x1];
	s4 =	smul.u32 $0x2780, s26  }
0x3: {  	s3 =	simm.s32 $0x0;
	s1 =	srdreg.scid;
	s7 =	smul.u32 $0x4F000, s26  }
0x4: {  	s29 =	simm.s32 $0x8;
	s30 =	simm.s32 $0x9;
	s10 =	smul.u32 $0x4E000, s26  }
0x5: {  	s31 =	simm.s32 $0x0;
	[smem:$0x7FF] =	sst s3;
	s13 =	smul.u32 $0x4E00, s26  }
0x6: {  	s1 =	sand.u32 $0x1, s1;
	s6 =	sadd.s32 $0x54AA00, s0;
	s25 =	smul.u32 $0x9C0, s26  }
0x7: {  	s12 =	sadd.s32 $0x10800, s0;
	s18 =	sshll.u32 s26, $0x8;
	s5 =	smul.u32 $0x27800, s1  }
0x8: {  	s20 =	sshll.u32 s26, $0x6;
	p0 =	sgt.u32 s26, $0x1;
	s11 =	smul.u32 $0x27000, s1  }
0x9: {  	s26 =	simm.s32 $0x6;
	_ =	strace $0x8000004A;
	s14 =	smul.u32 $0x2700, s1  }
0xa: {  	s9 =	ssub.s32 $0x2, s1;
	s19 =	sshll.u32 s1, $0x7;
	s1 =	smul.u32 $0x4E0, s1  }
0xb: {  	s8 =	sadd.s32 s4, s0;
	s15 =	sshrl.u32 s9, $0x1;
	s7 =	sshrl.u32 s7, $0x2  }
0xc: {  	s23 =	sadd.s32 s10, s6;
	s4 =	sadd.s32 s4, s5;
	s16 =	ssub.s32 s9, s15  }
0xd: {  	s7 =	sadd.s32 s7, s2;
	s17 =	sadd.s32 $0x41800, s8;
	s8 =	sor.u32 s19, s18  }
0xe: {  	s5 =	sor.u32 $0x1C0A, s20;
	s10 =	sadd.s32 s11, s23;
	s24 =	sadd.s32 s14, s13  }
0xf: {  	s15 =	simm.s32 $0xA;
	s18 =	simm.s32 $0x4180;
	s19 =	simm.s32 $0x100  }
0x10: {  	s20 =	simm.s32 $0x8180;
	s23 =	simm.s32 $0x2;
	s0 =	sadd.s32 s4, s0  }
0x11: {  	[dreg:$0x3] =	wrdreg s17;
	s8 =	sor.u32 $0x4E000, s8;
	s22 =	smax.u32 s16, $0x1  }
0x12: {  	s28 =	sadd.s32 $0x100, s24;
	s4 =	sadd.s32 s25, s12;
	s14 =	sshrl.u32 s7, $0x3  }
0x13: {  	s16 =	simm.s32 $0x180;
	s17 =	simm.s32 $0x80;
	s25 =	simm.s32 $0x3  }
0x14: {  	s21 =	sshrl.u32 s8, $0x3;
	s8 =	sshll.u32 s8, $0x4;
	s0 =	sadd.s32 $0x69000, s0  }
0x15: {  	[dreg:$0x7] =	wrdreg s22;
	s13 =	sadd.s32 s1, s4;
	s22 =	simm.s32 $0x4  }
0x16: {  	s9 =	sadd.s32 s12, s21;
	s8 =	sadd.s32 s6, s8;
	[dreg:$0x6] =	wrdreg s0  }
0x17: {  	s0 =	sor.u32 $0x80, s24;
	s6 =	sshrl.u32 s28, $0x3;
	s21 =	simm.s32 $0x1  }
0x18: {  	s24 =	simm.s32 $0x5;
	[dreg:$0x4] =	wrdreg s9;
	s0 =	sshrl.u32 s0, $0x3  }
0x19: {  	[dreg:$0x5] =	wrdreg s8;
	s11 =	sadd.s32 s6, s12;
	s12 =	sadd.s32 s0, s12  }
.LBB2_1:
0x1a: {  	s0 =	rddreg [dreg:$0x3]  }
0x1b: {  	[spmem:s14], [sflag:s5] =	dma.local [hbm:s0], $0x2780  }
0x1c: {  	_ =	swait.ge [sflag:s15], $0x2780  }
0x1d: {  	[sflag:s15] =	ssyncset.done $0x0  }
0x1e: {  	p1 =	por $0x1, $0x1;
	[sflag:s15] =	ssyncadd.s32 $0xFFFFD880  }
0x1f: {  	s0 =	simm.s32 @!p1 $0x7;
	[bflag:$0x0] =	sbarrier.arrive $0xFFFF  }
0x20: {  	_ =	swait.ge @!p1 [sflag:s0], $0x4000  }
0x21: {  	[sflag:s0] =	ssyncset.done @!p1 $0x0  }
0x22: {  	[sflag:s0] =	ssyncadd.s32 @!p1 $0xFFFFC000  }
0x23: {  	[tilespmem:s3], [sflag:$0x1] =	stream.linear.gather [hbm4b:s13+s3], $0x80, $0x38;
	[tilespmem:$0x1FD80] =	vst v63  }
0x24: {  	s9 =	sadd.s32 $0x0, s10;
	s1 =	simm.s32 @!p1 $0x8  }
0x25: {  	[tilespmem:s16], [sflag:$0x4] =	stream.linear.gather [hbm4b:s9+s3], $0x4000, $0x38;
	[tilespmem:$0x1FD80] =	vst v63  }
0x26: {  	_ =	swait.ge @!p1 [sflag:s1], $0x4000  }
0x27: {  	[sflag:s1] =	ssyncset.done @!p1 $0x0  }
0x28: {  	[sflag:s1] =	ssyncadd.s32 @!p1 $0xFFFFC000  }
0x29: {  	[tilespmem:s17], [sflag:$0x2] =	stream.linear.gather [hbm4b:s12+s3], $0x80, $0x38;
	[tilespmem:$0x1FD80] =	vst v63  }
0x2a: {  	s28 =	sadd.s32 $0x800, s9;
	s4 =	simm.s32 @!p1 $0x9  }
0x2b: {  	[tilespmem:s18], [sflag:$0x5] =	stream.linear.gather [hbm4b:s28+s3], $0x4000, $0x38;
	[tilespmem:$0x1FD80] =	vst v63  }
0x2c: {  	_ =	swait.ge @!p1 [sflag:s4], $0x4000  }
0x2d: {  	[sflag:s4] =	ssyncset.done @!p1 $0x0  }
0x2e: {  	[sflag:s4] =	ssyncadd.s32 @!p1 $0xFFFFC000  }
0x2f: {  	[tilespmem:s19], [sflag:$0x3] =	stream.linear.gather [hbm4b:s11+s3], $0x80, $0x38;
	[tilespmem:$0x1FD80] =	vst v63  }
0x30: {  	s0 =	sadd.s32 $0x1000, s9  }
0x31: {  	[tilespmem:s20], [sflag:$0x6] =	stream.linear.gather [hbm4b:s0+s3], $0x4000, $0x38;
	[tilespmem:$0x1FD80] =	vst v63  }
0x32: {  	_ =	swait.ge [sflag:s21], $0x80  }
0x33: {  	[sflag:s21] =	ssyncset.done $0x0  }
0x34: {  	[sflag:s21] =	ssyncadd.s32 $0xFFFFFF80  }
0x35: {  	_ =	swait.ge [sflag:s22], $0x4000  }
0x36: {  	[sflag:s22] =	ssyncset.done $0x0  }
0x37: {  	[sflag:s22] =	ssyncadd.s32 $0xFFFFC000  }
0x38: {  	[spmem:s2] =	stream.indirect.scatter.add.f32 [tilespmem:s16], [sflag:$0x7], $0x80, s3, s17, $0xb8;
	[tilespmem:$0x1FD80] =	vst v63  }
0x39: {  	_ =	swait.ge [sflag:s23], $0x80  }
0x3a: {  	[sflag:s23] =	ssyncset.done $0x0  }
0x3b: {  	[sflag:s23] =	ssyncadd.s32 $0xFFFFFF80  }
0x3c: {  	_ =	swait.ge [sflag:s24], $0x4000  }
0x3d: {  	[sflag:s24] =	ssyncset.done $0x0  }
0x3e: {  	[sflag:s24] =	ssyncadd.s32 $0xFFFFC000  }
0x3f: {  	[spmem:s2] =	stream.indirect.scatter.add.f32 [tilespmem:s18], [sflag:$0x8], $0x80, s17, s17, $0xb8;
	[tilespmem:$0x1FD80] =	vst v63  }
0x40: {  	_ =	swait.ge [sflag:s25], $0x80  }
0x41: {  	[sflag:s25] =	ssyncset.done $0x0  }
0x42: {  	s7 =	simm.s32 $0x3000;
	s6 =	sadd.s32 $0x30, s13;
	[sflag:s25] =	ssyncadd.s32 $0xFFFFFF80  }
0x43: {  	p2 =	por $0x0, $0x0;
	s1 =	sadd.s32 $0x30, s12;
	_ =	swait.ge [sflag:s26], $0x4000  }
0x44: {  	s4 =	simm.s32 $0x1800;
	s0 =	sadd.s32 $0x30, s11;
	[sflag:s26] =	ssyncset.done $0x0  }
.LBB2_2:
0x45: {  	s8 =	simm.s32 @!p2 $0x7  }
0x46: {  	[sflag:s26] =	ssyncadd.s32 $0xFFFFC000;
	s9 =	smov.u32 s7;
	s7 =	sadd.s32 $0x1800, s7  }
0x47: {  	[spmem:s2] =	stream.indirect.scatter.add.f32 [tilespmem:s20], [sflag:$0x9], $0x80, s19, s17, $0xb8;
	[tilespmem:$0x1FD80] =	vst v63  }
0x48: {  	p1 =	sne.s32 s7, $0x27000;
	_ =	swait.ge @!p2 [sflag:s8], $0x4000  }
0x49: {  	[sflag:s8] =	ssyncset.done @!p2 $0x0  }
0x4a: {  	[sflag:s8] =	ssyncadd.s32 @!p2 $0xFFFFC000  }
0x4b: {  	[tilespmem:s3], [sflag:$0x1] =	stream.linear.gather [hbm4b:s6+s3], $0x80, $0x38;
	[tilespmem:$0x1FD80] =	vst v63  }
0x4c: {  	s28 =	simm.s32 @!p2 $0x8;
	s8 =	sadd.s32 s4, s10;
	s4 =	smov.u32 s9  }
0x4d: {  	[tilespmem:s16], [sflag:$0x4] =	stream.linear.gather [hbm4b:s8+s3], $0x4000, $0x38;
	[tilespmem:$0x1FD80] =	vst v63  }
0x4e: {  	_ =	swait.ge @!p2 [sflag:s28], $0x4000  }
0x4f: {  	[sflag:s28] =	ssyncset.done @!p2 $0x0  }
0x50: {  	[sflag:s28] =	ssyncadd.s32 @!p2 $0xFFFFC000  }
0x51: {  	[tilespmem:s17], [sflag:$0x2] =	stream.linear.gather [hbm4b:s1+s3], $0x80, $0x38;
	[tilespmem:$0x1FD80] =	vst v63  }
0x52: {  	s9 =	sadd.s32 $0x800, s8;
	s28 =	simm.s32 @!p2 $0x9  }
0x53: {  	[tilespmem:s18], [sflag:$0x5] =	stream.linear.gather [hbm4b:s9+s3], $0x4000, $0x38;
	[tilespmem:$0x1FD80] =	vst v63  }
0x54: {  	_ =	swait.ge @!p2 [sflag:s28], $0x4000  }
0x55: {  	[sflag:s28] =	ssyncset.done @!p2 $0x0  }
0x56: {  	[sflag:s28] =	ssyncadd.s32 @!p2 $0xFFFFC000  }
0x57: {  	[tilespmem:s19], [sflag:$0x3] =	stream.linear.gather [hbm4b:s0+s3], $0x80, $0x38;
	[tilespmem:$0x1FD80] =	vst v63  }
0x58: {  	s8 =	sadd.s32 $0x1000, s8  }
0x59: {  	[tilespmem:s20], [sflag:$0x6] =	stream.linear.gather [hbm4b:s8+s3], $0x4000, $0x38;
	[tilespmem:$0x1FD80] =	vst v63  }
0x5a: {  	_ =	swait.ge [sflag:s21], $0x80  }
0x5b: {  	[sflag:s21] =	ssyncset.done $0x0  }
0x5c: {  	[sflag:s21] =	ssyncadd.s32 $0xFFFFFF80  }
0x5d: {  	_ =	swait.ge [sflag:s22], $0x4000  }
0x5e: {  	[sflag:s22] =	ssyncset.done $0x0  }
0x5f: {  	[sflag:s22] =	ssyncadd.s32 $0xFFFFC000  }
0x60: {  	[spmem:s2] =	stream.indirect.scatter.add.f32 [tilespmem:s16], [sflag:$0x7], $0x80, s3, s17, $0xb8;
	[tilespmem:$0x1FD80] =	vst v63  }
0x61: {  	_ =	swait.ge [sflag:s23], $0x80  }
0x62: {  	[sflag:s23] =	ssyncset.done $0x0  }
0x63: {  	[sflag:s23] =	ssyncadd.s32 $0xFFFFFF80  }
0x64: {  	_ =	swait.ge [sflag:s24], $0x4000  }
0x65: {  	[sflag:s24] =	ssyncset.done $0x0  }
0x66: {  	[sflag:s24] =	ssyncadd.s32 $0xFFFFC000  }
0x67: {  	[spmem:s2] =	stream.indirect.scatter.add.f32 [tilespmem:s18], [sflag:$0x8], $0x80, s17, s17, $0xb8;
	[tilespmem:$0x1FD80] =	vst v63  }
.Ltmp0:
0x68: {  	_ =	swait.ge [sflag:s25], $0x80;
	(pc) =	sbr.rel @p1 .LBB2_2-.Ltmp0, $4  }
0x69: {  	[sflag:s25] =	ssyncset.done $0x0  }
0x6a: {  	[sflag:s25] =	ssyncadd.s32 $0xFFFFFF80  }
0x6b: {  	s6 =	sadd.s32 $0x30, s6;
	s1 =	sadd.s32 $0x30, s1;
	_ =	swait.ge [sflag:s26], $0x4000  }
0x6c: {  	p2 =	seq.s32 s4, $0x0;
	s0 =	sadd.s32 $0x30, s0;
	[sflag:s26] =	ssyncset.done $0x0  }
0x6d: {  	s7 =	simm.s32 @!p2 $0x7;
	[sflag:s26] =	ssyncadd.s32 $0xFFFFC000  }
0x6e: {  	[spmem:s2] =	stream.indirect.scatter.add.f32 [tilespmem:s20], [sflag:$0x9], $0x80, s19, s17, $0xb8;
	[tilespmem:$0x1FD80] =	vst v63  }
0x6f: {  	_ =	swait.ge @!p2 [sflag:s7], $0x4000  }
0x70: {  	[sflag:s7] =	ssyncset.done @!p2 $0x0  }
0x71: {  	[sflag:s7] =	ssyncadd.s32 @!p2 $0xFFFFC000  }
0x72: {  	[tilespmem:s3], [sflag:$0x1] =	stream.linear.gather [hbm4b:s6+s3], $0x80, $0x38;
	[tilespmem:$0x1FD80] =	vst v63  }
0x73: {  	s4 =	sadd.s32 s4, s10;
	s6 =	simm.s32 @!p2 $0x8  }
0x74: {  	[tilespmem:s16], [sflag:$0x4] =	stream.linear.gather [hbm4b:s4+s3], $0x4000, $0x38;
	[tilespmem:$0x1FD80] =	vst v63  }
0x75: {  	_ =	swait.ge @!p2 [sflag:s6], $0x4000  }
0x76: {  	[sflag:s6] =	ssyncset.done @!p2 $0x0  }
0x77: {  	[sflag:s6] =	ssyncadd.s32 @!p2 $0xFFFFC000  }
0x78: {  	[tilespmem:s17], [sflag:$0x2] =	stream.linear.gather [hbm4b:s1+s3], $0x80, $0x38;
	[tilespmem:$0x1FD80] =	vst v63  }
0x79: {  	s28 =	sadd.s32 $0x800, s4;
	s6 =	simm.s32 @!p2 $0x9  }
0x7a: {  	[tilespmem:s18], [sflag:$0x5] =	stream.linear.gather [hbm4b:s28+s3], $0x4000, $0x38;
	[tilespmem:$0x1FD80] =	vst v63  }
0x7b: {  	_ =	swait.ge @!p2 [sflag:s6], $0x4000  }
0x7c: {  	[sflag:s6] =	ssyncset.done @!p2 $0x0  }
0x7d: {  	[sflag:s6] =	ssyncadd.s32 @!p2 $0xFFFFC000  }
0x7e: {  	[tilespmem:s19], [sflag:$0x3] =	stream.linear.gather [hbm4b:s0+s3], $0x80, $0x38;
	[tilespmem:$0x1FD80] =	vst v63  }
0x7f: {  	s7 =	sadd.s32 $0x1000, s4  }
0x80: {  	[tilespmem:s20], [sflag:$0x6] =	stream.linear.gather [hbm4b:s7+s3], $0x4000, $0x38;
	[tilespmem:$0x1FD80] =	vst v63  }
0x81: {  	_ =	swait.ge [sflag:s21], $0x80  }
0x82: {  	[sflag:s21] =	ssyncset.done $0x0  }
0x83: {  	[sflag:s21] =	ssyncadd.s32 $0xFFFFFF80  }
0x84: {  	_ =	swait.ge [sflag:s22], $0x4000  }
0x85: {  	[sflag:s22] =	ssyncset.done $0x0  }
0x86: {  	[sflag:s22] =	ssyncadd.s32 $0xFFFFC000  }
0x87: {  	[spmem:s2] =	stream.indirect.scatter.add.f32 [tilespmem:s16], [sflag:$0x7], $0x80, s3, s17, $0xb8;
	[tilespmem:$0x1FD80] =	vst v63  }
0x88: {  	_ =	swait.ge [sflag:s23], $0x80  }
0x89: {  	[sflag:s23] =	ssyncset.done $0x0  }
0x8a: {  	[sflag:s23] =	ssyncadd.s32 $0xFFFFFF80  }
0x8b: {  	_ =	swait.ge [sflag:s24], $0x4000  }
0x8c: {  	[sflag:s24] =	ssyncset.done $0x0  }
0x8d: {  	[sflag:s24] =	ssyncadd.s32 $0xFFFFC000  }
0x8e: {  	[spmem:s2] =	stream.indirect.scatter.add.f32 [tilespmem:s18], [sflag:$0x8], $0x80, s17, s17, $0xb8;
	[tilespmem:$0x1FD80] =	vst v63  }
0x8f: {  	_ =	swait.ge [sflag:s25], $0x80  }
0x90: {  	[sflag:s25] =	ssyncset.done $0x0  }
0x91: {  	[sflag:s25] =	ssyncadd.s32 $0xFFFFFF80  }
0x92: {  	_ =	swait.ge [sflag:s26], $0x4000  }
0x93: {  	[sflag:s26] =	ssyncset.done $0x0  }
0x94: {  	s8 =	simm.s32 $0x7;
	[sflag:s26] =	ssyncadd.s32 $0xFFFFC000  }
0x95: {  	[spmem:s2] =	stream.indirect.scatter.add.f32 [tilespmem:s20], [sflag:$0x9], $0x80, s19, s17, $0xb8;
	[tilespmem:$0x1FD80] =	vst v63  }
0x96: {  	_ =	swait.ge [sflag:s8], $0x4000  }
0x97: {  	[sflag:s8] =	ssyncset.done $0x0  }
0x98: {  	[sflag:s8] =	ssyncadd.s32 $0xFFFFC000  }
0x99: {  	_ =	swait.ge [sflag:s29], $0x4000  }
0x9a: {  	[sflag:s29] =	ssyncset.done $0x0  }
0x9b: {  	[sflag:s29] =	ssyncadd.s32 $0xFFFFC000  }
0x9c: {  	_ =	swait.ge [sflag:s30], $0x4000  }
0x9d: {  	[sflag:s30] =	ssyncset.done $0x0  }
0x9e: {  	s0 =	simm.s32 @!p0 $0x0;
	s1 =	rddreg [dreg:$0x4];
	[sflag:s30] =	ssyncadd.s32 $0xFFFFC000  }
0x9f: {  	[tilespmem:s0], [sflag:$0xA] =	stream.linear.gather @!p0 [hbm4b:s1+s0], $0x80, $0x38;
	[tilespmem:$0x1FD80] =	vst v63  }
0xa0: {  	s1 =	simm.s32 @!p0 $0xA  }
0xa1: {  	_ =	swait.ge @!p0 [sflag:s1], $0x80  }
0xa2: {  	[sflag:s1] =	ssyncset.done @!p0 $0x0  }
0xa3: {  	s4 =	simm.s32 @!p0 $0x180;
	s6 =	rddreg [dreg:$0x5];
	[sflag:s1] =	ssyncadd.s32 @!p0 $0xFFFFFF80  }
0xa4: {  	[tilespmem:s4], [sflag:$0xA] =	stream.linear.gather @!p0 [hbm4b:s6+s0], $0x4000, $0x38;
	[tilespmem:$0x1FD80] =	vst v63  }
0xa5: {  	_ =	swait.ge @!p0 [sflag:s1], $0x4000  }
0xa6: {  	[sflag:s1] =	ssyncset.done @!p0 $0x0  }
0xa7: {  	s6 =	simm.s32 @!p0 $0x80;
	[sflag:s1] =	ssyncadd.s32 @!p0 $0xFFFFC000  }
0xa8: {  	[spmem:s2] =	stream.indirect.scatter.add.f32 @!p0 [tilespmem:s4], [sflag:$0xA], $0x80, s0, s6, $0xb8;
	[tilespmem:$0x1FD80] =	vst v63  }
0xa9: {  	_ =	swait.ge @!p0 [sflag:s1], $0x4000  }
0xaa: {  	[sflag:s1] =	ssyncset.done @!p0 $0x0  }
0xab: {  	[sflag:s1] =	ssyncadd.s32 @!p0 $0xFFFFC000  }
0xac: {  	[bflag:$0x0] =	sbarrier.arrive $0xFFFF  }
0xad: {  	s9 =	rddreg [dreg:$0x6]  }
0xae: {  	[hbm:s9], [sflag:s5] =	dma.local [spmem:s14], $0x2780  }
0xaf: {  	_ =	swait.ge [sflag:s15], $0x2780  }
0xb0: {  	s31 =	sadd.s32 $0x1, s31;
	s28 =	rddreg [dreg:$0x7]  }
0xb1: {  	p1 =	sne.s32 s31, s28  }
.Ltmp1:
0xb2: {  	_ = 	snop;
	(pc) =	sbr.rel @p1 .LBB2_1-.Ltmp1, $3  }
0xb3: {  	_ =	sdelay $0x1  }
0xb4: {  	[sflag:s15] =	ssyncset.done $0x0  }
0xb5: {  	[sflag:s15] =	ssyncadd.s32 $0xFFFFD880  }
0xb6: {  	_ =	sfence.sel $0x180000  }
0xb7: {  	[bflag:$0x0] =	sbarrier.arrive $0xFFFF  }
0xb8: {  	_ =	strace $0x9000004A  }
0xb9: {  	s0 =	stileid.u32;
	[bflag:$0x2] =	sbarrier.arrive $0xFFFF  }
0xba: {  	p0 =	sne.s32 s0, $0x0;
	s0 =	rddreg [dreg:$0x2]  }
0xbb: {  	s0 =	sadd.s32 @!p0 $0x100000, s0  }
0xbc: {  	[sflag:s0] =	ssyncadd.tile.s32 @!p0 $0x1;
	_ =	shalt  }
.Lfunc_end2:
_tile_overlayer_lowered:
.L_overlay_start_2:
0xbd: {  	(tag) =	ssettag $0x2  }
0xbe: {  	s0 =	rddreg [dreg:$0x0];
	s2 =	stileid.u32  }
0xbf: {  	s1 =	rddreg [dreg:$0x1];
	p0 =	sne.s32 s2, $0x0  }
0xc0: {  	s3 =	rddreg [dreg:$0x2];
	[bflag:$0x3] =	sbarrier.arrive $0xFFFF;
	s2 =	simm.s32 @!p0 $0x1C0A  }
0xc1: {  	[timem:s3], [sflag:s2] =	dma.local @!p0 [hbm:s0], s1  }
0xc2: {  	s0 =	simm.s32 @!p0 $0xA  }
0xc3: {  	_ =	swait.ge @!p0 [sflag:s0], s1  }
0xc4: {  	s1 =	ssub.s32 @!p0 $0x0, s1;
	[sflag:s0] =	ssyncset.done @!p0 $0x0  }
0xc5: {  	[sflag:s0] =	ssyncadd.s32 @!p0 s1  }
0xc6: {  	[bflag:$0x3] =	sbarrier.arrive $0xFFFF  }
0xc7: {  	_ =	shalt  }

// kernel: kernel.21.cloned.1.call-start
scs
__scs_entry_jumppad:
0x0: {  	(pc) =	sbr.rel $0x88, $3  }
0x1: {  	(tag) =	ssettag $0x0;
	lr =	simm.s32 $0x1  }
0x2: {  	[smem:$0x3F86] =	sst lr;
	_ =	strace $0xD0000000  }
0x3: {  	_ = 	snop  }
0x4: {  	_ = 	snop  }
0x5: {  	_ = 	snop  }
0x6: {  	_ = 	snop  }
0x7: {  	_ = 	snop  }
__scs_overlays_trampoline_lowered:
0x8: {  	[smem:$0x3F95] =	sst s0  }
0x9: {  	[smem:$0x3F96] =	sst s1  }
0xa: {  	[smem:$0x3F97] =	sst s2  }
0xb: {  	[smem:$0x3F98] =	sst s3  }
0xc: {  	[smem:$0x3F99] =	sst s4  }
0xd: {  	[smem:$0x3F9A] =	sst s5  }
0xe: {  	[smem:$0x3F9B] =	sst s6  }
0xf: {  	[smem:$0x3F9C] =	sst s7  }
0x10: {  	[smem:$0x3F9D] =	sst s8  }
0x11: {  	[smem:$0x3F9E] =	sst s9;
	s0 =	simm.s32 @!p0 $0x0  }
0x12: {  	s1 =	sld [smem:$0x3F84];
	s0 =	simm.s32 @p0 $0x1  }
0x13: {  	[smem:$0x3F9F] =	sst s0;
	s0 =	simm.s32 @!p1 $0x0  }
0x14: {  	s2 =	sld [smem:$0x3F83];
	s0 =	simm.s32 @p1 $0x1  }
0x15: {  	[smem:$0x3FA0] =	sst s0;
	s0 =	simm.s32 @!p2 $0x0  }
0x16: {  	s3 =	sld [smem:$0x3FDB];
	s0 =	simm.s32 @p2 $0x1  }
0x17: {  	s4 =	simm.s32 $0x1BF5;
	[smem:$0x3FA2] =	sst s0  }
0x18: {  	s0 =	sld [smem:$0x3F85];
	_ =	swait.ge [sflag:s4], $0x0  }
0x19: {  	s7 =	sld [smem:$0x3F86]  }
0x1a: {  	s8 =	sadd.s32 $0xFFFFE003, lr  }
0x1b: {  	s9 =	sadd.s32 $0xFFFFFEF7, lr;
	s5 =	simm.s32 $0xFFFFFFFF;
	p2 =	slt.u32 s8, $0xFFFFF086  }
0x1c: {  	p1 =	slt.u32 s9, $0xF7A;
	s5 =	simm.s32 @!p2 $0x0  }
0x1d: {  	s5 =	simm.s32 @p1 $0x1;
	p0 =	seq.s32 s7, s2  }
0x1e: {  	s7 =	smul.u32 @!p0 $0xF7A, s2;
	p2 =	seq.s32 @!p0 s5, $0x0  }
0x1f: {  	s9 =	smul.u32 $0xF7A, s1;
	s8 =	simm.s32 @!p0 $0x1BF5;
	p2 =	por !p2, p0  }
0x20: {  	[sflag:s8] =	ssyncset.s32 @!p0 $0xFFFFF086;
	s6 =	sadd.s32 @!p0 s3, s7;
	s7 =	simm.s32 @!p0 $0x108  }
0x21: {  	s3 =	sadd.s32 s3, s9;
	s6 =	sadd.s32 @!p0 $0x88, s6;
	s7 =	simm.s32 @p2 $0x1082  }
0x22: {  	[simem:s7], [sflag:s8] =	dma.local @!p0 [hbm:s6], $0xF7A  }
0x23: {  	s9 =	sor.u32 $0xD0000000, s2;
	s6 =	simm.s32 $0x108;
	_ =	swait.ge @!p0 [sflag:s8], $0x0  }
0x24: {  	s3 =	sadd.s32 $0x88, s3;
	s6 =	simm.s32 @!p1 $0x1082;
	[sflag:s4] =	ssyncset.s32 $0xFFFFF086  }
0x25: {  	[simem:s6], [sflag:s4] =	dma.local [hbm:s3], $0xF7A  }
0x26: {  	[smem:$0x3F86] =	sst s1;
	(tag) =	ssettag s2;
	_ =	strace s9  }
0x27: {  	s1 =	sld [smem:$0x3F96]  }
0x28: {  	s2 =	sld [smem:$0x3F97]  }
0x29: {  	s4 =	sld [smem:$0x3F99]  }
0x2a: {  	p0 =	seq.s32 s5, $0x0;
	s5 =	sld [smem:$0x3F9A]  }
0x2b: {  	s6 =	sld [smem:$0x3F9B]  }
0x2c: {  	s7 =	sld [smem:$0x3F9C]  }
0x2d: {  	s3 =	simm.s32 $0x108;
	s8 =	sld [smem:$0x3F9D]  }
0x2e: {  	s3 =	simm.s32 @!p0 $0x1082;
	s9 =	sld [smem:$0x3F9E]  }
0x2f: {  	lr =	sadd.s32 s0, s3;
	s0 =	sld [smem:$0x3F95]  }
0x30: {  	s3 =	sld [smem:$0x3F98]  }
0x31: {  	[smem:$0x3FA1] =	sst s10  }
0x32: {  	s10 =	sld [smem:$0x3F9F];
	_ =	sdelay $0x3  }
0x33: {  	p0 =	seq.s32 s10, $0x1;
	s10 =	sld [smem:$0x3FA1];
	_ =	sdelay $0x3  }
0x34: {  	[smem:$0x3FA1] =	sst s10  }
0x35: {  	s10 =	sld [smem:$0x3FA0];
	_ =	sdelay $0x3  }
0x36: {  	p1 =	seq.s32 s10, $0x1;
	s10 =	sld [smem:$0x3FA1];
	_ =	sdelay $0x3  }
0x37: {  	[smem:$0x3FA1] =	sst s10  }
0x38: {  	s10 =	sld [smem:$0x3FA2]  }
0x39: {  	_ = 	snop;
	(pc) =	sbr.ind lr, $3  }
0x3a: {  	_ = 	snop  }
0x3b: {  	_ = 	snop  }
0x3c: {  	p2 =	seq.s32 s10, $0x1;
	s10 =	sld [smem:$0x3FA1]  }
0x3d: {  	_ =	shalt  }
0x3e: {  	_ =	shalt  }
0x3f: {  	_ =	shalt  }
0x40: {  	_ =	shalt  }
0x41: {  	_ =	shalt  }
0x42: {  	_ =	shalt  }
0x43: {  	_ =	shalt  }
0x44: {  	_ =	shalt  }
0x45: {  	_ =	shalt  }
0x46: {  	_ =	shalt  }
0x47: {  	_ =	shalt  }
0x48: {  	_ =	shalt  }
0x49: {  	_ =	shalt  }
0x4a: {  	_ =	shalt  }
0x4b: {  	_ =	shalt  }
0x4c: {  	_ =	shalt  }
0x4d: {  	_ =	shalt  }
0x4e: {  	_ =	shalt  }
0x4f: {  	_ =	shalt  }
0x50: {  	_ =	shalt  }
0x51: {  	_ =	shalt  }
0x52: {  	_ =	shalt  }
0x53: {  	_ =	shalt  }
0x54: {  	_ =	shalt  }
0x55: {  	_ =	shalt  }
0x56: {  	_ =	shalt  }
0x57: {  	_ =	shalt  }
0x58: {  	_ =	shalt  }
0x59: {  	_ =	shalt  }
0x5a: {  	_ =	shalt  }
0x5b: {  	_ =	shalt  }
0x5c: {  	_ =	shalt  }
0x5d: {  	_ =	shalt  }
0x5e: {  	_ =	shalt  }
0x5f: {  	_ =	shalt  }
0x60: {  	_ =	shalt  }
0x61: {  	_ =	shalt  }
0x62: {  	_ =	shalt  }
0x63: {  	_ =	shalt  }
0x64: {  	_ =	shalt  }
0x65: {  	_ =	shalt  }
0x66: {  	_ =	shalt  }
0x67: {  	_ =	shalt  }
0x68: {  	_ =	shalt  }
0x69: {  	_ =	shalt  }
0x6a: {  	_ =	shalt  }
0x6b: {  	_ =	shalt  }
0x6c: {  	_ =	shalt  }
0x6d: {  	_ =	shalt  }
0x6e: {  	_ =	shalt  }
0x6f: {  	_ =	shalt  }
0x70: {  	_ =	shalt  }
0x71: {  	_ =	shalt  }
0x72: {  	_ =	shalt  }
0x73: {  	_ =	shalt  }
0x74: {  	_ =	shalt  }
0x75: {  	_ =	shalt  }
0x76: {  	_ =	shalt  }
0x77: {  	_ =	shalt  }
0x78: {  	_ =	shalt  }
0x79: {  	_ =	shalt  }
0x7a: {  	_ =	shalt  }
0x7b: {  	_ =	shalt  }
0x7c: {  	_ =	shalt  }
0x7d: {  	_ =	shalt  }
0x7e: {  	_ =	shalt  }
0x7f: {  	_ =	shalt  }
0x80: {  	_ =	shalt  }
0x81: {  	_ =	shalt  }
0x82: {  	_ =	shalt  }
0x83: {  	_ =	shalt  }
0x84: {  	_ =	shalt  }
0x85: {  	_ =	shalt  }
0x86: {  	_ =	shalt  }
0x87: {  	_ =	shalt  }
.Lfunc_end0:
.L_simem_size_0:
called_computation.2_lowered:
.L_overlay_start_0:
0x88: {  	s2 =	sld [smem:$0x3FD9]  }
0x89: {  	s3 =	sld [smem:$0x3FFE];
	_ =	sdelay $0x1  }
0x8a: {  	s1 =	srdreg.scid  }
0x8b: {  	s0 =	sand.u32 $0x1, s1  }
0x8c: {  	s16 =	sshll.u32 s0, $0xA;
	s2 =	sadd.s32 s3, s2  }
0x8d: {  	s2 =	sadd.s32 s2, s16  }
0x8e: {  	[smem:$0x3FAD] =	sst s2  }
0x8f: {  	_ = 	snop  }
0x90: {  	(tm) =	ssettm $0x1  }
0x91: {  	s17 =	sld [smem:$0x3FFB];
	_ =	sdelay $0x3  }
0x92: {  	_ =	strace s17  }
0x93: {  	s2 =	sld [smem:$0x3FFC];
	_ =	sdelay $0x3  }
0x94: {  	_ =	strace s2  }
0x95: {  	s2 =	sld [smem:$0x3FFD];
	_ =	sdelay $0x3  }
0x96: {  	_ =	strace s2  }
0x97: {  	_ =	strace $0x8FFFFFFF  }
0x98: {  	s18 =	sld [smem:$0x3FDB];
	_ =	sdelay $0x1  }
0x99: {  	s19 =	simm.s32 $_scs_section_size  }
0x9a: {  	s4 =	simm.s32 $_size__tile_overlayer_lowered;
	s5 =	simm.s32 $_tile_overlayer_lowered  }
0x9b: {  	s22 =	simm.s32 $0x1BFF;
	s21 =	sshll.u32 s5, $0x1;
	s2 =	sadd.s32 s19, s18  }
0x9c: {  	s6 =	simm.s32 $0x0;
	s20 =	sshll.u32 s4, $0x1;
	s4 =	sadd.s32 s21, s2  }
0x9d: {  	[timem:s6], [sflag:s22] =	dma.local [hbm:s4], s20  }
0x9e: {  	_ =	swait.ge [sflag:s22], s20  }
0x9f: {  	s3 =	ssub.s32 $0x0, s20;
	[sflag:s22] =	ssyncset.done $0x0  }
0xa0: {  	[sflag:s22] =	ssyncadd.s32 s3;
	_ =	sdelay $0x1  }
0xa1: {  	s23 =	simm.s32 $0x1B8B  }
0xa2: {  	_ =	swait.ge [sflag:s23], $0x1  }
0xa3: {  	[sflag:s23] =	ssyncset.done $0x0  }
0xa4: {  	s25 =	simm.s32 $0x1B8E;
	s24 =	sld [smem:$0x3FFE];
	[sflag:s23] =	ssyncadd.s32 $0xFFFFFFFF  }
0xa5: {  	s26 =	simm.s32 $execute0_lowered;
	[smem:$0x3FD2] =	sst s25  }
0xa6: {  	s4 =	sshll.u32 s26, $0x1;
	_ =	strace $0x8000004C;
	[dreg:$0x1] =	wrdreg $0xFFFFFFFF  }
0xa7: {  	s28 =	simm.s32 $_size_execute0_lowered;
	s2 =	sadd.s32 s2, s4;
	[dreg:$0x0] =	wrdreg $0x0  }
0xa8: {  	s4 =	sshll.u32 s28, $0x1;
	[dreg:$0x2] =	wrdreg s2  }
0xa9: {  	[dreg:$0x3] =	wrdreg s4  }
0xaa: {  	[dreg:$0x4] =	wrdreg $0xC0  }
0xab: {  	_ =	task [dreg:s6], $0x5FFFF  }
0xac: {  	[dreg:$0x1] =	wrdreg $0xFFFFFFFF  }
0xad: {  	[dreg:$0x0] =	wrdreg $0x60  }
0xae: {  	[dreg:$0x2] =	wrdreg s24  }
0xaf: {  	[dreg:$0x3] =	wrdreg $0x9  }
0xb0: {  	_ =	task.clear_ibuf [dreg:s6], $0x4FFFF;
	_ =	strace $0x9000004C  }
0xb1: {  	s29 =	simm.s32 $0x9;
	_ =	strace $0x8000004E  }
0xb2: {  	_ =	swait.ge [sflag:s29], $0x1  }
0xb3: {  	[sflag:s29] =	ssyncadd.s32 $0xFFFFFFFF  }
0xb4: {  	_ =	strace $0x9000004E  }
0xb5: {  	_ =	sfence  }
0xb6: {  	s30 =	sld [smem:$0x0];
	_ =	sdelay $0x2  }
0xb7: {  	s31 =	sshll.u32 s1, $0xD;
	s1 =	sshrl.u32 s1, $0x2  }
0xb8: {  	s3 =	sand.u32 $0x4000, s31;
	s1 =	sadd.s32 s1, s30  }
0xb9: {  	s0 =	sor.u32 s3, s0;
	s1 =	sshll.u32 s1, $0x11  }
0xba: {  	s0 =	sor.u32 s1, s0  }
0xbb: {  	s0 =	sadd.s32 $0x8F2B, s0  }
0xbc: {  	[sflag:s0] =	ssyncadd.remote.s32 $0x1  }
0xbd: {  	_ =	sfence.sel $0xFFFF  }
0xbe: {  	[dreg:$0x0] =	wrdreg $0xFFFFFFFF;
	(pc) =	sbr.abs _section_cstart, $3  }
0xbf: {  	[dreg:$0x1] =	wrdreg $0xFFFFFFFF  }
0xc0: {  	_ =	task.clear_ibuf [dreg:s6], $0x2FFFF;
	_ =	strace $0x9FFFFFFF  }
0xc1: {  	(tm) =	ssettm $0x7FFFFFFF  }
tec
execute0_lowered:
.L_overlay_start_1:
0x0: {  	(tag) =	ssettag $0x1  }
0x1: {  	s0 =	rddreg [dreg:$0x0]  }
0x2: {  	s1 =	simm.s32 $0x0;
	s2 =	srdreg.scid;
	s12 =	stileid.u32  }
0x3: {  	s13 =	simm.s32 $0x80;
	s29 =	simm.s32 $0x6;
	s30 =	simm.s32 $0x14300  }
0x4: {  	s31 =	simm.s32 $0x7;
	[smem:$0x7FF] =	sst s1;
	s8 =	smul.u32 $0x4E000, s12  }
0x5: {  	s3 =	sadd.s32 $0x1A600, s0;
	s4 =	sadd.s32 $0x6A00, s0;
	s16 =	smul.u32 $0x4E00, s12  }
0x6: {  	s2 =	sand.u32 $0x1, s2;
	s0 =	sadd.s32 $0xA2CA00, s0;
	s24 =	smul.u32 $0x9C0, s12  }
0x7: {  	s6 =	sshll.u32 s12, $0x8;
	p0 =	sgt.u32 s12, $0x1;
	s15 =	smul.u32 $0x27000, s2  }
0x8: {  	_ =	strace $0x8000004D;
	s5 =	ssub.s32 $0x2, s2;
	s11 =	smul.u32 $0x2700, s2  }
0x9: {  	s7 =	sshll.u32 s2, $0x7;
	s2 =	smul.u32 $0x4E0, s2;
	s9 =	sshrl.u32 s5, $0x1  }
0xa: {  	s6 =	sor.u32 s7, s6;
	s26 =	sadd.s32 s24, s4;
	s24 =	simm.s32 $0x4  }
0xb: {  	s5 =	ssub.s32 s5, s9;
	s6 =	sor.u32 $0x4E000, s6;
	s17 =	sadd.s32 s11, s16  }
0xc: {  	s28 =	sadd.s32 s2, s26;
	s26 =	simm.s32 $0x5;
	s2 =	simm.s32 $0x9  }
0xd: {  	s9 =	simm.s32 $0x0;
	s10 =	sshrl.u32 s6, $0x3;
	s6 =	sshll.u32 s6, $0x4  }
0xe: {  	s5 =	smax.u32 s5, $0x1;
	s18 =	sadd.s32 $0x280, s17;
	s19 =	sadd.s32 $0x200, s17  }
0xf: {  	s20 =	sadd.s32 $0x180, s17;
	s23 =	sadd.s32 $0x100, s17;
	[dreg:$0xb] =	wrdreg s28  }
0x10: {  	s10 =	sadd.s32 s4, s10;
	s6 =	sadd.s32 s0, s6;
	[dreg:$0x5] =	wrdreg s5  }
0x11: {  	s0 =	sadd.s32 s8, s0;
	s22 =	sshrl.u32 s20, $0x3;
	[dreg:$0x3] =	wrdreg s10  }
0x12: {  	s5 =	sor.u32 $0x80, s17;
	[dreg:$0x4] =	wrdreg s6;
	s0 =	sadd.s32 s15, s0  }
0x13: {  	s20 =	simm.s32 $0x2;
	[dreg:$0x2] =	wrdreg s0;
	s0 =	sshrl.u32 s18, $0x3  }
0x14: {  	s6 =	sshrl.u32 s19, $0x3;
	s25 =	sshrl.u32 s5, $0x3;
	s0 =	sadd.s32 s0, s4  }
0x15: {  	s5 =	simm.s32 $0xB;
	[dreg:$0x6] =	wrdreg s0;
	s0 =	sadd.s32 s22, s4  }
0x16: {  	s21 =	sadd.s32 s6, s4;
	[dreg:$0x8] =	wrdreg s0;
	s0 =	sshrl.u32 s23, $0x3  }
0x17: {  	s6 =	simm.s32 $0xC;
	[dreg:$0x7] =	wrdreg s21;
	s0 =	sadd.s32 s0, s4  }
0x18: {  	s22 =	simm.s32 $0x3;
	[dreg:$0x9] =	wrdreg s0;
	s0 =	sadd.s32 s25, s4  }
0x19: {  	s4 =	simm.s32 $0xA;
	[dreg:$0xa] =	wrdreg s0;
	s0 =	simm.s32 $0x8  }
.LBB2_1:
0x1a: {  	p1 =	por $0x1, $0x1  }
0x1b: {  	[dreg:$0xc] =	wrdreg s9;
	s7 =	simm.s32 @!p1 $0xD  }
0x1c: {  	_ =	swait.ge @!p1 [sflag:s7], $0x4000  }
0x1d: {  	[sflag:s7] =	ssyncset.done @!p1 $0x0  }
0x1e: {  	s14 =	rddreg [dreg:$0xb];
	[sflag:s7] =	ssyncadd.s32 @!p1 $0xFFFFC000;
	s7 =	simm.s32 @!p1 $0xE  }
0x1f: {  	[tilespmem:s1], [sflag:$0x1] =	stream.linear.gather [hbm4b:s14+s1], $0x80, $0x38;
	[tilespmem:$0x18300] =	vst v63  }
0x20: {  	_ =	swait.ge @!p1 [sflag:s7], $0x4000  }
0x21: {  	[sflag:s7] =	ssyncset.done @!p1 $0x0  }
0x22: {  	s12 =	rddreg [dreg:$0xa];
	[sflag:s7] =	ssyncadd.s32 @!p1 $0xFFFFC000;
	s7 =	simm.s32 @!p1 $0xF  }
0x23: {  	[tilespmem:s13], [sflag:$0x2] =	stream.linear.gather [hbm4b:s12+s1], $0x80, $0x38;
	[tilespmem:$0x18300] =	vst v63  }
0x24: {  	_ =	swait.ge @!p1 [sflag:s7], $0x4000  }
0x25: {  	s8 =	simm.s32 $0x100;
	[sflag:s7] =	ssyncset.done @!p1 $0x0  }
0x26: {  	s9 =	rddreg [dreg:$0x9];
	[sflag:s7] =	ssyncadd.s32 @!p1 $0xFFFFC000;
	s7 =	simm.s32 @!p1 $0x10  }
0x27: {  	[tilespmem:s8], [sflag:$0x3] =	stream.linear.gather [hbm4b:s9+s1], $0x80, $0x38;
	[tilespmem:$0x18300] =	vst v63  }
0x28: {  	_ =	swait.ge @!p1 [sflag:s7], $0x4000  }
0x29: {  	s15 =	simm.s32 $0x180;
	[sflag:s7] =	ssyncset.done @!p1 $0x0  }
0x2a: {  	s11 =	rddreg [dreg:$0x8];
	[sflag:s7] =	ssyncadd.s32 @!p1 $0xFFFFC000;
	s7 =	simm.s32 @!p1 $0x11  }
0x2b: {  	[tilespmem:s15], [sflag:$0x4] =	stream.linear.gather [hbm4b:s11+s1], $0x80, $0x38;
	[tilespmem:$0x18300] =	vst v63  }
0x2c: {  	_ =	swait.ge @!p1 [sflag:s7], $0x4000  }
0x2d: {  	s16 =	simm.s32 $0x200;
	[sflag:s7] =	ssyncset.done @!p1 $0x0  }
0x2e: {  	s17 =	rddreg [dreg:$0x7];
	[sflag:s7] =	ssyncadd.s32 @!p1 $0xFFFFC000;
	s7 =	simm.s32 @!p1 $0x12  }
0x2f: {  	[tilespmem:s16], [sflag:$0x5] =	stream.linear.gather [hbm4b:s17+s1], $0x80, $0x38;
	[tilespmem:$0x18300] =	vst v63  }
0x30: {  	_ =	swait.ge @!p1 [sflag:s7], $0x4000  }
0x31: {  	s18 =	simm.s32 $0x1;
	[sflag:s7] =	ssyncset.done @!p1 $0x0  }
0x32: {  	s10 =	rddreg [dreg:$0x6];
	[sflag:s7] =	ssyncadd.s32 @!p1 $0xFFFFC000;
	s7 =	simm.s32 $0x280  }
0x33: {  	[tilespmem:s7], [sflag:$0x6] =	stream.linear.gather [hbm4b:s10+s1], $0x80, $0x38;
	[tilespmem:$0x18300] =	vst v63  }
0x34: {  	_ =	swait.ge [sflag:s18], $0x80  }
0x35: {  	[sflag:s18] =	ssyncset.done $0x0  }
0x36: {  	s19 =	simm.s32 $0x300;
	[sflag:s18] =	ssyncadd.s32 $0xFFFFFF80  }
0x37: {  	[tilespmem:s19], [sflag:$0x7] =	stream.indirect.gather [hbm4b:s3+s13], $0x80, s1, s13, $0xb8;
	[tilespmem:$0x18300] =	vst v63  }
0x38: {  	_ =	swait.ge [sflag:s20], $0x80  }
0x39: {  	[sflag:s20] =	ssyncset.done $0x0  }
0x3a: {  	s21 =	simm.s32 $0x4300;
	[sflag:s20] =	ssyncadd.s32 $0xFFFFFF80  }
0x3b: {  	[tilespmem:s21], [sflag:$0x8] =	stream.indirect.gather [hbm4b:s3+s13], $0x80, s13, s13, $0xb8;
	[tilespmem:$0x18300] =	vst v63  }
0x3c: {  	_ =	swait.ge [sflag:s22], $0x80  }
0x3d: {  	[sflag:s22] =	ssyncset.done $0x0  }
0x3e: {  	s23 =	simm.s32 $0x8300;
	[sflag:s22] =	ssyncadd.s32 $0xFFFFFF80  }
0x3f: {  	[tilespmem:s23], [sflag:$0x9] =	stream.indirect.gather [hbm4b:s3+s13], $0x80, s8, s13, $0xb8;
	[tilespmem:$0x18300] =	vst v63  }
0x40: {  	_ =	swait.ge [sflag:s24], $0x80  }
0x41: {  	[sflag:s24] =	ssyncset.done $0x0  }
0x42: {  	s25 =	simm.s32 $0xC300;
	[sflag:s24] =	ssyncadd.s32 $0xFFFFFF80  }
0x43: {  	[tilespmem:s25], [sflag:$0xA] =	stream.indirect.gather [hbm4b:s3+s13], $0x80, s15, s13, $0xb8;
	[tilespmem:$0x18300] =	vst v63  }
0x44: {  	_ =	swait.ge [sflag:s26], $0x80  }
0x45: {  	[sflag:s26] =	ssyncset.done $0x0  }
0x46: {  	s28 =	simm.s32 $0x10300;
	[sflag:s26] =	ssyncadd.s32 $0xFFFFFF80  }
0x47: {  	[tilespmem:s28], [sflag:$0xB] =	stream.indirect.gather [hbm4b:s3+s13], $0x80, s16, s13, $0xb8;
	[tilespmem:$0x18300] =	vst v63  }
0x48: {  	_ =	swait.ge [sflag:s29], $0x80  }
0x49: {  	[sflag:s29] =	ssyncset.done $0x0  }
0x4a: {  	[sflag:s29] =	ssyncadd.s32 $0xFFFFFF80  }
0x4b: {  	[tilespmem:s30], [sflag:$0xC] =	stream.indirect.gather [hbm4b:s3+s13], $0x80, s7, s13, $0xb8;
	[tilespmem:$0x18300] =	vst v63  }
0x4c: {  	_ =	swait.ge [sflag:s31], $0x4000  }
0x4d: {  	s16 =	rddreg [dreg:$0x2];
	[sflag:s31] =	ssyncset.done $0x0  }
0x4e: {  	[sflag:s31] =	ssyncadd.s32 $0xFFFFC000;
	s18 =	sadd.s32 $0x0, s16  }
0x4f: {  	[hbm4b:s18+s1] =	stream.linear.scatter [tilespmem:s19], [sflag:$0xD], $0x4000, $0x38;
	[tilespmem:$0x18300] =	vst v63  }
0x50: {  	_ =	swait.ge [sflag:s0], $0x4000  }
0x51: {  	[sflag:s0] =	ssyncset.done $0x0  }
0x52: {  	s7 =	sadd.s32 $0x800, s18;
	[sflag:s0] =	ssyncadd.s32 $0xFFFFC000  }
0x53: {  	[hbm4b:s7+s1] =	stream.linear.scatter [tilespmem:s21], [sflag:$0xE], $0x4000, $0x38;
	[tilespmem:$0x18300] =	vst v63  }
0x54: {  	_ =	swait.ge [sflag:s2], $0x4000  }
0x55: {  	[sflag:s2] =	ssyncset.done $0x0  }
0x56: {  	s21 =	sadd.s32 $0x1000, s18;
	[sflag:s2] =	ssyncadd.s32 $0xFFFFC000  }
0x57: {  	[hbm4b:s21+s1] =	stream.linear.scatter [tilespmem:s23], [sflag:$0xF], $0x4000, $0x38;
	[tilespmem:$0x18300] =	vst v63  }
0x58: {  	_ =	swait.ge [sflag:s4], $0x4000  }
0x59: {  	[sflag:s4] =	ssyncset.done $0x0  }
0x5a: {  	p2 =	por $0x0, $0x0;
	s23 =	sadd.s32 $0x1800, s18;
	[sflag:s4] =	ssyncadd.s32 $0xFFFFC000  }
0x5b: {  	[hbm4b:s23+s1] =	stream.linear.scatter [tilespmem:s25], [sflag:$0x10], $0x4000, $0x38;
	[tilespmem:$0x18300] =	vst v63  }
0x5c: {  	s14 =	sadd.s32 $0x60, s14;
	s11 =	sadd.s32 $0x60, s11;
	_ =	swait.ge [sflag:s5], $0x4000  }
0x5d: {  	s8 =	simm.s32 $0x3000;
	s15 =	simm.s32 $0x6000;
	[sflag:s5] =	ssyncset.done $0x0  }
0x5e: {  	s30 =	sadd.s32 $0x2000, s18;
	s7 =	sadd.s32 $0x60, s12;
	[sflag:s5] =	ssyncadd.s32 $0xFFFFC000  }
0x5f: {  	[hbm4b:s30+s1] =	stream.linear.scatter [tilespmem:s28], [sflag:$0x11], $0x4000, $0x38;
	[tilespmem:$0x18300] =	vst v63  }
0x60: {  	s12 =	sadd.s32 $0x60, s9;
	s9 =	sadd.s32 $0x60, s10;
	_ =	swait.ge [sflag:s6], $0x4000  }
0x61: {  	s10 =	sadd.s32 $0x60, s17;
	s17 =	sadd.s32 $0x2800, s18;
	[sflag:s6] =	ssyncset.done $0x0  }
.LBB2_2:
0x62: {  	s19 =	simm.s32 @!p2 $0xD;
	[sflag:s6] =	ssyncadd.s32 $0xFFFFC000;
	s18 =	simm.s32 $0x14300  }
0x63: {  	[hbm4b:s17+s1] =	stream.linear.scatter [tilespmem:s18], [sflag:$0x12], $0x4000, $0x38;
	[tilespmem:$0x18300] =	vst v63  }
0x64: {  	_ =	swait.ge @!p2 [sflag:s19], $0x4000  }
0x65: {  	[sflag:s19] =	ssyncset.done @!p2 $0x0  }
0x66: {  	s17 =	simm.s32 @!p2 $0xE;
	[sflag:s19] =	ssyncadd.s32 @!p2 $0xFFFFC000  }
0x67: {  	[tilespmem:s1], [sflag:$0x1] =	stream.linear.gather [hbm4b:s14+s1], $0x80, $0x38;
	[tilespmem:$0x18300] =	vst v63  }
0x68: {  	_ =	swait.ge @!p2 [sflag:s17], $0x4000  }
0x69: {  	[sflag:s17] =	ssyncset.done @!p2 $0x0  }
0x6a: {  	[sflag:s17] =	ssyncadd.s32 @!p2 $0xFFFFC000;
	s17 =	simm.s32 @!p2 $0xF  }
0x6b: {  	[tilespmem:s13], [sflag:$0x2] =	stream.linear.gather [hbm4b:s7+s1], $0x80, $0x38;
	[tilespmem:$0x18300] =	vst v63  }
0x6c: {  	_ =	swait.ge @!p2 [sflag:s17], $0x4000  }
0x6d: {  	[sflag:s17] =	ssyncset.done @!p2 $0x0  }
0x6e: {  	s19 =	simm.s32 $0x100;
	[sflag:s17] =	ssyncadd.s32 @!p2 $0xFFFFC000;
	s17 =	simm.s32 @!p2 $0x10  }
0x6f: {  	[tilespmem:s19], [sflag:$0x3] =	stream.linear.gather [hbm4b:s12+s1], $0x80, $0x38;
	[tilespmem:$0x18300] =	vst v63  }
0x70: {  	_ =	swait.ge @!p2 [sflag:s17], $0x4000  }
0x71: {  	[sflag:s17] =	ssyncset.done @!p2 $0x0  }
0x72: {  	s21 =	simm.s32 $0x180;
	[sflag:s17] =	ssyncadd.s32 @!p2 $0xFFFFC000;
	s17 =	simm.s32 @!p2 $0x11  }
0x73: {  	[tilespmem:s21], [sflag:$0x4] =	stream.linear.gather [hbm4b:s11+s1], $0x80, $0x38;
	[tilespmem:$0x18300] =	vst v63  }
0x74: {  	_ =	swait.ge @!p2 [sflag:s17], $0x4000  }
0x75: {  	[sflag:s17] =	ssyncset.done @!p2 $0x0  }
0x76: {  	s23 =	simm.s32 $0x200;
	[sflag:s17] =	ssyncadd.s32 @!p2 $0xFFFFC000;
	s17 =	simm.s32 @!p2 $0x12  }
0x77: {  	[tilespmem:s23], [sflag:$0x5] =	stream.linear.gather [hbm4b:s10+s1], $0x80, $0x38;
	[tilespmem:$0x18300] =	vst v63  }
0x78: {  	_ =	swait.ge @!p2 [sflag:s17], $0x4000  }
0x79: {  	[sflag:s17] =	ssyncset.done @!p2 $0x0  }
0x7a: {  	s25 =	simm.s32 $0x1;
	[sflag:s17] =	ssyncadd.s32 @!p2 $0xFFFFC000;
	s17 =	simm.s32 $0x280  }
0x7b: {  	[tilespmem:s17], [sflag:$0x6] =	stream.linear.gather [hbm4b:s9+s1], $0x80, $0x38;
	[tilespmem:$0x18300] =	vst v63  }
0x7c: {  	_ =	swait.ge [sflag:s25], $0x80  }
0x7d: {  	[sflag:s25] =	ssyncset.done $0x0  }
0x7e: {  	[sflag:s25] =	ssyncadd.s32 $0xFFFFFF80;
	s25 =	simm.s32 $0x300  }
0x7f: {  	[tilespmem:s25], [sflag:$0x7] =	stream.indirect.gather [hbm4b:s3+s13], $0x80, s1, s13, $0xb8;
	[tilespmem:$0x18300] =	vst v63  }
0x80: {  	_ =	swait.ge [sflag:s20], $0x80  }
0x81: {  	[sflag:s20] =	ssyncset.done $0x0  }
0x82: {  	s28 =	simm.s32 $0x4300;
	[sflag:s20] =	ssyncadd.s32 $0xFFFFFF80  }
0x83: {  	[tilespmem:s28], [sflag:$0x8] =	stream.indirect.gather [hbm4b:s3+s13], $0x80, s13, s13, $0xb8;
	[tilespmem:$0x18300] =	vst v63  }
0x84: {  	_ =	swait.ge [sflag:s22], $0x80  }
0x85: {  	[sflag:s22] =	ssyncset.done $0x0  }
0x86: {  	s30 =	simm.s32 $0x8300;
	[sflag:s22] =	ssyncadd.s32 $0xFFFFFF80  }
0x87: {  	[tilespmem:s30], [sflag:$0x9] =	stream.indirect.gather [hbm4b:s3+s13], $0x80, s19, s13, $0xb8;
	[tilespmem:$0x18300] =	vst v63  }
0x88: {  	_ =	swait.ge [sflag:s24], $0x80  }
0x89: {  	[sflag:s24] =	ssyncset.done $0x0  }
0x8a: {  	s19 =	simm.s32 $0xC300;
	[sflag:s24] =	ssyncadd.s32 $0xFFFFFF80  }
0x8b: {  	[tilespmem:s19], [sflag:$0xA] =	stream.indirect.gather [hbm4b:s3+s13], $0x80, s21, s13, $0xb8;
	[tilespmem:$0x18300] =	vst v63  }
0x8c: {  	_ =	swait.ge [sflag:s26], $0x80  }
0x8d: {  	[sflag:s26] =	ssyncset.done $0x0  }
0x8e: {  	s21 =	simm.s32 $0x10300;
	[sflag:s26] =	ssyncadd.s32 $0xFFFFFF80  }
0x8f: {  	[tilespmem:s21], [sflag:$0xB] =	stream.indirect.gather [hbm4b:s3+s13], $0x80, s23, s13, $0xb8;
	[tilespmem:$0x18300] =	vst v63  }
0x90: {  	_ =	swait.ge [sflag:s29], $0x80  }
0x91: {  	[sflag:s29] =	ssyncset.done $0x0  }
0x92: {  	[sflag:s29] =	ssyncadd.s32 $0xFFFFFF80  }
0x93: {  	[tilespmem:s18], [sflag:$0xC] =	stream.indirect.gather [hbm4b:s3+s13], $0x80, s17, s13, $0xb8;
	[tilespmem:$0x18300] =	vst v63  }
0x94: {  	_ =	swait.ge [sflag:s31], $0x4000  }
0x95: {  	s18 =	rddreg [dreg:$0x2];
	[sflag:s31] =	ssyncset.done $0x0  }
0x96: {  	[sflag:s31] =	ssyncadd.s32 $0xFFFFC000;
	s17 =	sadd.s32 s8, s18  }
0x97: {  	[hbm4b:s17+s1] =	stream.linear.scatter [tilespmem:s25], [sflag:$0xD], $0x4000, $0x38;
	[tilespmem:$0x18300] =	vst v63  }
0x98: {  	_ =	swait.ge [sflag:s0], $0x4000  }
0x99: {  	[sflag:s0] =	ssyncset.done $0x0  }
0x9a: {  	s23 =	sadd.s32 $0x800, s17;
	[sflag:s0] =	ssyncadd.s32 $0xFFFFC000  }
0x9b: {  	[hbm4b:s23+s1] =	stream.linear.scatter [tilespmem:s28], [sflag:$0xE], $0x4000, $0x38;
	[tilespmem:$0x18300] =	vst v63  }
0x9c: {  	_ =	swait.ge [sflag:s2], $0x4000  }
0x9d: {  	[sflag:s2] =	ssyncset.done $0x0  }
0x9e: {  	s25 =	sadd.s32 $0x1000, s17;
	[sflag:s2] =	ssyncadd.s32 $0xFFFFC000  }
0x9f: {  	[hbm4b:s25+s1] =	stream.linear.scatter [tilespmem:s30], [sflag:$0xF], $0x4000, $0x38;
	[tilespmem:$0x18300] =	vst v63  }
0xa0: {  	s16 =	smov.u32 s15;
	s15 =	sadd.s32 $0x3000, s15;
	_ =	swait.ge [sflag:s4], $0x4000  }
0xa1: {  	p1 =	sne.s32 s15, $0x27000;
	[sflag:s4] =	ssyncset.done $0x0  }
0xa2: {  	s14 =	sadd.s32 $0x60, s14;
	s28 =	sadd.s32 $0x1800, s17;
	[sflag:s4] =	ssyncadd.s32 $0xFFFFC000  }
0xa3: {  	[hbm4b:s28+s1] =	stream.linear.scatter [tilespmem:s19], [sflag:$0x10], $0x4000, $0x38;
	[tilespmem:$0x18300] =	vst v63  }
0xa4: {  	s7 =	sadd.s32 $0x60, s7;
	s12 =	sadd.s32 $0x60, s12;
	_ =	swait.ge [sflag:s5], $0x4000  }
.Ltmp0:
0xa5: {  	s11 =	sadd.s32 $0x60, s11;
	[sflag:s5] =	ssyncset.done $0x0;
	(pc) =	sbr.rel @p1 .LBB2_2-.Ltmp0, $4  }
0xa6: {  	s10 =	sadd.s32 $0x60, s10;
	s30 =	sadd.s32 $0x2000, s17;
	[sflag:s5] =	ssyncadd.s32 $0xFFFFC000  }
0xa7: {  	[hbm4b:s30+s1] =	stream.linear.scatter [tilespmem:s21], [sflag:$0x11], $0x4000, $0x38;
	[tilespmem:$0x18300] =	vst v63  }
0xa8: {  	s9 =	sadd.s32 $0x60, s9;
	s8 =	smov.u32 s16;
	_ =	swait.ge [sflag:s6], $0x4000  }
0xa9: {  	p2 =	seq.s32 s8, $0x0;
	s17 =	sadd.s32 $0x2800, s17;
	[sflag:s6] =	ssyncset.done $0x0  }
0xaa: {  	[sflag:s6] =	ssyncadd.s32 $0xFFFFC000;
	s16 =	simm.s32 $0x14300;
	s15 =	simm.s32 @!p2 $0xD  }
0xab: {  	[hbm4b:s17+s1] =	stream.linear.scatter [tilespmem:s16], [sflag:$0x12], $0x4000, $0x38;
	[tilespmem:$0x18300] =	vst v63  }
0xac: {  	_ =	swait.ge @!p2 [sflag:s15], $0x4000  }
0xad: {  	[sflag:s15] =	ssyncset.done @!p2 $0x0  }
0xae: {  	[sflag:s15] =	ssyncadd.s32 @!p2 $0xFFFFC000  }
0xaf: {  	[tilespmem:s1], [sflag:$0x1] =	stream.linear.gather [hbm4b:s14+s1], $0x80, $0x38;
	[tilespmem:$0x18300] =	vst v63  }
0xb0: {  	s14 =	simm.s32 @!p2 $0xE  }
0xb1: {  	_ =	swait.ge @!p2 [sflag:s14], $0x4000  }
0xb2: {  	[sflag:s14] =	ssyncset.done @!p2 $0x0  }
0xb3: {  	[sflag:s14] =	ssyncadd.s32 @!p2 $0xFFFFC000  }
0xb4: {  	[tilespmem:s13], [sflag:$0x2] =	stream.linear.gather [hbm4b:s7+s1], $0x80, $0x38;
	[tilespmem:$0x18300] =	vst v63  }
0xb5: {  	s7 =	simm.s32 @!p2 $0xF  }
0xb6: {  	_ =	swait.ge @!p2 [sflag:s7], $0x4000  }
0xb7: {  	[sflag:s7] =	ssyncset.done @!p2 $0x0  }
0xb8: {  	s23 =	simm.s32 $0x100;
	[sflag:s7] =	ssyncadd.s32 @!p2 $0xFFFFC000;
	s7 =	simm.s32 @!p2 $0x10  }
0xb9: {  	[tilespmem:s23], [sflag:$0x3] =	stream.linear.gather [hbm4b:s12+s1], $0x80, $0x38;
	[tilespmem:$0x18300] =	vst v63  }
0xba: {  	_ =	swait.ge @!p2 [sflag:s7], $0x4000  }
0xbb: {  	[sflag:s7] =	ssyncset.done @!p2 $0x0  }
0xbc: {  	s25 =	simm.s32 $0x180;
	[sflag:s7] =	ssyncadd.s32 @!p2 $0xFFFFC000;
	s7 =	simm.s32 @!p2 $0x11  }
0xbd: {  	[tilespmem:s25], [sflag:$0x4] =	stream.linear.gather [hbm4b:s11+s1], $0x80, $0x38;
	[tilespmem:$0x18300] =	vst v63  }
0xbe: {  	_ =	swait.ge @!p2 [sflag:s7], $0x4000  }
0xbf: {  	[sflag:s7] =	ssyncset.done @!p2 $0x0  }
0xc0: {  	s28 =	simm.s32 $0x200;
	[sflag:s7] =	ssyncadd.s32 @!p2 $0xFFFFC000;
	s7 =	simm.s32 @!p2 $0x12  }
0xc1: {  	[tilespmem:s28], [sflag:$0x5] =	stream.linear.gather [hbm4b:s10+s1], $0x80, $0x38;
	[tilespmem:$0x18300] =	vst v63  }
0xc2: {  	_ =	swait.ge @!p2 [sflag:s7], $0x4000  }
0xc3: {  	[sflag:s7] =	ssyncset.done @!p2 $0x0  }
0xc4: {  	s17 =	simm.s32 $0x1;
	s15 =	simm.s32 $0x280;
	[sflag:s7] =	ssyncadd.s32 @!p2 $0xFFFFC000  }
0xc5: {  	[tilespmem:s15], [sflag:$0x6] =	stream.linear.gather [hbm4b:s9+s1], $0x80, $0x38;
	[tilespmem:$0x18300] =	vst v63  }
0xc6: {  	_ =	swait.ge [sflag:s17], $0x80  }
0xc7: {  	[sflag:s17] =	ssyncset.done $0x0  }
0xc8: {  	s18 =	simm.s32 $0x300;
	[sflag:s17] =	ssyncadd.s32 $0xFFFFFF80  }
0xc9: {  	[tilespmem:s18], [sflag:$0x7] =	stream.indirect.gather [hbm4b:s3+s13], $0x80, s1, s13, $0xb8;
	[tilespmem:$0x18300] =	vst v63  }
0xca: {  	_ =	swait.ge [sflag:s20], $0x80  }
0xcb: {  	[sflag:s20] =	ssyncset.done $0x0  }
0xcc: {  	s19 =	simm.s32 $0x4300;
	[sflag:s20] =	ssyncadd.s32 $0xFFFFFF80  }
0xcd: {  	[tilespmem:s19], [sflag:$0x8] =	stream.indirect.gather [hbm4b:s3+s13], $0x80, s13, s13, $0xb8;
	[tilespmem:$0x18300] =	vst v63  }
0xce: {  	_ =	swait.ge [sflag:s22], $0x80  }
0xcf: {  	[sflag:s22] =	ssyncset.done $0x0  }
0xd0: {  	s21 =	simm.s32 $0x8300;
	[sflag:s22] =	ssyncadd.s32 $0xFFFFFF80  }
0xd1: {  	[tilespmem:s21], [sflag:$0x9] =	stream.indirect.gather [hbm4b:s3+s13], $0x80, s23, s13, $0xb8;
	[tilespmem:$0x18300] =	vst v63  }
0xd2: {  	_ =	swait.ge [sflag:s24], $0x80  }
0xd3: {  	[sflag:s24] =	ssyncset.done $0x0  }
0xd4: {  	s23 =	simm.s32 $0xC300;
	[sflag:s24] =	ssyncadd.s32 $0xFFFFFF80  }
0xd5: {  	[tilespmem:s23], [sflag:$0xA] =	stream.indirect.gather [hbm4b:s3+s13], $0x80, s25, s13, $0xb8;
	[tilespmem:$0x18300] =	vst v63  }
0xd6: {  	_ =	swait.ge [sflag:s26], $0x80  }
0xd7: {  	[sflag:s26] =	ssyncset.done $0x0  }
0xd8: {  	s25 =	simm.s32 $0x10300;
	[sflag:s26] =	ssyncadd.s32 $0xFFFFFF80  }
0xd9: {  	[tilespmem:s25], [sflag:$0xB] =	stream.indirect.gather [hbm4b:s3+s13], $0x80, s28, s13, $0xb8;
	[tilespmem:$0x18300] =	vst v63  }
0xda: {  	_ =	swait.ge [sflag:s29], $0x80  }
0xdb: {  	[sflag:s29] =	ssyncset.done $0x0  }
0xdc: {  	[sflag:s29] =	ssyncadd.s32 $0xFFFFFF80  }
0xdd: {  	[tilespmem:s16], [sflag:$0xC] =	stream.indirect.gather [hbm4b:s3+s13], $0x80, s15, s13, $0xb8;
	[tilespmem:$0x18300] =	vst v63  }
0xde: {  	_ =	swait.ge [sflag:s31], $0x4000  }
0xdf: {  	s28 =	rddreg [dreg:$0x2];
	[sflag:s31] =	ssyncset.done $0x0  }
0xe0: {  	[sflag:s31] =	ssyncadd.s32 $0xFFFFC000;
	s7 =	sadd.s32 s8, s28  }
0xe1: {  	[hbm4b:s7+s1] =	stream.linear.scatter [tilespmem:s18], [sflag:$0xD], $0x4000, $0x38;
	[tilespmem:$0x18300] =	vst v63  }
0xe2: {  	_ =	swait.ge [sflag:s0], $0x4000  }
0xe3: {  	[sflag:s0] =	ssyncset.done $0x0  }
0xe4: {  	s8 =	sadd.s32 $0x800, s7;
	[sflag:s0] =	ssyncadd.s32 $0xFFFFC000  }
0xe5: {  	[hbm4b:s8+s1] =	stream.linear.scatter [tilespmem:s19], [sflag:$0xE], $0x4000, $0x38;
	[tilespmem:$0x18300] =	vst v63  }
0xe6: {  	_ =	swait.ge [sflag:s2], $0x4000  }
0xe7: {  	[sflag:s2] =	ssyncset.done $0x0  }
0xe8: {  	s10 =	sadd.s32 $0x1000, s7;
	[sflag:s2] =	ssyncadd.s32 $0xFFFFC000  }
0xe9: {  	[hbm4b:s10+s1] =	stream.linear.scatter [tilespmem:s21], [sflag:$0xF], $0x4000, $0x38;
	[tilespmem:$0x18300] =	vst v63  }
0xea: {  	_ =	swait.ge [sflag:s4], $0x4000  }
0xeb: {  	[sflag:s4] =	ssyncset.done $0x0  }
0xec: {  	s11 =	sadd.s32 $0x1800, s7;
	[sflag:s4] =	ssyncadd.s32 $0xFFFFC000  }
0xed: {  	[hbm4b:s11+s1] =	stream.linear.scatter [tilespmem:s23], [sflag:$0x10], $0x4000, $0x38;
	[tilespmem:$0x18300] =	vst v63  }
0xee: {  	_ =	swait.ge [sflag:s5], $0x4000  }
0xef: {  	[sflag:s5] =	ssyncset.done $0x0  }
0xf0: {  	s15 =	sadd.s32 $0x2000, s7;
	[sflag:s5] =	ssyncadd.s32 $0xFFFFC000  }
0xf1: {  	[hbm4b:s15+s1] =	stream.linear.scatter [tilespmem:s25], [sflag:$0x11], $0x4000, $0x38;
	[tilespmem:$0x18300] =	vst v63  }
0xf2: {  	_ =	swait.ge [sflag:s6], $0x4000  }
0xf3: {  	[sflag:s6] =	ssyncset.done $0x0  }
0xf4: {  	s7 =	sadd.s32 $0x2800, s7;
	[sflag:s6] =	ssyncadd.s32 $0xFFFFC000  }
0xf5: {  	[hbm4b:s7+s1] =	stream.linear.scatter [tilespmem:s16], [sflag:$0x12], $0x4000, $0x38;
	[tilespmem:$0x18300] =	vst v63  }
0xf6: {  	s16 =	simm.s32 $0xD  }
0xf7: {  	_ =	swait.ge [sflag:s16], $0x4000  }
0xf8: {  	[sflag:s16] =	ssyncset.done $0x0  }
0xf9: {  	s17 =	simm.s32 $0xE;
	[sflag:s16] =	ssyncadd.s32 $0xFFFFC000  }
0xfa: {  	_ =	swait.ge [sflag:s17], $0x4000  }
0xfb: {  	[sflag:s17] =	ssyncset.done $0x0  }
0xfc: {  	s18 =	simm.s32 $0xF;
	[sflag:s17] =	ssyncadd.s32 $0xFFFFC000  }
0xfd: {  	_ =	swait.ge [sflag:s18], $0x4000  }
0xfe: {  	[sflag:s18] =	ssyncset.done $0x0  }
0xff: {  	s19 =	simm.s32 $0x10;
	[sflag:s18] =	ssyncadd.s32 $0xFFFFC000  }
0x100: {  	_ =	swait.ge [sflag:s19], $0x4000  }
0x101: {  	[sflag:s19] =	ssyncset.done $0x0  }
0x102: {  	s21 =	simm.s32 $0x11;
	[sflag:s19] =	ssyncadd.s32 $0xFFFFC000  }
0x103: {  	_ =	swait.ge [sflag:s21], $0x4000  }
0x104: {  	[sflag:s21] =	ssyncset.done $0x0  }
0x105: {  	s23 =	simm.s32 $0x12;
	[sflag:s21] =	ssyncadd.s32 $0xFFFFC000  }
0x106: {  	_ =	swait.ge [sflag:s23], $0x4000  }
0x107: {  	[sflag:s23] =	ssyncset.done $0x0  }
0x108: {  	s7 =	simm.s32 @!p0 $0x0;
	s8 =	rddreg [dreg:$0x3];
	[sflag:s23] =	ssyncadd.s32 $0xFFFFC000  }
0x109: {  	[tilespmem:s7], [sflag:$0x13] =	stream.linear.gather @!p0 [hbm4b:s8+s7], $0x80, $0x38;
	[tilespmem:$0x18300] =	vst v63  }
0x10a: {  	s8 =	simm.s32 @!p0 $0x13  }
0x10b: {  	_ =	swait.ge @!p0 [sflag:s8], $0x80  }
0x10c: {  	[sflag:s8] =	ssyncset.done @!p0 $0x0  }
0x10d: {  	s9 =	simm.s32 @!p0 $0x80;
	s10 =	simm.s32 @!p0 $0x300;
	[sflag:s8] =	ssyncadd.s32 @!p0 $0xFFFFFF80  }
0x10e: {  	[tilespmem:s10], [sflag:$0x7] =	stream.indirect.gather @!p0 [hbm4b:s3+s9], $0x80, s7, s9, $0xb8;
	[tilespmem:$0x18300] =	vst v63  }
0x10f: {  	s9 =	simm.s32 @!p0 $0x7  }
0x110: {  	_ =	swait.ge @!p0 [sflag:s9], $0x4000  }
0x111: {  	[sflag:s9] =	ssyncset.done @!p0 $0x0  }
0x112: {  	[sflag:s9] =	ssyncadd.s32 @!p0 $0xFFFFC000;
	s9 =	rddreg [dreg:$0x4]  }
0x113: {  	[hbm4b:s9+s7] =	stream.linear.scatter @!p0 [tilespmem:s10], [sflag:$0x13], $0x4000, $0x38;
	[tilespmem:$0x18300] =	vst v63  }
0x114: {  	_ =	swait.ge @!p0 [sflag:s8], $0x4000  }
0x115: {  	s25 =	rddreg [dreg:$0xc]  }
0x116: {  	s28 =	rddreg [dreg:$0x5];
	s9 =	sadd.s32 $0x1, s25  }
0x117: {  	p1 =	sne.s32 s9, s28  }
.Ltmp1:
0x118: {  	_ = 	snop;
	(pc) =	sbr.rel @p1 .LBB2_1-.Ltmp1, $3  }
0x119: {  	_ =	sdelay $0x1  }
0x11a: {  	[sflag:s8] =	ssyncset.done @!p0 $0x0  }
0x11b: {  	s30 =	simm.s32 $0x14300;
	[sflag:s8] =	ssyncadd.s32 @!p0 $0xFFFFC000  }
0x11c: {  	_ =	sfence.sel $0x180000  }
0x11d: {  	[bflag:$0x0] =	sbarrier.arrive $0xFFFF  }
0x11e: {  	_ =	strace $0x9000004D  }
0x11f: {  	s0 =	stileid.u32;
	[bflag:$0x2] =	sbarrier.arrive $0xFFFF  }
0x120: {  	p0 =	sne.s32 s0, $0x0;
	s0 =	rddreg [dreg:$0x1]  }
0x121: {  	s0 =	sadd.s32 @!p0 $0x100000, s0  }
0x122: {  	[sflag:s0] =	ssyncadd.tile.s32 @!p0 $0x1;
	_ =	shalt  }
.Lfunc_end2:
_tile_overlayer_lowered:
.L_overlay_start_2:
0x123: {  	(tag) =	ssettag $0x2  }
0x124: {  	s0 =	rddreg [dreg:$0x0];
	s2 =	stileid.u32  }
0x125: {  	s1 =	rddreg [dreg:$0x1];
	p0 =	sne.s32 s2, $0x0  }
0x126: {  	s3 =	rddreg [dreg:$0x2];
	[bflag:$0x3] =	sbarrier.arrive $0xFFFF;
	s2 =	simm.s32 @!p0 $0x1C13  }
0x127: {  	[timem:s3], [sflag:s2] =	dma.local @!p0 [hbm:s0], s1  }
0x128: {  	s0 =	simm.s32 @!p0 $0x13  }
0x129: {  	_ =	swait.ge @!p0 [sflag:s0], s1  }
0x12a: {  	s1 =	ssub.s32 @!p0 $0x0, s1;
	[sflag:s0] =	ssyncset.done @!p0 $0x0  }
0x12b: {  	[sflag:s0] =	ssyncadd.s32 @!p0 s1  }
0x12c: {  	[bflag:$0x3] =	sbarrier.arrive $0xFFFF  }
0x12d: {  	_ =	shalt  }

// kernel: kernel.24.cloned.1.call-start
scs
__scs_entry_jumppad:
0x0: {  	(pc) =	sbr.rel $0x88, $3  }
0x1: {  	(tag) =	ssettag $0x0;
	lr =	simm.s32 $0x1  }
0x2: {  	[smem:$0x3F86] =	sst lr;
	_ =	strace $0xD0000000  }
0x3: {  	_ = 	snop  }
0x4: {  	_ = 	snop  }
0x5: {  	_ = 	snop  }
0x6: {  	_ = 	snop  }
0x7: {  	_ = 	snop  }
__scs_overlays_trampoline_lowered:
0x8: {  	[smem:$0x3F95] =	sst s0  }
0x9: {  	[smem:$0x3F96] =	sst s1  }
0xa: {  	[smem:$0x3F97] =	sst s2  }
0xb: {  	[smem:$0x3F98] =	sst s3  }
0xc: {  	[smem:$0x3F99] =	sst s4  }
0xd: {  	[smem:$0x3F9A] =	sst s5  }
0xe: {  	[smem:$0x3F9B] =	sst s6  }
0xf: {  	[smem:$0x3F9C] =	sst s7  }
0x10: {  	[smem:$0x3F9D] =	sst s8  }
0x11: {  	[smem:$0x3F9E] =	sst s9;
	s0 =	simm.s32 @!p0 $0x0  }
0x12: {  	s1 =	sld [smem:$0x3F84];
	s0 =	simm.s32 @p0 $0x1  }
0x13: {  	[smem:$0x3F9F] =	sst s0;
	s0 =	simm.s32 @!p1 $0x0  }
0x14: {  	s2 =	sld [smem:$0x3F83];
	s0 =	simm.s32 @p1 $0x1  }
0x15: {  	[smem:$0x3FA0] =	sst s0;
	s0 =	simm.s32 @!p2 $0x0  }
0x16: {  	s3 =	sld [smem:$0x3FDB];
	s0 =	simm.s32 @p2 $0x1  }
0x17: {  	s4 =	simm.s32 $0x1BF5;
	[smem:$0x3FA2] =	sst s0  }
0x18: {  	s0 =	sld [smem:$0x3F85];
	_ =	swait.ge [sflag:s4], $0x0  }
0x19: {  	s7 =	sld [smem:$0x3F86]  }
0x1a: {  	s8 =	sadd.s32 $0xFFFFE003, lr  }
0x1b: {  	s9 =	sadd.s32 $0xFFFFFEF7, lr;
	s5 =	simm.s32 $0xFFFFFFFF;
	p2 =	slt.u32 s8, $0xFFFFF086  }
0x1c: {  	p1 =	slt.u32 s9, $0xF7A;
	s5 =	simm.s32 @!p2 $0x0  }
0x1d: {  	s5 =	simm.s32 @p1 $0x1;
	p0 =	seq.s32 s7, s2  }
0x1e: {  	s7 =	smul.u32 @!p0 $0xF7A, s2;
	p2 =	seq.s32 @!p0 s5, $0x0  }
0x1f: {  	s9 =	smul.u32 $0xF7A, s1;
	s8 =	simm.s32 @!p0 $0x1BF5;
	p2 =	por !p2, p0  }
0x20: {  	[sflag:s8] =	ssyncset.s32 @!p0 $0xFFFFF086;
	s6 =	sadd.s32 @!p0 s3, s7;
	s7 =	simm.s32 @!p0 $0x108  }
0x21: {  	s3 =	sadd.s32 s3, s9;
	s6 =	sadd.s32 @!p0 $0x88, s6;
	s7 =	simm.s32 @p2 $0x1082  }
0x22: {  	[simem:s7], [sflag:s8] =	dma.local @!p0 [hbm:s6], $0xF7A  }
0x23: {  	s9 =	sor.u32 $0xD0000000, s2;
	s6 =	simm.s32 $0x108;
	_ =	swait.ge @!p0 [sflag:s8], $0x0  }
0x24: {  	s3 =	sadd.s32 $0x88, s3;
	s6 =	simm.s32 @!p1 $0x1082;
	[sflag:s4] =	ssyncset.s32 $0xFFFFF086  }
0x25: {  	[simem:s6], [sflag:s4] =	dma.local [hbm:s3], $0xF7A  }
0x26: {  	[smem:$0x3F86] =	sst s1;
	(tag) =	ssettag s2;
	_ =	strace s9  }
0x27: {  	s1 =	sld [smem:$0x3F96]  }
0x28: {  	s2 =	sld [smem:$0x3F97]  }
0x29: {  	s4 =	sld [smem:$0x3F99]  }
0x2a: {  	p0 =	seq.s32 s5, $0x0;
	s5 =	sld [smem:$0x3F9A]  }
0x2b: {  	s6 =	sld [smem:$0x3F9B]  }
0x2c: {  	s7 =	sld [smem:$0x3F9C]  }
0x2d: {  	s3 =	simm.s32 $0x108;
	s8 =	sld [smem:$0x3F9D]  }
0x2e: {  	s3 =	simm.s32 @!p0 $0x1082;
	s9 =	sld [smem:$0x3F9E]  }
0x2f: {  	lr =	sadd.s32 s0, s3;
	s0 =	sld [smem:$0x3F95]  }
0x30: {  	s3 =	sld [smem:$0x3F98]  }
0x31: {  	[smem:$0x3FA1] =	sst s10  }
0x32: {  	s10 =	sld [smem:$0x3F9F];
	_ =	sdelay $0x3  }
0x33: {  	p0 =	seq.s32 s10, $0x1;
	s10 =	sld [smem:$0x3FA1];
	_ =	sdelay $0x3  }
0x34: {  	[smem:$0x3FA1] =	sst s10  }
0x35: {  	s10 =	sld [smem:$0x3FA0];
	_ =	sdelay $0x3  }
0x36: {  	p1 =	seq.s32 s10, $0x1;
	s10 =	sld [smem:$0x3FA1];
	_ =	sdelay $0x3  }
0x37: {  	[smem:$0x3FA1] =	sst s10  }
0x38: {  	s10 =	sld [smem:$0x3FA2]  }
0x39: {  	_ = 	snop;
	(pc) =	sbr.ind lr, $3  }
0x3a: {  	_ = 	snop  }
0x3b: {  	_ = 	snop  }
0x3c: {  	p2 =	seq.s32 s10, $0x1;
	s10 =	sld [smem:$0x3FA1]  }
0x3d: {  	_ =	shalt  }
0x3e: {  	_ =	shalt  }
0x3f: {  	_ =	shalt  }
0x40: {  	_ =	shalt  }
0x41: {  	_ =	shalt  }
0x42: {  	_ =	shalt  }
0x43: {  	_ =	shalt  }
0x44: {  	_ =	shalt  }
0x45: {  	_ =	shalt  }
0x46: {  	_ =	shalt  }
0x47: {  	_ =	shalt  }
0x48: {  	_ =	shalt  }
0x49: {  	_ =	shalt  }
0x4a: {  	_ =	shalt  }
0x4b: {  	_ =	shalt  }
0x4c: {  	_ =	shalt  }
0x4d: {  	_ =	shalt  }
0x4e: {  	_ =	shalt  }
0x4f: {  	_ =	shalt  }
0x50: {  	_ =	shalt  }
0x51: {  	_ =	shalt  }
0x52: {  	_ =	shalt  }
0x53: {  	_ =	shalt  }
0x54: {  	_ =	shalt  }
0x55: {  	_ =	shalt  }
0x56: {  	_ =	shalt  }
0x57: {  	_ =	shalt  }
0x58: {  	_ =	shalt  }
0x59: {  	_ =	shalt  }
0x5a: {  	_ =	shalt  }
0x5b: {  	_ =	shalt  }
0x5c: {  	_ =	shalt  }
0x5d: {  	_ =	shalt  }
0x5e: {  	_ =	shalt  }
0x5f: {  	_ =	shalt  }
0x60: {  	_ =	shalt  }
0x61: {  	_ =	shalt  }
0x62: {  	_ =	shalt  }
0x63: {  	_ =	shalt  }
0x64: {  	_ =	shalt  }
0x65: {  	_ =	shalt  }
0x66: {  	_ =	shalt  }
0x67: {  	_ =	shalt  }
0x68: {  	_ =	shalt  }
0x69: {  	_ =	shalt  }
0x6a: {  	_ =	shalt  }
0x6b: {  	_ =	shalt  }
0x6c: {  	_ =	shalt  }
0x6d: {  	_ =	shalt  }
0x6e: {  	_ =	shalt  }
0x6f: {  	_ =	shalt  }
0x70: {  	_ =	shalt  }
0x71: {  	_ =	shalt  }
0x72: {  	_ =	shalt  }
0x73: {  	_ =	shalt  }
0x74: {  	_ =	shalt  }
0x75: {  	_ =	shalt  }
0x76: {  	_ =	shalt  }
0x77: {  	_ =	shalt  }
0x78: {  	_ =	shalt  }
0x79: {  	_ =	shalt  }
0x7a: {  	_ =	shalt  }
0x7b: {  	_ =	shalt  }
0x7c: {  	_ =	shalt  }
0x7d: {  	_ =	shalt  }
0x7e: {  	_ =	shalt  }
0x7f: {  	_ =	shalt  }
0x80: {  	_ =	shalt  }
0x81: {  	_ =	shalt  }
0x82: {  	_ =	shalt  }
0x83: {  	_ =	shalt  }
0x84: {  	_ =	shalt  }
0x85: {  	_ =	shalt  }
0x86: {  	_ =	shalt  }
0x87: {  	_ =	shalt  }
.Lfunc_end0:
.L_simem_size_0:
called_computation.3_lowered:
.L_overlay_start_0:
0x88: {  	s2 =	sld [smem:$0x3FD9]  }
0x89: {  	s3 =	sld [smem:$0x3FFE];
	_ =	sdelay $0x1  }
0x8a: {  	s1 =	srdreg.scid  }
0x8b: {  	s0 =	sand.u32 $0x1, s1  }
0x8c: {  	s16 =	sshll.u32 s0, $0xA;
	s2 =	sadd.s32 s3, s2  }
0x8d: {  	s2 =	sadd.s32 s2, s16  }
0x8e: {  	[smem:$0x3FAD] =	sst s2  }
0x8f: {  	_ = 	snop  }
0x90: {  	(tm) =	ssettm $0x1  }
0x91: {  	s17 =	sld [smem:$0x3FFB];
	_ =	sdelay $0x3  }
0x92: {  	_ =	strace s17  }
0x93: {  	s2 =	sld [smem:$0x3FFC];
	_ =	sdelay $0x3  }
0x94: {  	_ =	strace s2  }
0x95: {  	s2 =	sld [smem:$0x3FFD];
	_ =	sdelay $0x3  }
0x96: {  	_ =	strace s2  }
0x97: {  	_ =	strace $0x8FFFFFFF  }
0x98: {  	s18 =	sld [smem:$0x3FDB];
	_ =	sdelay $0x1  }
0x99: {  	s19 =	simm.s32 $_scs_section_size  }
0x9a: {  	s4 =	simm.s32 $_size__tile_overlayer_lowered;
	s5 =	simm.s32 $_tile_overlayer_lowered  }
0x9b: {  	s22 =	simm.s32 $0x1BFF;
	s21 =	sshll.u32 s5, $0x1;
	s2 =	sadd.s32 s19, s18  }
0x9c: {  	s6 =	simm.s32 $0x0;
	s20 =	sshll.u32 s4, $0x1;
	s4 =	sadd.s32 s21, s2  }
0x9d: {  	[timem:s6], [sflag:s22] =	dma.local [hbm:s4], s20  }
0x9e: {  	_ =	swait.ge [sflag:s22], s20  }
0x9f: {  	s3 =	ssub.s32 $0x0, s20;
	[sflag:s22] =	ssyncset.done $0x0  }
0xa0: {  	[sflag:s22] =	ssyncadd.s32 s3;
	_ =	sdelay $0x1  }
0xa1: {  	s23 =	simm.s32 $0x1B8B  }
0xa2: {  	_ =	swait.ge [sflag:s23], $0x1  }
0xa3: {  	[sflag:s23] =	ssyncset.done $0x0  }
0xa4: {  	s25 =	simm.s32 $0x1B8E;
	s24 =	sld [smem:$0x3FFE];
	[sflag:s23] =	ssyncadd.s32 $0xFFFFFFFF  }
0xa5: {  	s26 =	simm.s32 $execute0_lowered;
	[smem:$0x3FD2] =	sst s25  }
0xa6: {  	s4 =	sshll.u32 s26, $0x1;
	_ =	strace $0x8000004F;
	[dreg:$0x1] =	wrdreg $0xFFFFFFFF  }
0xa7: {  	s28 =	simm.s32 $_size_execute0_lowered;
	s2 =	sadd.s32 s2, s4;
	[dreg:$0x0] =	wrdreg $0x0  }
0xa8: {  	s4 =	sshll.u32 s28, $0x1;
	[dreg:$0x2] =	wrdreg s2  }
0xa9: {  	[dreg:$0x3] =	wrdreg s4  }
0xaa: {  	[dreg:$0x4] =	wrdreg $0xC0  }
0xab: {  	_ =	task [dreg:s6], $0x5FFFF  }
0xac: {  	[dreg:$0x1] =	wrdreg $0xFFFFFFFF  }
0xad: {  	[dreg:$0x0] =	wrdreg $0x60  }
0xae: {  	[dreg:$0x2] =	wrdreg s24  }
0xaf: {  	[dreg:$0x3] =	wrdreg $0xC1800  }
0xb0: {  	[dreg:$0x4] =	wrdreg $0x9  }
0xb1: {  	_ =	task.clear_ibuf [dreg:s6], $0x5FFFF;
	_ =	strace $0x9000004F  }
0xb2: {  	s29 =	simm.s32 $0x9;
	_ =	strace $0x80000051  }
0xb3: {  	_ =	swait.ge [sflag:s29], $0x1  }
0xb4: {  	[sflag:s29] =	ssyncadd.s32 $0xFFFFFFFF  }
0xb5: {  	_ =	strace $0x90000051  }
0xb6: {  	_ =	sfence  }
0xb7: {  	s30 =	sld [smem:$0x0];
	_ =	sdelay $0x2  }
0xb8: {  	s31 =	sshll.u32 s1, $0xD;
	s1 =	sshrl.u32 s1, $0x2  }
0xb9: {  	s3 =	sand.u32 $0x4000, s31;
	s1 =	sadd.s32 s1, s30  }
0xba: {  	s0 =	sor.u32 s3, s0;
	s1 =	sshll.u32 s1, $0x11  }
0xbb: {  	s0 =	sor.u32 s1, s0  }
0xbc: {  	s0 =	sadd.s32 $0x8F2B, s0  }
0xbd: {  	[sflag:s0] =	ssyncadd.remote.s32 $0x1  }
0xbe: {  	_ =	sfence.sel $0xFFFF  }
0xbf: {  	[dreg:$0x0] =	wrdreg $0xFFFFFFFF;
	(pc) =	sbr.abs _section_cstart, $3  }
0xc0: {  	[dreg:$0x1] =	wrdreg $0xFFFFFFFF  }
0xc1: {  	_ =	task.clear_ibuf [dreg:s6], $0x2FFFF;
	_ =	strace $0x9FFFFFFF  }
0xc2: {  	(tm) =	ssettm $0x7FFFFFFF  }
0xc3: {  	_ =	shalt  }
tec
execute0_lowered:
.L_overlay_start_1:
0x0: {  	(tag) =	ssettag $0x1  }
0x1: {  	s0 =	rddreg [dreg:$0x0];
	s26 =	stileid.u32  }
0x2: {  	s2 =	rddreg [dreg:$0x1];
	s4 =	smul.u32 $0x2780, s26  }
0x3: {  	s3 =	simm.s32 $0x0;
	s1 =	srdreg.scid;
	s7 =	smul.u32 $0x4F000, s26  }
0x4: {  	s29 =	simm.s32 $0x8;
	s30 =	simm.s32 $0x9;
	s10 =	smul.u32 $0x4E000, s26  }
0x5: {  	s31 =	simm.s32 $0x0;
	[smem:$0x7FF] =	sst s3;
	s13 =	smul.u32 $0x4E00, s26  }
0x6: {  	s1 =	sand.u32 $0x1, s1;
	s6 =	sadd.s32 $0xF0EA00, s0;
	s25 =	smul.u32 $0x9C0, s26  }
0x7: {  	s12 =	sadd.s32 $0x10800, s0;
	s18 =	sshll.u32 s26, $0x8;
	s5 =	smul.u32 $0x27800, s1  }
0x8: {  	s20 =	sshll.u32 s26, $0x6;
	p0 =	sgt.u32 s26, $0x1;
	s11 =	smul.u32 $0x27000, s1  }
0x9: {  	s26 =	simm.s32 $0x6;
	_ =	strace $0x80000050;
	s14 =	smul.u32 $0x2700, s1  }
0xa: {  	s9 =	ssub.s32 $0x2, s1;
	s19 =	sshll.u32 s1, $0x7;
	s1 =	smul.u32 $0x4E0, s1  }
0xb: {  	s8 =	sadd.s32 s4, s0;
	s15 =	sshrl.u32 s9, $0x1;
	s7 =	sshrl.u32 s7, $0x2  }
0xc: {  	s23 =	sadd.s32 s10, s6;
	s4 =	sadd.s32 s4, s5;
	s16 =	ssub.s32 s9, s15  }
0xd: {  	s7 =	sadd.s32 s7, s2;
	s17 =	sadd.s32 $0x41800, s8;
	s8 =	sor.u32 s19, s18  }
0xe: {  	s5 =	sor.u32 $0x1C0A, s20;
	s10 =	sadd.s32 s11, s23;
	s24 =	sadd.s32 s14, s13  }
0xf: {  	s15 =	simm.s32 $0xA;
	s18 =	simm.s32 $0x4180;
	s19 =	simm.s32 $0x100  }
0x10: {  	s20 =	simm.s32 $0x8180;
	s23 =	simm.s32 $0x2;
	s0 =	sadd.s32 s4, s0  }
0x11: {  	[dreg:$0x3] =	wrdreg s17;
	s8 =	sor.u32 $0x4E000, s8;
	s22 =	smax.u32 s16, $0x1  }
0x12: {  	s28 =	sadd.s32 $0x100, s24;
	s4 =	sadd.s32 s25, s12;
	s14 =	sshrl.u32 s7, $0x3  }
0x13: {  	s16 =	simm.s32 $0x180;
	s17 =	simm.s32 $0x80;
	s25 =	simm.s32 $0x3  }
0x14: {  	s21 =	sshrl.u32 s8, $0x3;
	s8 =	sshll.u32 s8, $0x4;
	s0 =	sadd.s32 $0x90200, s0  }
0x15: {  	[dreg:$0x7] =	wrdreg s22;
	s13 =	sadd.s32 s1, s4;
	s22 =	simm.s32 $0x4  }
0x16: {  	s9 =	sadd.s32 s12, s21;
	s8 =	sadd.s32 s6, s8;
	[dreg:$0x6] =	wrdreg s0  }
0x17: {  	s0 =	sor.u32 $0x80, s24;
	s6 =	sshrl.u32 s28, $0x3;
	s21 =	simm.s32 $0x1  }
0x18: {  	s24 =	simm.s32 $0x5;
	[dreg:$0x4] =	wrdreg s9;
	s0 =	sshrl.u32 s0, $0x3  }
0x19: {  	[dreg:$0x5] =	wrdreg s8;
	s11 =	sadd.s32 s6, s12;
	s12 =	sadd.s32 s0, s12  }
.LBB2_1:
0x1a: {  	s0 =	rddreg [dreg:$0x3]  }
0x1b: {  	[spmem:s14], [sflag:s5] =	dma.local [hbm:s0], $0x2780  }
0x1c: {  	_ =	swait.ge [sflag:s15], $0x2780  }
0x1d: {  	[sflag:s15] =	ssyncset.done $0x0  }
0x1e: {  	p1 =	por $0x1, $0x1;
	[sflag:s15] =	ssyncadd.s32 $0xFFFFD880  }
0x1f: {  	s0 =	simm.s32 @!p1 $0x7;
	[bflag:$0x0] =	sbarrier.arrive $0xFFFF  }
0x20: {  	_ =	swait.ge @!p1 [sflag:s0], $0x4000  }
0x21: {  	[sflag:s0] =	ssyncset.done @!p1 $0x0  }
0x22: {  	[sflag:s0] =	ssyncadd.s32 @!p1 $0xFFFFC000  }
0x23: {  	[tilespmem:s3], [sflag:$0x1] =	stream.linear.gather [hbm4b:s13+s3], $0x80, $0x38;
	[tilespmem:$0x1FD80] =	vst v63  }
0x24: {  	s9 =	sadd.s32 $0x0, s10;
	s1 =	simm.s32 @!p1 $0x8  }
0x25: {  	[tilespmem:s16], [sflag:$0x4] =	stream.linear.gather [hbm4b:s9+s3], $0x4000, $0x38;
	[tilespmem:$0x1FD80] =	vst v63  }
0x26: {  	_ =	swait.ge @!p1 [sflag:s1], $0x4000  }
0x27: {  	[sflag:s1] =	ssyncset.done @!p1 $0x0  }
0x28: {  	[sflag:s1] =	ssyncadd.s32 @!p1 $0xFFFFC000  }
0x29: {  	[tilespmem:s17], [sflag:$0x2] =	stream.linear.gather [hbm4b:s12+s3], $0x80, $0x38;
	[tilespmem:$0x1FD80] =	vst v63  }
0x2a: {  	s28 =	sadd.s32 $0x800, s9;
	s4 =	simm.s32 @!p1 $0x9  }
0x2b: {  	[tilespmem:s18], [sflag:$0x5] =	stream.linear.gather [hbm4b:s28+s3], $0x4000, $0x38;
	[tilespmem:$0x1FD80] =	vst v63  }
0x2c: {  	_ =	swait.ge @!p1 [sflag:s4], $0x4000  }
0x2d: {  	[sflag:s4] =	ssyncset.done @!p1 $0x0  }
0x2e: {  	[sflag:s4] =	ssyncadd.s32 @!p1 $0xFFFFC000  }
0x2f: {  	[tilespmem:s19], [sflag:$0x3] =	stream.linear.gather [hbm4b:s11+s3], $0x80, $0x38;
	[tilespmem:$0x1FD80] =	vst v63  }
0x30: {  	s0 =	sadd.s32 $0x1000, s9  }
0x31: {  	[tilespmem:s20], [sflag:$0x6] =	stream.linear.gather [hbm4b:s0+s3], $0x4000, $0x38;
	[tilespmem:$0x1FD80] =	vst v63  }
0x32: {  	_ =	swait.ge [sflag:s21], $0x80  }
0x33: {  	[sflag:s21] =	ssyncset.done $0x0  }
0x34: {  	[sflag:s21] =	ssyncadd.s32 $0xFFFFFF80  }
0x35: {  	_ =	swait.ge [sflag:s22], $0x4000  }
0x36: {  	[sflag:s22] =	ssyncset.done $0x0  }
0x37: {  	[sflag:s22] =	ssyncadd.s32 $0xFFFFC000  }
0x38: {  	[spmem:s2] =	stream.indirect.scatter.add.f32 [tilespmem:s16], [sflag:$0x7], $0x80, s3, s17, $0xb8;
	[tilespmem:$0x1FD80] =	vst v63  }
0x39: {  	_ =	swait.ge [sflag:s23], $0x80  }
0x3a: {  	[sflag:s23] =	ssyncset.done $0x0  }
0x3b: {  	[sflag:s23] =	ssyncadd.s32 $0xFFFFFF80  }
0x3c: {  	_ =	swait.ge [sflag:s24], $0x4000  }
0x3d: {  	[sflag:s24] =	ssyncset.done $0x0  }
0x3e: {  	[sflag:s24] =	ssyncadd.s32 $0xFFFFC000  }
0x3f: {  	[spmem:s2] =	stream.indirect.scatter.add.f32 [tilespmem:s18], [sflag:$0x8], $0x80, s17, s17, $0xb8;
	[tilespmem:$0x1FD80] =	vst v63  }
0x40: {  	_ =	swait.ge [sflag:s25], $0x80  }
0x41: {  	[sflag:s25] =	ssyncset.done $0x0  }
0x42: {  	s7 =	simm.s32 $0x3000;
	s6 =	sadd.s32 $0x30, s13;
	[sflag:s25] =	ssyncadd.s32 $0xFFFFFF80  }
0x43: {  	p2 =	por $0x0, $0x0;
	s1 =	sadd.s32 $0x30, s12;
	_ =	swait.ge [sflag:s26], $0x4000  }
0x44: {  	s4 =	simm.s32 $0x1800;
	s0 =	sadd.s32 $0x30, s11;
	[sflag:s26] =	ssyncset.done $0x0  }
.LBB2_2:
0x45: {  	s8 =	simm.s32 @!p2 $0x7  }
0x46: {  	[sflag:s26] =	ssyncadd.s32 $0xFFFFC000;
	s9 =	smov.u32 s7;
	s7 =	sadd.s32 $0x1800, s7  }
0x47: {  	[spmem:s2] =	stream.indirect.scatter.add.f32 [tilespmem:s20], [sflag:$0x9], $0x80, s19, s17, $0xb8;
	[tilespmem:$0x1FD80] =	vst v63  }
0x48: {  	p1 =	sne.s32 s7, $0x27000;
	_ =	swait.ge @!p2 [sflag:s8], $0x4000  }
0x49: {  	[sflag:s8] =	ssyncset.done @!p2 $0x0  }
0x4a: {  	[sflag:s8] =	ssyncadd.s32 @!p2 $0xFFFFC000  }
0x4b: {  	[tilespmem:s3], [sflag:$0x1] =	stream.linear.gather [hbm4b:s6+s3], $0x80, $0x38;
	[tilespmem:$0x1FD80] =	vst v63  }
0x4c: {  	s28 =	simm.s32 @!p2 $0x8;
	s8 =	sadd.s32 s4, s10;
	s4 =	smov.u32 s9  }
0x4d: {  	[tilespmem:s16], [sflag:$0x4] =	stream.linear.gather [hbm4b:s8+s3], $0x4000, $0x38;
	[tilespmem:$0x1FD80] =	vst v63  }
0x4e: {  	_ =	swait.ge @!p2 [sflag:s28], $0x4000  }
0x4f: {  	[sflag:s28] =	ssyncset.done @!p2 $0x0  }
0x50: {  	[sflag:s28] =	ssyncadd.s32 @!p2 $0xFFFFC000  }
0x51: {  	[tilespmem:s17], [sflag:$0x2] =	stream.linear.gather [hbm4b:s1+s3], $0x80, $0x38;
	[tilespmem:$0x1FD80] =	vst v63  }
0x52: {  	s9 =	sadd.s32 $0x800, s8;
	s28 =	simm.s32 @!p2 $0x9  }
0x53: {  	[tilespmem:s18], [sflag:$0x5] =	stream.linear.gather [hbm4b:s9+s3], $0x4000, $0x38;
	[tilespmem:$0x1FD80] =	vst v63  }
0x54: {  	_ =	swait.ge @!p2 [sflag:s28], $0x4000  }
0x55: {  	[sflag:s28] =	ssyncset.done @!p2 $0x0  }
0x56: {  	[sflag:s28] =	ssyncadd.s32 @!p2 $0xFFFFC000  }
0x57: {  	[tilespmem:s19], [sflag:$0x3] =	stream.linear.gather [hbm4b:s0+s3], $0x80, $0x38;
	[tilespmem:$0x1FD80] =	vst v63  }
0x58: {  	s8 =	sadd.s32 $0x1000, s8  }
0x59: {  	[tilespmem:s20], [sflag:$0x6] =	stream.linear.gather [hbm4b:s8+s3], $0x4000, $0x38;
	[tilespmem:$0x1FD80] =	vst v63  }
0x5a: {  	_ =	swait.ge [sflag:s21], $0x80  }
0x5b: {  	[sflag:s21] =	ssyncset.done $0x0  }
0x5c: {  	[sflag:s21] =	ssyncadd.s32 $0xFFFFFF80  }
0x5d: {  	_ =	swait.ge [sflag:s22], $0x4000  }
0x5e: {  	[sflag:s22] =	ssyncset.done $0x0  }
0x5f: {  	[sflag:s22] =	ssyncadd.s32 $0xFFFFC000  }
0x60: {  	[spmem:s2] =	stream.indirect.scatter.add.f32 [tilespmem:s16], [sflag:$0x7], $0x80, s3, s17, $0xb8;
	[tilespmem:$0x1FD80] =	vst v63  }
0x61: {  	_ =	swait.ge [sflag:s23], $0x80  }
0x62: {  	[sflag:s23] =	ssyncset.done $0x0  }
0x63: {  	[sflag:s23] =	ssyncadd.s32 $0xFFFFFF80  }
0x64: {  	_ =	swait.ge [sflag:s24], $0x4000  }
0x65: {  	[sflag:s24] =	ssyncset.done $0x0  }
0x66: {  	[sflag:s24] =	ssyncadd.s32 $0xFFFFC000  }
0x67: {  	[spmem:s2] =	stream.indirect.scatter.add.f32 [tilespmem:s18], [sflag:$0x8], $0x80, s17, s17, $0xb8;
	[tilespmem:$0x1FD80] =	vst v63  }
.Ltmp0:
0x68: {  	_ =	swait.ge [sflag:s25], $0x80;
	(pc) =	sbr.rel @p1 .LBB2_2-.Ltmp0, $4  }
0x69: {  	[sflag:s25] =	ssyncset.done $0x0  }
0x6a: {  	[sflag:s25] =	ssyncadd.s32 $0xFFFFFF80  }
0x6b: {  	s6 =	sadd.s32 $0x30, s6;
	s1 =	sadd.s32 $0x30, s1;
	_ =	swait.ge [sflag:s26], $0x4000  }
0x6c: {  	p2 =	seq.s32 s4, $0x0;
	s0 =	sadd.s32 $0x30, s0;
	[sflag:s26] =	ssyncset.done $0x0  }
0x6d: {  	s7 =	simm.s32 @!p2 $0x7;
	[sflag:s26] =	ssyncadd.s32 $0xFFFFC000  }
0x6e: {  	[spmem:s2] =	stream.indirect.scatter.add.f32 [tilespmem:s20], [sflag:$0x9], $0x80, s19, s17, $0xb8;
	[tilespmem:$0x1FD80] =	vst v63  }
0x6f: {  	_ =	swait.ge @!p2 [sflag:s7], $0x4000  }
0x70: {  	[sflag:s7] =	ssyncset.done @!p2 $0x0  }
0x71: {  	[sflag:s7] =	ssyncadd.s32 @!p2 $0xFFFFC000  }
0x72: {  	[tilespmem:s3], [sflag:$0x1] =	stream.linear.gather [hbm4b:s6+s3], $0x80, $0x38;
	[tilespmem:$0x1FD80] =	vst v63  }
0x73: {  	s4 =	sadd.s32 s4, s10;
	s6 =	simm.s32 @!p2 $0x8  }
0x74: {  	[tilespmem:s16], [sflag:$0x4] =	stream.linear.gather [hbm4b:s4+s3], $0x4000, $0x38;
	[tilespmem:$0x1FD80] =	vst v63  }
0x75: {  	_ =	swait.ge @!p2 [sflag:s6], $0x4000  }
0x76: {  	[sflag:s6] =	ssyncset.done @!p2 $0x0  }
0x77: {  	[sflag:s6] =	ssyncadd.s32 @!p2 $0xFFFFC000  }
0x78: {  	[tilespmem:s17], [sflag:$0x2] =	stream.linear.gather [hbm4b:s1+s3], $0x80, $0x38;
	[tilespmem:$0x1FD80] =	vst v63  }
0x79: {  	s28 =	sadd.s32 $0x800, s4;
	s6 =	simm.s32 @!p2 $0x9  }
0x7a: {  	[tilespmem:s18], [sflag:$0x5] =	stream.linear.gather [hbm4b:s28+s3], $0x4000, $0x38;
	[tilespmem:$0x1FD80] =	vst v63  }
0x7b: {  	_ =	swait.ge @!p2 [sflag:s6], $0x4000  }
0x7c: {  	[sflag:s6] =	ssyncset.done @!p2 $0x0  }
0x7d: {  	[sflag:s6] =	ssyncadd.s32 @!p2 $0xFFFFC000  }
0x7e: {  	[tilespmem:s19], [sflag:$0x3] =	stream.linear.gather [hbm4b:s0+s3], $0x80, $0x38;
	[tilespmem:$0x1FD80] =	vst v63  }
0x7f: {  	s7 =	sadd.s32 $0x1000, s4  }
0x80: {  	[tilespmem:s20], [sflag:$0x6] =	stream.linear.gather [hbm4b:s7+s3], $0x4000, $0x38;
	[tilespmem:$0x1FD80] =	vst v63  }
0x81: {  	_ =	swait.ge [sflag:s21], $0x80  }
0x82: {  	[sflag:s21] =	ssyncset.done $0x0  }
0x83: {  	[sflag:s21] =	ssyncadd.s32 $0xFFFFFF80  }
0x84: {  	_ =	swait.ge [sflag:s22], $0x4000  }
0x85: {  	[sflag:s22] =	ssyncset.done $0x0  }
0x86: {  	[sflag:s22] =	ssyncadd.s32 $0xFFFFC000  }
0x87: {  	[spmem:s2] =	stream.indirect.scatter.add.f32 [tilespmem:s16], [sflag:$0x7], $0x80, s3, s17, $0xb8;
	[tilespmem:$0x1FD80] =	vst v63  }
0x88: {  	_ =	swait.ge [sflag:s23], $0x80  }
0x89: {  	[sflag:s23] =	ssyncset.done $0x0  }
0x8a: {  	[sflag:s23] =	ssyncadd.s32 $0xFFFFFF80  }
0x8b: {  	_ =	swait.ge [sflag:s24], $0x4000  }
0x8c: {  	[sflag:s24] =	ssyncset.done $0x0  }
0x8d: {  	[sflag:s24] =	ssyncadd.s32 $0xFFFFC000  }
0x8e: {  	[spmem:s2] =	stream.indirect.scatter.add.f32 [tilespmem:s18], [sflag:$0x8], $0x80, s17, s17, $0xb8;
	[tilespmem:$0x1FD80] =	vst v63  }
0x8f: {  	_ =	swait.ge [sflag:s25], $0x80  }
0x90: {  	[sflag:s25] =	ssyncset.done $0x0  }
0x91: {  	[sflag:s25] =	ssyncadd.s32 $0xFFFFFF80  }
0x92: {  	_ =	swait.ge [sflag:s26], $0x4000  }
0x93: {  	[sflag:s26] =	ssyncset.done $0x0  }
0x94: {  	s8 =	simm.s32 $0x7;
	[sflag:s26] =	ssyncadd.s32 $0xFFFFC000  }
0x95: {  	[spmem:s2] =	stream.indirect.scatter.add.f32 [tilespmem:s20], [sflag:$0x9], $0x80, s19, s17, $0xb8;
	[tilespmem:$0x1FD80] =	vst v63  }
0x96: {  	_ =	swait.ge [sflag:s8], $0x4000  }
0x97: {  	[sflag:s8] =	ssyncset.done $0x0  }
0x98: {  	[sflag:s8] =	ssyncadd.s32 $0xFFFFC000  }
0x99: {  	_ =	swait.ge [sflag:s29], $0x4000  }
0x9a: {  	[sflag:s29] =	ssyncset.done $0x0  }
0x9b: {  	[sflag:s29] =	ssyncadd.s32 $0xFFFFC000  }
0x9c: {  	_ =	swait.ge [sflag:s30], $0x4000  }
0x9d: {  	[sflag:s30] =	ssyncset.done $0x0  }
0x9e: {  	s0 =	simm.s32 @!p0 $0x0;
	s1 =	rddreg [dreg:$0x4];
	[sflag:s30] =	ssyncadd.s32 $0xFFFFC000  }
0x9f: {  	[tilespmem:s0], [sflag:$0xA] =	stream.linear.gather @!p0 [hbm4b:s1+s0], $0x80, $0x38;
	[tilespmem:$0x1FD80] =	vst v63  }
0xa0: {  	s1 =	simm.s32 @!p0 $0xA  }
0xa1: {  	_ =	swait.ge @!p0 [sflag:s1], $0x80  }
0xa2: {  	[sflag:s1] =	ssyncset.done @!p0 $0x0  }
0xa3: {  	s4 =	simm.s32 @!p0 $0x180;
	s6 =	rddreg [dreg:$0x5];
	[sflag:s1] =	ssyncadd.s32 @!p0 $0xFFFFFF80  }
0xa4: {  	[tilespmem:s4], [sflag:$0xA] =	stream.linear.gather @!p0 [hbm4b:s6+s0], $0x4000, $0x38;
	[tilespmem:$0x1FD80] =	vst v63  }
0xa5: {  	_ =	swait.ge @!p0 [sflag:s1], $0x4000  }
0xa6: {  	[sflag:s1] =	ssyncset.done @!p0 $0x0  }
0xa7: {  	s6 =	simm.s32 @!p0 $0x80;
	[sflag:s1] =	ssyncadd.s32 @!p0 $0xFFFFC000  }
0xa8: {  	[spmem:s2] =	stream.indirect.scatter.add.f32 @!p0 [tilespmem:s4], [sflag:$0xA], $0x80, s0, s6, $0xb8;
	[tilespmem:$0x1FD80] =	vst v63  }
0xa9: {  	_ =	swait.ge @!p0 [sflag:s1], $0x4000  }
0xaa: {  	[sflag:s1] =	ssyncset.done @!p0 $0x0  }
0xab: {  	[sflag:s1] =	ssyncadd.s32 @!p0 $0xFFFFC000  }
0xac: {  	[bflag:$0x0] =	sbarrier.arrive $0xFFFF  }
0xad: {  	s9 =	rddreg [dreg:$0x6]  }
0xae: {  	[hbm:s9], [sflag:s5] =	dma.local [spmem:s14], $0x2780  }
0xaf: {  	_ =	swait.ge [sflag:s15], $0x2780  }
0xb0: {  	s31 =	sadd.s32 $0x1, s31;
	s28 =	rddreg [dreg:$0x7]  }
0xb1: {  	p1 =	sne.s32 s31, s28  }
.Ltmp1:
0xb2: {  	_ = 	snop;
	(pc) =	sbr.rel @p1 .LBB2_1-.Ltmp1, $3  }
0xb3: {  	_ =	sdelay $0x1  }
0xb4: {  	[sflag:s15] =	ssyncset.done $0x0  }
0xb5: {  	[sflag:s15] =	ssyncadd.s32 $0xFFFFD880  }
0xb6: {  	_ =	sfence.sel $0x180000  }
0xb7: {  	[bflag:$0x0] =	sbarrier.arrive $0xFFFF  }
0xb8: {  	_ =	strace $0x90000050  }
0xb9: {  	s0 =	stileid.u32;
	[bflag:$0x2] =	sbarrier.arrive $0xFFFF  }
0xba: {  	p0 =	sne.s32 s0, $0x0;
	s0 =	rddreg [dreg:$0x2]  }
0xbb: {  	s0 =	sadd.s32 @!p0 $0x100000, s0  }
0xbc: {  	[sflag:s0] =	ssyncadd.tile.s32 @!p0 $0x1;
	_ =	shalt  }
.Lfunc_end2:
_tile_overlayer_lowered:
.L_overlay_start_2:
0xbd: {  	(tag) =	ssettag $0x2  }
0xbe: {  	s0 =	rddreg [dreg:$0x0];
	s2 =	stileid.u32  }
0xbf: {  	s1 =	rddreg [dreg:$0x1];
	p0 =	sne.s32 s2, $0x0  }
0xc0: {  	s3 =	rddreg [dreg:$0x2];
	[bflag:$0x3] =	sbarrier.arrive $0xFFFF;
	s2 =	simm.s32 @!p0 $0x1C0A  }
0xc1: {  	[timem:s3], [sflag:s2] =	dma.local @!p0 [hbm:s0], s1  }
0xc2: {  	s0 =	simm.s32 @!p0 $0xA  }
0xc3: {  	_ =	swait.ge @!p0 [sflag:s0], s1  }
0xc4: {  	s1 =	ssub.s32 @!p0 $0x0, s1;
	[sflag:s0] =	ssyncset.done @!p0 $0x0  }
0xc5: {  	[sflag:s0] =	ssyncadd.s32 @!p0 s1  }
0xc6: {  	[bflag:$0x3] =	sbarrier.arrive $0xFFFF  }
0xc7: {  	_ =	shalt  }

// kernel: kernel.27.cloned.1.call-start
scs
__scs_entry_jumppad:
0x0: {  	(pc) =	sbr.rel $0x88, $3  }
0x1: {  	(tag) =	ssettag $0x0;
	lr =	simm.s32 $0x1  }
0x2: {  	[smem:$0x3F86] =	sst lr;
	_ =	strace $0xD0000000  }
0x3: {  	_ = 	snop  }
0x4: {  	_ = 	snop  }
0x5: {  	_ = 	snop  }
0x6: {  	_ = 	snop  }
0x7: {  	_ = 	snop  }
__scs_overlays_trampoline_lowered:
0x8: {  	[smem:$0x3F95] =	sst s0  }
0x9: {  	[smem:$0x3F96] =	sst s1  }
0xa: {  	[smem:$0x3F97] =	sst s2  }
0xb: {  	[smem:$0x3F98] =	sst s3  }
0xc: {  	[smem:$0x3F99] =	sst s4  }
0xd: {  	[smem:$0x3F9A] =	sst s5  }
0xe: {  	[smem:$0x3F9B] =	sst s6  }
0xf: {  	[smem:$0x3F9C] =	sst s7  }
0x10: {  	[smem:$0x3F9D] =	sst s8  }
0x11: {  	[smem:$0x3F9E] =	sst s9;
	s0 =	simm.s32 @!p0 $0x0  }
0x12: {  	s1 =	sld [smem:$0x3F84];
	s0 =	simm.s32 @p0 $0x1  }
0x13: {  	[smem:$0x3F9F] =	sst s0;
	s0 =	simm.s32 @!p1 $0x0  }
0x14: {  	s2 =	sld [smem:$0x3F83];
	s0 =	simm.s32 @p1 $0x1  }
0x15: {  	[smem:$0x3FA0] =	sst s0;
	s0 =	simm.s32 @!p2 $0x0  }
0x16: {  	s3 =	sld [smem:$0x3FDB];
	s0 =	simm.s32 @p2 $0x1  }
0x17: {  	s4 =	simm.s32 $0x1BF5;
	[smem:$0x3FA2] =	sst s0  }
0x18: {  	s0 =	sld [smem:$0x3F85];
	_ =	swait.ge [sflag:s4], $0x0  }
0x19: {  	s7 =	sld [smem:$0x3F86]  }
0x1a: {  	s8 =	sadd.s32 $0xFFFFE003, lr  }
0x1b: {  	s9 =	sadd.s32 $0xFFFFFEF7, lr;
	s5 =	simm.s32 $0xFFFFFFFF;
	p2 =	slt.u32 s8, $0xFFFFF086  }
0x1c: {  	p1 =	slt.u32 s9, $0xF7A;
	s5 =	simm.s32 @!p2 $0x0  }
0x1d: {  	s5 =	simm.s32 @p1 $0x1;
	p0 =	seq.s32 s7, s2  }
0x1e: {  	s7 =	smul.u32 @!p0 $0xF7A, s2;
	p2 =	seq.s32 @!p0 s5, $0x0  }
0x1f: {  	s9 =	smul.u32 $0xF7A, s1;
	s8 =	simm.s32 @!p0 $0x1BF5;
	p2 =	por !p2, p0  }
0x20: {  	[sflag:s8] =	ssyncset.s32 @!p0 $0xFFFFF086;
	s6 =	sadd.s32 @!p0 s3, s7;
	s7 =	simm.s32 @!p0 $0x108  }
0x21: {  	s3 =	sadd.s32 s3, s9;
	s6 =	sadd.s32 @!p0 $0x88, s6;
	s7 =	simm.s32 @p2 $0x1082  }
0x22: {  	[simem:s7], [sflag:s8] =	dma.local @!p0 [hbm:s6], $0xF7A  }
0x23: {  	s9 =	sor.u32 $0xD0000000, s2;
	s6 =	simm.s32 $0x108;
	_ =	swait.ge @!p0 [sflag:s8], $0x0  }
0x24: {  	s3 =	sadd.s32 $0x88, s3;
	s6 =	simm.s32 @!p1 $0x1082;
	[sflag:s4] =	ssyncset.s32 $0xFFFFF086  }
0x25: {  	[simem:s6], [sflag:s4] =	dma.local [hbm:s3], $0xF7A  }
0x26: {  	[smem:$0x3F86] =	sst s1;
	(tag) =	ssettag s2;
	_ =	strace s9  }
0x27: {  	s1 =	sld [smem:$0x3F96]  }
0x28: {  	s2 =	sld [smem:$0x3F97]  }
0x29: {  	s4 =	sld [smem:$0x3F99]  }
0x2a: {  	p0 =	seq.s32 s5, $0x0;
	s5 =	sld [smem:$0x3F9A]  }
0x2b: {  	s6 =	sld [smem:$0x3F9B]  }
0x2c: {  	s7 =	sld [smem:$0x3F9C]  }
0x2d: {  	s3 =	simm.s32 $0x108;
	s8 =	sld [smem:$0x3F9D]  }
0x2e: {  	s3 =	simm.s32 @!p0 $0x1082;
	s9 =	sld [smem:$0x3F9E]  }
0x2f: {  	lr =	sadd.s32 s0, s3;
	s0 =	sld [smem:$0x3F95]  }
0x30: {  	s3 =	sld [smem:$0x3F98]  }
0x31: {  	[smem:$0x3FA1] =	sst s10  }
0x32: {  	s10 =	sld [smem:$0x3F9F];
	_ =	sdelay $0x3  }
0x33: {  	p0 =	seq.s32 s10, $0x1;
	s10 =	sld [smem:$0x3FA1];
	_ =	sdelay $0x3  }
0x34: {  	[smem:$0x3FA1] =	sst s10  }
0x35: {  	s10 =	sld [smem:$0x3FA0];
	_ =	sdelay $0x3  }
0x36: {  	p1 =	seq.s32 s10, $0x1;
	s10 =	sld [smem:$0x3FA1];
	_ =	sdelay $0x3  }
0x37: {  	[smem:$0x3FA1] =	sst s10  }
0x38: {  	s10 =	sld [smem:$0x3FA2]  }
0x39: {  	_ = 	snop;
	(pc) =	sbr.ind lr, $3  }
0x3a: {  	_ = 	snop  }
0x3b: {  	_ = 	snop  }
0x3c: {  	p2 =	seq.s32 s10, $0x1;
	s10 =	sld [smem:$0x3FA1]  }
0x3d: {  	_ =	shalt  }
0x3e: {  	_ =	shalt  }
0x3f: {  	_ =	shalt  }
0x40: {  	_ =	shalt  }
0x41: {  	_ =	shalt  }
0x42: {  	_ =	shalt  }
0x43: {  	_ =	shalt  }
0x44: {  	_ =	shalt  }
0x45: {  	_ =	shalt  }
0x46: {  	_ =	shalt  }
0x47: {  	_ =	shalt  }
0x48: {  	_ =	shalt  }
0x49: {  	_ =	shalt  }
0x4a: {  	_ =	shalt  }
0x4b: {  	_ =	shalt  }
0x4c: {  	_ =	shalt  }
0x4d: {  	_ =	shalt  }
0x4e: {  	_ =	shalt  }
0x4f: {  	_ =	shalt  }
0x50: {  	_ =	shalt  }
0x51: {  	_ =	shalt  }
0x52: {  	_ =	shalt  }
0x53: {  	_ =	shalt  }
0x54: {  	_ =	shalt  }
0x55: {  	_ =	shalt  }
0x56: {  	_ =	shalt  }
0x57: {  	_ =	shalt  }
0x58: {  	_ =	shalt  }
0x59: {  	_ =	shalt  }
0x5a: {  	_ =	shalt  }
0x5b: {  	_ =	shalt  }
0x5c: {  	_ =	shalt  }
0x5d: {  	_ =	shalt  }
0x5e: {  	_ =	shalt  }
0x5f: {  	_ =	shalt  }
0x60: {  	_ =	shalt  }
0x61: {  	_ =	shalt  }
0x62: {  	_ =	shalt  }
0x63: {  	_ =	shalt  }
0x64: {  	_ =	shalt  }
0x65: {  	_ =	shalt  }
0x66: {  	_ =	shalt  }
0x67: {  	_ =	shalt  }
0x68: {  	_ =	shalt  }
0x69: {  	_ =	shalt  }
0x6a: {  	_ =	shalt  }
0x6b: {  	_ =	shalt  }
0x6c: {  	_ =	shalt  }
0x6d: {  	_ =	shalt  }
0x6e: {  	_ =	shalt  }
0x6f: {  	_ =	shalt  }
0x70: {  	_ =	shalt  }
0x71: {  	_ =	shalt  }
0x72: {  	_ =	shalt  }
0x73: {  	_ =	shalt  }
0x74: {  	_ =	shalt  }
0x75: {  	_ =	shalt  }
0x76: {  	_ =	shalt  }
0x77: {  	_ =	shalt  }
0x78: {  	_ =	shalt  }
0x79: {  	_ =	shalt  }
0x7a: {  	_ =	shalt  }
0x7b: {  	_ =	shalt  }
0x7c: {  	_ =	shalt  }
0x7d: {  	_ =	shalt  }
0x7e: {  	_ =	shalt  }
0x7f: {  	_ =	shalt  }
0x80: {  	_ =	shalt  }
0x81: {  	_ =	shalt  }
0x82: {  	_ =	shalt  }
0x83: {  	_ =	shalt  }
0x84: {  	_ =	shalt  }
0x85: {  	_ =	shalt  }
0x86: {  	_ =	shalt  }
0x87: {  	_ =	shalt  }
.Lfunc_end0:
.L_simem_size_0:
called_computation.4_lowered:
.L_overlay_start_0:
0x88: {  	s2 =	sld [smem:$0x3FD9]  }
0x89: {  	s3 =	sld [smem:$0x3FFE];
	_ =	sdelay $0x1  }
0x8a: {  	s1 =	srdreg.scid  }
0x8b: {  	s0 =	sand.u32 $0x1, s1  }
0x8c: {  	s16 =	sshll.u32 s0, $0xA;
	s2 =	sadd.s32 s3, s2  }
0x8d: {  	s2 =	sadd.s32 s2, s16  }
0x8e: {  	[smem:$0x3FAD] =	sst s2  }
0x8f: {  	_ = 	snop  }
0x90: {  	(tm) =	ssettm $0x1  }
0x91: {  	s17 =	sld [smem:$0x3FFB];
	_ =	sdelay $0x3  }
0x92: {  	_ =	strace s17  }
0x93: {  	s2 =	sld [smem:$0x3FFC];
	_ =	sdelay $0x3  }
0x94: {  	_ =	strace s2  }
0x95: {  	s2 =	sld [smem:$0x3FFD];
	_ =	sdelay $0x3  }
0x96: {  	_ =	strace s2  }
0x97: {  	_ =	strace $0x8FFFFFFF  }
0x98: {  	s18 =	sld [smem:$0x3FDB];
	_ =	sdelay $0x1  }
0x99: {  	s19 =	simm.s32 $_scs_section_size  }
0x9a: {  	s4 =	simm.s32 $_size__tile_overlayer_lowered;
	s5 =	simm.s32 $_tile_overlayer_lowered  }
0x9b: {  	s22 =	simm.s32 $0x1BFF;
	s21 =	sshll.u32 s5, $0x1;
	s2 =	sadd.s32 s19, s18  }
0x9c: {  	s6 =	simm.s32 $0x0;
	s20 =	sshll.u32 s4, $0x1;
	s4 =	sadd.s32 s21, s2  }
0x9d: {  	[timem:s6], [sflag:s22] =	dma.local [hbm:s4], s20  }
0x9e: {  	_ =	swait.ge [sflag:s22], s20  }
0x9f: {  	s3 =	ssub.s32 $0x0, s20;
	[sflag:s22] =	ssyncset.done $0x0  }
0xa0: {  	[sflag:s22] =	ssyncadd.s32 s3;
	_ =	sdelay $0x1  }
0xa1: {  	s23 =	simm.s32 $0x1B8B  }
0xa2: {  	_ =	swait.ge [sflag:s23], $0x1  }
0xa3: {  	[sflag:s23] =	ssyncset.done $0x0  }
0xa4: {  	s25 =	simm.s32 $0x1B8E;
	s24 =	sld [smem:$0x3FFE];
	[sflag:s23] =	ssyncadd.s32 $0xFFFFFFFF  }
0xa5: {  	s26 =	simm.s32 $execute0_lowered;
	[smem:$0x3FD2] =	sst s25  }
0xa6: {  	s4 =	sshll.u32 s26, $0x1;
	_ =	strace $0x80000052;
	[dreg:$0x1] =	wrdreg $0xFFFFFFFF  }
0xa7: {  	s28 =	simm.s32 $_size_execute0_lowered;
	s2 =	sadd.s32 s2, s4;
	[dreg:$0x0] =	wrdreg $0x0  }
0xa8: {  	s4 =	sshll.u32 s28, $0x1;
	[dreg:$0x2] =	wrdreg s2  }
0xa9: {  	[dreg:$0x3] =	wrdreg s4  }
0xaa: {  	[dreg:$0x4] =	wrdreg $0xC0  }
0xab: {  	_ =	task [dreg:s6], $0x5FFFF  }
0xac: {  	[dreg:$0x1] =	wrdreg $0xFFFFFFFF  }
0xad: {  	[dreg:$0x0] =	wrdreg $0x60  }
0xae: {  	[dreg:$0x2] =	wrdreg s24  }
0xaf: {  	[dreg:$0x3] =	wrdreg $0x9  }
0xb0: {  	_ =	task.clear_ibuf [dreg:s6], $0x4FFFF;
	_ =	strace $0x90000052  }
0xb1: {  	s29 =	simm.s32 $0x9;
	_ =	strace $0x80000054  }
0xb2: {  	_ =	swait.ge [sflag:s29], $0x1  }
0xb3: {  	[sflag:s29] =	ssyncadd.s32 $0xFFFFFFFF  }
0xb4: {  	_ =	strace $0x90000054  }
0xb5: {  	_ =	sfence  }
0xb6: {  	s30 =	sld [smem:$0x0];
	_ =	sdelay $0x2  }
0xb7: {  	s31 =	sshll.u32 s1, $0xD;
	s1 =	sshrl.u32 s1, $0x2  }
0xb8: {  	s3 =	sand.u32 $0x4000, s31;
	s1 =	sadd.s32 s1, s30  }
0xb9: {  	s0 =	sor.u32 s3, s0;
	s1 =	sshll.u32 s1, $0x11  }
0xba: {  	s0 =	sor.u32 s1, s0  }
0xbb: {  	s0 =	sadd.s32 $0x8F2B, s0  }
0xbc: {  	[sflag:s0] =	ssyncadd.remote.s32 $0x1  }
0xbd: {  	_ =	sfence.sel $0xFFFF  }
0xbe: {  	[dreg:$0x0] =	wrdreg $0xFFFFFFFF;
	(pc) =	sbr.abs _section_cstart, $3  }
0xbf: {  	[dreg:$0x1] =	wrdreg $0xFFFFFFFF  }
0xc0: {  	_ =	task.clear_ibuf [dreg:s6], $0x2FFFF;
	_ =	strace $0x9FFFFFFF  }
0xc1: {  	(tm) =	ssettm $0x7FFFFFFF  }
tec
execute0_lowered:
.L_overlay_start_1:
0x0: {  	(tag) =	ssettag $0x1  }
0x1: {  	s0 =	rddreg [dreg:$0x0]  }
0x2: {  	s1 =	simm.s32 $0x0;
	s2 =	srdreg.scid;
	s12 =	stileid.u32  }
0x3: {  	s13 =	simm.s32 $0x80;
	s29 =	simm.s32 $0x6;
	s30 =	simm.s32 $0x14300  }
0x4: {  	s31 =	simm.s32 $0x7;
	[smem:$0x7FF] =	sst s1;
	s8 =	smul.u32 $0x4E000, s12  }
0x5: {  	s3 =	sadd.s32 $0x69000, s0;
	s4 =	sadd.s32 $0x6A00, s0;
	s16 =	smul.u32 $0x4E00, s12  }
0x6: {  	s2 =	sand.u32 $0x1, s2;
	s0 =	sadd.s32 $0xB7400, s0;
	s24 =	smul.u32 $0x9C0, s12  }
0x7: {  	s6 =	sshll.u32 s12, $0x8;
	p0 =	sgt.u32 s12, $0x1;
	s15 =	smul.u32 $0x27000, s2  }
0x8: {  	_ =	strace $0x80000053;
	s5 =	ssub.s32 $0x2, s2;
	s11 =	smul.u32 $0x2700, s2  }
0x9: {  	s7 =	sshll.u32 s2, $0x7;
	s2 =	smul.u32 $0x4E0, s2;
	s9 =	sshrl.u32 s5, $0x1  }
0xa: {  	s6 =	sor.u32 s7, s6;
	s26 =	sadd.s32 s24, s4;
	s24 =	simm.s32 $0x4  }
0xb: {  	s5 =	ssub.s32 s5, s9;
	s6 =	sor.u32 $0x4E000, s6;
	s17 =	sadd.s32 s11, s16  }
0xc: {  	s28 =	sadd.s32 s2, s26;
	s26 =	simm.s32 $0x5;
	s2 =	simm.s32 $0x9  }
0xd: {  	s9 =	simm.s32 $0x0;
	s10 =	sshrl.u32 s6, $0x3;
	s6 =	sshll.u32 s6, $0x4  }
0xe: {  	s5 =	smax.u32 s5, $0x1;
	s18 =	sadd.s32 $0x280, s17;
	s19 =	sadd.s32 $0x200, s17  }
0xf: {  	s20 =	sadd.s32 $0x180, s17;
	s23 =	sadd.s32 $0x100, s17;
	[dreg:$0xb] =	wrdreg s28  }
0x10: {  	s10 =	sadd.s32 s4, s10;
	s6 =	sadd.s32 s0, s6;
	[dreg:$0x5] =	wrdreg s5  }
0x11: {  	s0 =	sadd.s32 s8, s0;
	s22 =	sshrl.u32 s20, $0x3;
	[dreg:$0x3] =	wrdreg s10  }
0x12: {  	s5 =	sor.u32 $0x80, s17;
	[dreg:$0x4] =	wrdreg s6;
	s0 =	sadd.s32 s15, s0  }
0x13: {  	s20 =	simm.s32 $0x2;
	[dreg:$0x2] =	wrdreg s0;
	s0 =	sshrl.u32 s18, $0x3  }
0x14: {  	s6 =	sshrl.u32 s19, $0x3;
	s25 =	sshrl.u32 s5, $0x3;
	s0 =	sadd.s32 s0, s4  }
0x15: {  	s5 =	simm.s32 $0xB;
	[dreg:$0x6] =	wrdreg s0;
	s0 =	sadd.s32 s22, s4  }
0x16: {  	s21 =	sadd.s32 s6, s4;
	[dreg:$0x8] =	wrdreg s0;
	s0 =	sshrl.u32 s23, $0x3  }
0x17: {  	s6 =	simm.s32 $0xC;
	[dreg:$0x7] =	wrdreg s21;
	s0 =	sadd.s32 s0, s4  }
0x18: {  	s22 =	simm.s32 $0x3;
	[dreg:$0x9] =	wrdreg s0;
	s0 =	sadd.s32 s25, s4  }
0x19: {  	s4 =	simm.s32 $0xA;
	[dreg:$0xa] =	wrdreg s0;
	s0 =	simm.s32 $0x8  }
.LBB2_1:
0x1a: {  	p1 =	por $0x1, $0x1  }
0x1b: {  	[dreg:$0xc] =	wrdreg s9;
	s7 =	simm.s32 @!p1 $0xD  }
0x1c: {  	_ =	swait.ge @!p1 [sflag:s7], $0x4000  }
0x1d: {  	[sflag:s7] =	ssyncset.done @!p1 $0x0  }
0x1e: {  	s14 =	rddreg [dreg:$0xb];
	[sflag:s7] =	ssyncadd.s32 @!p1 $0xFFFFC000;
	s7 =	simm.s32 @!p1 $0xE  }
0x1f: {  	[tilespmem:s1], [sflag:$0x1] =	stream.linear.gather [hbm4b:s14+s1], $0x80, $0x38;
	[tilespmem:$0x18300] =	vst v63  }
0x20: {  	_ =	swait.ge @!p1 [sflag:s7], $0x4000  }
0x21: {  	[sflag:s7] =	ssyncset.done @!p1 $0x0  }
0x22: {  	s12 =	rddreg [dreg:$0xa];
	[sflag:s7] =	ssyncadd.s32 @!p1 $0xFFFFC000;
	s7 =	simm.s32 @!p1 $0xF  }
0x23: {  	[tilespmem:s13], [sflag:$0x2] =	stream.linear.gather [hbm4b:s12+s1], $0x80, $0x38;
	[tilespmem:$0x18300] =	vst v63  }
0x24: {  	_ =	swait.ge @!p1 [sflag:s7], $0x4000  }
0x25: {  	s8 =	simm.s32 $0x100;
	[sflag:s7] =	ssyncset.done @!p1 $0x0  }
0x26: {  	s9 =	rddreg [dreg:$0x9];
	[sflag:s7] =	ssyncadd.s32 @!p1 $0xFFFFC000;
	s7 =	simm.s32 @!p1 $0x10  }
0x27: {  	[tilespmem:s8], [sflag:$0x3] =	stream.linear.gather [hbm4b:s9+s1], $0x80, $0x38;
	[tilespmem:$0x18300] =	vst v63  }
0x28: {  	_ =	swait.ge @!p1 [sflag:s7], $0x4000  }
0x29: {  	s15 =	simm.s32 $0x180;
	[sflag:s7] =	ssyncset.done @!p1 $0x0  }
0x2a: {  	s11 =	rddreg [dreg:$0x8];
	[sflag:s7] =	ssyncadd.s32 @!p1 $0xFFFFC000;
	s7 =	simm.s32 @!p1 $0x11  }
0x2b: {  	[tilespmem:s15], [sflag:$0x4] =	stream.linear.gather [hbm4b:s11+s1], $0x80, $0x38;
	[tilespmem:$0x18300] =	vst v63  }
0x2c: {  	_ =	swait.ge @!p1 [sflag:s7], $0x4000  }
0x2d: {  	s16 =	simm.s32 $0x200;
	[sflag:s7] =	ssyncset.done @!p1 $0x0  }
0x2e: {  	s17 =	rddreg [dreg:$0x7];
	[sflag:s7] =	ssyncadd.s32 @!p1 $0xFFFFC000;
	s7 =	simm.s32 @!p1 $0x12  }
0x2f: {  	[tilespmem:s16], [sflag:$0x5] =	stream.linear.gather [hbm4b:s17+s1], $0x80, $0x38;
	[tilespmem:$0x18300] =	vst v63  }
0x30: {  	_ =	swait.ge @!p1 [sflag:s7], $0x4000  }
0x31: {  	s18 =	simm.s32 $0x1;
	[sflag:s7] =	ssyncset.done @!p1 $0x0  }
0x32: {  	s10 =	rddreg [dreg:$0x6];
	[sflag:s7] =	ssyncadd.s32 @!p1 $0xFFFFC000;
	s7 =	simm.s32 $0x280  }
0x33: {  	[tilespmem:s7], [sflag:$0x6] =	stream.linear.gather [hbm4b:s10+s1], $0x80, $0x38;
	[tilespmem:$0x18300] =	vst v63  }
0x34: {  	_ =	swait.ge [sflag:s18], $0x80  }
0x35: {  	[sflag:s18] =	ssyncset.done $0x0  }
0x36: {  	s19 =	simm.s32 $0x300;
	[sflag:s18] =	ssyncadd.s32 $0xFFFFFF80  }
0x37: {  	[tilespmem:s19], [sflag:$0x7] =	stream.indirect.gather [hbm4b:s3+s13], $0x80, s1, s13, $0xb8;
	[tilespmem:$0x18300] =	vst v63  }
0x38: {  	_ =	swait.ge [sflag:s20], $0x80  }
0x39: {  	[sflag:s20] =	ssyncset.done $0x0  }
0x3a: {  	s21 =	simm.s32 $0x4300;
	[sflag:s20] =	ssyncadd.s32 $0xFFFFFF80  }
0x3b: {  	[tilespmem:s21], [sflag:$0x8] =	stream.indirect.gather [hbm4b:s3+s13], $0x80, s13, s13, $0xb8;
	[tilespmem:$0x18300] =	vst v63  }
0x3c: {  	_ =	swait.ge [sflag:s22], $0x80  }
0x3d: {  	[sflag:s22] =	ssyncset.done $0x0  }
0x3e: {  	s23 =	simm.s32 $0x8300;
	[sflag:s22] =	ssyncadd.s32 $0xFFFFFF80  }
0x3f: {  	[tilespmem:s23], [sflag:$0x9] =	stream.indirect.gather [hbm4b:s3+s13], $0x80, s8, s13, $0xb8;
	[tilespmem:$0x18300] =	vst v63  }
0x40: {  	_ =	swait.ge [sflag:s24], $0x80  }
0x41: {  	[sflag:s24] =	ssyncset.done $0x0  }
0x42: {  	s25 =	simm.s32 $0xC300;
	[sflag:s24] =	ssyncadd.s32 $0xFFFFFF80  }
0x43: {  	[tilespmem:s25], [sflag:$0xA] =	stream.indirect.gather [hbm4b:s3+s13], $0x80, s15, s13, $0xb8;
	[tilespmem:$0x18300] =	vst v63  }
0x44: {  	_ =	swait.ge [sflag:s26], $0x80  }
0x45: {  	[sflag:s26] =	ssyncset.done $0x0  }
0x46: {  	s28 =	simm.s32 $0x10300;
	[sflag:s26] =	ssyncadd.s32 $0xFFFFFF80  }
0x47: {  	[tilespmem:s28], [sflag:$0xB] =	stream.indirect.gather [hbm4b:s3+s13], $0x80, s16, s13, $0xb8;
	[tilespmem:$0x18300] =	vst v63  }
0x48: {  	_ =	swait.ge [sflag:s29], $0x80  }
0x49: {  	[sflag:s29] =	ssyncset.done $0x0  }
0x4a: {  	[sflag:s29] =	ssyncadd.s32 $0xFFFFFF80  }
0x4b: {  	[tilespmem:s30], [sflag:$0xC] =	stream.indirect.gather [hbm4b:s3+s13], $0x80, s7, s13, $0xb8;
	[tilespmem:$0x18300] =	vst v63  }
0x4c: {  	_ =	swait.ge [sflag:s31], $0x4000  }
0x4d: {  	s16 =	rddreg [dreg:$0x2];
	[sflag:s31] =	ssyncset.done $0x0  }
0x4e: {  	[sflag:s31] =	ssyncadd.s32 $0xFFFFC000;
	s18 =	sadd.s32 $0x0, s16  }
0x4f: {  	[hbm4b:s18+s1] =	stream.linear.scatter [tilespmem:s19], [sflag:$0xD], $0x4000, $0x38;
	[tilespmem:$0x18300] =	vst v63  }
0x50: {  	_ =	swait.ge [sflag:s0], $0x4000  }
0x51: {  	[sflag:s0] =	ssyncset.done $0x0  }
0x52: {  	s7 =	sadd.s32 $0x800, s18;
	[sflag:s0] =	ssyncadd.s32 $0xFFFFC000  }
0x53: {  	[hbm4b:s7+s1] =	stream.linear.scatter [tilespmem:s21], [sflag:$0xE], $0x4000, $0x38;
	[tilespmem:$0x18300] =	vst v63  }
0x54: {  	_ =	swait.ge [sflag:s2], $0x4000  }
0x55: {  	[sflag:s2] =	ssyncset.done $0x0  }
0x56: {  	s21 =	sadd.s32 $0x1000, s18;
	[sflag:s2] =	ssyncadd.s32 $0xFFFFC000  }
0x57: {  	[hbm4b:s21+s1] =	stream.linear.scatter [tilespmem:s23], [sflag:$0xF], $0x4000, $0x38;
	[tilespmem:$0x18300] =	vst v63  }
0x58: {  	_ =	swait.ge [sflag:s4], $0x4000  }
0x59: {  	[sflag:s4] =	ssyncset.done $0x0  }
0x5a: {  	p2 =	por $0x0, $0x0;
	s23 =	sadd.s32 $0x1800, s18;
	[sflag:s4] =	ssyncadd.s32 $0xFFFFC000  }
0x5b: {  	[hbm4b:s23+s1] =	stream.linear.scatter [tilespmem:s25], [sflag:$0x10], $0x4000, $0x38;
	[tilespmem:$0x18300] =	vst v63  }
0x5c: {  	s14 =	sadd.s32 $0x60, s14;
	s11 =	sadd.s32 $0x60, s11;
	_ =	swait.ge [sflag:s5], $0x4000  }
0x5d: {  	s8 =	simm.s32 $0x3000;
	s15 =	simm.s32 $0x6000;
	[sflag:s5] =	ssyncset.done $0x0  }
0x5e: {  	s30 =	sadd.s32 $0x2000, s18;
	s7 =	sadd.s32 $0x60, s12;
	[sflag:s5] =	ssyncadd.s32 $0xFFFFC000  }
0x5f: {  	[hbm4b:s30+s1] =	stream.linear.scatter [tilespmem:s28], [sflag:$0x11], $0x4000, $0x38;
	[tilespmem:$0x18300] =	vst v63  }
0x60: {  	s12 =	sadd.s32 $0x60, s9;
	s9 =	sadd.s32 $0x60, s10;
	_ =	swait.ge [sflag:s6], $0x4000  }
0x61: {  	s10 =	sadd.s32 $0x60, s17;
	s17 =	sadd.s32 $0x2800, s18;
	[sflag:s6] =	ssyncset.done $0x0  }
.LBB2_2:
0x62: {  	s19 =	simm.s32 @!p2 $0xD;
	[sflag:s6] =	ssyncadd.s32 $0xFFFFC000;
	s18 =	simm.s32 $0x14300  }
0x63: {  	[hbm4b:s17+s1] =	stream.linear.scatter [tilespmem:s18], [sflag:$0x12], $0x4000, $0x38;
	[tilespmem:$0x18300] =	vst v63  }
0x64: {  	_ =	swait.ge @!p2 [sflag:s19], $0x4000  }
0x65: {  	[sflag:s19] =	ssyncset.done @!p2 $0x0  }
0x66: {  	s17 =	simm.s32 @!p2 $0xE;
	[sflag:s19] =	ssyncadd.s32 @!p2 $0xFFFFC000  }
0x67: {  	[tilespmem:s1], [sflag:$0x1] =	stream.linear.gather [hbm4b:s14+s1], $0x80, $0x38;
	[tilespmem:$0x18300] =	vst v63  }
0x68: {  	_ =	swait.ge @!p2 [sflag:s17], $0x4000  }
0x69: {  	[sflag:s17] =	ssyncset.done @!p2 $0x0  }
0x6a: {  	[sflag:s17] =	ssyncadd.s32 @!p2 $0xFFFFC000;
	s17 =	simm.s32 @!p2 $0xF  }
0x6b: {  	[tilespmem:s13], [sflag:$0x2] =	stream.linear.gather [hbm4b:s7+s1], $0x80, $0x38;
	[tilespmem:$0x18300] =	vst v63  }
0x6c: {  	_ =	swait.ge @!p2 [sflag:s17], $0x4000  }
0x6d: {  	[sflag:s17] =	ssyncset.done @!p2 $0x0  }
0x6e: {  	s19 =	simm.s32 $0x100;
	[sflag:s17] =	ssyncadd.s32 @!p2 $0xFFFFC000;
	s17 =	simm.s32 @!p2 $0x10  }
0x6f: {  	[tilespmem:s19], [sflag:$0x3] =	stream.linear.gather [hbm4b:s12+s1], $0x80, $0x38;
	[tilespmem:$0x18300] =	vst v63  }
0x70: {  	_ =	swait.ge @!p2 [sflag:s17], $0x4000  }
0x71: {  	[sflag:s17] =	ssyncset.done @!p2 $0x0  }
0x72: {  	s21 =	simm.s32 $0x180;
	[sflag:s17] =	ssyncadd.s32 @!p2 $0xFFFFC000;
	s17 =	simm.s32 @!p2 $0x11  }
0x73: {  	[tilespmem:s21], [sflag:$0x4] =	stream.linear.gather [hbm4b:s11+s1], $0x80, $0x38;
	[tilespmem:$0x18300] =	vst v63  }
0x74: {  	_ =	swait.ge @!p2 [sflag:s17], $0x4000  }
0x75: {  	[sflag:s17] =	ssyncset.done @!p2 $0x0  }
0x76: {  	s23 =	simm.s32 $0x200;
	[sflag:s17] =	ssyncadd.s32 @!p2 $0xFFFFC000;
	s17 =	simm.s32 @!p2 $0x12  }
0x77: {  	[tilespmem:s23], [sflag:$0x5] =	stream.linear.gather [hbm4b:s10+s1], $0x80, $0x38;
	[tilespmem:$0x18300] =	vst v63  }
0x78: {  	_ =	swait.ge @!p2 [sflag:s17], $0x4000  }
0x79: {  	[sflag:s17] =	ssyncset.done @!p2 $0x0  }
0x7a: {  	s25 =	simm.s32 $0x1;
	[sflag:s17] =	ssyncadd.s32 @!p2 $0xFFFFC000;
	s17 =	simm.s32 $0x280  }
0x7b: {  	[tilespmem:s17], [sflag:$0x6] =	stream.linear.gather [hbm4b:s9+s1], $0x80, $0x38;
	[tilespmem:$0x18300] =	vst v63  }
0x7c: {  	_ =	swait.ge [sflag:s25], $0x80  }
0x7d: {  	[sflag:s25] =	ssyncset.done $0x0  }
0x7e: {  	[sflag:s25] =	ssyncadd.s32 $0xFFFFFF80;
	s25 =	simm.s32 $0x300  }
0x7f: {  	[tilespmem:s25], [sflag:$0x7] =	stream.indirect.gather [hbm4b:s3+s13], $0x80, s1, s13, $0xb8;
	[tilespmem:$0x18300] =	vst v63  }
0x80: {  	_ =	swait.ge [sflag:s20], $0x80  }
0x81: {  	[sflag:s20] =	ssyncset.done $0x0  }
0x82: {  	s28 =	simm.s32 $0x4300;
	[sflag:s20] =	ssyncadd.s32 $0xFFFFFF80  }
0x83: {  	[tilespmem:s28], [sflag:$0x8] =	stream.indirect.gather [hbm4b:s3+s13], $0x80, s13, s13, $0xb8;
	[tilespmem:$0x18300] =	vst v63  }
0x84: {  	_ =	swait.ge [sflag:s22], $0x80  }
0x85: {  	[sflag:s22] =	ssyncset.done $0x0  }
0x86: {  	s30 =	simm.s32 $0x8300;
	[sflag:s22] =	ssyncadd.s32 $0xFFFFFF80  }
0x87: {  	[tilespmem:s30], [sflag:$0x9] =	stream.indirect.gather [hbm4b:s3+s13], $0x80, s19, s13, $0xb8;
	[tilespmem:$0x18300] =	vst v63  }
0x88: {  	_ =	swait.ge [sflag:s24], $0x80  }
0x89: {  	[sflag:s24] =	ssyncset.done $0x0  }
0x8a: {  	s19 =	simm.s32 $0xC300;
	[sflag:s24] =	ssyncadd.s32 $0xFFFFFF80  }
0x8b: {  	[tilespmem:s19], [sflag:$0xA] =	stream.indirect.gather [hbm4b:s3+s13], $0x80, s21, s13, $0xb8;
	[tilespmem:$0x18300] =	vst v63  }
0x8c: {  	_ =	swait.ge [sflag:s26], $0x80  }
0x8d: {  	[sflag:s26] =	ssyncset.done $0x0  }
0x8e: {  	s21 =	simm.s32 $0x10300;
	[sflag:s26] =	ssyncadd.s32 $0xFFFFFF80  }
0x8f: {  	[tilespmem:s21], [sflag:$0xB] =	stream.indirect.gather [hbm4b:s3+s13], $0x80, s23, s13, $0xb8;
	[tilespmem:$0x18300] =	vst v63  }
0x90: {  	_ =	swait.ge [sflag:s29], $0x80  }
0x91: {  	[sflag:s29] =	ssyncset.done $0x0  }
0x92: {  	[sflag:s29] =	ssyncadd.s32 $0xFFFFFF80  }
0x93: {  	[tilespmem:s18], [sflag:$0xC] =	stream.indirect.gather [hbm4b:s3+s13], $0x80, s17, s13, $0xb8;
	[tilespmem:$0x18300] =	vst v63  }
0x94: {  	_ =	swait.ge [sflag:s31], $0x4000  }
0x95: {  	s18 =	rddreg [dreg:$0x2];
	[sflag:s31] =	ssyncset.done $0x0  }
0x96: {  	[sflag:s31] =	ssyncadd.s32 $0xFFFFC000;
	s17 =	sadd.s32 s8, s18  }
0x97: {  	[hbm4b:s17+s1] =	stream.linear.scatter [tilespmem:s25], [sflag:$0xD], $0x4000, $0x38;
	[tilespmem:$0x18300] =	vst v63  }
0x98: {  	_ =	swait.ge [sflag:s0], $0x4000  }
0x99: {  	[sflag:s0] =	ssyncset.done $0x0  }
0x9a: {  	s23 =	sadd.s32 $0x800, s17;
	[sflag:s0] =	ssyncadd.s32 $0xFFFFC000  }
0x9b: {  	[hbm4b:s23+s1] =	stream.linear.scatter [tilespmem:s28], [sflag:$0xE], $0x4000, $0x38;
	[tilespmem:$0x18300] =	vst v63  }
0x9c: {  	_ =	swait.ge [sflag:s2], $0x4000  }
0x9d: {  	[sflag:s2] =	ssyncset.done $0x0  }
0x9e: {  	s25 =	sadd.s32 $0x1000, s17;
	[sflag:s2] =	ssyncadd.s32 $0xFFFFC000  }
0x9f: {  	[hbm4b:s25+s1] =	stream.linear.scatter [tilespmem:s30], [sflag:$0xF], $0x4000, $0x38;
	[tilespmem:$0x18300] =	vst v63  }
0xa0: {  	s16 =	smov.u32 s15;
	s15 =	sadd.s32 $0x3000, s15;
	_ =	swait.ge [sflag:s4], $0x4000  }
0xa1: {  	p1 =	sne.s32 s15, $0x27000;
	[sflag:s4] =	ssyncset.done $0x0  }
0xa2: {  	s14 =	sadd.s32 $0x60, s14;
	s28 =	sadd.s32 $0x1800, s17;
	[sflag:s4] =	ssyncadd.s32 $0xFFFFC000  }
0xa3: {  	[hbm4b:s28+s1] =	stream.linear.scatter [tilespmem:s19], [sflag:$0x10], $0x4000, $0x38;
	[tilespmem:$0x18300] =	vst v63  }
0xa4: {  	s7 =	sadd.s32 $0x60, s7;
	s12 =	sadd.s32 $0x60, s12;
	_ =	swait.ge [sflag:s5], $0x4000  }
.Ltmp0:
0xa5: {  	s11 =	sadd.s32 $0x60, s11;
	[sflag:s5] =	ssyncset.done $0x0;
	(pc) =	sbr.rel @p1 .LBB2_2-.Ltmp0, $4  }
0xa6: {  	s10 =	sadd.s32 $0x60, s10;
	s30 =	sadd.s32 $0x2000, s17;
	[sflag:s5] =	ssyncadd.s32 $0xFFFFC000  }
0xa7: {  	[hbm4b:s30+s1] =	stream.linear.scatter [tilespmem:s21], [sflag:$0x11], $0x4000, $0x38;
	[tilespmem:$0x18300] =	vst v63  }
0xa8: {  	s9 =	sadd.s32 $0x60, s9;
	s8 =	smov.u32 s16;
	_ =	swait.ge [sflag:s6], $0x4000  }
0xa9: {  	p2 =	seq.s32 s8, $0x0;
	s17 =	sadd.s32 $0x2800, s17;
	[sflag:s6] =	ssyncset.done $0x0  }
0xaa: {  	[sflag:s6] =	ssyncadd.s32 $0xFFFFC000;
	s16 =	simm.s32 $0x14300;
	s15 =	simm.s32 @!p2 $0xD  }
0xab: {  	[hbm4b:s17+s1] =	stream.linear.scatter [tilespmem:s16], [sflag:$0x12], $0x4000, $0x38;
	[tilespmem:$0x18300] =	vst v63  }
0xac: {  	_ =	swait.ge @!p2 [sflag:s15], $0x4000  }
0xad: {  	[sflag:s15] =	ssyncset.done @!p2 $0x0  }
0xae: {  	[sflag:s15] =	ssyncadd.s32 @!p2 $0xFFFFC000  }
0xaf: {  	[tilespmem:s1], [sflag:$0x1] =	stream.linear.gather [hbm4b:s14+s1], $0x80, $0x38;
	[tilespmem:$0x18300] =	vst v63  }
0xb0: {  	s14 =	simm.s32 @!p2 $0xE  }
0xb1: {  	_ =	swait.ge @!p2 [sflag:s14], $0x4000  }
0xb2: {  	[sflag:s14] =	ssyncset.done @!p2 $0x0  }
0xb3: {  	[sflag:s14] =	ssyncadd.s32 @!p2 $0xFFFFC000  }
0xb4: {  	[tilespmem:s13], [sflag:$0x2] =	stream.linear.gather [hbm4b:s7+s1], $0x80, $0x38;
	[tilespmem:$0x18300] =	vst v63  }
0xb5: {  	s7 =	simm.s32 @!p2 $0xF  }
0xb6: {  	_ =	swait.ge @!p2 [sflag:s7], $0x4000  }
0xb7: {  	[sflag:s7] =	ssyncset.done @!p2 $0x0  }
0xb8: {  	s23 =	simm.s32 $0x100;
	[sflag:s7] =	ssyncadd.s32 @!p2 $0xFFFFC000;
	s7 =	simm.s32 @!p2 $0x10  }
0xb9: {  	[tilespmem:s23], [sflag:$0x3] =	stream.linear.gather [hbm4b:s12+s1], $0x80, $0x38;
	[tilespmem:$0x18300] =	vst v63  }
0xba: {  	_ =	swait.ge @!p2 [sflag:s7], $0x4000  }
0xbb: {  	[sflag:s7] =	ssyncset.done @!p2 $0x0  }
0xbc: {  	s25 =	simm.s32 $0x180;
	[sflag:s7] =	ssyncadd.s32 @!p2 $0xFFFFC000;
	s7 =	simm.s32 @!p2 $0x11  }
0xbd: {  	[tilespmem:s25], [sflag:$0x4] =	stream.linear.gather [hbm4b:s11+s1], $0x80, $0x38;
	[tilespmem:$0x18300] =	vst v63  }
0xbe: {  	_ =	swait.ge @!p2 [sflag:s7], $0x4000  }
0xbf: {  	[sflag:s7] =	ssyncset.done @!p2 $0x0  }
0xc0: {  	s28 =	simm.s32 $0x200;
	[sflag:s7] =	ssyncadd.s32 @!p2 $0xFFFFC000;
	s7 =	simm.s32 @!p2 $0x12  }
0xc1: {  	[tilespmem:s28], [sflag:$0x5] =	stream.linear.gather [hbm4b:s10+s1], $0x80, $0x38;
	[tilespmem:$0x18300] =	vst v63  }
0xc2: {  	_ =	swait.ge @!p2 [sflag:s7], $0x4000  }
0xc3: {  	[sflag:s7] =	ssyncset.done @!p2 $0x0  }
0xc4: {  	s17 =	simm.s32 $0x1;
	s15 =	simm.s32 $0x280;
	[sflag:s7] =	ssyncadd.s32 @!p2 $0xFFFFC000  }
0xc5: {  	[tilespmem:s15], [sflag:$0x6] =	stream.linear.gather [hbm4b:s9+s1], $0x80, $0x38;
	[tilespmem:$0x18300] =	vst v63  }
0xc6: {  	_ =	swait.ge [sflag:s17], $0x80  }
0xc7: {  	[sflag:s17] =	ssyncset.done $0x0  }
0xc8: {  	s18 =	simm.s32 $0x300;
	[sflag:s17] =	ssyncadd.s32 $0xFFFFFF80  }
0xc9: {  	[tilespmem:s18], [sflag:$0x7] =	stream.indirect.gather [hbm4b:s3+s13], $0x80, s1, s13, $0xb8;
	[tilespmem:$0x18300] =	vst v63  }
0xca: {  	_ =	swait.ge [sflag:s20], $0x80  }
0xcb: {  	[sflag:s20] =	ssyncset.done $0x0  }
0xcc: {  	s19 =	simm.s32 $0x4300;
	[sflag:s20] =	ssyncadd.s32 $0xFFFFFF80  }
0xcd: {  	[tilespmem:s19], [sflag:$0x8] =	stream.indirect.gather [hbm4b:s3+s13], $0x80, s13, s13, $0xb8;
	[tilespmem:$0x18300] =	vst v63  }
0xce: {  	_ =	swait.ge [sflag:s22], $0x80  }
0xcf: {  	[sflag:s22] =	ssyncset.done $0x0  }
0xd0: {  	s21 =	simm.s32 $0x8300;
	[sflag:s22] =	ssyncadd.s32 $0xFFFFFF80  }
0xd1: {  	[tilespmem:s21], [sflag:$0x9] =	stream.indirect.gather [hbm4b:s3+s13], $0x80, s23, s13, $0xb8;
	[tilespmem:$0x18300] =	vst v63  }
0xd2: {  	_ =	swait.ge [sflag:s24], $0x80  }
0xd3: {  	[sflag:s24] =	ssyncset.done $0x0  }
0xd4: {  	s23 =	simm.s32 $0xC300;
	[sflag:s24] =	ssyncadd.s32 $0xFFFFFF80  }
0xd5: {  	[tilespmem:s23], [sflag:$0xA] =	stream.indirect.gather [hbm4b:s3+s13], $0x80, s25, s13, $0xb8;
	[tilespmem:$0x18300] =	vst v63  }
0xd6: {  	_ =	swait.ge [sflag:s26], $0x80  }
0xd7: {  	[sflag:s26] =	ssyncset.done $0x0  }
0xd8: {  	s25 =	simm.s32 $0x10300;
	[sflag:s26] =	ssyncadd.s32 $0xFFFFFF80  }
0xd9: {  	[tilespmem:s25], [sflag:$0xB] =	stream.indirect.gather [hbm4b:s3+s13], $0x80, s28, s13, $0xb8;
	[tilespmem:$0x18300] =	vst v63  }
0xda: {  	_ =	swait.ge [sflag:s29], $0x80  }
0xdb: {  	[sflag:s29] =	ssyncset.done $0x0  }
0xdc: {  	[sflag:s29] =	ssyncadd.s32 $0xFFFFFF80  }
0xdd: {  	[tilespmem:s16], [sflag:$0xC] =	stream.indirect.gather [hbm4b:s3+s13], $0x80, s15, s13, $0xb8;
	[tilespmem:$0x18300] =	vst v63  }
0xde: {  	_ =	swait.ge [sflag:s31], $0x4000  }
0xdf: {  	s28 =	rddreg [dreg:$0x2];
	[sflag:s31] =	ssyncset.done $0x0  }
0xe0: {  	[sflag:s31] =	ssyncadd.s32 $0xFFFFC000;
	s7 =	sadd.s32 s8, s28  }
0xe1: {  	[hbm4b:s7+s1] =	stream.linear.scatter [tilespmem:s18], [sflag:$0xD], $0x4000, $0x38;
	[tilespmem:$0x18300] =	vst v63  }
0xe2: {  	_ =	swait.ge [sflag:s0], $0x4000  }
0xe3: {  	[sflag:s0] =	ssyncset.done $0x0  }
0xe4: {  	s8 =	sadd.s32 $0x800, s7;
	[sflag:s0] =	ssyncadd.s32 $0xFFFFC000  }
0xe5: {  	[hbm4b:s8+s1] =	stream.linear.scatter [tilespmem:s19], [sflag:$0xE], $0x4000, $0x38;
	[tilespmem:$0x18300] =	vst v63  }
0xe6: {  	_ =	swait.ge [sflag:s2], $0x4000  }
0xe7: {  	[sflag:s2] =	ssyncset.done $0x0  }
0xe8: {  	s10 =	sadd.s32 $0x1000, s7;
	[sflag:s2] =	ssyncadd.s32 $0xFFFFC000  }
0xe9: {  	[hbm4b:s10+s1] =	stream.linear.scatter [tilespmem:s21], [sflag:$0xF], $0x4000, $0x38;
	[tilespmem:$0x18300] =	vst v63  }
0xea: {  	_ =	swait.ge [sflag:s4], $0x4000  }
0xeb: {  	[sflag:s4] =	ssyncset.done $0x0  }
0xec: {  	s11 =	sadd.s32 $0x1800, s7;
	[sflag:s4] =	ssyncadd.s32 $0xFFFFC000  }
0xed: {  	[hbm4b:s11+s1] =	stream.linear.scatter [tilespmem:s23], [sflag:$0x10], $0x4000, $0x38;
	[tilespmem:$0x18300] =	vst v63  }
0xee: {  	_ =	swait.ge [sflag:s5], $0x4000  }
0xef: {  	[sflag:s5] =	ssyncset.done $0x0  }
0xf0: {  	s15 =	sadd.s32 $0x2000, s7;
	[sflag:s5] =	ssyncadd.s32 $0xFFFFC000  }
0xf1: {  	[hbm4b:s15+s1] =	stream.linear.scatter [tilespmem:s25], [sflag:$0x11], $0x4000, $0x38;
	[tilespmem:$0x18300] =	vst v63  }
0xf2: {  	_ =	swait.ge [sflag:s6], $0x4000  }
0xf3: {  	[sflag:s6] =	ssyncset.done $0x0  }
0xf4: {  	s7 =	sadd.s32 $0x2800, s7;
	[sflag:s6] =	ssyncadd.s32 $0xFFFFC000  }
0xf5: {  	[hbm4b:s7+s1] =	stream.linear.scatter [tilespmem:s16], [sflag:$0x12], $0x4000, $0x38;
	[tilespmem:$0x18300] =	vst v63  }
0xf6: {  	s16 =	simm.s32 $0xD  }
0xf7: {  	_ =	swait.ge [sflag:s16], $0x4000  }
0xf8: {  	[sflag:s16] =	ssyncset.done $0x0  }
0xf9: {  	s17 =	simm.s32 $0xE;
	[sflag:s16] =	ssyncadd.s32 $0xFFFFC000  }
0xfa: {  	_ =	swait.ge [sflag:s17], $0x4000  }
0xfb: {  	[sflag:s17] =	ssyncset.done $0x0  }
0xfc: {  	s18 =	simm.s32 $0xF;
	[sflag:s17] =	ssyncadd.s32 $0xFFFFC000  }
0xfd: {  	_ =	swait.ge [sflag:s18], $0x4000  }
0xfe: {  	[sflag:s18] =	ssyncset.done $0x0  }
0xff: {  	s19 =	simm.s32 $0x10;
	[sflag:s18] =	ssyncadd.s32 $0xFFFFC000  }
0x100: {  	_ =	swait.ge [sflag:s19], $0x4000  }
0x101: {  	[sflag:s19] =	ssyncset.done $0x0  }
0x102: {  	s21 =	simm.s32 $0x11;
	[sflag:s19] =	ssyncadd.s32 $0xFFFFC000  }
0x103: {  	_ =	swait.ge [sflag:s21], $0x4000  }
0x104: {  	[sflag:s21] =	ssyncset.done $0x0  }
0x105: {  	s23 =	simm.s32 $0x12;
	[sflag:s21] =	ssyncadd.s32 $0xFFFFC000  }
0x106: {  	_ =	swait.ge [sflag:s23], $0x4000  }
0x107: {  	[sflag:s23] =	ssyncset.done $0x0  }
0x108: {  	s7 =	simm.s32 @!p0 $0x0;
	s8 =	rddreg [dreg:$0x3];
	[sflag:s23] =	ssyncadd.s32 $0xFFFFC000  }
0x109: {  	[tilespmem:s7], [sflag:$0x13] =	stream.linear.gather @!p0 [hbm4b:s8+s7], $0x80, $0x38;
	[tilespmem:$0x18300] =	vst v63  }
0x10a: {  	s8 =	simm.s32 @!p0 $0x13  }
0x10b: {  	_ =	swait.ge @!p0 [sflag:s8], $0x80  }
0x10c: {  	[sflag:s8] =	ssyncset.done @!p0 $0x0  }
0x10d: {  	s9 =	simm.s32 @!p0 $0x80;
	s10 =	simm.s32 @!p0 $0x300;
	[sflag:s8] =	ssyncadd.s32 @!p0 $0xFFFFFF80  }
0x10e: {  	[tilespmem:s10], [sflag:$0x7] =	stream.indirect.gather @!p0 [hbm4b:s3+s9], $0x80, s7, s9, $0xb8;
	[tilespmem:$0x18300] =	vst v63  }
0x10f: {  	s9 =	simm.s32 @!p0 $0x7  }
0x110: {  	_ =	swait.ge @!p0 [sflag:s9], $0x4000  }
0x111: {  	[sflag:s9] =	ssyncset.done @!p0 $0x0  }
0x112: {  	[sflag:s9] =	ssyncadd.s32 @!p0 $0xFFFFC000;
	s9 =	rddreg [dreg:$0x4]  }
0x113: {  	[hbm4b:s9+s7] =	stream.linear.scatter @!p0 [tilespmem:s10], [sflag:$0x13], $0x4000, $0x38;
	[tilespmem:$0x18300] =	vst v63  }
0x114: {  	_ =	swait.ge @!p0 [sflag:s8], $0x4000  }
0x115: {  	s25 =	rddreg [dreg:$0xc]  }
0x116: {  	s28 =	rddreg [dreg:$0x5];
	s9 =	sadd.s32 $0x1, s25  }
0x117: {  	p1 =	sne.s32 s9, s28  }
.Ltmp1:
0x118: {  	_ = 	snop;
	(pc) =	sbr.rel @p1 .LBB2_1-.Ltmp1, $3  }
0x119: {  	_ =	sdelay $0x1  }
0x11a: {  	[sflag:s8] =	ssyncset.done @!p0 $0x0  }
0x11b: {  	s30 =	simm.s32 $0x14300;
	[sflag:s8] =	ssyncadd.s32 @!p0 $0xFFFFC000  }
0x11c: {  	_ =	sfence.sel $0x180000  }
0x11d: {  	[bflag:$0x0] =	sbarrier.arrive $0xFFFF  }
0x11e: {  	_ =	strace $0x90000053  }
0x11f: {  	s0 =	stileid.u32;
	[bflag:$0x2] =	sbarrier.arrive $0xFFFF  }
0x120: {  	p0 =	sne.s32 s0, $0x0;
	s0 =	rddreg [dreg:$0x1]  }
0x121: {  	s0 =	sadd.s32 @!p0 $0x100000, s0  }
0x122: {  	[sflag:s0] =	ssyncadd.tile.s32 @!p0 $0x1;
	_ =	shalt  }
.Lfunc_end2:
_tile_overlayer_lowered:
.L_overlay_start_2:
0x123: {  	(tag) =	ssettag $0x2  }
0x124: {  	s0 =	rddreg [dreg:$0x0];
	s2 =	stileid.u32  }
0x125: {  	s1 =	rddreg [dreg:$0x1];
	p0 =	sne.s32 s2, $0x0  }
0x126: {  	s3 =	rddreg [dreg:$0x2];
	[bflag:$0x3] =	sbarrier.arrive $0xFFFF;
	s2 =	simm.s32 @!p0 $0x1C13  }
0x127: {  	[timem:s3], [sflag:s2] =	dma.local @!p0 [hbm:s0], s1  }
0x128: {  	s0 =	simm.s32 @!p0 $0x13  }
0x129: {  	_ =	swait.ge @!p0 [sflag:s0], s1  }
0x12a: {  	s1 =	ssub.s32 @!p0 $0x0, s1;
	[sflag:s0] =	ssyncset.done @!p0 $0x0  }
0x12b: {  	[sflag:s0] =	ssyncadd.s32 @!p0 s1  }
0x12c: {  	[bflag:$0x3] =	sbarrier.arrive $0xFFFF  }
0x12d: {  	_ =	shalt  }

// kernel: kernel.30.cloned.1.call-start
scs
__scs_entry_jumppad:
0x0: {  	(pc) =	sbr.rel $0x88, $3  }
0x1: {  	(tag) =	ssettag $0x0;
	lr =	simm.s32 $0x1  }
0x2: {  	[smem:$0x3F86] =	sst lr;
	_ =	strace $0xD0000000  }
0x3: {  	_ = 	snop  }
0x4: {  	_ = 	snop  }
0x5: {  	_ = 	snop  }
0x6: {  	_ = 	snop  }
0x7: {  	_ = 	snop  }
__scs_overlays_trampoline_lowered:
0x8: {  	[smem:$0x3F95] =	sst s0  }
0x9: {  	[smem:$0x3F96] =	sst s1  }
0xa: {  	[smem:$0x3F97] =	sst s2  }
0xb: {  	[smem:$0x3F98] =	sst s3  }
0xc: {  	[smem:$0x3F99] =	sst s4  }
0xd: {  	[smem:$0x3F9A] =	sst s5  }
0xe: {  	[smem:$0x3F9B] =	sst s6  }
0xf: {  	[smem:$0x3F9C] =	sst s7  }
0x10: {  	[smem:$0x3F9D] =	sst s8  }
0x11: {  	[smem:$0x3F9E] =	sst s9;
	s0 =	simm.s32 @!p0 $0x0  }
0x12: {  	s1 =	sld [smem:$0x3F84];
	s0 =	simm.s32 @p0 $0x1  }
0x13: {  	[smem:$0x3F9F] =	sst s0;
	s0 =	simm.s32 @!p1 $0x0  }
0x14: {  	s2 =	sld [smem:$0x3F83];
	s0 =	simm.s32 @p1 $0x1  }
0x15: {  	[smem:$0x3FA0] =	sst s0;
	s0 =	simm.s32 @!p2 $0x0  }
0x16: {  	s3 =	sld [smem:$0x3FDB];
	s0 =	simm.s32 @p2 $0x1  }
0x17: {  	s4 =	simm.s32 $0x1BF5;
	[smem:$0x3FA2] =	sst s0  }
0x18: {  	s0 =	sld [smem:$0x3F85];
	_ =	swait.ge [sflag:s4], $0x0  }
0x19: {  	s7 =	sld [smem:$0x3F86]  }
0x1a: {  	s8 =	sadd.s32 $0xFFFFE003, lr  }
0x1b: {  	s9 =	sadd.s32 $0xFFFFFEF7, lr;
	s5 =	simm.s32 $0xFFFFFFFF;
	p2 =	slt.u32 s8, $0xFFFFF086  }
0x1c: {  	p1 =	slt.u32 s9, $0xF7A;
	s5 =	simm.s32 @!p2 $0x0  }
0x1d: {  	s5 =	simm.s32 @p1 $0x1;
	p0 =	seq.s32 s7, s2  }
0x1e: {  	s7 =	smul.u32 @!p0 $0xF7A, s2;
	p2 =	seq.s32 @!p0 s5, $0x0  }
0x1f: {  	s9 =	smul.u32 $0xF7A, s1;
	s8 =	simm.s32 @!p0 $0x1BF5;
	p2 =	por !p2, p0  }
0x20: {  	[sflag:s8] =	ssyncset.s32 @!p0 $0xFFFFF086;
	s6 =	sadd.s32 @!p0 s3, s7;
	s7 =	simm.s32 @!p0 $0x108  }
0x21: {  	s3 =	sadd.s32 s3, s9;
	s6 =	sadd.s32 @!p0 $0x88, s6;
	s7 =	simm.s32 @p2 $0x1082  }
0x22: {  	[simem:s7], [sflag:s8] =	dma.local @!p0 [hbm:s6], $0xF7A  }
0x23: {  	s9 =	sor.u32 $0xD0000000, s2;
	s6 =	simm.s32 $0x108;
	_ =	swait.ge @!p0 [sflag:s8], $0x0  }
0x24: {  	s3 =	sadd.s32 $0x88, s3;
	s6 =	simm.s32 @!p1 $0x1082;
	[sflag:s4] =	ssyncset.s32 $0xFFFFF086  }
0x25: {  	[simem:s6], [sflag:s4] =	dma.local [hbm:s3], $0xF7A  }
0x26: {  	[smem:$0x3F86] =	sst s1;
	(tag) =	ssettag s2;
	_ =	strace s9  }
0x27: {  	s1 =	sld [smem:$0x3F96]  }
0x28: {  	s2 =	sld [smem:$0x3F97]  }
0x29: {  	s4 =	sld [smem:$0x3F99]  }
0x2a: {  	p0 =	seq.s32 s5, $0x0;
	s5 =	sld [smem:$0x3F9A]  }
0x2b: {  	s6 =	sld [smem:$0x3F9B]  }
0x2c: {  	s7 =	sld [smem:$0x3F9C]  }
0x2d: {  	s3 =	simm.s32 $0x108;
	s8 =	sld [smem:$0x3F9D]  }
0x2e: {  	s3 =	simm.s32 @!p0 $0x1082;
	s9 =	sld [smem:$0x3F9E]  }
0x2f: {  	lr =	sadd.s32 s0, s3;
	s0 =	sld [smem:$0x3F95]  }
0x30: {  	s3 =	sld [smem:$0x3F98]  }
0x31: {  	[smem:$0x3FA1] =	sst s10  }
0x32: {  	s10 =	sld [smem:$0x3F9F];
	_ =	sdelay $0x3  }
0x33: {  	p0 =	seq.s32 s10, $0x1;
	s10 =	sld [smem:$0x3FA1];
	_ =	sdelay $0x3  }
0x34: {  	[smem:$0x3FA1] =	sst s10  }
0x35: {  	s10 =	sld [smem:$0x3FA0];
	_ =	sdelay $0x3  }
0x36: {  	p1 =	seq.s32 s10, $0x1;
	s10 =	sld [smem:$0x3FA1];
	_ =	sdelay $0x3  }
0x37: {  	[smem:$0x3FA1] =	sst s10  }
0x38: {  	s10 =	sld [smem:$0x3FA2]  }
0x39: {  	_ = 	snop;
	(pc) =	sbr.ind lr, $3  }
0x3a: {  	_ = 	snop  }
0x3b: {  	_ = 	snop  }
0x3c: {  	p2 =	seq.s32 s10, $0x1;
	s10 =	sld [smem:$0x3FA1]  }
0x3d: {  	_ =	shalt  }
0x3e: {  	_ =	shalt  }
0x3f: {  	_ =	shalt  }
0x40: {  	_ =	shalt  }
0x41: {  	_ =	shalt  }
0x42: {  	_ =	shalt  }
0x43: {  	_ =	shalt  }
0x44: {  	_ =	shalt  }
0x45: {  	_ =	shalt  }
0x46: {  	_ =	shalt  }
0x47: {  	_ =	shalt  }
0x48: {  	_ =	shalt  }
0x49: {  	_ =	shalt  }
0x4a: {  	_ =	shalt  }
0x4b: {  	_ =	shalt  }
0x4c: {  	_ =	shalt  }
0x4d: {  	_ =	shalt  }
0x4e: {  	_ =	shalt  }
0x4f: {  	_ =	shalt  }
0x50: {  	_ =	shalt  }
0x51: {  	_ =	shalt  }
0x52: {  	_ =	shalt  }
0x53: {  	_ =	shalt  }
0x54: {  	_ =	shalt  }
0x55: {  	_ =	shalt  }
0x56: {  	_ =	shalt  }
0x57: {  	_ =	shalt  }
0x58: {  	_ =	shalt  }
0x59: {  	_ =	shalt  }
0x5a: {  	_ =	shalt  }
0x5b: {  	_ =	shalt  }
0x5c: {  	_ =	shalt  }
0x5d: {  	_ =	shalt  }
0x5e: {  	_ =	shalt  }
0x5f: {  	_ =	shalt  }
0x60: {  	_ =	shalt  }
0x61: {  	_ =	shalt  }
0x62: {  	_ =	shalt  }
0x63: {  	_ =	shalt  }
0x64: {  	_ =	shalt  }
0x65: {  	_ =	shalt  }
0x66: {  	_ =	shalt  }
0x67: {  	_ =	shalt  }
0x68: {  	_ =	shalt  }
0x69: {  	_ =	shalt  }
0x6a: {  	_ =	shalt  }
0x6b: {  	_ =	shalt  }
0x6c: {  	_ =	shalt  }
0x6d: {  	_ =	shalt  }
0x6e: {  	_ =	shalt  }
0x6f: {  	_ =	shalt  }
0x70: {  	_ =	shalt  }
0x71: {  	_ =	shalt  }
0x72: {  	_ =	shalt  }
0x73: {  	_ =	shalt  }
0x74: {  	_ =	shalt  }
0x75: {  	_ =	shalt  }
0x76: {  	_ =	shalt  }
0x77: {  	_ =	shalt  }
0x78: {  	_ =	shalt  }
0x79: {  	_ =	shalt  }
0x7a: {  	_ =	shalt  }
0x7b: {  	_ =	shalt  }
0x7c: {  	_ =	shalt  }
0x7d: {  	_ =	shalt  }
0x7e: {  	_ =	shalt  }
0x7f: {  	_ =	shalt  }
0x80: {  	_ =	shalt  }
0x81: {  	_ =	shalt  }
0x82: {  	_ =	shalt  }
0x83: {  	_ =	shalt  }
0x84: {  	_ =	shalt  }
0x85: {  	_ =	shalt  }
0x86: {  	_ =	shalt  }
0x87: {  	_ =	shalt  }
.Lfunc_end0:
.L_simem_size_0:
called_computation.5_lowered:
.L_overlay_start_0:
0x88: {  	s2 =	sld [smem:$0x3FD9]  }
0x89: {  	s3 =	sld [smem:$0x3FFE];
	_ =	sdelay $0x1  }
0x8a: {  	s1 =	srdreg.scid  }
0x8b: {  	s0 =	sand.u32 $0x1, s1  }
0x8c: {  	s16 =	sshll.u32 s0, $0xA;
	s2 =	sadd.s32 s3, s2  }
0x8d: {  	s2 =	sadd.s32 s2, s16  }
0x8e: {  	[smem:$0x3FAD] =	sst s2  }
0x8f: {  	_ = 	snop  }
0x90: {  	(tm) =	ssettm $0x1  }
0x91: {  	s17 =	sld [smem:$0x3FFB];
	_ =	sdelay $0x3  }
0x92: {  	_ =	strace s17  }
0x93: {  	s2 =	sld [smem:$0x3FFC];
	_ =	sdelay $0x3  }
0x94: {  	_ =	strace s2  }
0x95: {  	s2 =	sld [smem:$0x3FFD];
	_ =	sdelay $0x3  }
0x96: {  	_ =	strace s2  }
0x97: {  	_ =	strace $0x8FFFFFFF  }
0x98: {  	s18 =	sld [smem:$0x3FDB];
	_ =	sdelay $0x1  }
0x99: {  	s19 =	simm.s32 $_scs_section_size  }
0x9a: {  	s4 =	simm.s32 $_size__tile_overlayer_lowered;
	s5 =	simm.s32 $_tile_overlayer_lowered  }
0x9b: {  	s22 =	simm.s32 $0x1BFF;
	s21 =	sshll.u32 s5, $0x1;
	s2 =	sadd.s32 s19, s18  }
0x9c: {  	s6 =	simm.s32 $0x0;
	s20 =	sshll.u32 s4, $0x1;
	s4 =	sadd.s32 s21, s2  }
0x9d: {  	[timem:s6], [sflag:s22] =	dma.local [hbm:s4], s20  }
0x9e: {  	_ =	swait.ge [sflag:s22], s20  }
0x9f: {  	s3 =	ssub.s32 $0x0, s20;
	[sflag:s22] =	ssyncset.done $0x0  }
0xa0: {  	[sflag:s22] =	ssyncadd.s32 s3;
	_ =	sdelay $0x1  }
0xa1: {  	s23 =	simm.s32 $0x1B8B  }
0xa2: {  	_ =	swait.ge [sflag:s23], $0x1  }
0xa3: {  	[sflag:s23] =	ssyncset.done $0x0  }
0xa4: {  	s25 =	simm.s32 $0x1B8E;
	s24 =	sld [smem:$0x3FFE];
	[sflag:s23] =	ssyncadd.s32 $0xFFFFFFFF  }
0xa5: {  	s26 =	simm.s32 $execute0_lowered;
	[smem:$0x3FD2] =	sst s25  }
0xa6: {  	s4 =	sshll.u32 s26, $0x1;
	_ =	strace $0x80000055;
	[dreg:$0x1] =	wrdreg $0xFFFFFFFF  }
0xa7: {  	s28 =	simm.s32 $_size_execute0_lowered;
	s2 =	sadd.s32 s2, s4;
	[dreg:$0x0] =	wrdreg $0x0  }
0xa8: {  	s4 =	sshll.u32 s28, $0x1;
	[dreg:$0x2] =	wrdreg s2  }
0xa9: {  	[dreg:$0x3] =	wrdreg s4  }
0xaa: {  	[dreg:$0x4] =	wrdreg $0xC0  }
0xab: {  	_ =	task [dreg:s6], $0x5FFFF  }
0xac: {  	[dreg:$0x1] =	wrdreg $0xFFFFFFFF  }
0xad: {  	[dreg:$0x0] =	wrdreg $0x60  }
0xae: {  	[dreg:$0x2] =	wrdreg s24  }
0xaf: {  	[dreg:$0x3] =	wrdreg $0xC1800  }
0xb0: {  	[dreg:$0x4] =	wrdreg $0x9  }
0xb1: {  	_ =	task.clear_ibuf [dreg:s6], $0x5FFFF;
	_ =	strace $0x90000055  }
0xb2: {  	s29 =	simm.s32 $0x9;
	_ =	strace $0x80000057  }
0xb3: {  	_ =	swait.ge [sflag:s29], $0x1  }
0xb4: {  	[sflag:s29] =	ssyncadd.s32 $0xFFFFFFFF  }
0xb5: {  	_ =	strace $0x90000057  }
0xb6: {  	_ =	sfence  }
0xb7: {  	s30 =	sld [smem:$0x0];
	_ =	sdelay $0x2  }
0xb8: {  	s31 =	sshll.u32 s1, $0xD;
	s1 =	sshrl.u32 s1, $0x2  }
0xb9: {  	s3 =	sand.u32 $0x4000, s31;
	s1 =	sadd.s32 s1, s30  }
0xba: {  	s0 =	sor.u32 s3, s0;
	s1 =	sshll.u32 s1, $0x11  }
0xbb: {  	s0 =	sor.u32 s1, s0  }
0xbc: {  	s0 =	sadd.s32 $0x8F2B, s0  }
0xbd: {  	[sflag:s0] =	ssyncadd.remote.s32 $0x1  }
0xbe: {  	_ =	sfence.sel $0xFFFF  }
0xbf: {  	[dreg:$0x0] =	wrdreg $0xFFFFFFFF;
	(pc) =	sbr.abs _section_cstart, $3  }
0xc0: {  	[dreg:$0x1] =	wrdreg $0xFFFFFFFF  }
0xc1: {  	_ =	task.clear_ibuf [dreg:s6], $0x2FFFF;
	_ =	strace $0x9FFFFFFF  }
0xc2: {  	(tm) =	ssettm $0x7FFFFFFF  }
0xc3: {  	_ =	shalt  }
tec
execute0_lowered:
.L_overlay_start_1:
0x0: {  	(tag) =	ssettag $0x1  }
0x1: {  	s0 =	rddreg [dreg:$0x0];
	s26 =	stileid.u32  }
0x2: {  	s2 =	rddreg [dreg:$0x1];
	s4 =	smul.u32 $0x2780, s26  }
0x3: {  	s3 =	simm.s32 $0x0;
	s1 =	srdreg.scid;
	s7 =	smul.u32 $0x4F000, s26  }
0x4: {  	s29 =	simm.s32 $0x8;
	s30 =	simm.s32 $0x9;
	s10 =	smul.u32 $0x4E000, s26  }
0x5: {  	s31 =	simm.s32 $0x0;
	[smem:$0x7FF] =	sst s3;
	s13 =	smul.u32 $0x4E00, s26  }
0x6: {  	s1 =	sand.u32 $0x1, s1;
	s6 =	sadd.s32 $0x599400, s0;
	s25 =	smul.u32 $0x9C0, s26  }
0x7: {  	s12 =	sadd.s32 $0x10800, s0;
	s18 =	sshll.u32 s26, $0x8;
	s5 =	smul.u32 $0x27800, s1  }
0x8: {  	s20 =	sshll.u32 s26, $0x6;
	p0 =	sgt.u32 s26, $0x1;
	s11 =	smul.u32 $0x27000, s1  }
0x9: {  	s26 =	simm.s32 $0x6;
	_ =	strace $0x80000056;
	s14 =	smul.u32 $0x2700, s1  }
0xa: {  	s9 =	ssub.s32 $0x2, s1;
	s19 =	sshll.u32 s1, $0x7;
	s1 =	smul.u32 $0x4E0, s1  }
0xb: {  	s8 =	sadd.s32 s4, s0;
	s15 =	sshrl.u32 s9, $0x1;
	s7 =	sshrl.u32 s7, $0x2  }
0xc: {  	s23 =	sadd.s32 s10, s6;
	s4 =	sadd.s32 s4, s5;
	s16 =	ssub.s32 s9, s15  }
0xd: {  	s7 =	sadd.s32 s7, s2;
	s17 =	sadd.s32 $0x41800, s8;
	s8 =	sor.u32 s19, s18  }
0xe: {  	s5 =	sor.u32 $0x1C0A, s20;
	s10 =	sadd.s32 s11, s23;
	s24 =	sadd.s32 s14, s13  }
0xf: {  	s15 =	simm.s32 $0xA;
	s18 =	simm.s32 $0x4180;
	s19 =	simm.s32 $0x100  }
0x10: {  	s20 =	simm.s32 $0x8180;
	s23 =	simm.s32 $0x2;
	s0 =	sadd.s32 s4, s0  }
0x11: {  	[dreg:$0x3] =	wrdreg s17;
	s8 =	sor.u32 $0x4E000, s8;
	s22 =	smax.u32 s16, $0x1  }
0x12: {  	s28 =	sadd.s32 $0x100, s24;
	s4 =	sadd.s32 s25, s12;
	s14 =	sshrl.u32 s7, $0x3  }
0x13: {  	s16 =	simm.s32 $0x180;
	s17 =	simm.s32 $0x80;
	s25 =	simm.s32 $0x3  }
0x14: {  	s21 =	sshrl.u32 s8, $0x3;
	s8 =	sshll.u32 s8, $0x4;
	s0 =	sadd.s32 $0xB7400, s0  }
0x15: {  	[dreg:$0x7] =	wrdreg s22;
	s13 =	sadd.s32 s1, s4;
	s22 =	simm.s32 $0x4  }
0x16: {  	s9 =	sadd.s32 s12, s21;
	s8 =	sadd.s32 s6, s8;
	[dreg:$0x6] =	wrdreg s0  }
0x17: {  	s0 =	sor.u32 $0x80, s24;
	s6 =	sshrl.u32 s28, $0x3;
	s21 =	simm.s32 $0x1  }
0x18: {  	s24 =	simm.s32 $0x5;
	[dreg:$0x4] =	wrdreg s9;
	s0 =	sshrl.u32 s0, $0x3  }
0x19: {  	[dreg:$0x5] =	wrdreg s8;
	s11 =	sadd.s32 s6, s12;
	s12 =	sadd.s32 s0, s12  }
.LBB2_1:
0x1a: {  	s0 =	rddreg [dreg:$0x3]  }
0x1b: {  	[spmem:s14], [sflag:s5] =	dma.local [hbm:s0], $0x2780  }
0x1c: {  	_ =	swait.ge [sflag:s15], $0x2780  }
0x1d: {  	[sflag:s15] =	ssyncset.done $0x0  }
0x1e: {  	p1 =	por $0x1, $0x1;
	[sflag:s15] =	ssyncadd.s32 $0xFFFFD880  }
0x1f: {  	s0 =	simm.s32 @!p1 $0x7;
	[bflag:$0x0] =	sbarrier.arrive $0xFFFF  }
0x20: {  	_ =	swait.ge @!p1 [sflag:s0], $0x4000  }
0x21: {  	[sflag:s0] =	ssyncset.done @!p1 $0x0  }
0x22: {  	[sflag:s0] =	ssyncadd.s32 @!p1 $0xFFFFC000  }
0x23: {  	[tilespmem:s3], [sflag:$0x1] =	stream.linear.gather [hbm4b:s13+s3], $0x80, $0x38;
	[tilespmem:$0x1FD80] =	vst v63  }
0x24: {  	s9 =	sadd.s32 $0x0, s10;
	s1 =	simm.s32 @!p1 $0x8  }
0x25: {  	[tilespmem:s16], [sflag:$0x4] =	stream.linear.gather [hbm4b:s9+s3], $0x4000, $0x38;
	[tilespmem:$0x1FD80] =	vst v63  }
0x26: {  	_ =	swait.ge @!p1 [sflag:s1], $0x4000  }
0x27: {  	[sflag:s1] =	ssyncset.done @!p1 $0x0  }
0x28: {  	[sflag:s1] =	ssyncadd.s32 @!p1 $0xFFFFC000  }
0x29: {  	[tilespmem:s17], [sflag:$0x2] =	stream.linear.gather [hbm4b:s12+s3], $0x80, $0x38;
	[tilespmem:$0x1FD80] =	vst v63  }
0x2a: {  	s28 =	sadd.s32 $0x800, s9;
	s4 =	simm.s32 @!p1 $0x9  }
0x2b: {  	[tilespmem:s18], [sflag:$0x5] =	stream.linear.gather [hbm4b:s28+s3], $0x4000, $0x38;
	[tilespmem:$0x1FD80] =	vst v63  }
0x2c: {  	_ =	swait.ge @!p1 [sflag:s4], $0x4000  }
0x2d: {  	[sflag:s4] =	ssyncset.done @!p1 $0x0  }
0x2e: {  	[sflag:s4] =	ssyncadd.s32 @!p1 $0xFFFFC000  }
0x2f: {  	[tilespmem:s19], [sflag:$0x3] =	stream.linear.gather [hbm4b:s11+s3], $0x80, $0x38;
	[tilespmem:$0x1FD80] =	vst v63  }
0x30: {  	s0 =	sadd.s32 $0x1000, s9  }
0x31: {  	[tilespmem:s20], [sflag:$0x6] =	stream.linear.gather [hbm4b:s0+s3], $0x4000, $0x38;
	[tilespmem:$0x1FD80] =	vst v63  }
0x32: {  	_ =	swait.ge [sflag:s21], $0x80  }
0x33: {  	[sflag:s21] =	ssyncset.done $0x0  }
0x34: {  	[sflag:s21] =	ssyncadd.s32 $0xFFFFFF80  }
0x35: {  	_ =	swait.ge [sflag:s22], $0x4000  }
0x36: {  	[sflag:s22] =	ssyncset.done $0x0  }
0x37: {  	[sflag:s22] =	ssyncadd.s32 $0xFFFFC000  }
0x38: {  	[spmem:s2] =	stream.indirect.scatter.add.f32 [tilespmem:s16], [sflag:$0x7], $0x80, s3, s17, $0xb8;
	[tilespmem:$0x1FD80] =	vst v63  }
0x39: {  	_ =	swait.ge [sflag:s23], $0x80  }
0x3a: {  	[sflag:s23] =	ssyncset.done $0x0  }
0x3b: {  	[sflag:s23] =	ssyncadd.s32 $0xFFFFFF80  }
0x3c: {  	_ =	swait.ge [sflag:s24], $0x4000  }
0x3d: {  	[sflag:s24] =	ssyncset.done $0x0  }
0x3e: {  	[sflag:s24] =	ssyncadd.s32 $0xFFFFC000  }
0x3f: {  	[spmem:s2] =	stream.indirect.scatter.add.f32 [tilespmem:s18], [sflag:$0x8], $0x80, s17, s17, $0xb8;
	[tilespmem:$0x1FD80] =	vst v63  }
0x40: {  	_ =	swait.ge [sflag:s25], $0x80  }
0x41: {  	[sflag:s25] =	ssyncset.done $0x0  }
0x42: {  	s7 =	simm.s32 $0x3000;
	s6 =	sadd.s32 $0x30, s13;
	[sflag:s25] =	ssyncadd.s32 $0xFFFFFF80  }
0x43: {  	p2 =	por $0x0, $0x0;
	s1 =	sadd.s32 $0x30, s12;
	_ =	swait.ge [sflag:s26], $0x4000  }
0x44: {  	s4 =	simm.s32 $0x1800;
	s0 =	sadd.s32 $0x30, s11;
	[sflag:s26] =	ssyncset.done $0x0  }
.LBB2_2:
0x45: {  	s8 =	simm.s32 @!p2 $0x7  }
0x46: {  	[sflag:s26] =	ssyncadd.s32 $0xFFFFC000;
	s9 =	smov.u32 s7;
	s7 =	sadd.s32 $0x1800, s7  }
0x47: {  	[spmem:s2] =	stream.indirect.scatter.add.f32 [tilespmem:s20], [sflag:$0x9], $0x80, s19, s17, $0xb8;
	[tilespmem:$0x1FD80] =	vst v63  }
0x48: {  	p1 =	sne.s32 s7, $0x27000;
	_ =	swait.ge @!p2 [sflag:s8], $0x4000  }
0x49: {  	[sflag:s8] =	ssyncset.done @!p2 $0x0  }
0x4a: {  	[sflag:s8] =	ssyncadd.s32 @!p2 $0xFFFFC000  }
0x4b: {  	[tilespmem:s3], [sflag:$0x1] =	stream.linear.gather [hbm4b:s6+s3], $0x80, $0x38;
	[tilespmem:$0x1FD80] =	vst v63  }
0x4c: {  	s28 =	simm.s32 @!p2 $0x8;
	s8 =	sadd.s32 s4, s10;
	s4 =	smov.u32 s9  }
0x4d: {  	[tilespmem:s16], [sflag:$0x4] =	stream.linear.gather [hbm4b:s8+s3], $0x4000, $0x38;
	[tilespmem:$0x1FD80] =	vst v63  }
0x4e: {  	_ =	swait.ge @!p2 [sflag:s28], $0x4000  }
0x4f: {  	[sflag:s28] =	ssyncset.done @!p2 $0x0  }
0x50: {  	[sflag:s28] =	ssyncadd.s32 @!p2 $0xFFFFC000  }
0x51: {  	[tilespmem:s17], [sflag:$0x2] =	stream.linear.gather [hbm4b:s1+s3], $0x80, $0x38;
	[tilespmem:$0x1FD80] =	vst v63  }
0x52: {  	s9 =	sadd.s32 $0x800, s8;
	s28 =	simm.s32 @!p2 $0x9  }
0x53: {  	[tilespmem:s18], [sflag:$0x5] =	stream.linear.gather [hbm4b:s9+s3], $0x4000, $0x38;
	[tilespmem:$0x1FD80] =	vst v63  }
0x54: {  	_ =	swait.ge @!p2 [sflag:s28], $0x4000  }
0x55: {  	[sflag:s28] =	ssyncset.done @!p2 $0x0  }
0x56: {  	[sflag:s28] =	ssyncadd.s32 @!p2 $0xFFFFC000  }
0x57: {  	[tilespmem:s19], [sflag:$0x3] =	stream.linear.gather [hbm4b:s0+s3], $0x80, $0x38;
	[tilespmem:$0x1FD80] =	vst v63  }
0x58: {  	s8 =	sadd.s32 $0x1000, s8  }
0x59: {  	[tilespmem:s20], [sflag:$0x6] =	stream.linear.gather [hbm4b:s8+s3], $0x4000, $0x38;
	[tilespmem:$0x1FD80] =	vst v63  }
0x5a: {  	_ =	swait.ge [sflag:s21], $0x80  }
0x5b: {  	[sflag:s21] =	ssyncset.done $0x0  }
0x5c: {  	[sflag:s21] =	ssyncadd.s32 $0xFFFFFF80  }
0x5d: {  	_ =	swait.ge [sflag:s22], $0x4000  }
0x5e: {  	[sflag:s22] =	ssyncset.done $0x0  }
0x5f: {  	[sflag:s22] =	ssyncadd.s32 $0xFFFFC000  }
0x60: {  	[spmem:s2] =	stream.indirect.scatter.add.f32 [tilespmem:s16], [sflag:$0x7], $0x80, s3, s17, $0xb8;
	[tilespmem:$0x1FD80] =	vst v63  }
0x61: {  	_ =	swait.ge [sflag:s23], $0x80  }
0x62: {  	[sflag:s23] =	ssyncset.done $0x0  }
0x63: {  	[sflag:s23] =	ssyncadd.s32 $0xFFFFFF80  }
0x64: {  	_ =	swait.ge [sflag:s24], $0x4000  }
0x65: {  	[sflag:s24] =	ssyncset.done $0x0  }
0x66: {  	[sflag:s24] =	ssyncadd.s32 $0xFFFFC000  }
0x67: {  	[spmem:s2] =	stream.indirect.scatter.add.f32 [tilespmem:s18], [sflag:$0x8], $0x80, s17, s17, $0xb8;
	[tilespmem:$0x1FD80] =	vst v63  }
.Ltmp0:
0x68: {  	_ =	swait.ge [sflag:s25], $0x80;
	(pc) =	sbr.rel @p1 .LBB2_2-.Ltmp0, $4  }
0x69: {  	[sflag:s25] =	ssyncset.done $0x0  }
0x6a: {  	[sflag:s25] =	ssyncadd.s32 $0xFFFFFF80  }
0x6b: {  	s6 =	sadd.s32 $0x30, s6;
	s1 =	sadd.s32 $0x30, s1;
	_ =	swait.ge [sflag:s26], $0x4000  }
0x6c: {  	p2 =	seq.s32 s4, $0x0;
	s0 =	sadd.s32 $0x30, s0;
	[sflag:s26] =	ssyncset.done $0x0  }
0x6d: {  	s7 =	simm.s32 @!p2 $0x7;
	[sflag:s26] =	ssyncadd.s32 $0xFFFFC000  }
0x6e: {  	[spmem:s2] =	stream.indirect.scatter.add.f32 [tilespmem:s20], [sflag:$0x9], $0x80, s19, s17, $0xb8;
	[tilespmem:$0x1FD80] =	vst v63  }
0x6f: {  	_ =	swait.ge @!p2 [sflag:s7], $0x4000  }
0x70: {  	[sflag:s7] =	ssyncset.done @!p2 $0x0  }
0x71: {  	[sflag:s7] =	ssyncadd.s32 @!p2 $0xFFFFC000  }
0x72: {  	[tilespmem:s3], [sflag:$0x1] =	stream.linear.gather [hbm4b:s6+s3], $0x80, $0x38;
	[tilespmem:$0x1FD80] =	vst v63  }
0x73: {  	s4 =	sadd.s32 s4, s10;
	s6 =	simm.s32 @!p2 $0x8  }
0x74: {  	[tilespmem:s16], [sflag:$0x4] =	stream.linear.gather [hbm4b:s4+s3], $0x4000, $0x38;
	[tilespmem:$0x1FD80] =	vst v63  }
0x75: {  	_ =	swait.ge @!p2 [sflag:s6], $0x4000  }
0x76: {  	[sflag:s6] =	ssyncset.done @!p2 $0x0  }
0x77: {  	[sflag:s6] =	ssyncadd.s32 @!p2 $0xFFFFC000  }
0x78: {  	[tilespmem:s17], [sflag:$0x2] =	stream.linear.gather [hbm4b:s1+s3], $0x80, $0x38;
	[tilespmem:$0x1FD80] =	vst v63  }
0x79: {  	s28 =	sadd.s32 $0x800, s4;
	s6 =	simm.s32 @!p2 $0x9  }
0x7a: {  	[tilespmem:s18], [sflag:$0x5] =	stream.linear.gather [hbm4b:s28+s3], $0x4000, $0x38;
	[tilespmem:$0x1FD80] =	vst v63  }
0x7b: {  	_ =	swait.ge @!p2 [sflag:s6], $0x4000  }
0x7c: {  	[sflag:s6] =	ssyncset.done @!p2 $0x0  }
0x7d: {  	[sflag:s6] =	ssyncadd.s32 @!p2 $0xFFFFC000  }
0x7e: {  	[tilespmem:s19], [sflag:$0x3] =	stream.linear.gather [hbm4b:s0+s3], $0x80, $0x38;
	[tilespmem:$0x1FD80] =	vst v63  }
0x7f: {  	s7 =	sadd.s32 $0x1000, s4  }
0x80: {  	[tilespmem:s20], [sflag:$0x6] =	stream.linear.gather [hbm4b:s7+s3], $0x4000, $0x38;
	[tilespmem:$0x1FD80] =	vst v63  }
0x81: {  	_ =	swait.ge [sflag:s21], $0x80  }
0x82: {  	[sflag:s21] =	ssyncset.done $0x0  }
0x83: {  	[sflag:s21] =	ssyncadd.s32 $0xFFFFFF80  }
0x84: {  	_ =	swait.ge [sflag:s22], $0x4000  }
0x85: {  	[sflag:s22] =	ssyncset.done $0x0  }
0x86: {  	[sflag:s22] =	ssyncadd.s32 $0xFFFFC000  }
0x87: {  	[spmem:s2] =	stream.indirect.scatter.add.f32 [tilespmem:s16], [sflag:$0x7], $0x80, s3, s17, $0xb8;
	[tilespmem:$0x1FD80] =	vst v63  }
0x88: {  	_ =	swait.ge [sflag:s23], $0x80  }
0x89: {  	[sflag:s23] =	ssyncset.done $0x0  }
0x8a: {  	[sflag:s23] =	ssyncadd.s32 $0xFFFFFF80  }
0x8b: {  	_ =	swait.ge [sflag:s24], $0x4000  }
0x8c: {  	[sflag:s24] =	ssyncset.done $0x0  }
0x8d: {  	[sflag:s24] =	ssyncadd.s32 $0xFFFFC000  }
0x8e: {  	[spmem:s2] =	stream.indirect.scatter.add.f32 [tilespmem:s18], [sflag:$0x8], $0x80, s17, s17, $0xb8;
	[tilespmem:$0x1FD80] =	vst v63  }
0x8f: {  	_ =	swait.ge [sflag:s25], $0x80  }
0x90: {  	[sflag:s25] =	ssyncset.done $0x0  }
0x91: {  	[sflag:s25] =	ssyncadd.s32 $0xFFFFFF80  }
0x92: {  	_ =	swait.ge [sflag:s26], $0x4000  }
0x93: {  	[sflag:s26] =	ssyncset.done $0x0  }
0x94: {  	s8 =	simm.s32 $0x7;
	[sflag:s26] =	ssyncadd.s32 $0xFFFFC000  }
0x95: {  	[spmem:s2] =	stream.indirect.scatter.add.f32 [tilespmem:s20], [sflag:$0x9], $0x80, s19, s17, $0xb8;
	[tilespmem:$0x1FD80] =	vst v63  }
0x96: {  	_ =	swait.ge [sflag:s8], $0x4000  }
0x97: {  	[sflag:s8] =	ssyncset.done $0x0  }
0x98: {  	[sflag:s8] =	ssyncadd.s32 $0xFFFFC000  }
0x99: {  	_ =	swait.ge [sflag:s29], $0x4000  }
0x9a: {  	[sflag:s29] =	ssyncset.done $0x0  }
0x9b: {  	[sflag:s29] =	ssyncadd.s32 $0xFFFFC000  }
0x9c: {  	_ =	swait.ge [sflag:s30], $0x4000  }
0x9d: {  	[sflag:s30] =	ssyncset.done $0x0  }
0x9e: {  	s0 =	simm.s32 @!p0 $0x0;
	s1 =	rddreg [dreg:$0x4];
	[sflag:s30] =	ssyncadd.s32 $0xFFFFC000  }
0x9f: {  	[tilespmem:s0], [sflag:$0xA] =	stream.linear.gather @!p0 [hbm4b:s1+s0], $0x80, $0x38;
	[tilespmem:$0x1FD80] =	vst v63  }
0xa0: {  	s1 =	simm.s32 @!p0 $0xA  }
0xa1: {  	_ =	swait.ge @!p0 [sflag:s1], $0x80  }
0xa2: {  	[sflag:s1] =	ssyncset.done @!p0 $0x0  }
0xa3: {  	s4 =	simm.s32 @!p0 $0x180;
	s6 =	rddreg [dreg:$0x5];
	[sflag:s1] =	ssyncadd.s32 @!p0 $0xFFFFFF80  }
0xa4: {  	[tilespmem:s4], [sflag:$0xA] =	stream.linear.gather @!p0 [hbm4b:s6+s0], $0x4000, $0x38;
	[tilespmem:$0x1FD80] =	vst v63  }
0xa5: {  	_ =	swait.ge @!p0 [sflag:s1], $0x4000  }
0xa6: {  	[sflag:s1] =	ssyncset.done @!p0 $0x0  }
0xa7: {  	s6 =	simm.s32 @!p0 $0x80;
	[sflag:s1] =	ssyncadd.s32 @!p0 $0xFFFFC000  }
0xa8: {  	[spmem:s2] =	stream.indirect.scatter.add.f32 @!p0 [tilespmem:s4], [sflag:$0xA], $0x80, s0, s6, $0xb8;
	[tilespmem:$0x1FD80] =	vst v63  }
0xa9: {  	_ =	swait.ge @!p0 [sflag:s1], $0x4000  }
0xaa: {  	[sflag:s1] =	ssyncset.done @!p0 $0x0  }
0xab: {  	[sflag:s1] =	ssyncadd.s32 @!p0 $0xFFFFC000  }
0xac: {  	[bflag:$0x0] =	sbarrier.arrive $0xFFFF  }
0xad: {  	s9 =	rddreg [dreg:$0x6]  }
0xae: {  	[hbm:s9], [sflag:s5] =	dma.local [spmem:s14], $0x2780  }
0xaf: {  	_ =	swait.ge [sflag:s15], $0x2780  }
0xb0: {  	s31 =	sadd.s32 $0x1, s31;
	s28 =	rddreg [dreg:$0x7]  }
0xb1: {  	p1 =	sne.s32 s31, s28  }
.Ltmp1:
0xb2: {  	_ = 	snop;
	(pc) =	sbr.rel @p1 .LBB2_1-.Ltmp1, $3  }
0xb3: {  	_ =	sdelay $0x1  }
0xb4: {  	[sflag:s15] =	ssyncset.done $0x0  }
0xb5: {  	[sflag:s15] =	ssyncadd.s32 $0xFFFFD880  }
0xb6: {  	_ =	sfence.sel $0x180000  }
0xb7: {  	[bflag:$0x0] =	sbarrier.arrive $0xFFFF  }
0xb8: {  	_ =	strace $0x90000056  }
0xb9: {  	s0 =	stileid.u32;
	[bflag:$0x2] =	sbarrier.arrive $0xFFFF  }
0xba: {  	p0 =	sne.s32 s0, $0x0;
	s0 =	rddreg [dreg:$0x2]  }
0xbb: {  	s0 =	sadd.s32 @!p0 $0x100000, s0  }
0xbc: {  	[sflag:s0] =	ssyncadd.tile.s32 @!p0 $0x1;
	_ =	shalt  }
.Lfunc_end2:
_tile_overlayer_lowered:
.L_overlay_start_2:
0xbd: {  	(tag) =	ssettag $0x2  }
0xbe: {  	s0 =	rddreg [dreg:$0x0];
	s2 =	stileid.u32  }
0xbf: {  	s1 =	rddreg [dreg:$0x1];
	p0 =	sne.s32 s2, $0x0  }
0xc0: {  	s3 =	rddreg [dreg:$0x2];
	[bflag:$0x3] =	sbarrier.arrive $0xFFFF;
	s2 =	simm.s32 @!p0 $0x1C0A  }
0xc1: {  	[timem:s3], [sflag:s2] =	dma.local @!p0 [hbm:s0], s1  }
0xc2: {  	s0 =	simm.s32 @!p0 $0xA  }
0xc3: {  	_ =	swait.ge @!p0 [sflag:s0], s1  }
0xc4: {  	s1 =	ssub.s32 @!p0 $0x0, s1;
	[sflag:s0] =	ssyncset.done @!p0 $0x0  }
0xc5: {  	[sflag:s0] =	ssyncadd.s32 @!p0 s1  }
0xc6: {  	[bflag:$0x3] =	sbarrier.arrive $0xFFFF  }
0xc7: {  	_ =	shalt  }

</sc_bundles>
